<compile_context>
chip_gen: v7x
topology: tpu7x:2x2x1
jax: 0.10.2.dev20260603
libtpu: 0.0.44.dev20260713+nightly
codegen_flags: <defaults>
</compile_context>

<pallas_src>
import jax
import jax.numpy as jnp
from jax import lax
from jax.experimental import pallas as pl
from jax.experimental.pallas import tpu as pltpu
from jax.experimental.pallas import tpu_sc as plsc

_HID1 = 256
_HID2 = 32
_L = 16
_CH = 64


def _bag_sums_sc(idx_all, table, n_x, n_c):
    info = plsc.get_sparse_core_info()
    nc_, ns_ = info.num_cores, info.num_subcores
    nw = nc_ * ns_
    n_idx = idx_all.shape[1]
    px = n_x // nw
    pc = n_c // nw
    assert n_x % (nw * _CH) == 0 and n_c % (nw * _CH) == 0

    mesh = plsc.VectorSubcoreMesh(core_axis_name="c", subcore_axis_name="s")

    nj = _HID1 // _L

    def body(idx_hbm, table_hbm, out_x, out_c, idx_v, rows_v,
             outbuf_v, gsem0, gsem1):
        wid = lax.axis_index("s") * nc_ + lax.axis_index("c")
        h0 = table_hbm.at[:, pl.ds(0, 128)]
        h1 = table_hbm.at[:, pl.ds(128, 128)]
        gsems = (gsem0, gsem1)
        nbuf = len(gsems)

        def gather(buf, b):
            pltpu.async_copy(h0.at[idx_v.at[b]], rows_v.at[buf, 0],
                             gsems[buf])
            pltpu.async_copy(h1.at[idx_v.at[b]], rows_v.at[buf, 1],
                             gsems[buf])

        def gwait(buf, b):
            pltpu.make_async_copy(h0.at[idx_v.at[b]], rows_v.at[buf, 0],
                                  gsems[buf]).wait()
            pltpu.make_async_copy(h1.at[idx_v.at[b]], rows_v.at[buf, 1],
                                  gsems[buf]).wait()

        def run_phase(idx_base, out_hbm, out_base, n_bags):
            pltpu.sync_copy(idx_hbm.at[pl.ds(idx_base, n_bags)],
                            idx_v.at[pl.ds(0, n_bags)])
            for k in range(nbuf):
                gather(k, k)

            def reduce_bag(buf, b):
                def red(r, accs):
                    return tuple(
                        accs[j] + rows_v[buf, j // 8, r,
                                         pl.ds((j % 8) * _L, _L)]
                        for j in range(nj))

                accs = lax.fori_loop(
                    0, n_idx, red,
                    tuple(jnp.zeros((_L,), jnp.float32)
                          for _ in range(nj)),
                    unroll=2)
                slot = lax.rem(b, _CH)
                for j in range(nj):
                    outbuf_v[slot, pl.ds(j * _L, _L)] = accs[j]

            def ring_body(q, _):
                b0 = nbuf * q
                for k in range(nbuf):
                    b = b0 + k
                    gwait(k, b)
                    reduce_bag(k, b)

                    @pl.when(b + nbuf < n_bags)
                    def _():
                        gather(k, b + nbuf)

                    @pl.when(lax.rem(b, _CH) == _CH - 1)
                    def _():
                        start = pl.multiple_of(out_base + b + 1 - _CH,
                                               _CH)
                        pltpu.sync_copy(outbuf_v,
                                        out_hbm.at[pl.ds(start, _CH)])

                return 0

            lax.fori_loop(0, n_bags // nbuf, ring_body, 0)

        run_phase(wid * px, out_x, wid * px, px)
        run_phase(n_x + wid * pc, out_c, wid * pc, pc)

    f = pl.kernel(
        body,
        out_type=(jax.ShapeDtypeStruct((n_x, _HID1), jnp.float32),
                  jax.ShapeDtypeStruct((n_c, _HID1), jnp.float32)),
        mesh=mesh,
        scratch_types=[
            pltpu.VMEM((max(px, pc), n_idx), jnp.int32),
            pltpu.VMEM((2, 2, n_idx, 128), jnp.float32),
            pltpu.VMEM((_CH, _HID1), jnp.float32),
            pltpu.SemaphoreType.DMA,
            pltpu.SemaphoreType.DMA,
        ],
        compiler_params=pltpu.CompilerParams(use_tc_tiling_on_sc=True),
    )
    return f(idx_all, table)


def _mlp_tc(xq, cq, WcT, bc, W2bd, b2t, W3bd, b3t, W4bd, b4t):
    B = xq.shape[0]
    BB = 512
    HB = 4 * _HID1

    def body(xq_r, cq_r, WcT_r, bc_r, W2_r, b2_r, W3_r, b3_r, W4_r, b4_r,
             out_r):
        xe = jnp.maximum(xq_r[...], 0.0)
        c0 = jnp.maximum(cq_r[...], 0.0)
        xs = (xe[:, 0:256] + xe[:, 256:512]
              + xe[:, 512:768] + xe[:, 768:1024])
        cond = c0 + xs
        cond = jnp.maximum(
            jnp.dot(cond, WcT_r[...], preferred_element_type=jnp.float32)
            + bc_r[...], 0.0)
        condt = jnp.concatenate([cond, cond, cond, cond], axis=1)
        h = jnp.maximum(
            jnp.dot(xe, W2_r[...], preferred_element_type=jnp.float32)
            + b2_r[...], 0.0) + condt
        h = jnp.maximum(
            jnp.dot(h, W3_r[...], preferred_element_type=jnp.float32)
            + b3_r[...], 0.0)
        out_r[...] = (
            jnp.dot(h, W4_r[...], preferred_element_type=jnp.float32)
            + b4_r[...])

    def full(a):
        return pl.BlockSpec(a.shape, lambda i: (0,) * a.ndim)

    return pl.pallas_call(
        body,
        grid=(B // BB,),
        in_specs=[
            pl.BlockSpec((BB, HB), lambda i: (i, 0)),
            pl.BlockSpec((BB, _HID1), lambda i: (i, 0)),
            full(WcT), full(bc), full(W2bd), full(b2t), full(W3bd),
            full(b3t), full(W4bd), full(b4t),
        ],
        out_specs=pl.BlockSpec((BB, 4 * 8), lambda i: (i, 0)),
        out_shape=jax.ShapeDtypeStruct((B, 4 * 8), jnp.float32),
    )(xq, cq, WcT, bc, W2bd, b2t, W3bd, b3t, W4bd, b4t)


def kernel(x, condition, embed_weight, Wc, bc, W2, b2, W3, b3, W4, b4):
    B = x.shape[0]
    n_x = B * 4
    n_c = B
    idx_all = jnp.concatenate(
        [x.reshape(n_x, -1), condition], axis=0).astype(jnp.int32)

    out_x, out_c = _bag_sums_sc(idx_all, embed_weight, n_x, n_c)
    xq = out_x.reshape(B, 4 * _HID1)

    bd = jax.scipy.linalg.block_diag
    W2T = W2.T
    W3T = W3.T
    W4Tp = jnp.pad(W4.T, ((0, 0), (0, 3)))
    W2bd = bd(W2T, W2T, W2T, W2T)
    W3bd = bd(W3T, W3T, W3T, W3T)
    W4bd = bd(W4Tp, W4Tp, W4Tp, W4Tp)
    b2t = jnp.tile(b2, 4)[None, :]
    b3t = jnp.tile(b3, 4)[None, :]
    b4t = jnp.tile(jnp.pad(b4, (0, 3)), 4)[None, :]

    out = _mlp_tc(xq, out_c, Wc.T, bc[None, :], W2bd, b2t, W3bd, b3t,
                  W4bd, b4t)
    return out.reshape(B, 4, 8)[..., :5]

# --- scband reference (transcript-rebuilt; emitter-appended) ---
"""Pipeline reference for scband-model-1546188226842 (READ-ONLY COPY).

The authoritative reference and input builder live on the scoring server;
editing this copy changes nothing except your own understanding.
"""

import jax, jax.numpy as jnp
import numpy as np

FEATURES = 1000000
HID1 = 256
HID2 = 32
OUT_DIM = 5
PAD_IDX = FEATURES - 100  # torch resolves padding_idx=-100 to features-100


def setup_inputs(seed: int = 0) -> dict:
    key = jax.random.key(seed)
    ks = jax.random.split(key, 12)
    x = jax.random.randint(ks[0], (4096, 4, 50), 0, FEATURES)
    condition = jax.random.randint(ks[1], (4096, 50), 0, FEATURES)
    embed_weight = jax.random.normal(ks[2], (FEATURES, HID1), dtype=jnp.float32) / 8.0
    embed_weight = embed_weight.at[PAD_IDX].set(0.0)
    def lin(k, out_f, in_f):
        kw, kb = jax.random.split(k)
        bound = 1.0 / np.sqrt(in_f)
        W = jax.random.uniform(kw, (out_f, in_f), minval=-bound, maxval=bound, dtype=jnp.float32)
        b = jax.random.uniform(kb, (out_f,), minval=-bound, maxval=bound, dtype=jnp.float32)
        return W, b
    Wc, bc = lin(ks[3], HID2, HID1)
    W2, b2 = lin(ks[4], HID2, HID1)
    W3, b3 = lin(ks[5], HID2, HID2)
    W4, b4 = lin(ks[6], OUT_DIM, HID2)
    return {"x": x, "condition": condition, "embed_weight": embed_weight,
            "Wc": Wc, "bc": bc, "W2": W2, "b2": b2, "W3": W3, "b3": b3, "W4": W4, "b4": b4}


def _embed_bag_sum(table, idx):
    mask = (idx != PAD_IDX).astype(table.dtype)
    g = jnp.take(table, idx, axis=0) * mask[..., None]
    return g.sum(axis=-2)


def reference(x, condition, embed_weight, Wc, bc, W2, b2, W3, b3, W4, b4):
    B = x.shape[0]
    xe = _embed_bag_sum(embed_weight, x.reshape(B * 4, -1)).reshape(B, 4, HID1)
    xe = jax.nn.relu(xe)
    cond = jax.nn.relu(_embed_bag_sum(embed_weight, condition))
    cond = cond + xe.sum(axis=1)
    cond = jax.nn.relu(cond @ Wc.T + bc)
    h = jax.nn.relu(xe @ W2.T + b2)
    h = h + cond[:, None, :]
    h = jax.nn.relu(h @ W3.T + b3)
    out = h @ W4.T + b4
    return out

if __name__ == "__main__":
    import jax
    _d = setup_inputs()
    print(jax.jit(kernel)(*tuple(_d.values())))

</pallas_src>

<mosaic_0001>
#map = affine_map<(d0, d1) -> (0, 0)>
module attributes {stable_mosaic.version = 14 : i64} {
  func.func @body(%arg0: i32, %arg1: i32, %arg2: memref<20480x50xi32, #tpu.memory_space<hbm>>, %arg3: memref<1000000x256xf32, #tpu.memory_space<hbm>>, %arg4: memref<16384x256xf32, #tpu.memory_space<hbm>>, %arg5: memref<4096x256xf32, #tpu.memory_space<hbm>>, %arg6: memref<512x50xi32, #tpu.memory_space<vmem>>, %arg7: memref<2x2x50x128xf32, #tpu.memory_space<vmem>>, %arg8: memref<64x256xf32, #tpu.memory_space<vmem>>, %arg9: memref<!tpu.dma_semaphore, #tpu.memory_space<semaphore_mem>>, %arg10: memref<!tpu.dma_semaphore, #tpu.memory_space<semaphore_mem>>) attributes {dimension_semantics = [#tpu.dimension_semantics<core_parallel>, #tpu.dimension_semantics<subcore_parallel>], iteration_bounds = array<i64: 2, 16>, scalar_prefetch = 0 : i64, scratch_operands = 5 : i64, tpu.core_type = #tpu.core_type<sc_vector_subcore>, window_params = [{transform_indices = #map}, {transform_indices = #map}, {transform_indices = #map}, {transform_indices = #map}]} {
    %mul3A = arith.constant 2 : i32
    %mul3A_0 = arith.muli %arg1, %mul3A : i32
    %add3A = arith.addi %mul3A_0, %arg0 : i32
    %mul3A_1 = arith.constant 512 : i32
    %mul3A_2 = arith.muli %add3A, %mul3A_1 : i32
    %mul3A_3 = arith.constant 512 : i32
    %mul3A_4 = arith.muli %add3A, %mul3A_3 : i32
    "tpu.region"() ({
      %run_scoped3A = tpu.sem_alloc : memref<!tpu.dma_semaphore, #tpu.memory_space<semaphore_mem>>
      %dma_start3A_151 = arith.constant 0 : i32
      %dma_start3A_152 = arith.constant 0 : i32
      %dma_start3A_153 = tpu.memref_slice %arg6[%dma_start3A_151, %dma_start3A_152] : memref<512x50xi32, #tpu.memory_space<vmem>> -> memref<512x50xi32, #tpu.memory_space<vmem>>
      %dma_start3A_154 = arith.constant 0 : i32
      %dma_start3A_155 = tpu.memref_slice %arg2[%mul3A_2, %dma_start3A_154] : memref<20480x50xi32, #tpu.memory_space<hbm>> -> memref<512x50xi32, #tpu.memory_space<hbm>>
      %dma_start3A_156 = arith.constant 0 : i32
      %dma_start3A_157 = arith.constant 0 : i32
      %dma_start3A_158 = tpu.memref_slice %arg6[%dma_start3A_156, %dma_start3A_157] : memref<512x50xi32, #tpu.memory_space<vmem>> -> memref<512x50xi32, #tpu.memory_space<vmem>>
      %dma_start3A_159 = arith.constant 0 : i32
      %dma_start3A_160 = tpu.memref_slice %arg2[%mul3A_2, %dma_start3A_159] : memref<20480x50xi32, #tpu.memory_space<hbm>> -> memref<512x50xi32, #tpu.memory_space<hbm>>
      tpu.enqueue_dma source(%dma_start3A_160 : memref<512x50xi32, #tpu.memory_space<hbm>>) target(%dma_start3A_158 : memref<512x50xi32, #tpu.memory_space<vmem>>) target_semaphore(%run_scoped3A : memref<!tpu.dma_semaphore, #tpu.memory_space<semaphore_mem>>)
      %dma_wait3A = arith.constant 0 : i32
      %dma_wait3A_161 = arith.constant 0 : i32
      %dma_wait3A_162 = tpu.memref_slice %arg6[%dma_wait3A, %dma_wait3A_161] : memref<512x50xi32, #tpu.memory_space<vmem>> -> memref<512x50xi32, #tpu.memory_space<vmem>>
      %dma_wait3A_163 = arith.constant 0 : i32
      %dma_wait3A_164 = tpu.memref_slice %arg2[%mul3A_2, %dma_wait3A_163] : memref<20480x50xi32, #tpu.memory_space<hbm>> -> memref<512x50xi32, #tpu.memory_space<hbm>>
      %dma_wait3A_165 = arith.constant 0 : i32
      %dma_wait3A_166 = arith.constant 0 : i32
      %dma_wait3A_167 = tpu.memref_slice %arg6[%dma_wait3A_165, %dma_wait3A_166] : memref<512x50xi32, #tpu.memory_space<vmem>> -> memref<512x50xi32, #tpu.memory_space<vmem>>
      %dma_wait3A_168 = arith.constant 0 : i32
      %dma_wait3A_169 = tpu.memref_slice %arg2[%mul3A_2, %dma_wait3A_168] : memref<20480x50xi32, #tpu.memory_space<hbm>> -> memref<512x50xi32, #tpu.memory_space<hbm>>
      tpu.wait_dma2 semaphore(%run_scoped3A : memref<!tpu.dma_semaphore, #tpu.memory_space<semaphore_mem>>) src(%dma_wait3A_169 : memref<512x50xi32, #tpu.memory_space<hbm>>) dst(%dma_wait3A_167 : memref<512x50xi32, #tpu.memory_space<vmem>>)
      tpu.yield
    }) : () -> ()
    %dma_start3A = arith.constant 0 : i32
    %dma_start3A_5 = arith.constant 0 : i32
    %dma_start3A_6 = arith.constant 0 : i32
    %dma_start3A_7 = arith.constant 0 : i32
    %dma_start3A_8 = arith.constant 0 : i32
    %dma_start3A_9 = tpu.memref_slice %arg7[%dma_start3A_5, %dma_start3A_6, %dma_start3A_7, %dma_start3A_8] : memref<2x2x50x128xf32, #tpu.memory_space<vmem>> -> memref<1x1x50x128xf32, #tpu.memory_space<vmem>>
    %dma_start3A_10 = tpu.memref_squeeze %dma_start3A_9 : memref<1x1x50x128xf32, #tpu.memory_space<vmem>> -> memref<50x128xf32, #tpu.memory_space<vmem>>
    %dma_start3A_11 = arith.constant 0 : i32
    %dma_start3A_12 = tpu.memref_slice %arg6[%dma_start3A, %dma_start3A_11] : memref<512x50xi32, #tpu.memory_space<vmem>> -> memref<1x50xi32, #tpu.memory_space<vmem>>
    %dma_start3A_13 = tpu.memref_squeeze %dma_start3A_12 : memref<1x50xi32, #tpu.memory_space<vmem>> -> memref<50xi32, #tpu.memory_space<vmem>>
    %dma_start3A_14 = arith.constant 0 : i32
    %dma_start3A_15 = arith.constant 0 : i32
    %dma_start3A_16 = tpu.memref_slice %arg3[%dma_start3A_14, %dma_start3A_15] : memref<1000000x256xf32, #tpu.memory_space<hbm>> -> memref<1000000x128xf32, #tpu.memory_space<hbm>>
    %dma_start3A_17 = arith.constant 0 : i32
    %dma_start3A_18 = arith.constant 0 : i32
    %dma_start3A_19 = tpu.memref_slice %dma_start3A_16[%dma_start3A_17, %dma_start3A_18] : memref<1000000x128xf32, #tpu.memory_space<hbm>> -> memref<1000000x128xf32, #tpu.memory_space<hbm>>
    tpu.enqueue_indirect_dma source(%dma_start3A_19 : memref<1000000x128xf32, #tpu.memory_space<hbm>>) target(%dma_start3A_10 : memref<50x128xf32, #tpu.memory_space<vmem>>) offsets(%dma_start3A_13 : memref<50xi32, #tpu.memory_space<vmem>>) semaphore(%arg9 : memref<!tpu.dma_semaphore, #tpu.memory_space<semaphore_mem>>)
    %dma_start3A_20 = arith.constant 0 : i32
    %dma_start3A_21 = arith.constant 0 : i32
    %dma_start3A_22 = arith.constant 1 : i32
    %dma_start3A_23 = arith.constant 0 : i32
    %dma_start3A_24 = arith.constant 0 : i32
    %dma_start3A_25 = tpu.memref_slice %arg7[%dma_start3A_21, %dma_start3A_22, %dma_start3A_23, %dma_start3A_24] : memref<2x2x50x128xf32, #tpu.memory_space<vmem>> -> memref<1x1x50x128xf32, #tpu.memory_space<vmem>>
    %dma_start3A_26 = tpu.memref_squeeze %dma_start3A_25 : memref<1x1x50x128xf32, #tpu.memory_space<vmem>> -> memref<50x128xf32, #tpu.memory_space<vmem>>
    %dma_start3A_27 = arith.constant 0 : i32
    %dma_start3A_28 = tpu.memref_slice %arg6[%dma_start3A_20, %dma_start3A_27] : memref<512x50xi32, #tpu.memory_space<vmem>> -> memref<1x50xi32, #tpu.memory_space<vmem>>
    %dma_start3A_29 = tpu.memref_squeeze %dma_start3A_28 : memref<1x50xi32, #tpu.memory_space<vmem>> -> memref<50xi32, #tpu.memory_space<vmem>>
    %dma_start3A_30 = arith.constant 0 : i32
    %dma_start3A_31 = arith.constant 128 : i32
    %dma_start3A_32 = tpu.memref_slice %arg3[%dma_start3A_30, %dma_start3A_31] : memref<1000000x256xf32, #tpu.memory_space<hbm>> -> memref<1000000x128xf32, #tpu.memory_space<hbm>>
    %dma_start3A_33 = arith.constant 0 : i32
    %dma_start3A_34 = arith.constant 0 : i32
    %dma_start3A_35 = tpu.memref_slice %dma_start3A_32[%dma_start3A_33, %dma_start3A_34] : memref<1000000x128xf32, #tpu.memory_space<hbm>> -> memref<1000000x128xf32, #tpu.memory_space<hbm>>
    tpu.enqueue_indirect_dma source(%dma_start3A_35 : memref<1000000x128xf32, #tpu.memory_space<hbm>>) target(%dma_start3A_26 : memref<50x128xf32, #tpu.memory_space<vmem>>) offsets(%dma_start3A_29 : memref<50xi32, #tpu.memory_space<vmem>>) semaphore(%arg9 : memref<!tpu.dma_semaphore, #tpu.memory_space<semaphore_mem>>)
    %dma_start3A_36 = arith.constant 1 : i32
    %dma_start3A_37 = arith.constant 1 : i32
    %dma_start3A_38 = arith.constant 0 : i32
    %dma_start3A_39 = arith.constant 0 : i32
    %dma_start3A_40 = arith.constant 0 : i32
    %dma_start3A_41 = tpu.memref_slice %arg7[%dma_start3A_37, %dma_start3A_38, %dma_start3A_39, %dma_start3A_40] : memref<2x2x50x128xf32, #tpu.memory_space<vmem>> -> memref<1x1x50x128xf32, #tpu.memory_space<vmem>>
    %dma_start3A_42 = tpu.memref_squeeze %dma_start3A_41 : memref<1x1x50x128xf32, #tpu.memory_space<vmem>> -> memref<50x128xf32, #tpu.memory_space<vmem>>
    %dma_start3A_43 = arith.constant 0 : i32
    %dma_start3A_44 = tpu.memref_slice %arg6[%dma_start3A_36, %dma_start3A_43] : memref<512x50xi32, #tpu.memory_space<vmem>> -> memref<1x50xi32, #tpu.memory_space<vmem>>
    %dma_start3A_45 = tpu.memref_squeeze %dma_start3A_44 : memref<1x50xi32, #tpu.memory_space<vmem>> -> memref<50xi32, #tpu.memory_space<vmem>>
    %dma_start3A_46 = arith.constant 0 : i32
    %dma_start3A_47 = arith.constant 0 : i32
    %dma_start3A_48 = tpu.memref_slice %arg3[%dma_start3A_46, %dma_start3A_47] : memref<1000000x256xf32, #tpu.memory_space<hbm>> -> memref<1000000x128xf32, #tpu.memory_space<hbm>>
    %dma_start3A_49 = arith.constant 0 : i32
    %dma_start3A_50 = arith.constant 0 : i32
    %dma_start3A_51 = tpu.memref_slice %dma_start3A_48[%dma_start3A_49, %dma_start3A_50] : memref<1000000x128xf32, #tpu.memory_space<hbm>> -> memref<1000000x128xf32, #tpu.memory_space<hbm>>
    tpu.enqueue_indirect_dma source(%dma_start3A_51 : memref<1000000x128xf32, #tpu.memory_space<hbm>>) target(%dma_start3A_42 : memref<50x128xf32, #tpu.memory_space<vmem>>) offsets(%dma_start3A_45 : memref<50xi32, #tpu.memory_space<vmem>>) semaphore(%arg10 : memref<!tpu.dma_semaphore, #tpu.memory_space<semaphore_mem>>)
    %dma_start3A_52 = arith.constant 1 : i32
    %dma_start3A_53 = arith.constant 1 : i32
    %dma_start3A_54 = arith.constant 1 : i32
    %dma_start3A_55 = arith.constant 0 : i32
    %dma_start3A_56 = arith.constant 0 : i32
    %dma_start3A_57 = tpu.memref_slice %arg7[%dma_start3A_53, %dma_start3A_54, %dma_start3A_55, %dma_start3A_56] : memref<2x2x50x128xf32, #tpu.memory_space<vmem>> -> memref<1x1x50x128xf32, #tpu.memory_space<vmem>>
    %dma_start3A_58 = tpu.memref_squeeze %dma_start3A_57 : memref<1x1x50x128xf32, #tpu.memory_space<vmem>> -> memref<50x128xf32, #tpu.memory_space<vmem>>
    %dma_start3A_59 = arith.constant 0 : i32
    %dma_start3A_60 = tpu.memref_slice %arg6[%dma_start3A_52, %dma_start3A_59] : memref<512x50xi32, #tpu.memory_space<vmem>> -> memref<1x50xi32, #tpu.memory_space<vmem>>
    %dma_start3A_61 = tpu.memref_squeeze %dma_start3A_60 : memref<1x50xi32, #tpu.memory_space<vmem>> -> memref<50xi32, #tpu.memory_space<vmem>>
    %dma_start3A_62 = arith.constant 0 : i32
    %dma_start3A_63 = arith.constant 128 : i32
    %dma_start3A_64 = tpu.memref_slice %arg3[%dma_start3A_62, %dma_start3A_63] : memref<1000000x256xf32, #tpu.memory_space<hbm>> -> memref<1000000x128xf32, #tpu.memory_space<hbm>>
    %dma_start3A_65 = arith.constant 0 : i32
    %dma_start3A_66 = arith.constant 0 : i32
    %dma_start3A_67 = tpu.memref_slice %dma_start3A_64[%dma_start3A_65, %dma_start3A_66] : memref<1000000x128xf32, #tpu.memory_space<hbm>> -> memref<1000000x128xf32, #tpu.memory_space<hbm>>
    tpu.enqueue_indirect_dma source(%dma_start3A_67 : memref<1000000x128xf32, #tpu.memory_space<hbm>>) target(%dma_start3A_58 : memref<50x128xf32, #tpu.memory_space<vmem>>) offsets(%dma_start3A_61 : memref<50xi32, #tpu.memory_space<vmem>>) semaphore(%arg10 : memref<!tpu.dma_semaphore, #tpu.memory_space<semaphore_mem>>)
    %scan3A = arith.constant 0 : i32
    %scan3A_68 = arith.constant 0 : i32
    %scan3A_69 = arith.constant 256 : i32
    %scan3A_70 = arith.addi %scan3A_68, %scan3A_69 : i32
    %scan3A_71 = arith.constant 1 : i32
    %scan3A_72 = scf.for %scan3A_151 = %scan3A_68 to %scan3A_70 step %scan3A_71 iter_args(%scan3A_152 = %scan3A) -> (i32)  : i32 {
      %mul3A_153 = arith.constant 2 : i32
      %mul3A_154 = arith.muli %mul3A_153, %scan3A_151 : i32
      %add3A_155 = arith.constant 0 : i32
      %add3A_156 = arith.addi %mul3A_154, %add3A_155 : i32
      %dma_wait3A = arith.constant 0 : i32
      %dma_wait3A_157 = arith.constant 0 : i32
      %dma_wait3A_158 = arith.constant 0 : i32
      %dma_wait3A_159 = arith.constant 0 : i32
      %dma_wait3A_160 = tpu.memref_slice %arg7[%dma_wait3A, %dma_wait3A_157, %dma_wait3A_158, %dma_wait3A_159] : memref<2x2x50x128xf32, #tpu.memory_space<vmem>> -> memref<1x1x50x128xf32, #tpu.memory_space<vmem>>
      %dma_wait3A_161 = tpu.memref_squeeze %dma_wait3A_160 : memref<1x1x50x128xf32, #tpu.memory_space<vmem>> -> memref<50x128xf32, #tpu.memory_space<vmem>>
      %dma_wait3A_162 = arith.constant 0 : i32
      %dma_wait3A_163 = tpu.memref_slice %arg6[%add3A_156, %dma_wait3A_162] : memref<512x50xi32, #tpu.memory_space<vmem>> -> memref<1x50xi32, #tpu.memory_space<vmem>>
      %dma_wait3A_164 = tpu.memref_squeeze %dma_wait3A_163 : memref<1x50xi32, #tpu.memory_space<vmem>> -> memref<50xi32, #tpu.memory_space<vmem>>
      %dma_wait3A_165 = arith.constant 0 : i32
      %dma_wait3A_166 = arith.constant 0 : i32
      %dma_wait3A_167 = tpu.memref_slice %arg3[%dma_wait3A_165, %dma_wait3A_166] : memref<1000000x256xf32, #tpu.memory_space<hbm>> -> memref<1000000x128xf32, #tpu.memory_space<hbm>>
      %dma_wait3A_168 = arith.constant 0 : i32
      %dma_wait3A_169 = arith.constant 0 : i32
      %dma_wait3A_170 = tpu.memref_slice %dma_wait3A_167[%dma_wait3A_168, %dma_wait3A_169] : memref<1000000x128xf32, #tpu.memory_space<hbm>> -> memref<1000000x128xf32, #tpu.memory_space<hbm>>
      tpu.wait_indirect_dma semaphore(%arg9 : memref<!tpu.dma_semaphore, #tpu.memory_space<semaphore_mem>>) src(%dma_wait3A_170 : memref<1000000x128xf32, #tpu.memory_space<hbm>>) dst(%dma_wait3A_161 : memref<50x128xf32, #tpu.memory_space<vmem>>)
      %dma_wait3A_171 = arith.constant 0 : i32
      %dma_wait3A_172 = arith.constant 1 : i32
      %dma_wait3A_173 = arith.constant 0 : i32
      %dma_wait3A_174 = arith.constant 0 : i32
      %dma_wait3A_175 = tpu.memref_slice %arg7[%dma_wait3A_171, %dma_wait3A_172, %dma_wait3A_173, %dma_wait3A_174] : memref<2x2x50x128xf32, #tpu.memory_space<vmem>> -> memref<1x1x50x128xf32, #tpu.memory_space<vmem>>
      %dma_wait3A_176 = tpu.memref_squeeze %dma_wait3A_175 : memref<1x1x50x128xf32, #tpu.memory_space<vmem>> -> memref<50x128xf32, #tpu.memory_space<vmem>>
      %dma_wait3A_177 = arith.constant 0 : i32
      %dma_wait3A_178 = tpu.memref_slice %arg6[%add3A_156, %dma_wait3A_177] : memref<512x50xi32, #tpu.memory_space<vmem>> -> memref<1x50xi32, #tpu.memory_space<vmem>>
      %dma_wait3A_179 = tpu.memref_squeeze %dma_wait3A_178 : memref<1x50xi32, #tpu.memory_space<vmem>> -> memref<50xi32, #tpu.memory_space<vmem>>
      %dma_wait3A_180 = arith.constant 0 : i32
      %dma_wait3A_181 = arith.constant 128 : i32
      %dma_wait3A_182 = tpu.memref_slice %arg3[%dma_wait3A_180, %dma_wait3A_181] : memref<1000000x256xf32, #tpu.memory_space<hbm>> -> memref<1000000x128xf32, #tpu.memory_space<hbm>>
      %dma_wait3A_183 = arith.constant 0 : i32
      %dma_wait3A_184 = arith.constant 0 : i32
      %dma_wait3A_185 = tpu.memref_slice %dma_wait3A_182[%dma_wait3A_183, %dma_wait3A_184] : memref<1000000x128xf32, #tpu.memory_space<hbm>> -> memref<1000000x128xf32, #tpu.memory_space<hbm>>
      tpu.wait_indirect_dma semaphore(%arg9 : memref<!tpu.dma_semaphore, #tpu.memory_space<semaphore_mem>>) src(%dma_wait3A_185 : memref<1000000x128xf32, #tpu.memory_space<hbm>>) dst(%dma_wait3A_176 : memref<50x128xf32, #tpu.memory_space<vmem>>)
      %broadcast_in_dim3A = arith.constant 0.000000e+00 : f32
      %broadcast_in_dim3A_186 = vector.broadcast %broadcast_in_dim3A : f32 to vector<16xf32>
      %broadcast_in_dim3A_187 = arith.constant 0.000000e+00 : f32
      %broadcast_in_dim3A_188 = vector.broadcast %broadcast_in_dim3A_187 : f32 to vector<16xf32>
      %broadcast_in_dim3A_189 = arith.constant 0.000000e+00 : f32
      %broadcast_in_dim3A_190 = vector.broadcast %broadcast_in_dim3A_189 : f32 to vector<16xf32>
      %broadcast_in_dim3A_191 = arith.constant 0.000000e+00 : f32
      %broadcast_in_dim3A_192 = vector.broadcast %broadcast_in_dim3A_191 : f32 to vector<16xf32>
      %broadcast_in_dim3A_193 = arith.constant 0.000000e+00 : f32
      %broadcast_in_dim3A_194 = vector.broadcast %broadcast_in_dim3A_193 : f32 to vector<16xf32>
      %broadcast_in_dim3A_195 = arith.constant 0.000000e+00 : f32
      %broadcast_in_dim3A_196 = vector.broadcast %broadcast_in_dim3A_195 : f32 to vector<16xf32>
      %broadcast_in_dim3A_197 = arith.constant 0.000000e+00 : f32
      %broadcast_in_dim3A_198 = vector.broadcast %broadcast_in_dim3A_197 : f32 to vector<16xf32>
      %broadcast_in_dim3A_199 = arith.constant 0.000000e+00 : f32
      %broadcast_in_dim3A_200 = vector.broadcast %broadcast_in_dim3A_199 : f32 to vector<16xf32>
      %broadcast_in_dim3A_201 = arith.constant 0.000000e+00 : f32
      %broadcast_in_dim3A_202 = vector.broadcast %broadcast_in_dim3A_201 : f32 to vector<16xf32>
      %broadcast_in_dim3A_203 = arith.constant 0.000000e+00 : f32
      %broadcast_in_dim3A_204 = vector.broadcast %broadcast_in_dim3A_203 : f32 to vector<16xf32>
      %broadcast_in_dim3A_205 = arith.constant 0.000000e+00 : f32
      %broadcast_in_dim3A_206 = vector.broadcast %broadcast_in_dim3A_205 : f32 to vector<16xf32>
      %broadcast_in_dim3A_207 = arith.constant 0.000000e+00 : f32
      %broadcast_in_dim3A_208 = vector.broadcast %broadcast_in_dim3A_207 : f32 to vector<16xf32>
      %broadcast_in_dim3A_209 = arith.constant 0.000000e+00 : f32
      %broadcast_in_dim3A_210 = vector.broadcast %broadcast_in_dim3A_209 : f32 to vector<16xf32>
      %broadcast_in_dim3A_211 = arith.constant 0.000000e+00 : f32
      %broadcast_in_dim3A_212 = vector.broadcast %broadcast_in_dim3A_211 : f32 to vector<16xf32>
      %broadcast_in_dim3A_213 = arith.constant 0.000000e+00 : f32
      %broadcast_in_dim3A_214 = vector.broadcast %broadcast_in_dim3A_213 : f32 to vector<16xf32>
      %broadcast_in_dim3A_215 = arith.constant 0.000000e+00 : f32
      %broadcast_in_dim3A_216 = vector.broadcast %broadcast_in_dim3A_215 : f32 to vector<16xf32>
      %scan3A_217 = arith.constant 0 : i32
      %scan3A_218 = arith.constant 50 : i32
      %scan3A_219 = arith.addi %scan3A_217, %scan3A_218 : i32
      %scan3A_220 = arith.constant 2 : i32
      %scan3A_221:16 = scf.for %scan3A_480 = %scan3A_217 to %scan3A_219 step %scan3A_220 iter_args(%scan3A_481 = %broadcast_in_dim3A_186, %scan3A_482 = %broadcast_in_dim3A_188, %scan3A_483 = %broadcast_in_dim3A_190, %scan3A_484 = %broadcast_in_dim3A_192, %scan3A_485 = %broadcast_in_dim3A_194, %scan3A_486 = %broadcast_in_dim3A_196, %scan3A_487 = %broadcast_in_dim3A_198, %scan3A_488 = %broadcast_in_dim3A_200, %scan3A_489 = %broadcast_in_dim3A_202, %scan3A_490 = %broadcast_in_dim3A_204, %scan3A_491 = %broadcast_in_dim3A_206, %scan3A_492 = %broadcast_in_dim3A_208, %scan3A_493 = %broadcast_in_dim3A_210, %scan3A_494 = %broadcast_in_dim3A_212, %scan3A_495 = %broadcast_in_dim3A_214, %scan3A_496 = %broadcast_in_dim3A_216) -> (vector<16xf32>, vector<16xf32>, vector<16xf32>, vector<16xf32>, vector<16xf32>, vector<16xf32>, vector<16xf32>, vector<16xf32>, vector<16xf32>, vector<16xf32>, vector<16xf32>, vector<16xf32>, vector<16xf32>, vector<16xf32>, vector<16xf32>, vector<16xf32>)  : i32 {
        %get3A = arith.constant 0 : i32
        %get3A_497 = arith.constant 0 : i32
        %get3A_498 = arith.index_cast %get3A : i32 to index
        %get3A_499 = arith.index_cast %get3A_497 : i32 to index
        %get3A_500 = arith.index_cast %scan3A_480 : i32 to index
        %get3A_501 = arith.constant 0 : index
        %get3A_502 = tpu.vector_load %arg7[%get3A_498, %get3A_499, %get3A_500, %get3A_501] {strides = array<i32>} : memref<2x2x50x128xf32, #tpu.memory_space<vmem>>, vector<1x1x1x16xf32>,
        %get3A_503 = vector.shape_cast %get3A_502 : vector<1x1x1x16xf32> to vector<16xf32>
        %add3A_504 = arith.addf %scan3A_481, %get3A_503 : vector<16xf32>
        %get3A_505 = arith.constant 0 : i32
        %get3A_506 = arith.constant 0 : i32
        %get3A_507 = arith.index_cast %get3A_505 : i32 to index
        %get3A_508 = arith.index_cast %get3A_506 : i32 to index
        %get3A_509 = arith.index_cast %scan3A_480 : i32 to index
        %get3A_510 = arith.constant 16 : index
        %get3A_511 = tpu.vector_load %arg7[%get3A_507, %get3A_508, %get3A_509, %get3A_510] {strides = array<i32>} : memref<2x2x50x128xf32, #tpu.memory_space<vmem>>, vector<1x1x1x16xf32>,
        %get3A_512 = vector.shape_cast %get3A_511 : vector<1x1x1x16xf32> to vector<16xf32>
        %add3A_513 = arith.addf %scan3A_482, %get3A_512 : vector<16xf32>
        %get3A_514 = arith.constant 0 : i32
        %get3A_515 = arith.constant 0 : i32
        %get3A_516 = arith.index_cast %get3A_514 : i32 to index
        %get3A_517 = arith.index_cast %get3A_515 : i32 to index
        %get3A_518 = arith.index_cast %scan3A_480 : i32 to index
        %get3A_519 = arith.constant 32 : index
        %get3A_520 = tpu.vector_load %arg7[%get3A_516, %get3A_517, %get3A_518, %get3A_519] {strides = array<i32>} : memref<2x2x50x128xf32, #tpu.memory_space<vmem>>, vector<1x1x1x16xf32>,
        %get3A_521 = vector.shape_cast %get3A_520 : vector<1x1x1x16xf32> to vector<16xf32>
        %add3A_522 = arith.addf %scan3A_483, %get3A_521 : vector<16xf32>
        %get3A_523 = arith.constant 0 : i32
        %get3A_524 = arith.constant 0 : i32
        %get3A_525 = arith.index_cast %get3A_523 : i32 to index
        %get3A_526 = arith.index_cast %get3A_524 : i32 to index
        %get3A_527 = arith.index_cast %scan3A_480 : i32 to index
        %get3A_528 = arith.constant 48 : index
        %get3A_529 = tpu.vector_load %arg7[%get3A_525, %get3A_526, %get3A_527, %get3A_528] {strides = array<i32>} : memref<2x2x50x128xf32, #tpu.memory_space<vmem>>, vector<1x1x1x16xf32>,
        %get3A_530 = vector.shape_cast %get3A_529 : vector<1x1x1x16xf32> to vector<16xf32>
        %add3A_531 = arith.addf %scan3A_484, %get3A_530 : vector<16xf32>
        %get3A_532 = arith.constant 0 : i32
        %get3A_533 = arith.constant 0 : i32
        %get3A_534 = arith.index_cast %get3A_532 : i32 to index
        %get3A_535 = arith.index_cast %get3A_533 : i32 to index
        %get3A_536 = arith.index_cast %scan3A_480 : i32 to index
        %get3A_537 = arith.constant 64 : index
        %get3A_538 = tpu.vector_load %arg7[%get3A_534, %get3A_535, %get3A_536, %get3A_537] {strides = array<i32>} : memref<2x2x50x128xf32, #tpu.memory_space<vmem>>, vector<1x1x1x16xf32>,
        %get3A_539 = vector.shape_cast %get3A_538 : vector<1x1x1x16xf32> to vector<16xf32>
        %add3A_540 = arith.addf %scan3A_485, %get3A_539 : vector<16xf32>
        %get3A_541 = arith.constant 0 : i32
        %get3A_542 = arith.constant 0 : i32
        %get3A_543 = arith.index_cast %get3A_541 : i32 to index
        %get3A_544 = arith.index_cast %get3A_542 : i32 to index
        %get3A_545 = arith.index_cast %scan3A_480 : i32 to index
        %get3A_546 = arith.constant 80 : index
        %get3A_547 = tpu.vector_load %arg7[%get3A_543, %get3A_544, %get3A_545, %get3A_546] {strides = array<i32>} : memref<2x2x50x128xf32, #tpu.memory_space<vmem>>, vector<1x1x1x16xf32>,
        %get3A_548 = vector.shape_cast %get3A_547 : vector<1x1x1x16xf32> to vector<16xf32>
        %add3A_549 = arith.addf %scan3A_486, %get3A_548 : vector<16xf32>
        %get3A_550 = arith.constant 0 : i32
        %get3A_551 = arith.constant 0 : i32
        %get3A_552 = arith.index_cast %get3A_550 : i32 to index
        %get3A_553 = arith.index_cast %get3A_551 : i32 to index
        %get3A_554 = arith.index_cast %scan3A_480 : i32 to index
        %get3A_555 = arith.constant 96 : index
        %get3A_556 = tpu.vector_load %arg7[%get3A_552, %get3A_553, %get3A_554, %get3A_555] {strides = array<i32>} : memref<2x2x50x128xf32, #tpu.memory_space<vmem>>, vector<1x1x1x16xf32>,
        %get3A_557 = vector.shape_cast %get3A_556 : vector<1x1x1x16xf32> to vector<16xf32>
        %add3A_558 = arith.addf %scan3A_487, %get3A_557 : vector<16xf32>
        %get3A_559 = arith.constant 0 : i32
        %get3A_560 = arith.constant 0 : i32
        %get3A_561 = arith.index_cast %get3A_559 : i32 to index
        %get3A_562 = arith.index_cast %get3A_560 : i32 to index
        %get3A_563 = arith.index_cast %scan3A_480 : i32 to index
        %get3A_564 = arith.constant 112 : index
        %get3A_565 = tpu.vector_load %arg7[%get3A_561, %get3A_562, %get3A_563, %get3A_564] {strides = array<i32>} : memref<2x2x50x128xf32, #tpu.memory_space<vmem>>, vector<1x1x1x16xf32>,
        %get3A_566 = vector.shape_cast %get3A_565 : vector<1x1x1x16xf32> to vector<16xf32>
        %add3A_567 = arith.addf %scan3A_488, %get3A_566 : vector<16xf32>
        %get3A_568 = arith.constant 0 : i32
        %get3A_569 = arith.constant 1 : i32
        %get3A_570 = arith.index_cast %get3A_568 : i32 to index
        %get3A_571 = arith.index_cast %get3A_569 : i32 to index
        %get3A_572 = arith.index_cast %scan3A_480 : i32 to index
        %get3A_573 = arith.constant 0 : index
        %get3A_574 = tpu.vector_load %arg7[%get3A_570, %get3A_571, %get3A_572, %get3A_573] {strides = array<i32>} : memref<2x2x50x128xf32, #tpu.memory_space<vmem>>, vector<1x1x1x16xf32>,
        %get3A_575 = vector.shape_cast %get3A_574 : vector<1x1x1x16xf32> to vector<16xf32>
        %add3A_576 = arith.addf %scan3A_489, %get3A_575 : vector<16xf32>
        %get3A_577 = arith.constant 0 : i32
        %get3A_578 = arith.constant 1 : i32
        %get3A_579 = arith.index_cast %get3A_577 : i32 to index
        %get3A_580 = arith.index_cast %get3A_578 : i32 to index
        %get3A_581 = arith.index_cast %scan3A_480 : i32 to index
        %get3A_582 = arith.constant 16 : index
        %get3A_583 = tpu.vector_load %arg7[%get3A_579, %get3A_580, %get3A_581, %get3A_582] {strides = array<i32>} : memref<2x2x50x128xf32, #tpu.memory_space<vmem>>, vector<1x1x1x16xf32>,
        %get3A_584 = vector.shape_cast %get3A_583 : vector<1x1x1x16xf32> to vector<16xf32>
        %add3A_585 = arith.addf %scan3A_490, %get3A_584 : vector<16xf32>
        %get3A_586 = arith.constant 0 : i32
        %get3A_587 = arith.constant 1 : i32
        %get3A_588 = arith.index_cast %get3A_586 : i32 to index
        %get3A_589 = arith.index_cast %get3A_587 : i32 to index
        %get3A_590 = arith.index_cast %scan3A_480 : i32 to index
        %get3A_591 = arith.constant 32 : index
        %get3A_592 = tpu.vector_load %arg7[%get3A_588, %get3A_589, %get3A_590, %get3A_591] {strides = array<i32>} : memref<2x2x50x128xf32, #tpu.memory_space<vmem>>, vector<1x1x1x16xf32>,
        %get3A_593 = vector.shape_cast %get3A_592 : vector<1x1x1x16xf32> to vector<16xf32>
        %add3A_594 = arith.addf %scan3A_491, %get3A_593 : vector<16xf32>
        %get3A_595 = arith.constant 0 : i32
        %get3A_596 = arith.constant 1 : i32
        %get3A_597 = arith.index_cast %get3A_595 : i32 to index
        %get3A_598 = arith.index_cast %get3A_596 : i32 to index
        %get3A_599 = arith.index_cast %scan3A_480 : i32 to index
        %get3A_600 = arith.constant 48 : index
        %get3A_601 = tpu.vector_load %arg7[%get3A_597, %get3A_598, %get3A_599, %get3A_600] {strides = array<i32>} : memref<2x2x50x128xf32, #tpu.memory_space<vmem>>, vector<1x1x1x16xf32>,
        %get3A_602 = vector.shape_cast %get3A_601 : vector<1x1x1x16xf32> to vector<16xf32>
        %add3A_603 = arith.addf %scan3A_492, %get3A_602 : vector<16xf32>
        %get3A_604 = arith.constant 0 : i32
        %get3A_605 = arith.constant 1 : i32
        %get3A_606 = arith.index_cast %get3A_604 : i32 to index
        %get3A_607 = arith.index_cast %get3A_605 : i32 to index
        %get3A_608 = arith.index_cast %scan3A_480 : i32 to index
        %get3A_609 = arith.constant 64 : index
        %get3A_610 = tpu.vector_load %arg7[%get3A_606, %get3A_607, %get3A_608, %get3A_609] {strides = array<i32>} : memref<2x2x50x128xf32, #tpu.memory_space<vmem>>, vector<1x1x1x16xf32>,
        %get3A_611 = vector.shape_cast %get3A_610 : vector<1x1x1x16xf32> to vector<16xf32>
        %add3A_612 = arith.addf %scan3A_493, %get3A_611 : vector<16xf32>
        %get3A_613 = arith.constant 0 : i32
        %get3A_614 = arith.constant 1 : i32
        %get3A_615 = arith.index_cast %get3A_613 : i32 to index
        %get3A_616 = arith.index_cast %get3A_614 : i32 to index
        %get3A_617 = arith.index_cast %scan3A_480 : i32 to index
        %get3A_618 = arith.constant 80 : index
        %get3A_619 = tpu.vector_load %arg7[%get3A_615, %get3A_616, %get3A_617, %get3A_618] {strides = array<i32>} : memref<2x2x50x128xf32, #tpu.memory_space<vmem>>, vector<1x1x1x16xf32>,
        %get3A_620 = vector.shape_cast %get3A_619 : vector<1x1x1x16xf32> to vector<16xf32>
        %add3A_621 = arith.addf %scan3A_494, %get3A_620 : vector<16xf32>
        %get3A_622 = arith.constant 0 : i32
        %get3A_623 = arith.constant 1 : i32
        %get3A_624 = arith.index_cast %get3A_622 : i32 to index
        %get3A_625 = arith.index_cast %get3A_623 : i32 to index
        %get3A_626 = arith.index_cast %scan3A_480 : i32 to index
        %get3A_627 = arith.constant 96 : index
        %get3A_628 = tpu.vector_load %arg7[%get3A_624, %get3A_625, %get3A_626, %get3A_627] {strides = array<i32>} : memref<2x2x50x128xf32, #tpu.memory_space<vmem>>, vector<1x1x1x16xf32>,
        %get3A_629 = vector.shape_cast %get3A_628 : vector<1x1x1x16xf32> to vector<16xf32>
        %add3A_630 = arith.addf %scan3A_495, %get3A_629 : vector<16xf32>
        %get3A_631 = arith.constant 0 : i32
        %get3A_632 = arith.constant 1 : i32
        %get3A_633 = arith.index_cast %get3A_631 : i32 to index
        %get3A_634 = arith.index_cast %get3A_632 : i32 to index
        %get3A_635 = arith.index_cast %scan3A_480 : i32 to index
        %get3A_636 = arith.constant 112 : index
        %get3A_637 = tpu.vector_load %arg7[%get3A_633, %get3A_634, %get3A_635, %get3A_636] {strides = array<i32>} : memref<2x2x50x128xf32, #tpu.memory_space<vmem>>, vector<1x1x1x16xf32>,
        %get3A_638 = vector.shape_cast %get3A_637 : vector<1x1x1x16xf32> to vector<16xf32>
        %add3A_639 = arith.addf %scan3A_496, %get3A_638 : vector<16xf32>
        %scan3A_640 = arith.constant 1 : i32
        %scan3A_641 = arith.addi %scan3A_480, %scan3A_640 : i32
        %get3A_642 = arith.constant 0 : i32
        %get3A_643 = arith.constant 0 : i32
        %get3A_644 = arith.index_cast %get3A_642 : i32 to index
        %get3A_645 = arith.index_cast %get3A_643 : i32 to index
        %get3A_646 = arith.index_cast %scan3A_641 : i32 to index
        %get3A_647 = arith.constant 0 : index
        %get3A_648 = tpu.vector_load %arg7[%get3A_644, %get3A_645, %get3A_646, %get3A_647] {strides = array<i32>} : memref<2x2x50x128xf32, #tpu.memory_space<vmem>>, vector<1x1x1x16xf32>,
        %get3A_649 = vector.shape_cast %get3A_648 : vector<1x1x1x16xf32> to vector<16xf32>
        %add3A_650 = arith.addf %add3A_504, %get3A_649 : vector<16xf32>
        %get3A_651 = arith.constant 0 : i32
        %get3A_652 = arith.constant 0 : i32
        %get3A_653 = arith.index_cast %get3A_651 : i32 to index
        %get3A_654 = arith.index_cast %get3A_652 : i32 to index
        %get3A_655 = arith.index_cast %scan3A_641 : i32 to index
        %get3A_656 = arith.constant 16 : index
        %get3A_657 = tpu.vector_load %arg7[%get3A_653, %get3A_654, %get3A_655, %get3A_656] {strides = array<i32>} : memref<2x2x50x128xf32, #tpu.memory_space<vmem>>, vector<1x1x1x16xf32>,
        %get3A_658 = vector.shape_cast %get3A_657 : vector<1x1x1x16xf32> to vector<16xf32>
        %add3A_659 = arith.addf %add3A_513, %get3A_658 : vector<16xf32>
        %get3A_660 = arith.constant 0 : i32
        %get3A_661 = arith.constant 0 : i32
        %get3A_662 = arith.index_cast %get3A_660 : i32 to index
        %get3A_663 = arith.index_cast %get3A_661 : i32 to index
        %get3A_664 = arith.index_cast %scan3A_641 : i32 to index
        %get3A_665 = arith.constant 32 : index
        %get3A_666 = tpu.vector_load %arg7[%get3A_662, %get3A_663, %get3A_664, %get3A_665] {strides = array<i32>} : memref<2x2x50x128xf32, #tpu.memory_space<vmem>>, vector<1x1x1x16xf32>,
        %get3A_667 = vector.shape_cast %get3A_666 : vector<1x1x1x16xf32> to vector<16xf32>
        %add3A_668 = arith.addf %add3A_522, %get3A_667 : vector<16xf32>
        %get3A_669 = arith.constant 0 : i32
        %get3A_670 = arith.constant 0 : i32
        %get3A_671 = arith.index_cast %get3A_669 : i32 to index
        %get3A_672 = arith.index_cast %get3A_670 : i32 to index
        %get3A_673 = arith.index_cast %scan3A_641 : i32 to index
        %get3A_674 = arith.constant 48 : index
        %get3A_675 = tpu.vector_load %arg7[%get3A_671, %get3A_672, %get3A_673, %get3A_674] {strides = array<i32>} : memref<2x2x50x128xf32, #tpu.memory_space<vmem>>, vector<1x1x1x16xf32>,
        %get3A_676 = vector.shape_cast %get3A_675 : vector<1x1x1x16xf32> to vector<16xf32>
        %add3A_677 = arith.addf %add3A_531, %get3A_676 : vector<16xf32>
        %get3A_678 = arith.constant 0 : i32
        %get3A_679 = arith.constant 0 : i32
        %get3A_680 = arith.index_cast %get3A_678 : i32 to index
        %get3A_681 = arith.index_cast %get3A_679 : i32 to index
        %get3A_682 = arith.index_cast %scan3A_641 : i32 to index
        %get3A_683 = arith.constant 64 : index
        %get3A_684 = tpu.vector_load %arg7[%get3A_680, %get3A_681, %get3A_682, %get3A_683] {strides = array<i32>} : memref<2x2x50x128xf32, #tpu.memory_space<vmem>>, vector<1x1x1x16xf32>,
        %get3A_685 = vector.shape_cast %get3A_684 : vector<1x1x1x16xf32> to vector<16xf32>
        %add3A_686 = arith.addf %add3A_540, %get3A_685 : vector<16xf32>
        %get3A_687 = arith.constant 0 : i32
        %get3A_688 = arith.constant 0 : i32
        %get3A_689 = arith.index_cast %get3A_687 : i32 to index
        %get3A_690 = arith.index_cast %get3A_688 : i32 to index
        %get3A_691 = arith.index_cast %scan3A_641 : i32 to index
        %get3A_692 = arith.constant 80 : index
        %get3A_693 = tpu.vector_load %arg7[%get3A_689, %get3A_690, %get3A_691, %get3A_692] {strides = array<i32>} : memref<2x2x50x128xf32, #tpu.memory_space<vmem>>, vector<1x1x1x16xf32>,
        %get3A_694 = vector.shape_cast %get3A_693 : vector<1x1x1x16xf32> to vector<16xf32>
        %add3A_695 = arith.addf %add3A_549, %get3A_694 : vector<16xf32>
        %get3A_696 = arith.constant 0 : i32
        %get3A_697 = arith.constant 0 : i32
        %get3A_698 = arith.index_cast %get3A_696 : i32 to index
        %get3A_699 = arith.index_cast %get3A_697 : i32 to index
        %get3A_700 = arith.index_cast %scan3A_641 : i32 to index
        %get3A_701 = arith.constant 96 : index
        %get3A_702 = tpu.vector_load %arg7[%get3A_698, %get3A_699, %get3A_700, %get3A_701] {strides = array<i32>} : memref<2x2x50x128xf32, #tpu.memory_space<vmem>>, vector<1x1x1x16xf32>,
        %get3A_703 = vector.shape_cast %get3A_702 : vector<1x1x1x16xf32> to vector<16xf32>
        %add3A_704 = arith.addf %add3A_558, %get3A_703 : vector<16xf32>
        %get3A_705 = arith.constant 0 : i32
        %get3A_706 = arith.constant 0 : i32
        %get3A_707 = arith.index_cast %get3A_705 : i32 to index
        %get3A_708 = arith.index_cast %get3A_706 : i32 to index
        %get3A_709 = arith.index_cast %scan3A_641 : i32 to index
        %get3A_710 = arith.constant 112 : index
        %get3A_711 = tpu.vector_load %arg7[%get3A_707, %get3A_708, %get3A_709, %get3A_710] {strides = array<i32>} : memref<2x2x50x128xf32, #tpu.memory_space<vmem>>, vector<1x1x1x16xf32>,
        %get3A_712 = vector.shape_cast %get3A_711 : vector<1x1x1x16xf32> to vector<16xf32>
        %add3A_713 = arith.addf %add3A_567, %get3A_712 : vector<16xf32>
        %get3A_714 = arith.constant 0 : i32
        %get3A_715 = arith.constant 1 : i32
        %get3A_716 = arith.index_cast %get3A_714 : i32 to index
        %get3A_717 = arith.index_cast %get3A_715 : i32 to index
        %get3A_718 = arith.index_cast %scan3A_641 : i32 to index
        %get3A_719 = arith.constant 0 : index
        %get3A_720 = tpu.vector_load %arg7[%get3A_716, %get3A_717, %get3A_718, %get3A_719] {strides = array<i32>} : memref<2x2x50x128xf32, #tpu.memory_space<vmem>>, vector<1x1x1x16xf32>,
        %get3A_721 = vector.shape_cast %get3A_720 : vector<1x1x1x16xf32> to vector<16xf32>
        %add3A_722 = arith.addf %add3A_576, %get3A_721 : vector<16xf32>
        %get3A_723 = arith.constant 0 : i32
        %get3A_724 = arith.constant 1 : i32
        %get3A_725 = arith.index_cast %get3A_723 : i32 to index
        %get3A_726 = arith.index_cast %get3A_724 : i32 to index
        %get3A_727 = arith.index_cast %scan3A_641 : i32 to index
        %get3A_728 = arith.constant 16 : index
        %get3A_729 = tpu.vector_load %arg7[%get3A_725, %get3A_726, %get3A_727, %get3A_728] {strides = array<i32>} : memref<2x2x50x128xf32, #tpu.memory_space<vmem>>, vector<1x1x1x16xf32>,
        %get3A_730 = vector.shape_cast %get3A_729 : vector<1x1x1x16xf32> to vector<16xf32>
        %add3A_731 = arith.addf %add3A_585, %get3A_730 : vector<16xf32>
        %get3A_732 = arith.constant 0 : i32
        %get3A_733 = arith.constant 1 : i32
        %get3A_734 = arith.index_cast %get3A_732 : i32 to index
        %get3A_735 = arith.index_cast %get3A_733 : i32 to index
        %get3A_736 = arith.index_cast %scan3A_641 : i32 to index
        %get3A_737 = arith.constant 32 : index
        %get3A_738 = tpu.vector_load %arg7[%get3A_734, %get3A_735, %get3A_736, %get3A_737] {strides = array<i32>} : memref<2x2x50x128xf32, #tpu.memory_space<vmem>>, vector<1x1x1x16xf32>,
        %get3A_739 = vector.shape_cast %get3A_738 : vector<1x1x1x16xf32> to vector<16xf32>
        %add3A_740 = arith.addf %add3A_594, %get3A_739 : vector<16xf32>
        %get3A_741 = arith.constant 0 : i32
        %get3A_742 = arith.constant 1 : i32
        %get3A_743 = arith.index_cast %get3A_741 : i32 to index
        %get3A_744 = arith.index_cast %get3A_742 : i32 to index
        %get3A_745 = arith.index_cast %scan3A_641 : i32 to index
        %get3A_746 = arith.constant 48 : index
        %get3A_747 = tpu.vector_load %arg7[%get3A_743, %get3A_744, %get3A_745, %get3A_746] {strides = array<i32>} : memref<2x2x50x128xf32, #tpu.memory_space<vmem>>, vector<1x1x1x16xf32>,
        %get3A_748 = vector.shape_cast %get3A_747 : vector<1x1x1x16xf32> to vector<16xf32>
        %add3A_749 = arith.addf %add3A_603, %get3A_748 : vector<16xf32>
        %get3A_750 = arith.constant 0 : i32
        %get3A_751 = arith.constant 1 : i32
        %get3A_752 = arith.index_cast %get3A_750 : i32 to index
        %get3A_753 = arith.index_cast %get3A_751 : i32 to index
        %get3A_754 = arith.index_cast %scan3A_641 : i32 to index
        %get3A_755 = arith.constant 64 : index
        %get3A_756 = tpu.vector_load %arg7[%get3A_752, %get3A_753, %get3A_754, %get3A_755] {strides = array<i32>} : memref<2x2x50x128xf32, #tpu.memory_space<vmem>>, vector<1x1x1x16xf32>,
        %get3A_757 = vector.shape_cast %get3A_756 : vector<1x1x1x16xf32> to vector<16xf32>
        %add3A_758 = arith.addf %add3A_612, %get3A_757 : vector<16xf32>
        %get3A_759 = arith.constant 0 : i32
        %get3A_760 = arith.constant 1 : i32
        %get3A_761 = arith.index_cast %get3A_759 : i32 to index
        %get3A_762 = arith.index_cast %get3A_760 : i32 to index
        %get3A_763 = arith.index_cast %scan3A_641 : i32 to index
        %get3A_764 = arith.constant 80 : index
        %get3A_765 = tpu.vector_load %arg7[%get3A_761, %get3A_762, %get3A_763, %get3A_764] {strides = array<i32>} : memref<2x2x50x128xf32, #tpu.memory_space<vmem>>, vector<1x1x1x16xf32>,
        %get3A_766 = vector.shape_cast %get3A_765 : vector<1x1x1x16xf32> to vector<16xf32>
        %add3A_767 = arith.addf %add3A_621, %get3A_766 : vector<16xf32>
        %get3A_768 = arith.constant 0 : i32
        %get3A_769 = arith.constant 1 : i32
        %get3A_770 = arith.index_cast %get3A_768 : i32 to index
        %get3A_771 = arith.index_cast %get3A_769 : i32 to index
        %get3A_772 = arith.index_cast %scan3A_641 : i32 to index
        %get3A_773 = arith.constant 96 : index
        %get3A_774 = tpu.vector_load %arg7[%get3A_770, %get3A_771, %get3A_772, %get3A_773] {strides = array<i32>} : memref<2x2x50x128xf32, #tpu.memory_space<vmem>>, vector<1x1x1x16xf32>,
        %get3A_775 = vector.shape_cast %get3A_774 : vector<1x1x1x16xf32> to vector<16xf32>
        %add3A_776 = arith.addf %add3A_630, %get3A_775 : vector<16xf32>
        %get3A_777 = arith.constant 0 : i32
        %get3A_778 = arith.constant 1 : i32
        %get3A_779 = arith.index_cast %get3A_777 : i32 to index
        %get3A_780 = arith.index_cast %get3A_778 : i32 to index
        %get3A_781 = arith.index_cast %scan3A_641 : i32 to index
        %get3A_782 = arith.constant 112 : index
        %get3A_783 = tpu.vector_load %arg7[%get3A_779, %get3A_780, %get3A_781, %get3A_782] {strides = array<i32>} : memref<2x2x50x128xf32, #tpu.memory_space<vmem>>, vector<1x1x1x16xf32>,
        %get3A_784 = vector.shape_cast %get3A_783 : vector<1x1x1x16xf32> to vector<16xf32>
        %add3A_785 = arith.addf %add3A_639, %get3A_784 : vector<16xf32>
        scf.yield %add3A_650, %add3A_659, %add3A_668, %add3A_677, %add3A_686, %add3A_695, %add3A_704, %add3A_713, %add3A_722, %add3A_731, %add3A_740, %add3A_749, %add3A_758, %add3A_767, %add3A_776, %add3A_785 : vector<16xf32>, vector<16xf32>, vector<16xf32>, vector<16xf32>, vector<16xf32>, vector<16xf32>, vector<16xf32>, vector<16xf32>, vector<16xf32>, vector<16xf32>, vector<16xf32>, vector<16xf32>, vector<16xf32>, vector<16xf32>, vector<16xf32>, vector<16xf32>
      }
      %scan3A_222 = arith.constant 50 : i32
      %rem3A = arith.constant 64 : i32
      %rem3A_223 = arith.remsi %add3A_156, %rem3A : i32
      %swap3A = arith.index_cast %rem3A_223 : i32 to index
      %swap3A_224 = arith.constant 0 : index
      %swap3A_225 = tpu.vector_load %arg8[%swap3A, %swap3A_224] {strides = array<i32>} : memref<64x256xf32, #tpu.memory_space<vmem>>, vector<1x16xf32>,
      %swap3A_226 = vector.shape_cast %swap3A_225 : vector<1x16xf32> to vector<16xf32>
      %swap3A_227 = vector.shape_cast %scan3A_221#0 : vector<16xf32> to vector<1x16xf32>
      tpu.vector_store %arg8[%swap3A, %swap3A_224], %swap3A_227 {strides = array<i32>} : memref<64x256xf32, #tpu.memory_space<vmem>>, vector<1x16xf32>,
      %swap3A_228 = arith.index_cast %rem3A_223 : i32 to index
      %swap3A_229 = arith.constant 16 : index
      %swap3A_230 = tpu.vector_load %arg8[%swap3A_228, %swap3A_229] {strides = array<i32>} : memref<64x256xf32, #tpu.memory_space<vmem>>, vector<1x16xf32>,
      %swap3A_231 = vector.shape_cast %swap3A_230 : vector<1x16xf32> to vector<16xf32>
      %swap3A_232 = vector.shape_cast %scan3A_221#1 : vector<16xf32> to vector<1x16xf32>
      tpu.vector_store %arg8[%swap3A_228, %swap3A_229], %swap3A_232 {strides = array<i32>} : memref<64x256xf32, #tpu.memory_space<vmem>>, vector<1x16xf32>,
      %swap3A_233 = arith.index_cast %rem3A_223 : i32 to index
      %swap3A_234 = arith.constant 32 : index
      %swap3A_235 = tpu.vector_load %arg8[%swap3A_233, %swap3A_234] {strides = array<i32>} : memref<64x256xf32, #tpu.memory_space<vmem>>, vector<1x16xf32>,
      %swap3A_236 = vector.shape_cast %swap3A_235 : vector<1x16xf32> to vector<16xf32>
      %swap3A_237 = vector.shape_cast %scan3A_221#2 : vector<16xf32> to vector<1x16xf32>
      tpu.vector_store %arg8[%swap3A_233, %swap3A_234], %swap3A_237 {strides = array<i32>} : memref<64x256xf32, #tpu.memory_space<vmem>>, vector<1x16xf32>,
      %swap3A_238 = arith.index_cast %rem3A_223 : i32 to index
      %swap3A_239 = arith.constant 48 : index
      %swap3A_240 = tpu.vector_load %arg8[%swap3A_238, %swap3A_239] {strides = array<i32>} : memref<64x256xf32, #tpu.memory_space<vmem>>, vector<1x16xf32>,
      %swap3A_241 = vector.shape_cast %swap3A_240 : vector<1x16xf32> to vector<16xf32>
      %swap3A_242 = vector.shape_cast %scan3A_221#3 : vector<16xf32> to vector<1x16xf32>
      tpu.vector_store %arg8[%swap3A_238, %swap3A_239], %swap3A_242 {strides = array<i32>} : memref<64x256xf32, #tpu.memory_space<vmem>>, vector<1x16xf32>,
      %swap3A_243 = arith.index_cast %rem3A_223 : i32 to index
      %swap3A_244 = arith.constant 64 : index
      %swap3A_245 = tpu.vector_load %arg8[%swap3A_243, %swap3A_244] {strides = array<i32>} : memref<64x256xf32, #tpu.memory_space<vmem>>, vector<1x16xf32>,
      %swap3A_246 = vector.shape_cast %swap3A_245 : vector<1x16xf32> to vector<16xf32>
      %swap3A_247 = vector.shape_cast %scan3A_221#4 : vector<16xf32> to vector<1x16xf32>
      tpu.vector_store %arg8[%swap3A_243, %swap3A_244], %swap3A_247 {strides = array<i32>} : memref<64x256xf32, #tpu.memory_space<vmem>>, vector<1x16xf32>,
      %swap3A_248 = arith.index_cast %rem3A_223 : i32 to index
      %swap3A_249 = arith.constant 80 : index
      %swap3A_250 = tpu.vector_load %arg8[%swap3A_248, %swap3A_249] {strides = array<i32>} : memref<64x256xf32, #tpu.memory_space<vmem>>, vector<1x16xf32>,
      %swap3A_251 = vector.shape_cast %swap3A_250 : vector<1x16xf32> to vector<16xf32>
      %swap3A_252 = vector.shape_cast %scan3A_221#5 : vector<16xf32> to vector<1x16xf32>
      tpu.vector_store %arg8[%swap3A_248, %swap3A_249], %swap3A_252 {strides = array<i32>} : memref<64x256xf32, #tpu.memory_space<vmem>>, vector<1x16xf32>,
      %swap3A_253 = arith.index_cast %rem3A_223 : i32 to index
      %swap3A_254 = arith.constant 96 : index
      %swap3A_255 = tpu.vector_load %arg8[%swap3A_253, %swap3A_254] {strides = array<i32>} : memref<64x256xf32, #tpu.memory_space<vmem>>, vector<1x16xf32>,
      %swap3A_256 = vector.shape_cast %swap3A_255 : vector<1x16xf32> to vector<16xf32>
      %swap3A_257 = vector.shape_cast %scan3A_221#6 : vector<16xf32> to vector<1x16xf32>
      tpu.vector_store %arg8[%swap3A_253, %swap3A_254], %swap3A_257 {strides = array<i32>} : memref<64x256xf32, #tpu.memory_space<vmem>>, vector<1x16xf32>,
      %swap3A_258 = arith.index_cast %rem3A_223 : i32 to index
      %swap3A_259 = arith.constant 112 : index
      %swap3A_260 = tpu.vector_load %arg8[%swap3A_258, %swap3A_259] {strides = array<i32>} : memref<64x256xf32, #tpu.memory_space<vmem>>, vector<1x16xf32>,
      %swap3A_261 = vector.shape_cast %swap3A_260 : vector<1x16xf32> to vector<16xf32>
      %swap3A_262 = vector.shape_cast %scan3A_221#7 : vector<16xf32> to vector<1x16xf32>
      tpu.vector_store %arg8[%swap3A_258, %swap3A_259], %swap3A_262 {strides = array<i32>} : memref<64x256xf32, #tpu.memory_space<vmem>>, vector<1x16xf32>,
      %swap3A_263 = arith.index_cast %rem3A_223 : i32 to index
      %swap3A_264 = arith.constant 128 : index
      %swap3A_265 = tpu.vector_load %arg8[%swap3A_263, %swap3A_264] {strides = array<i32>} : memref<64x256xf32, #tpu.memory_space<vmem>>, vector<1x16xf32>,
      %swap3A_266 = vector.shape_cast %swap3A_265 : vector<1x16xf32> to vector<16xf32>
      %swap3A_267 = vector.shape_cast %scan3A_221#8 : vector<16xf32> to vector<1x16xf32>
      tpu.vector_store %arg8[%swap3A_263, %swap3A_264], %swap3A_267 {strides = array<i32>} : memref<64x256xf32, #tpu.memory_space<vmem>>, vector<1x16xf32>,
      %swap3A_268 = arith.index_cast %rem3A_223 : i32 to index
      %swap3A_269 = arith.constant 144 : index
      %swap3A_270 = tpu.vector_load %arg8[%swap3A_268, %swap3A_269] {strides = array<i32>} : memref<64x256xf32, #tpu.memory_space<vmem>>, vector<1x16xf32>,
      %swap3A_271 = vector.shape_cast %swap3A_270 : vector<1x16xf32> to vector<16xf32>
      %swap3A_272 = vector.shape_cast %scan3A_221#9 : vector<16xf32> to vector<1x16xf32>
      tpu.vector_store %arg8[%swap3A_268, %swap3A_269], %swap3A_272 {strides = array<i32>} : memref<64x256xf32, #tpu.memory_space<vmem>>, vector<1x16xf32>,
      %swap3A_273 = arith.index_cast %rem3A_223 : i32 to index
      %swap3A_274 = arith.constant 160 : index
      %swap3A_275 = tpu.vector_load %arg8[%swap3A_273, %swap3A_274] {strides = array<i32>} : memref<64x256xf32, #tpu.memory_space<vmem>>, vector<1x16xf32>,
      %swap3A_276 = vector.shape_cast %swap3A_275 : vector<1x16xf32> to vector<16xf32>
      %swap3A_277 = vector.shape_cast %scan3A_221#10 : vector<16xf32> to vector<1x16xf32>
      tpu.vector_store %arg8[%swap3A_273, %swap3A_274], %swap3A_277 {strides = array<i32>} : memref<64x256xf32, #tpu.memory_space<vmem>>, vector<1x16xf32>,
      %swap3A_278 = arith.index_cast %rem3A_223 : i32 to index
      %swap3A_279 = arith.constant 176 : index
      %swap3A_280 = tpu.vector_load %arg8[%swap3A_278, %swap3A_279] {strides = array<i32>} : memref<64x256xf32, #tpu.memory_space<vmem>>, vector<1x16xf32>,
      %swap3A_281 = vector.shape_cast %swap3A_280 : vector<1x16xf32> to vector<16xf32>
      %swap3A_282 = vector.shape_cast %scan3A_221#11 : vector<16xf32> to vector<1x16xf32>
      tpu.vector_store %arg8[%swap3A_278, %swap3A_279], %swap3A_282 {strides = array<i32>} : memref<64x256xf32, #tpu.memory_space<vmem>>, vector<1x16xf32>,
      %swap3A_283 = arith.index_cast %rem3A_223 : i32 to index
      %swap3A_284 = arith.constant 192 : index
      %swap3A_285 = tpu.vector_load %arg8[%swap3A_283, %swap3A_284] {strides = array<i32>} : memref<64x256xf32, #tpu.memory_space<vmem>>, vector<1x16xf32>,
      %swap3A_286 = vector.shape_cast %swap3A_285 : vector<1x16xf32> to vector<16xf32>
      %swap3A_287 = vector.shape_cast %scan3A_221#12 : vector<16xf32> to vector<1x16xf32>
      tpu.vector_store %arg8[%swap3A_283, %swap3A_284], %swap3A_287 {strides = array<i32>} : memref<64x256xf32, #tpu.memory_space<vmem>>, vector<1x16xf32>,
      %swap3A_288 = arith.index_cast %rem3A_223 : i32 to index
      %swap3A_289 = arith.constant 208 : index
      %swap3A_290 = tpu.vector_load %arg8[%swap3A_288, %swap3A_289] {strides = array<i32>} : memref<64x256xf32, #tpu.memory_space<vmem>>, vector<1x16xf32>,
      %swap3A_291 = vector.shape_cast %swap3A_290 : vector<1x16xf32> to vector<16xf32>
      %swap3A_292 = vector.shape_cast %scan3A_221#13 : vector<16xf32> to vector<1x16xf32>
      tpu.vector_store %arg8[%swap3A_288, %swap3A_289], %swap3A_292 {strides = array<i32>} : memref<64x256xf32, #tpu.memory_space<vmem>>, vector<1x16xf32>,
      %swap3A_293 = arith.index_cast %rem3A_223 : i32 to index
      %swap3A_294 = arith.constant 224 : index
      %swap3A_295 = tpu.vector_load %arg8[%swap3A_293, %swap3A_294] {strides = array<i32>} : memref<64x256xf32, #tpu.memory_space<vmem>>, vector<1x16xf32>,
      %swap3A_296 = vector.shape_cast %swap3A_295 : vector<1x16xf32> to vector<16xf32>
      %swap3A_297 = vector.shape_cast %scan3A_221#14 : vector<16xf32> to vector<1x16xf32>
      tpu.vector_store %arg8[%swap3A_293, %swap3A_294], %swap3A_297 {strides = array<i32>} : memref<64x256xf32, #tpu.memory_space<vmem>>, vector<1x16xf32>,
      %swap3A_298 = arith.index_cast %rem3A_223 : i32 to index
      %swap3A_299 = arith.constant 240 : index
      %swap3A_300 = tpu.vector_load %arg8[%swap3A_298, %swap3A_299] {strides = array<i32>} : memref<64x256xf32, #tpu.memory_space<vmem>>, vector<1x16xf32>,
      %swap3A_301 = vector.shape_cast %swap3A_300 : vector<1x16xf32> to vector<16xf32>
      %swap3A_302 = vector.shape_cast %scan3A_221#15 : vector<16xf32> to vector<1x16xf32>
      tpu.vector_store %arg8[%swap3A_298, %swap3A_299], %swap3A_302 {strides = array<i32>} : memref<64x256xf32, #tpu.memory_space<vmem>>, vector<1x16xf32>,
      %add3A_303 = arith.constant 2 : i32
      %add3A_304 = arith.addi %add3A_156, %add3A_303 : i32
      %lt3A = arith.constant 512 : i32
      %lt3A_305 = arith.cmpi slt, %add3A_304, %lt3A : i32
      %convert_element_type3A = arith.extui %lt3A_305 : i1 to i32
      %cond3A = arith.constant 0 : i32
      %cond3A_306 = arith.cmpi ne, %convert_element_type3A, %cond3A : i32
      scf.if %cond3A_306 {
        %add3A_480 = arith.constant 2 : i32
        %add3A_481 = arith.addi %add3A_156, %add3A_480 : i32
        %dma_start3A_482 = arith.constant 0 : i32
        %dma_start3A_483 = arith.constant 0 : i32
        %dma_start3A_484 = arith.constant 0 : i32
        %dma_start3A_485 = arith.constant 0 : i32
        %dma_start3A_486 = tpu.memref_slice %arg7[%dma_start3A_482, %dma_start3A_483, %dma_start3A_484, %dma_start3A_485] : memref<2x2x50x128xf32, #tpu.memory_space<vmem>> -> memref<1x1x50x128xf32, #tpu.memory_space<vmem>>
        %dma_start3A_487 = tpu.memref_squeeze %dma_start3A_486 : memref<1x1x50x128xf32, #tpu.memory_space<vmem>> -> memref<50x128xf32, #tpu.memory_space<vmem>>
        %dma_start3A_488 = arith.constant 0 : i32
        %dma_start3A_489 = tpu.memref_slice %arg6[%add3A_481, %dma_start3A_488] : memref<512x50xi32, #tpu.memory_space<vmem>> -> memref<1x50xi32, #tpu.memory_space<vmem>>
        %dma_start3A_490 = tpu.memref_squeeze %dma_start3A_489 : memref<1x50xi32, #tpu.memory_space<vmem>> -> memref<50xi32, #tpu.memory_space<vmem>>
        %dma_start3A_491 = arith.constant 0 : i32
        %dma_start3A_492 = arith.constant 0 : i32
        %dma_start3A_493 = tpu.memref_slice %arg3[%dma_start3A_491, %dma_start3A_492] : memref<1000000x256xf32, #tpu.memory_space<hbm>> -> memref<1000000x128xf32, #tpu.memory_space<hbm>>
        %dma_start3A_494 = arith.constant 0 : i32
        %dma_start3A_495 = arith.constant 0 : i32
        %dma_start3A_496 = tpu.memref_slice %dma_start3A_493[%dma_start3A_494, %dma_start3A_495] : memref<1000000x128xf32, #tpu.memory_space<hbm>> -> memref<1000000x128xf32, #tpu.memory_space<hbm>>
        tpu.enqueue_indirect_dma source(%dma_start3A_496 : memref<1000000x128xf32, #tpu.memory_space<hbm>>) target(%dma_start3A_487 : memref<50x128xf32, #tpu.memory_space<vmem>>) offsets(%dma_start3A_490 : memref<50xi32, #tpu.memory_space<vmem>>) semaphore(%arg9 : memref<!tpu.dma_semaphore, #tpu.memory_space<semaphore_mem>>)
        %dma_start3A_497 = arith.constant 0 : i32
        %dma_start3A_498 = arith.constant 1 : i32
        %dma_start3A_499 = arith.constant 0 : i32
        %dma_start3A_500 = arith.constant 0 : i32
        %dma_start3A_501 = tpu.memref_slice %arg7[%dma_start3A_497, %dma_start3A_498, %dma_start3A_499, %dma_start3A_500] : memref<2x2x50x128xf32, #tpu.memory_space<vmem>> -> memref<1x1x50x128xf32, #tpu.memory_space<vmem>>
        %dma_start3A_502 = tpu.memref_squeeze %dma_start3A_501 : memref<1x1x50x128xf32, #tpu.memory_space<vmem>> -> memref<50x128xf32, #tpu.memory_space<vmem>>
        %dma_start3A_503 = arith.constant 0 : i32
        %dma_start3A_504 = tpu.memref_slice %arg6[%add3A_481, %dma_start3A_503] : memref<512x50xi32, #tpu.memory_space<vmem>> -> memref<1x50xi32, #tpu.memory_space<vmem>>
        %dma_start3A_505 = tpu.memref_squeeze %dma_start3A_504 : memref<1x50xi32, #tpu.memory_space<vmem>> -> memref<50xi32, #tpu.memory_space<vmem>>
        %dma_start3A_506 = arith.constant 0 : i32
        %dma_start3A_507 = arith.constant 128 : i32
        %dma_start3A_508 = tpu.memref_slice %arg3[%dma_start3A_506, %dma_start3A_507] : memref<1000000x256xf32, #tpu.memory_space<hbm>> -> memref<1000000x128xf32, #tpu.memory_space<hbm>>
        %dma_start3A_509 = arith.constant 0 : i32
        %dma_start3A_510 = arith.constant 0 : i32
        %dma_start3A_511 = tpu.memref_slice %dma_start3A_508[%dma_start3A_509, %dma_start3A_510] : memref<1000000x128xf32, #tpu.memory_space<hbm>> -> memref<1000000x128xf32, #tpu.memory_space<hbm>>
        tpu.enqueue_indirect_dma source(%dma_start3A_511 : memref<1000000x128xf32, #tpu.memory_space<hbm>>) target(%dma_start3A_502 : memref<50x128xf32, #tpu.memory_space<vmem>>) offsets(%dma_start3A_505 : memref<50xi32, #tpu.memory_space<vmem>>) semaphore(%arg9 : memref<!tpu.dma_semaphore, #tpu.memory_space<semaphore_mem>>)
      } else {
      }
      %rem3A_307 = arith.constant 64 : i32
      %rem3A_308 = arith.remsi %add3A_156, %rem3A_307 : i32
      %eq3A = arith.constant 63 : i32
      %eq3A_309 = arith.cmpi eq, %rem3A_308, %eq3A : i32
      %convert_element_type3A_310 = arith.extui %eq3A_309 : i1 to i32
      %cond3A_311 = arith.constant 0 : i32
      %cond3A_312 = arith.cmpi ne, %convert_element_type3A_310, %cond3A_311 : i32
      scf.if %cond3A_312 {
        %add3A_480 = arith.addi %mul3A_4, %add3A_156 : i32
        %add3A_481 = arith.constant 1 : i32
        %add3A_482 = arith.addi %add3A_480, %add3A_481 : i32
        %sub3A = arith.constant 64 : i32
        %sub3A_483 = arith.subi %add3A_482, %sub3A : i32
        %multiple_of3A = tpu.assume_multiple %sub3A_483, 64 : i32
        "tpu.region"() ({
          %run_scoped3A = tpu.sem_alloc : memref<!tpu.dma_semaphore, #tpu.memory_space<semaphore_mem>>
          %dma_start3A_484 = arith.constant 0 : i32
          %dma_start3A_485 = tpu.memref_slice %arg4[%multiple_of3A, %dma_start3A_484] : memref<16384x256xf32, #tpu.memory_space<hbm>> -> memref<64x256xf32, #tpu.memory_space<hbm>>
          %dma_start3A_486 = arith.constant 0 : i32
          %dma_start3A_487 = tpu.memref_slice %arg4[%multiple_of3A, %dma_start3A_486] : memref<16384x256xf32, #tpu.memory_space<hbm>> -> memref<64x256xf32, #tpu.memory_space<hbm>>
          tpu.enqueue_dma source(%arg8 : memref<64x256xf32, #tpu.memory_space<vmem>>) target(%dma_start3A_487 : memref<64x256xf32, #tpu.memory_space<hbm>>) target_semaphore(%run_scoped3A : memref<!tpu.dma_semaphore, #tpu.memory_space<semaphore_mem>>)
          %dma_wait3A_488 = arith.constant 0 : i32
          %dma_wait3A_489 = tpu.memref_slice %arg4[%multiple_of3A, %dma_wait3A_488] : memref<16384x256xf32, #tpu.memory_space<hbm>> -> memref<64x256xf32, #tpu.memory_space<hbm>>
          %dma_wait3A_490 = arith.constant 0 : i32
          %dma_wait3A_491 = tpu.memref_slice %arg4[%multiple_of3A, %dma_wait3A_490] : memref<16384x256xf32, #tpu.memory_space<hbm>> -> memref<64x256xf32, #tpu.memory_space<hbm>>
          tpu.wait_dma2 semaphore(%run_scoped3A : memref<!tpu.dma_semaphore, #tpu.memory_space<semaphore_mem>>) src(%arg8 : memref<64x256xf32, #tpu.memory_space<vmem>>) dst(%dma_wait3A_491 : memref<64x256xf32, #tpu.memory_space<hbm>>)
          tpu.yield
        }) : () -> ()
      } else {
      }
      %add3A_313 = arith.constant 1 : i32
      %add3A_314 = arith.addi %mul3A_154, %add3A_313 : i32
      %dma_wait3A_315 = arith.constant 1 : i32
      %dma_wait3A_316 = arith.constant 0 : i32
      %dma_wait3A_317 = arith.constant 0 : i32
      %dma_wait3A_318 = arith.constant 0 : i32
      %dma_wait3A_319 = tpu.memref_slice %arg7[%dma_wait3A_315, %dma_wait3A_316, %dma_wait3A_317, %dma_wait3A_318] : memref<2x2x50x128xf32, #tpu.memory_space<vmem>> -> memref<1x1x50x128xf32, #tpu.memory_space<vmem>>
      %dma_wait3A_320 = tpu.memref_squeeze %dma_wait3A_319 : memref<1x1x50x128xf32, #tpu.memory_space<vmem>> -> memref<50x128xf32, #tpu.memory_space<vmem>>
      %dma_wait3A_321 = arith.constant 0 : i32
      %dma_wait3A_322 = tpu.memref_slice %arg6[%add3A_314, %dma_wait3A_321] : memref<512x50xi32, #tpu.memory_space<vmem>> -> memref<1x50xi32, #tpu.memory_space<vmem>>
      %dma_wait3A_323 = tpu.memref_squeeze %dma_wait3A_322 : memref<1x50xi32, #tpu.memory_space<vmem>> -> memref<50xi32, #tpu.memory_space<vmem>>
      %dma_wait3A_324 = arith.constant 0 : i32
      %dma_wait3A_325 = arith.constant 0 : i32
      %dma_wait3A_326 = tpu.memref_slice %arg3[%dma_wait3A_324, %dma_wait3A_325] : memref<1000000x256xf32, #tpu.memory_space<hbm>> -> memref<1000000x128xf32, #tpu.memory_space<hbm>>
      %dma_wait3A_327 = arith.constant 0 : i32
      %dma_wait3A_328 = arith.constant 0 : i32
      %dma_wait3A_329 = tpu.memref_slice %dma_wait3A_326[%dma_wait3A_327, %dma_wait3A_328] : memref<1000000x128xf32, #tpu.memory_space<hbm>> -> memref<1000000x128xf32, #tpu.memory_space<hbm>>
      tpu.wait_indirect_dma semaphore(%arg10 : memref<!tpu.dma_semaphore, #tpu.memory_space<semaphore_mem>>) src(%dma_wait3A_329 : memref<1000000x128xf32, #tpu.memory_space<hbm>>) dst(%dma_wait3A_320 : memref<50x128xf32, #tpu.memory_space<vmem>>)
      %dma_wait3A_330 = arith.constant 1 : i32
      %dma_wait3A_331 = arith.constant 1 : i32
      %dma_wait3A_332 = arith.constant 0 : i32
      %dma_wait3A_333 = arith.constant 0 : i32
      %dma_wait3A_334 = tpu.memref_slice %arg7[%dma_wait3A_330, %dma_wait3A_331, %dma_wait3A_332, %dma_wait3A_333] : memref<2x2x50x128xf32, #tpu.memory_space<vmem>> -> memref<1x1x50x128xf32, #tpu.memory_space<vmem>>
      %dma_wait3A_335 = tpu.memref_squeeze %dma_wait3A_334 : memref<1x1x50x128xf32, #tpu.memory_space<vmem>> -> memref<50x128xf32, #tpu.memory_space<vmem>>
      %dma_wait3A_336 = arith.constant 0 : i32
      %dma_wait3A_337 = tpu.memref_slice %arg6[%add3A_314, %dma_wait3A_336] : memref<512x50xi32, #tpu.memory_space<vmem>> -> memref<1x50xi32, #tpu.memory_space<vmem>>
      %dma_wait3A_338 = tpu.memref_squeeze %dma_wait3A_337 : memref<1x50xi32, #tpu.memory_space<vmem>> -> memref<50xi32, #tpu.memory_space<vmem>>
      %dma_wait3A_339 = arith.constant 0 : i32
      %dma_wait3A_340 = arith.constant 128 : i32
      %dma_wait3A_341 = tpu.memref_slice %arg3[%dma_wait3A_339, %dma_wait3A_340] : memref<1000000x256xf32, #tpu.memory_space<hbm>> -> memref<1000000x128xf32, #tpu.memory_space<hbm>>
      %dma_wait3A_342 = arith.constant 0 : i32
      %dma_wait3A_343 = arith.constant 0 : i32
      %dma_wait3A_344 = tpu.memref_slice %dma_wait3A_341[%dma_wait3A_342, %dma_wait3A_343] : memref<1000000x128xf32, #tpu.memory_space<hbm>> -> memref<1000000x128xf32, #tpu.memory_space<hbm>>
      tpu.wait_indirect_dma semaphore(%arg10 : memref<!tpu.dma_semaphore, #tpu.memory_space<semaphore_mem>>) src(%dma_wait3A_344 : memref<1000000x128xf32, #tpu.memory_space<hbm>>) dst(%dma_wait3A_335 : memref<50x128xf32, #tpu.memory_space<vmem>>)
      %broadcast_in_dim3A_345 = arith.constant 0.000000e+00 : f32
      %broadcast_in_dim3A_346 = vector.broadcast %broadcast_in_dim3A_345 : f32 to vector<16xf32>
      %broadcast_in_dim3A_347 = arith.constant 0.000000e+00 : f32
      %broadcast_in_dim3A_348 = vector.broadcast %broadcast_in_dim3A_347 : f32 to vector<16xf32>
      %broadcast_in_dim3A_349 = arith.constant 0.000000e+00 : f32
      %broadcast_in_dim3A_350 = vector.broadcast %broadcast_in_dim3A_349 : f32 to vector<16xf32>
      %broadcast_in_dim3A_351 = arith.constant 0.000000e+00 : f32
      %broadcast_in_dim3A_352 = vector.broadcast %broadcast_in_dim3A_351 : f32 to vector<16xf32>
      %broadcast_in_dim3A_353 = arith.constant 0.000000e+00 : f32
      %broadcast_in_dim3A_354 = vector.broadcast %broadcast_in_dim3A_353 : f32 to vector<16xf32>
      %broadcast_in_dim3A_355 = arith.constant 0.000000e+00 : f32
      %broadcast_in_dim3A_356 = vector.broadcast %broadcast_in_dim3A_355 : f32 to vector<16xf32>
      %broadcast_in_dim3A_357 = arith.constant 0.000000e+00 : f32
      %broadcast_in_dim3A_358 = vector.broadcast %broadcast_in_dim3A_357 : f32 to vector<16xf32>
      %broadcast_in_dim3A_359 = arith.constant 0.000000e+00 : f32
      %broadcast_in_dim3A_360 = vector.broadcast %broadcast_in_dim3A_359 : f32 to vector<16xf32>
      %broadcast_in_dim3A_361 = arith.constant 0.000000e+00 : f32
      %broadcast_in_dim3A_362 = vector.broadcast %broadcast_in_dim3A_361 : f32 to vector<16xf32>
      %broadcast_in_dim3A_363 = arith.constant 0.000000e+00 : f32
      %broadcast_in_dim3A_364 = vector.broadcast %broadcast_in_dim3A_363 : f32 to vector<16xf32>
      %broadcast_in_dim3A_365 = arith.constant 0.000000e+00 : f32
      %broadcast_in_dim3A_366 = vector.broadcast %broadcast_in_dim3A_365 : f32 to vector<16xf32>
      %broadcast_in_dim3A_367 = arith.constant 0.000000e+00 : f32
      %broadcast_in_dim3A_368 = vector.broadcast %broadcast_in_dim3A_367 : f32 to vector<16xf32>
      %broadcast_in_dim3A_369 = arith.constant 0.000000e+00 : f32
      %broadcast_in_dim3A_370 = vector.broadcast %broadcast_in_dim3A_369 : f32 to vector<16xf32>
      %broadcast_in_dim3A_371 = arith.constant 0.000000e+00 : f32
      %broadcast_in_dim3A_372 = vector.broadcast %broadcast_in_dim3A_371 : f32 to vector<16xf32>
      %broadcast_in_dim3A_373 = arith.constant 0.000000e+00 : f32
      %broadcast_in_dim3A_374 = vector.broadcast %broadcast_in_dim3A_373 : f32 to vector<16xf32>
      %broadcast_in_dim3A_375 = arith.constant 0.000000e+00 : f32
      %broadcast_in_dim3A_376 = vector.broadcast %broadcast_in_dim3A_375 : f32 to vector<16xf32>
      %scan3A_377 = arith.constant 0 : i32
      %scan3A_378 = arith.constant 50 : i32
      %scan3A_379 = arith.addi %scan3A_377, %scan3A_378 : i32
      %scan3A_380 = arith.constant 2 : i32
      %scan3A_381:16 = scf.for %scan3A_480 = %scan3A_377 to %scan3A_379 step %scan3A_380 iter_args(%scan3A_481 = %broadcast_in_dim3A_346, %scan3A_482 = %broadcast_in_dim3A_348, %scan3A_483 = %broadcast_in_dim3A_350, %scan3A_484 = %broadcast_in_dim3A_352, %scan3A_485 = %broadcast_in_dim3A_354, %scan3A_486 = %broadcast_in_dim3A_356, %scan3A_487 = %broadcast_in_dim3A_358, %scan3A_488 = %broadcast_in_dim3A_360, %scan3A_489 = %broadcast_in_dim3A_362, %scan3A_490 = %broadcast_in_dim3A_364, %scan3A_491 = %broadcast_in_dim3A_366, %scan3A_492 = %broadcast_in_dim3A_368, %scan3A_493 = %broadcast_in_dim3A_370, %scan3A_494 = %broadcast_in_dim3A_372, %scan3A_495 = %broadcast_in_dim3A_374, %scan3A_496 = %broadcast_in_dim3A_376) -> (vector<16xf32>, vector<16xf32>, vector<16xf32>, vector<16xf32>, vector<16xf32>, vector<16xf32>, vector<16xf32>, vector<16xf32>, vector<16xf32>, vector<16xf32>, vector<16xf32>, vector<16xf32>, vector<16xf32>, vector<16xf32>, vector<16xf32>, vector<16xf32>)  : i32 {
        %get3A = arith.constant 1 : i32
        %get3A_497 = arith.constant 0 : i32
        %get3A_498 = arith.index_cast %get3A : i32 to index
        %get3A_499 = arith.index_cast %get3A_497 : i32 to index
        %get3A_500 = arith.index_cast %scan3A_480 : i32 to index
        %get3A_501 = arith.constant 0 : index
        %get3A_502 = tpu.vector_load %arg7[%get3A_498, %get3A_499, %get3A_500, %get3A_501] {strides = array<i32>} : memref<2x2x50x128xf32, #tpu.memory_space<vmem>>, vector<1x1x1x16xf32>,
        %get3A_503 = vector.shape_cast %get3A_502 : vector<1x1x1x16xf32> to vector<16xf32>
        %add3A_504 = arith.addf %scan3A_481, %get3A_503 : vector<16xf32>
        %get3A_505 = arith.constant 1 : i32
        %get3A_506 = arith.constant 0 : i32
        %get3A_507 = arith.index_cast %get3A_505 : i32 to index
        %get3A_508 = arith.index_cast %get3A_506 : i32 to index
        %get3A_509 = arith.index_cast %scan3A_480 : i32 to index
        %get3A_510 = arith.constant 16 : index
        %get3A_511 = tpu.vector_load %arg7[%get3A_507, %get3A_508, %get3A_509, %get3A_510] {strides = array<i32>} : memref<2x2x50x128xf32, #tpu.memory_space<vmem>>, vector<1x1x1x16xf32>,
        %get3A_512 = vector.shape_cast %get3A_511 : vector<1x1x1x16xf32> to vector<16xf32>
        %add3A_513 = arith.addf %scan3A_482, %get3A_512 : vector<16xf32>
        %get3A_514 = arith.constant 1 : i32
        %get3A_515 = arith.constant 0 : i32
        %get3A_516 = arith.index_cast %get3A_514 : i32 to index
        %get3A_517 = arith.index_cast %get3A_515 : i32 to index
        %get3A_518 = arith.index_cast %scan3A_480 : i32 to index
        %get3A_519 = arith.constant 32 : index
        %get3A_520 = tpu.vector_load %arg7[%get3A_516, %get3A_517, %get3A_518, %get3A_519] {strides = array<i32>} : memref<2x2x50x128xf32, #tpu.memory_space<vmem>>, vector<1x1x1x16xf32>,
        %get3A_521 = vector.shape_cast %get3A_520 : vector<1x1x1x16xf32> to vector<16xf32>
        %add3A_522 = arith.addf %scan3A_483, %get3A_521 : vector<16xf32>
        %get3A_523 = arith.constant 1 : i32
        %get3A_524 = arith.constant 0 : i32
        %get3A_525 = arith.index_cast %get3A_523 : i32 to index
        %get3A_526 = arith.index_cast %get3A_524 : i32 to index
        %get3A_527 = arith.index_cast %scan3A_480 : i32 to index
        %get3A_528 = arith.constant 48 : index
        %get3A_529 = tpu.vector_load %arg7[%get3A_525, %get3A_526, %get3A_527, %get3A_528] {strides = array<i32>} : memref<2x2x50x128xf32, #tpu.memory_space<vmem>>, vector<1x1x1x16xf32>,
        %get3A_530 = vector.shape_cast %get3A_529 : vector<1x1x1x16xf32> to vector<16xf32>
        %add3A_531 = arith.addf %scan3A_484, %get3A_530 : vector<16xf32>
        %get3A_532 = arith.constant 1 : i32
        %get3A_533 = arith.constant 0 : i32
        %get3A_534 = arith.index_cast %get3A_532 : i32 to index
        %get3A_535 = arith.index_cast %get3A_533 : i32 to index
        %get3A_536 = arith.index_cast %scan3A_480 : i32 to index
        %get3A_537 = arith.constant 64 : index
        %get3A_538 = tpu.vector_load %arg7[%get3A_534, %get3A_535, %get3A_536, %get3A_537] {strides = array<i32>} : memref<2x2x50x128xf32, #tpu.memory_space<vmem>>, vector<1x1x1x16xf32>,
        %get3A_539 = vector.shape_cast %get3A_538 : vector<1x1x1x16xf32> to vector<16xf32>
        %add3A_540 = arith.addf %scan3A_485, %get3A_539 : vector<16xf32>
        %get3A_541 = arith.constant 1 : i32
        %get3A_542 = arith.constant 0 : i32
        %get3A_543 = arith.index_cast %get3A_541 : i32 to index
        %get3A_544 = arith.index_cast %get3A_542 : i32 to index
        %get3A_545 = arith.index_cast %scan3A_480 : i32 to index
        %get3A_546 = arith.constant 80 : index
        %get3A_547 = tpu.vector_load %arg7[%get3A_543, %get3A_544, %get3A_545, %get3A_546] {strides = array<i32>} : memref<2x2x50x128xf32, #tpu.memory_space<vmem>>, vector<1x1x1x16xf32>,
        %get3A_548 = vector.shape_cast %get3A_547 : vector<1x1x1x16xf32> to vector<16xf32>
        %add3A_549 = arith.addf %scan3A_486, %get3A_548 : vector<16xf32>
        %get3A_550 = arith.constant 1 : i32
        %get3A_551 = arith.constant 0 : i32
        %get3A_552 = arith.index_cast %get3A_550 : i32 to index
        %get3A_553 = arith.index_cast %get3A_551 : i32 to index
        %get3A_554 = arith.index_cast %scan3A_480 : i32 to index
        %get3A_555 = arith.constant 96 : index
        %get3A_556 = tpu.vector_load %arg7[%get3A_552, %get3A_553, %get3A_554, %get3A_555] {strides = array<i32>} : memref<2x2x50x128xf32, #tpu.memory_space<vmem>>, vector<1x1x1x16xf32>,
        %get3A_557 = vector.shape_cast %get3A_556 : vector<1x1x1x16xf32> to vector<16xf32>
        %add3A_558 = arith.addf %scan3A_487, %get3A_557 : vector<16xf32>
        %get3A_559 = arith.constant 1 : i32
        %get3A_560 = arith.constant 0 : i32
        %get3A_561 = arith.index_cast %get3A_559 : i32 to index
        %get3A_562 = arith.index_cast %get3A_560 : i32 to index
        %get3A_563 = arith.index_cast %scan3A_480 : i32 to index
        %get3A_564 = arith.constant 112 : index
        %get3A_565 = tpu.vector_load %arg7[%get3A_561, %get3A_562, %get3A_563, %get3A_564] {strides = array<i32>} : memref<2x2x50x128xf32, #tpu.memory_space<vmem>>, vector<1x1x1x16xf32>,
        %get3A_566 = vector.shape_cast %get3A_565 : vector<1x1x1x16xf32> to vector<16xf32>
        %add3A_567 = arith.addf %scan3A_488, %get3A_566 : vector<16xf32>
        %get3A_568 = arith.constant 1 : i32
        %get3A_569 = arith.constant 1 : i32
        %get3A_570 = arith.index_cast %get3A_568 : i32 to index
        %get3A_571 = arith.index_cast %get3A_569 : i32 to index
        %get3A_572 = arith.index_cast %scan3A_480 : i32 to index
        %get3A_573 = arith.constant 0 : index
        %get3A_574 = tpu.vector_load %arg7[%get3A_570, %get3A_571, %get3A_572, %get3A_573] {strides = array<i32>} : memref<2x2x50x128xf32, #tpu.memory_space<vmem>>, vector<1x1x1x16xf32>,
        %get3A_575 = vector.shape_cast %get3A_574 : vector<1x1x1x16xf32> to vector<16xf32>
        %add3A_576 = arith.addf %scan3A_489, %get3A_575 : vector<16xf32>
        %get3A_577 = arith.constant 1 : i32
        %get3A_578 = arith.constant 1 : i32
        %get3A_579 = arith.index_cast %get3A_577 : i32 to index
        %get3A_580 = arith.index_cast %get3A_578 : i32 to index
        %get3A_581 = arith.index_cast %scan3A_480 : i32 to index
        %get3A_582 = arith.constant 16 : index
        %get3A_583 = tpu.vector_load %arg7[%get3A_579, %get3A_580, %get3A_581, %get3A_582] {strides = array<i32>} : memref<2x2x50x128xf32, #tpu.memory_space<vmem>>, vector<1x1x1x16xf32>,
        %get3A_584 = vector.shape_cast %get3A_583 : vector<1x1x1x16xf32> to vector<16xf32>
        %add3A_585 = arith.addf %scan3A_490, %get3A_584 : vector<16xf32>
        %get3A_586 = arith.constant 1 : i32
        %get3A_587 = arith.constant 1 : i32
        %get3A_588 = arith.index_cast %get3A_586 : i32 to index
        %get3A_589 = arith.index_cast %get3A_587 : i32 to index
        %get3A_590 = arith.index_cast %scan3A_480 : i32 to index
        %get3A_591 = arith.constant 32 : index
        %get3A_592 = tpu.vector_load %arg7[%get3A_588, %get3A_589, %get3A_590, %get3A_591] {strides = array<i32>} : memref<2x2x50x128xf32, #tpu.memory_space<vmem>>, vector<1x1x1x16xf32>,
        %get3A_593 = vector.shape_cast %get3A_592 : vector<1x1x1x16xf32> to vector<16xf32>
        %add3A_594 = arith.addf %scan3A_491, %get3A_593 : vector<16xf32>
        %get3A_595 = arith.constant 1 : i32
        %get3A_596 = arith.constant 1 : i32
        %get3A_597 = arith.index_cast %get3A_595 : i32 to index
        %get3A_598 = arith.index_cast %get3A_596 : i32 to index
        %get3A_599 = arith.index_cast %scan3A_480 : i32 to index
        %get3A_600 = arith.constant 48 : index
        %get3A_601 = tpu.vector_load %arg7[%get3A_597, %get3A_598, %get3A_599, %get3A_600] {strides = array<i32>} : memref<2x2x50x128xf32, #tpu.memory_space<vmem>>, vector<1x1x1x16xf32>,
        %get3A_602 = vector.shape_cast %get3A_601 : vector<1x1x1x16xf32> to vector<16xf32>
        %add3A_603 = arith.addf %scan3A_492, %get3A_602 : vector<16xf32>
        %get3A_604 = arith.constant 1 : i32
        %get3A_605 = arith.constant 1 : i32
        %get3A_606 = arith.index_cast %get3A_604 : i32 to index
        %get3A_607 = arith.index_cast %get3A_605 : i32 to index
        %get3A_608 = arith.index_cast %scan3A_480 : i32 to index
        %get3A_609 = arith.constant 64 : index
        %get3A_610 = tpu.vector_load %arg7[%get3A_606, %get3A_607, %get3A_608, %get3A_609] {strides = array<i32>} : memref<2x2x50x128xf32, #tpu.memory_space<vmem>>, vector<1x1x1x16xf32>,
        %get3A_611 = vector.shape_cast %get3A_610 : vector<1x1x1x16xf32> to vector<16xf32>
        %add3A_612 = arith.addf %scan3A_493, %get3A_611 : vector<16xf32>
        %get3A_613 = arith.constant 1 : i32
        %get3A_614 = arith.constant 1 : i32
        %get3A_615 = arith.index_cast %get3A_613 : i32 to index
        %get3A_616 = arith.index_cast %get3A_614 : i32 to index
        %get3A_617 = arith.index_cast %scan3A_480 : i32 to index
        %get3A_618 = arith.constant 80 : index
        %get3A_619 = tpu.vector_load %arg7[%get3A_615, %get3A_616, %get3A_617, %get3A_618] {strides = array<i32>} : memref<2x2x50x128xf32, #tpu.memory_space<vmem>>, vector<1x1x1x16xf32>,
        %get3A_620 = vector.shape_cast %get3A_619 : vector<1x1x1x16xf32> to vector<16xf32>
        %add3A_621 = arith.addf %scan3A_494, %get3A_620 : vector<16xf32>
        %get3A_622 = arith.constant 1 : i32
        %get3A_623 = arith.constant 1 : i32
        %get3A_624 = arith.index_cast %get3A_622 : i32 to index
        %get3A_625 = arith.index_cast %get3A_623 : i32 to index
        %get3A_626 = arith.index_cast %scan3A_480 : i32 to index
        %get3A_627 = arith.constant 96 : index
        %get3A_628 = tpu.vector_load %arg7[%get3A_624, %get3A_625, %get3A_626, %get3A_627] {strides = array<i32>} : memref<2x2x50x128xf32, #tpu.memory_space<vmem>>, vector<1x1x1x16xf32>,
        %get3A_629 = vector.shape_cast %get3A_628 : vector<1x1x1x16xf32> to vector<16xf32>
        %add3A_630 = arith.addf %scan3A_495, %get3A_629 : vector<16xf32>
        %get3A_631 = arith.constant 1 : i32
        %get3A_632 = arith.constant 1 : i32
        %get3A_633 = arith.index_cast %get3A_631 : i32 to index
        %get3A_634 = arith.index_cast %get3A_632 : i32 to index
        %get3A_635 = arith.index_cast %scan3A_480 : i32 to index
        %get3A_636 = arith.constant 112 : index
        %get3A_637 = tpu.vector_load %arg7[%get3A_633, %get3A_634, %get3A_635, %get3A_636] {strides = array<i32>} : memref<2x2x50x128xf32, #tpu.memory_space<vmem>>, vector<1x1x1x16xf32>,
        %get3A_638 = vector.shape_cast %get3A_637 : vector<1x1x1x16xf32> to vector<16xf32>
        %add3A_639 = arith.addf %scan3A_496, %get3A_638 : vector<16xf32>
        %scan3A_640 = arith.constant 1 : i32
        %scan3A_641 = arith.addi %scan3A_480, %scan3A_640 : i32
        %get3A_642 = arith.constant 1 : i32
        %get3A_643 = arith.constant 0 : i32
        %get3A_644 = arith.index_cast %get3A_642 : i32 to index
        %get3A_645 = arith.index_cast %get3A_643 : i32 to index
        %get3A_646 = arith.index_cast %scan3A_641 : i32 to index
        %get3A_647 = arith.constant 0 : index
        %get3A_648 = tpu.vector_load %arg7[%get3A_644, %get3A_645, %get3A_646, %get3A_647] {strides = array<i32>} : memref<2x2x50x128xf32, #tpu.memory_space<vmem>>, vector<1x1x1x16xf32>,
        %get3A_649 = vector.shape_cast %get3A_648 : vector<1x1x1x16xf32> to vector<16xf32>
        %add3A_650 = arith.addf %add3A_504, %get3A_649 : vector<16xf32>
        %get3A_651 = arith.constant 1 : i32
        %get3A_652 = arith.constant 0 : i32
        %get3A_653 = arith.index_cast %get3A_651 : i32 to index
        %get3A_654 = arith.index_cast %get3A_652 : i32 to index
        %get3A_655 = arith.index_cast %scan3A_641 : i32 to index
        %get3A_656 = arith.constant 16 : index
        %get3A_657 = tpu.vector_load %arg7[%get3A_653, %get3A_654, %get3A_655, %get3A_656] {strides = array<i32>} : memref<2x2x50x128xf32, #tpu.memory_space<vmem>>, vector<1x1x1x16xf32>,
        %get3A_658 = vector.shape_cast %get3A_657 : vector<1x1x1x16xf32> to vector<16xf32>
        %add3A_659 = arith.addf %add3A_513, %get3A_658 : vector<16xf32>
        %get3A_660 = arith.constant 1 : i32
        %get3A_661 = arith.constant 0 : i32
        %get3A_662 = arith.index_cast %get3A_660 : i32 to index
        %get3A_663 = arith.index_cast %get3A_661 : i32 to index
        %get3A_664 = arith.index_cast %scan3A_641 : i32 to index
        %get3A_665 = arith.constant 32 : index
        %get3A_666 = tpu.vector_load %arg7[%get3A_662, %get3A_663, %get3A_664, %get3A_665] {strides = array<i32>} : memref<2x2x50x128xf32, #tpu.memory_space<vmem>>, vector<1x1x1x16xf32>,
        %get3A_667 = vector.shape_cast %get3A_666 : vector<1x1x1x16xf32> to vector<16xf32>
        %add3A_668 = arith.addf %add3A_522, %get3A_667 : vector<16xf32>
        %get3A_669 = arith.constant 1 : i32
        %get3A_670 = arith.constant 0 : i32
        %get3A_671 = arith.index_cast %get3A_669 : i32 to index
        %get3A_672 = arith.index_cast %get3A_670 : i32 to index
        %get3A_673 = arith.index_cast %scan3A_641 : i32 to index
        %get3A_674 = arith.constant 48 : index
        %get3A_675 = tpu.vector_load %arg7[%get3A_671, %get3A_672, %get3A_673, %get3A_674] {strides = array<i32>} : memref<2x2x50x128xf32, #tpu.memory_space<vmem>>, vector<1x1x1x16xf32>,
        %get3A_676 = vector.shape_cast %get3A_675 : vector<1x1x1x16xf32> to vector<16xf32>
        %add3A_677 = arith.addf %add3A_531, %get3A_676 : vector<16xf32>
        %get3A_678 = arith.constant 1 : i32
        %get3A_679 = arith.constant 0 : i32
        %get3A_680 = arith.index_cast %get3A_678 : i32 to index
        %get3A_681 = arith.index_cast %get3A_679 : i32 to index
        %get3A_682 = arith.index_cast %scan3A_641 : i32 to index
        %get3A_683 = arith.constant 64 : index
        %get3A_684 = tpu.vector_load %arg7[%get3A_680, %get3A_681, %get3A_682, %get3A_683] {strides = array<i32>} : memref<2x2x50x128xf32, #tpu.memory_space<vmem>>, vector<1x1x1x16xf32>,
        %get3A_685 = vector.shape_cast %get3A_684 : vector<1x1x1x16xf32> to vector<16xf32>
        %add3A_686 = arith.addf %add3A_540, %get3A_685 : vector<16xf32>
        %get3A_687 = arith.constant 1 : i32
        %get3A_688 = arith.constant 0 : i32
        %get3A_689 = arith.index_cast %get3A_687 : i32 to index
        %get3A_690 = arith.index_cast %get3A_688 : i32 to index
        %get3A_691 = arith.index_cast %scan3A_641 : i32 to index
        %get3A_692 = arith.constant 80 : index
        %get3A_693 = tpu.vector_load %arg7[%get3A_689, %get3A_690, %get3A_691, %get3A_692] {strides = array<i32>} : memref<2x2x50x128xf32, #tpu.memory_space<vmem>>, vector<1x1x1x16xf32>,
        %get3A_694 = vector.shape_cast %get3A_693 : vector<1x1x1x16xf32> to vector<16xf32>
        %add3A_695 = arith.addf %add3A_549, %get3A_694 : vector<16xf32>
        %get3A_696 = arith.constant 1 : i32
        %get3A_697 = arith.constant 0 : i32
        %get3A_698 = arith.index_cast %get3A_696 : i32 to index
        %get3A_699 = arith.index_cast %get3A_697 : i32 to index
        %get3A_700 = arith.index_cast %scan3A_641 : i32 to index
        %get3A_701 = arith.constant 96 : index
        %get3A_702 = tpu.vector_load %arg7[%get3A_698, %get3A_699, %get3A_700, %get3A_701] {strides = array<i32>} : memref<2x2x50x128xf32, #tpu.memory_space<vmem>>, vector<1x1x1x16xf32>,
        %get3A_703 = vector.shape_cast %get3A_702 : vector<1x1x1x16xf32> to vector<16xf32>
        %add3A_704 = arith.addf %add3A_558, %get3A_703 : vector<16xf32>
        %get3A_705 = arith.constant 1 : i32
        %get3A_706 = arith.constant 0 : i32
        %get3A_707 = arith.index_cast %get3A_705 : i32 to index
        %get3A_708 = arith.index_cast %get3A_706 : i32 to index
        %get3A_709 = arith.index_cast %scan3A_641 : i32 to index
        %get3A_710 = arith.constant 112 : index
        %get3A_711 = tpu.vector_load %arg7[%get3A_707, %get3A_708, %get3A_709, %get3A_710] {strides = array<i32>} : memref<2x2x50x128xf32, #tpu.memory_space<vmem>>, vector<1x1x1x16xf32>,
        %get3A_712 = vector.shape_cast %get3A_711 : vector<1x1x1x16xf32> to vector<16xf32>
        %add3A_713 = arith.addf %add3A_567, %get3A_712 : vector<16xf32>
        %get3A_714 = arith.constant 1 : i32
        %get3A_715 = arith.constant 1 : i32
        %get3A_716 = arith.index_cast %get3A_714 : i32 to index
        %get3A_717 = arith.index_cast %get3A_715 : i32 to index
        %get3A_718 = arith.index_cast %scan3A_641 : i32 to index
        %get3A_719 = arith.constant 0 : index
        %get3A_720 = tpu.vector_load %arg7[%get3A_716, %get3A_717, %get3A_718, %get3A_719] {strides = array<i32>} : memref<2x2x50x128xf32, #tpu.memory_space<vmem>>, vector<1x1x1x16xf32>,
        %get3A_721 = vector.shape_cast %get3A_720 : vector<1x1x1x16xf32> to vector<16xf32>
        %add3A_722 = arith.addf %add3A_576, %get3A_721 : vector<16xf32>
        %get3A_723 = arith.constant 1 : i32
        %get3A_724 = arith.constant 1 : i32
        %get3A_725 = arith.index_cast %get3A_723 : i32 to index
        %get3A_726 = arith.index_cast %get3A_724 : i32 to index
        %get3A_727 = arith.index_cast %scan3A_641 : i32 to index
        %get3A_728 = arith.constant 16 : index
        %get3A_729 = tpu.vector_load %arg7[%get3A_725, %get3A_726, %get3A_727, %get3A_728] {strides = array<i32>} : memref<2x2x50x128xf32, #tpu.memory_space<vmem>>, vector<1x1x1x16xf32>,
        %get3A_730 = vector.shape_cast %get3A_729 : vector<1x1x1x16xf32> to vector<16xf32>
        %add3A_731 = arith.addf %add3A_585, %get3A_730 : vector<16xf32>
        %get3A_732 = arith.constant 1 : i32
        %get3A_733 = arith.constant 1 : i32
        %get3A_734 = arith.index_cast %get3A_732 : i32 to index
        %get3A_735 = arith.index_cast %get3A_733 : i32 to index
        %get3A_736 = arith.index_cast %scan3A_641 : i32 to index
        %get3A_737 = arith.constant 32 : index
        %get3A_738 = tpu.vector_load %arg7[%get3A_734, %get3A_735, %get3A_736, %get3A_737] {strides = array<i32>} : memref<2x2x50x128xf32, #tpu.memory_space<vmem>>, vector<1x1x1x16xf32>,
        %get3A_739 = vector.shape_cast %get3A_738 : vector<1x1x1x16xf32> to vector<16xf32>
        %add3A_740 = arith.addf %add3A_594, %get3A_739 : vector<16xf32>
        %get3A_741 = arith.constant 1 : i32
        %get3A_742 = arith.constant 1 : i32
        %get3A_743 = arith.index_cast %get3A_741 : i32 to index
        %get3A_744 = arith.index_cast %get3A_742 : i32 to index
        %get3A_745 = arith.index_cast %scan3A_641 : i32 to index
        %get3A_746 = arith.constant 48 : index
        %get3A_747 = tpu.vector_load %arg7[%get3A_743, %get3A_744, %get3A_745, %get3A_746] {strides = array<i32>} : memref<2x2x50x128xf32, #tpu.memory_space<vmem>>, vector<1x1x1x16xf32>,
        %get3A_748 = vector.shape_cast %get3A_747 : vector<1x1x1x16xf32> to vector<16xf32>
        %add3A_749 = arith.addf %add3A_603, %get3A_748 : vector<16xf32>
        %get3A_750 = arith.constant 1 : i32
        %get3A_751 = arith.constant 1 : i32
        %get3A_752 = arith.index_cast %get3A_750 : i32 to index
        %get3A_753 = arith.index_cast %get3A_751 : i32 to index
        %get3A_754 = arith.index_cast %scan3A_641 : i32 to index
        %get3A_755 = arith.constant 64 : index
        %get3A_756 = tpu.vector_load %arg7[%get3A_752, %get3A_753, %get3A_754, %get3A_755] {strides = array<i32>} : memref<2x2x50x128xf32, #tpu.memory_space<vmem>>, vector<1x1x1x16xf32>,
        %get3A_757 = vector.shape_cast %get3A_756 : vector<1x1x1x16xf32> to vector<16xf32>
        %add3A_758 = arith.addf %add3A_612, %get3A_757 : vector<16xf32>
        %get3A_759 = arith.constant 1 : i32
        %get3A_760 = arith.constant 1 : i32
        %get3A_761 = arith.index_cast %get3A_759 : i32 to index
        %get3A_762 = arith.index_cast %get3A_760 : i32 to index
        %get3A_763 = arith.index_cast %scan3A_641 : i32 to index
        %get3A_764 = arith.constant 80 : index
        %get3A_765 = tpu.vector_load %arg7[%get3A_761, %get3A_762, %get3A_763, %get3A_764] {strides = array<i32>} : memref<2x2x50x128xf32, #tpu.memory_space<vmem>>, vector<1x1x1x16xf32>,
        %get3A_766 = vector.shape_cast %get3A_765 : vector<1x1x1x16xf32> to vector<16xf32>
        %add3A_767 = arith.addf %add3A_621, %get3A_766 : vector<16xf32>
        %get3A_768 = arith.constant 1 : i32
        %get3A_769 = arith.constant 1 : i32
        %get3A_770 = arith.index_cast %get3A_768 : i32 to index
        %get3A_771 = arith.index_cast %get3A_769 : i32 to index
        %get3A_772 = arith.index_cast %scan3A_641 : i32 to index
        %get3A_773 = arith.constant 96 : index
        %get3A_774 = tpu.vector_load %arg7[%get3A_770, %get3A_771, %get3A_772, %get3A_773] {strides = array<i32>} : memref<2x2x50x128xf32, #tpu.memory_space<vmem>>, vector<1x1x1x16xf32>,
        %get3A_775 = vector.shape_cast %get3A_774 : vector<1x1x1x16xf32> to vector<16xf32>
        %add3A_776 = arith.addf %add3A_630, %get3A_775 : vector<16xf32>
        %get3A_777 = arith.constant 1 : i32
        %get3A_778 = arith.constant 1 : i32
        %get3A_779 = arith.index_cast %get3A_777 : i32 to index
        %get3A_780 = arith.index_cast %get3A_778 : i32 to index
        %get3A_781 = arith.index_cast %scan3A_641 : i32 to index
        %get3A_782 = arith.constant 112 : index
        %get3A_783 = tpu.vector_load %arg7[%get3A_779, %get3A_780, %get3A_781, %get3A_782] {strides = array<i32>} : memref<2x2x50x128xf32, #tpu.memory_space<vmem>>, vector<1x1x1x16xf32>,
        %get3A_784 = vector.shape_cast %get3A_783 : vector<1x1x1x16xf32> to vector<16xf32>
        %add3A_785 = arith.addf %add3A_639, %get3A_784 : vector<16xf32>
        scf.yield %add3A_650, %add3A_659, %add3A_668, %add3A_677, %add3A_686, %add3A_695, %add3A_704, %add3A_713, %add3A_722, %add3A_731, %add3A_740, %add3A_749, %add3A_758, %add3A_767, %add3A_776, %add3A_785 : vector<16xf32>, vector<16xf32>, vector<16xf32>, vector<16xf32>, vector<16xf32>, vector<16xf32>, vector<16xf32>, vector<16xf32>, vector<16xf32>, vector<16xf32>, vector<16xf32>, vector<16xf32>, vector<16xf32>, vector<16xf32>, vector<16xf32>, vector<16xf32>
      }
      %scan3A_382 = arith.constant 50 : i32
      %rem3A_383 = arith.constant 64 : i32
      %rem3A_384 = arith.remsi %add3A_314, %rem3A_383 : i32
      %swap3A_385 = arith.index_cast %rem3A_384 : i32 to index
      %swap3A_386 = arith.constant 0 : index
      %swap3A_387 = tpu.vector_load %arg8[%swap3A_385, %swap3A_386] {strides = array<i32>} : memref<64x256xf32, #tpu.memory_space<vmem>>, vector<1x16xf32>,
      %swap3A_388 = vector.shape_cast %swap3A_387 : vector<1x16xf32> to vector<16xf32>
      %swap3A_389 = vector.shape_cast %scan3A_381#0 : vector<16xf32> to vector<1x16xf32>
      tpu.vector_store %arg8[%swap3A_385, %swap3A_386], %swap3A_389 {strides = array<i32>} : memref<64x256xf32, #tpu.memory_space<vmem>>, vector<1x16xf32>,
      %swap3A_390 = arith.index_cast %rem3A_384 : i32 to index
      %swap3A_391 = arith.constant 16 : index
      %swap3A_392 = tpu.vector_load %arg8[%swap3A_390, %swap3A_391] {strides = array<i32>} : memref<64x256xf32, #tpu.memory_space<vmem>>, vector<1x16xf32>,
      %swap3A_393 = vector.shape_cast %swap3A_392 : vector<1x16xf32> to vector<16xf32>
      %swap3A_394 = vector.shape_cast %scan3A_381#1 : vector<16xf32> to vector<1x16xf32>
      tpu.vector_store %arg8[%swap3A_390, %swap3A_391], %swap3A_394 {strides = array<i32>} : memref<64x256xf32, #tpu.memory_space<vmem>>, vector<1x16xf32>,
      %swap3A_395 = arith.index_cast %rem3A_384 : i32 to index
      %swap3A_396 = arith.constant 32 : index
      %swap3A_397 = tpu.vector_load %arg8[%swap3A_395, %swap3A_396] {strides = array<i32>} : memref<64x256xf32, #tpu.memory_space<vmem>>, vector<1x16xf32>,
      %swap3A_398 = vector.shape_cast %swap3A_397 : vector<1x16xf32> to vector<16xf32>
      %swap3A_399 = vector.shape_cast %scan3A_381#2 : vector<16xf32> to vector<1x16xf32>
      tpu.vector_store %arg8[%swap3A_395, %swap3A_396], %swap3A_399 {strides = array<i32>} : memref<64x256xf32, #tpu.memory_space<vmem>>, vector<1x16xf32>,
      %swap3A_400 = arith.index_cast %rem3A_384 : i32 to index
      %swap3A_401 = arith.constant 48 : index
      %swap3A_402 = tpu.vector_load %arg8[%swap3A_400, %swap3A_401] {strides = array<i32>} : memref<64x256xf32, #tpu.memory_space<vmem>>, vector<1x16xf32>,
      %swap3A_403 = vector.shape_cast %swap3A_402 : vector<1x16xf32> to vector<16xf32>
      %swap3A_404 = vector.shape_cast %scan3A_381#3 : vector<16xf32> to vector<1x16xf32>
      tpu.vector_store %arg8[%swap3A_400, %swap3A_401], %swap3A_404 {strides = array<i32>} : memref<64x256xf32, #tpu.memory_space<vmem>>, vector<1x16xf32>,
      %swap3A_405 = arith.index_cast %rem3A_384 : i32 to index
      %swap3A_406 = arith.constant 64 : index
      %swap3A_407 = tpu.vector_load %arg8[%swap3A_405, %swap3A_406] {strides = array<i32>} : memref<64x256xf32, #tpu.memory_space<vmem>>, vector<1x16xf32>,
      %swap3A_408 = vector.shape_cast %swap3A_407 : vector<1x16xf32> to vector<16xf32>
      %swap3A_409 = vector.shape_cast %scan3A_381#4 : vector<16xf32> to vector<1x16xf32>
      tpu.vector_store %arg8[%swap3A_405, %swap3A_406], %swap3A_409 {strides = array<i32>} : memref<64x256xf32, #tpu.memory_space<vmem>>, vector<1x16xf32>,
      %swap3A_410 = arith.index_cast %rem3A_384 : i32 to index
      %swap3A_411 = arith.constant 80 : index
      %swap3A_412 = tpu.vector_load %arg8[%swap3A_410, %swap3A_411] {strides = array<i32>} : memref<64x256xf32, #tpu.memory_space<vmem>>, vector<1x16xf32>,
      %swap3A_413 = vector.shape_cast %swap3A_412 : vector<1x16xf32> to vector<16xf32>
      %swap3A_414 = vector.shape_cast %scan3A_381#5 : vector<16xf32> to vector<1x16xf32>
      tpu.vector_store %arg8[%swap3A_410, %swap3A_411], %swap3A_414 {strides = array<i32>} : memref<64x256xf32, #tpu.memory_space<vmem>>, vector<1x16xf32>,
      %swap3A_415 = arith.index_cast %rem3A_384 : i32 to index
      %swap3A_416 = arith.constant 96 : index
      %swap3A_417 = tpu.vector_load %arg8[%swap3A_415, %swap3A_416] {strides = array<i32>} : memref<64x256xf32, #tpu.memory_space<vmem>>, vector<1x16xf32>,
      %swap3A_418 = vector.shape_cast %swap3A_417 : vector<1x16xf32> to vector<16xf32>
      %swap3A_419 = vector.shape_cast %scan3A_381#6 : vector<16xf32> to vector<1x16xf32>
      tpu.vector_store %arg8[%swap3A_415, %swap3A_416], %swap3A_419 {strides = array<i32>} : memref<64x256xf32, #tpu.memory_space<vmem>>, vector<1x16xf32>,
      %swap3A_420 = arith.index_cast %rem3A_384 : i32 to index
      %swap3A_421 = arith.constant 112 : index
      %swap3A_422 = tpu.vector_load %arg8[%swap3A_420, %swap3A_421] {strides = array<i32>} : memref<64x256xf32, #tpu.memory_space<vmem>>, vector<1x16xf32>,
      %swap3A_423 = vector.shape_cast %swap3A_422 : vector<1x16xf32> to vector<16xf32>
      %swap3A_424 = vector.shape_cast %scan3A_381#7 : vector<16xf32> to vector<1x16xf32>
      tpu.vector_store %arg8[%swap3A_420, %swap3A_421], %swap3A_424 {strides = array<i32>} : memref<64x256xf32, #tpu.memory_space<vmem>>, vector<1x16xf32>,
      %swap3A_425 = arith.index_cast %rem3A_384 : i32 to index
      %swap3A_426 = arith.constant 128 : index
      %swap3A_427 = tpu.vector_load %arg8[%swap3A_425, %swap3A_426] {strides = array<i32>} : memref<64x256xf32, #tpu.memory_space<vmem>>, vector<1x16xf32>,
      %swap3A_428 = vector.shape_cast %swap3A_427 : vector<1x16xf32> to vector<16xf32>
      %swap3A_429 = vector.shape_cast %scan3A_381#8 : vector<16xf32> to vector<1x16xf32>
      tpu.vector_store %arg8[%swap3A_425, %swap3A_426], %swap3A_429 {strides = array<i32>} : memref<64x256xf32, #tpu.memory_space<vmem>>, vector<1x16xf32>,
      %swap3A_430 = arith.index_cast %rem3A_384 : i32 to index
      %swap3A_431 = arith.constant 144 : index
      %swap3A_432 = tpu.vector_load %arg8[%swap3A_430, %swap3A_431] {strides = array<i32>} : memref<64x256xf32, #tpu.memory_space<vmem>>, vector<1x16xf32>,
      %swap3A_433 = vector.shape_cast %swap3A_432 : vector<1x16xf32> to vector<16xf32>
      %swap3A_434 = vector.shape_cast %scan3A_381#9 : vector<16xf32> to vector<1x16xf32>
      tpu.vector_store %arg8[%swap3A_430, %swap3A_431], %swap3A_434 {strides = array<i32>} : memref<64x256xf32, #tpu.memory_space<vmem>>, vector<1x16xf32>,
      %swap3A_435 = arith.index_cast %rem3A_384 : i32 to index
      %swap3A_436 = arith.constant 160 : index
      %swap3A_437 = tpu.vector_load %arg8[%swap3A_435, %swap3A_436] {strides = array<i32>} : memref<64x256xf32, #tpu.memory_space<vmem>>, vector<1x16xf32>,
      %swap3A_438 = vector.shape_cast %swap3A_437 : vector<1x16xf32> to vector<16xf32>
      %swap3A_439 = vector.shape_cast %scan3A_381#10 : vector<16xf32> to vector<1x16xf32>
      tpu.vector_store %arg8[%swap3A_435, %swap3A_436], %swap3A_439 {strides = array<i32>} : memref<64x256xf32, #tpu.memory_space<vmem>>, vector<1x16xf32>,
      %swap3A_440 = arith.index_cast %rem3A_384 : i32 to index
      %swap3A_441 = arith.constant 176 : index
      %swap3A_442 = tpu.vector_load %arg8[%swap3A_440, %swap3A_441] {strides = array<i32>} : memref<64x256xf32, #tpu.memory_space<vmem>>, vector<1x16xf32>,
      %swap3A_443 = vector.shape_cast %swap3A_442 : vector<1x16xf32> to vector<16xf32>
      %swap3A_444 = vector.shape_cast %scan3A_381#11 : vector<16xf32> to vector<1x16xf32>
      tpu.vector_store %arg8[%swap3A_440, %swap3A_441], %swap3A_444 {strides = array<i32>} : memref<64x256xf32, #tpu.memory_space<vmem>>, vector<1x16xf32>,
      %swap3A_445 = arith.index_cast %rem3A_384 : i32 to index
      %swap3A_446 = arith.constant 192 : index
      %swap3A_447 = tpu.vector_load %arg8[%swap3A_445, %swap3A_446] {strides = array<i32>} : memref<64x256xf32, #tpu.memory_space<vmem>>, vector<1x16xf32>,
      %swap3A_448 = vector.shape_cast %swap3A_447 : vector<1x16xf32> to vector<16xf32>
      %swap3A_449 = vector.shape_cast %scan3A_381#12 : vector<16xf32> to vector<1x16xf32>
      tpu.vector_store %arg8[%swap3A_445, %swap3A_446], %swap3A_449 {strides = array<i32>} : memref<64x256xf32, #tpu.memory_space<vmem>>, vector<1x16xf32>,
      %swap3A_450 = arith.index_cast %rem3A_384 : i32 to index
      %swap3A_451 = arith.constant 208 : index
      %swap3A_452 = tpu.vector_load %arg8[%swap3A_450, %swap3A_451] {strides = array<i32>} : memref<64x256xf32, #tpu.memory_space<vmem>>, vector<1x16xf32>,
      %swap3A_453 = vector.shape_cast %swap3A_452 : vector<1x16xf32> to vector<16xf32>
      %swap3A_454 = vector.shape_cast %scan3A_381#13 : vector<16xf32> to vector<1x16xf32>
      tpu.vector_store %arg8[%swap3A_450, %swap3A_451], %swap3A_454 {strides = array<i32>} : memref<64x256xf32, #tpu.memory_space<vmem>>, vector<1x16xf32>,
      %swap3A_455 = arith.index_cast %rem3A_384 : i32 to index
      %swap3A_456 = arith.constant 224 : index
      %swap3A_457 = tpu.vector_load %arg8[%swap3A_455, %swap3A_456] {strides = array<i32>} : memref<64x256xf32, #tpu.memory_space<vmem>>, vector<1x16xf32>,
      %swap3A_458 = vector.shape_cast %swap3A_457 : vector<1x16xf32> to vector<16xf32>
      %swap3A_459 = vector.shape_cast %scan3A_381#14 : vector<16xf32> to vector<1x16xf32>
      tpu.vector_store %arg8[%swap3A_455, %swap3A_456], %swap3A_459 {strides = array<i32>} : memref<64x256xf32, #tpu.memory_space<vmem>>, vector<1x16xf32>,
      %swap3A_460 = arith.index_cast %rem3A_384 : i32 to index
      %swap3A_461 = arith.constant 240 : index
      %swap3A_462 = tpu.vector_load %arg8[%swap3A_460, %swap3A_461] {strides = array<i32>} : memref<64x256xf32, #tpu.memory_space<vmem>>, vector<1x16xf32>,
      %swap3A_463 = vector.shape_cast %swap3A_462 : vector<1x16xf32> to vector<16xf32>
      %swap3A_464 = vector.shape_cast %scan3A_381#15 : vector<16xf32> to vector<1x16xf32>
      tpu.vector_store %arg8[%swap3A_460, %swap3A_461], %swap3A_464 {strides = array<i32>} : memref<64x256xf32, #tpu.memory_space<vmem>>, vector<1x16xf32>,
      %add3A_465 = arith.constant 2 : i32
      %add3A_466 = arith.addi %add3A_314, %add3A_465 : i32
      %lt3A_467 = arith.constant 512 : i32
      %lt3A_468 = arith.cmpi slt, %add3A_466, %lt3A_467 : i32
      %convert_element_type3A_469 = arith.extui %lt3A_468 : i1 to i32
      %cond3A_470 = arith.constant 0 : i32
      %cond3A_471 = arith.cmpi ne, %convert_element_type3A_469, %cond3A_470 : i32
      scf.if %cond3A_471 {
        %add3A_480 = arith.constant 2 : i32
        %add3A_481 = arith.addi %add3A_314, %add3A_480 : i32
        %dma_start3A_482 = arith.constant 1 : i32
        %dma_start3A_483 = arith.constant 0 : i32
        %dma_start3A_484 = arith.constant 0 : i32
        %dma_start3A_485 = arith.constant 0 : i32
        %dma_start3A_486 = tpu.memref_slice %arg7[%dma_start3A_482, %dma_start3A_483, %dma_start3A_484, %dma_start3A_485] : memref<2x2x50x128xf32, #tpu.memory_space<vmem>> -> memref<1x1x50x128xf32, #tpu.memory_space<vmem>>
        %dma_start3A_487 = tpu.memref_squeeze %dma_start3A_486 : memref<1x1x50x128xf32, #tpu.memory_space<vmem>> -> memref<50x128xf32, #tpu.memory_space<vmem>>
        %dma_start3A_488 = arith.constant 0 : i32
        %dma_start3A_489 = tpu.memref_slice %arg6[%add3A_481, %dma_start3A_488] : memref<512x50xi32, #tpu.memory_space<vmem>> -> memref<1x50xi32, #tpu.memory_space<vmem>>
        %dma_start3A_490 = tpu.memref_squeeze %dma_start3A_489 : memref<1x50xi32, #tpu.memory_space<vmem>> -> memref<50xi32, #tpu.memory_space<vmem>>
        %dma_start3A_491 = arith.constant 0 : i32
        %dma_start3A_492 = arith.constant 0 : i32
        %dma_start3A_493 = tpu.memref_slice %arg3[%dma_start3A_491, %dma_start3A_492] : memref<1000000x256xf32, #tpu.memory_space<hbm>> -> memref<1000000x128xf32, #tpu.memory_space<hbm>>
        %dma_start3A_494 = arith.constant 0 : i32
        %dma_start3A_495 = arith.constant 0 : i32
        %dma_start3A_496 = tpu.memref_slice %dma_start3A_493[%dma_start3A_494, %dma_start3A_495] : memref<1000000x128xf32, #tpu.memory_space<hbm>> -> memref<1000000x128xf32, #tpu.memory_space<hbm>>
        tpu.enqueue_indirect_dma source(%dma_start3A_496 : memref<1000000x128xf32, #tpu.memory_space<hbm>>) target(%dma_start3A_487 : memref<50x128xf32, #tpu.memory_space<vmem>>) offsets(%dma_start3A_490 : memref<50xi32, #tpu.memory_space<vmem>>) semaphore(%arg10 : memref<!tpu.dma_semaphore, #tpu.memory_space<semaphore_mem>>)
        %dma_start3A_497 = arith.constant 1 : i32
        %dma_start3A_498 = arith.constant 1 : i32
        %dma_start3A_499 = arith.constant 0 : i32
        %dma_start3A_500 = arith.constant 0 : i32
        %dma_start3A_501 = tpu.memref_slice %arg7[%dma_start3A_497, %dma_start3A_498, %dma_start3A_499, %dma_start3A_500] : memref<2x2x50x128xf32, #tpu.memory_space<vmem>> -> memref<1x1x50x128xf32, #tpu.memory_space<vmem>>
        %dma_start3A_502 = tpu.memref_squeeze %dma_start3A_501 : memref<1x1x50x128xf32, #tpu.memory_space<vmem>> -> memref<50x128xf32, #tpu.memory_space<vmem>>
        %dma_start3A_503 = arith.constant 0 : i32
        %dma_start3A_504 = tpu.memref_slice %arg6[%add3A_481, %dma_start3A_503] : memref<512x50xi32, #tpu.memory_space<vmem>> -> memref<1x50xi32, #tpu.memory_space<vmem>>
        %dma_start3A_505 = tpu.memref_squeeze %dma_start3A_504 : memref<1x50xi32, #tpu.memory_space<vmem>> -> memref<50xi32, #tpu.memory_space<vmem>>
        %dma_start3A_506 = arith.constant 0 : i32
        %dma_start3A_507 = arith.constant 128 : i32
        %dma_start3A_508 = tpu.memref_slice %arg3[%dma_start3A_506, %dma_start3A_507] : memref<1000000x256xf32, #tpu.memory_space<hbm>> -> memref<1000000x128xf32, #tpu.memory_space<hbm>>
        %dma_start3A_509 = arith.constant 0 : i32
        %dma_start3A_510 = arith.constant 0 : i32
        %dma_start3A_511 = tpu.memref_slice %dma_start3A_508[%dma_start3A_509, %dma_start3A_510] : memref<1000000x128xf32, #tpu.memory_space<hbm>> -> memref<1000000x128xf32, #tpu.memory_space<hbm>>
        tpu.enqueue_indirect_dma source(%dma_start3A_511 : memref<1000000x128xf32, #tpu.memory_space<hbm>>) target(%dma_start3A_502 : memref<50x128xf32, #tpu.memory_space<vmem>>) offsets(%dma_start3A_505 : memref<50xi32, #tpu.memory_space<vmem>>) semaphore(%arg10 : memref<!tpu.dma_semaphore, #tpu.memory_space<semaphore_mem>>)
      } else {
      }
      %rem3A_472 = arith.constant 64 : i32
      %rem3A_473 = arith.remsi %add3A_314, %rem3A_472 : i32
      %eq3A_474 = arith.constant 63 : i32
      %eq3A_475 = arith.cmpi eq, %rem3A_473, %eq3A_474 : i32
      %convert_element_type3A_476 = arith.extui %eq3A_475 : i1 to i32
      %cond3A_477 = arith.constant 0 : i32
      %cond3A_478 = arith.cmpi ne, %convert_element_type3A_476, %cond3A_477 : i32
      scf.if %cond3A_478 {
        %add3A_480 = arith.addi %mul3A_4, %add3A_314 : i32
        %add3A_481 = arith.constant 1 : i32
        %add3A_482 = arith.addi %add3A_480, %add3A_481 : i32
        %sub3A = arith.constant 64 : i32
        %sub3A_483 = arith.subi %add3A_482, %sub3A : i32
        %multiple_of3A = tpu.assume_multiple %sub3A_483, 64 : i32
        "tpu.region"() ({
          %run_scoped3A = tpu.sem_alloc : memref<!tpu.dma_semaphore, #tpu.memory_space<semaphore_mem>>
          %dma_start3A_484 = arith.constant 0 : i32
          %dma_start3A_485 = tpu.memref_slice %arg4[%multiple_of3A, %dma_start3A_484] : memref<16384x256xf32, #tpu.memory_space<hbm>> -> memref<64x256xf32, #tpu.memory_space<hbm>>
          %dma_start3A_486 = arith.constant 0 : i32
          %dma_start3A_487 = tpu.memref_slice %arg4[%multiple_of3A, %dma_start3A_486] : memref<16384x256xf32, #tpu.memory_space<hbm>> -> memref<64x256xf32, #tpu.memory_space<hbm>>
          tpu.enqueue_dma source(%arg8 : memref<64x256xf32, #tpu.memory_space<vmem>>) target(%dma_start3A_487 : memref<64x256xf32, #tpu.memory_space<hbm>>) target_semaphore(%run_scoped3A : memref<!tpu.dma_semaphore, #tpu.memory_space<semaphore_mem>>)
          %dma_wait3A_488 = arith.constant 0 : i32
          %dma_wait3A_489 = tpu.memref_slice %arg4[%multiple_of3A, %dma_wait3A_488] : memref<16384x256xf32, #tpu.memory_space<hbm>> -> memref<64x256xf32, #tpu.memory_space<hbm>>
          %dma_wait3A_490 = arith.constant 0 : i32
          %dma_wait3A_491 = tpu.memref_slice %arg4[%multiple_of3A, %dma_wait3A_490] : memref<16384x256xf32, #tpu.memory_space<hbm>> -> memref<64x256xf32, #tpu.memory_space<hbm>>
          tpu.wait_dma2 semaphore(%run_scoped3A : memref<!tpu.dma_semaphore, #tpu.memory_space<semaphore_mem>>) src(%arg8 : memref<64x256xf32, #tpu.memory_space<vmem>>) dst(%dma_wait3A_491 : memref<64x256xf32, #tpu.memory_space<hbm>>)
          tpu.yield
        }) : () -> ()
      } else {
      }
      %scan3A_479 = arith.constant 0 : i32
      scf.yield %scan3A_479 : i32
    }
    %scan3A_73 = arith.constant 256 : i32
    %mul3A_74 = arith.constant 128 : i32
    %mul3A_75 = arith.muli %add3A, %mul3A_74 : i32
    %add3A_76 = arith.constant 16384 : i32
    %add3A_77 = arith.addi %add3A_76, %mul3A_75 : i32
    %mul3A_78 = arith.constant 128 : i32
    %mul3A_79 = arith.muli %add3A, %mul3A_78 : i32
    "tpu.region"() ({
      %run_scoped3A = tpu.sem_alloc : memref<!tpu.dma_semaphore, #tpu.memory_space<semaphore_mem>>
      %dma_start3A_151 = arith.constant 0 : i32
      %dma_start3A_152 = arith.constant 0 : i32
      %dma_start3A_153 = tpu.memref_slice %arg6[%dma_start3A_151, %dma_start3A_152] : memref<512x50xi32, #tpu.memory_space<vmem>> -> memref<128x50xi32, #tpu.memory_space<vmem>>
      %dma_start3A_154 = arith.constant 0 : i32
      %dma_start3A_155 = tpu.memref_slice %arg2[%add3A_77, %dma_start3A_154] : memref<20480x50xi32, #tpu.memory_space<hbm>> -> memref<128x50xi32, #tpu.memory_space<hbm>>
      %dma_start3A_156 = arith.constant 0 : i32
      %dma_start3A_157 = arith.constant 0 : i32
      %dma_start3A_158 = tpu.memref_slice %arg6[%dma_start3A_156, %dma_start3A_157] : memref<512x50xi32, #tpu.memory_space<vmem>> -> memref<128x50xi32, #tpu.memory_space<vmem>>
      %dma_start3A_159 = arith.constant 0 : i32
      %dma_start3A_160 = tpu.memref_slice %arg2[%add3A_77, %dma_start3A_159] : memref<20480x50xi32, #tpu.memory_space<hbm>> -> memref<128x50xi32, #tpu.memory_space<hbm>>
      tpu.enqueue_dma source(%dma_start3A_160 : memref<128x50xi32, #tpu.memory_space<hbm>>) target(%dma_start3A_158 : memref<128x50xi32, #tpu.memory_space<vmem>>) target_semaphore(%run_scoped3A : memref<!tpu.dma_semaphore, #tpu.memory_space<semaphore_mem>>)
      %dma_wait3A = arith.constant 0 : i32
      %dma_wait3A_161 = arith.constant 0 : i32
      %dma_wait3A_162 = tpu.memref_slice %arg6[%dma_wait3A, %dma_wait3A_161] : memref<512x50xi32, #tpu.memory_space<vmem>> -> memref<128x50xi32, #tpu.memory_space<vmem>>
      %dma_wait3A_163 = arith.constant 0 : i32
      %dma_wait3A_164 = tpu.memref_slice %arg2[%add3A_77, %dma_wait3A_163] : memref<20480x50xi32, #tpu.memory_space<hbm>> -> memref<128x50xi32, #tpu.memory_space<hbm>>
      %dma_wait3A_165 = arith.constant 0 : i32
      %dma_wait3A_166 = arith.constant 0 : i32
      %dma_wait3A_167 = tpu.memref_slice %arg6[%dma_wait3A_165, %dma_wait3A_166] : memref<512x50xi32, #tpu.memory_space<vmem>> -> memref<128x50xi32, #tpu.memory_space<vmem>>
      %dma_wait3A_168 = arith.constant 0 : i32
      %dma_wait3A_169 = tpu.memref_slice %arg2[%add3A_77, %dma_wait3A_168] : memref<20480x50xi32, #tpu.memory_space<hbm>> -> memref<128x50xi32, #tpu.memory_space<hbm>>
      tpu.wait_dma2 semaphore(%run_scoped3A : memref<!tpu.dma_semaphore, #tpu.memory_space<semaphore_mem>>) src(%dma_wait3A_169 : memref<128x50xi32, #tpu.memory_space<hbm>>) dst(%dma_wait3A_167 : memref<128x50xi32, #tpu.memory_space<vmem>>)
      tpu.yield
    }) : () -> ()
    %dma_start3A_80 = arith.constant 0 : i32
    %dma_start3A_81 = arith.constant 0 : i32
    %dma_start3A_82 = arith.constant 0 : i32
    %dma_start3A_83 = arith.constant 0 : i32
    %dma_start3A_84 = arith.constant 0 : i32
    %dma_start3A_85 = tpu.memref_slice %arg7[%dma_start3A_81, %dma_start3A_82, %dma_start3A_83, %dma_start3A_84] : memref<2x2x50x128xf32, #tpu.memory_space<vmem>> -> memref<1x1x50x128xf32, #tpu.memory_space<vmem>>
    %dma_start3A_86 = tpu.memref_squeeze %dma_start3A_85 : memref<1x1x50x128xf32, #tpu.memory_space<vmem>> -> memref<50x128xf32, #tpu.memory_space<vmem>>
    %dma_start3A_87 = arith.constant 0 : i32
    %dma_start3A_88 = tpu.memref_slice %arg6[%dma_start3A_80, %dma_start3A_87] : memref<512x50xi32, #tpu.memory_space<vmem>> -> memref<1x50xi32, #tpu.memory_space<vmem>>
    %dma_start3A_89 = tpu.memref_squeeze %dma_start3A_88 : memref<1x50xi32, #tpu.memory_space<vmem>> -> memref<50xi32, #tpu.memory_space<vmem>>
    %dma_start3A_90 = arith.constant 0 : i32
    %dma_start3A_91 = arith.constant 0 : i32
    %dma_start3A_92 = tpu.memref_slice %arg3[%dma_start3A_90, %dma_start3A_91] : memref<1000000x256xf32, #tpu.memory_space<hbm>> -> memref<1000000x128xf32, #tpu.memory_space<hbm>>
    %dma_start3A_93 = arith.constant 0 : i32
    %dma_start3A_94 = arith.constant 0 : i32
    %dma_start3A_95 = tpu.memref_slice %dma_start3A_92[%dma_start3A_93, %dma_start3A_94] : memref<1000000x128xf32, #tpu.memory_space<hbm>> -> memref<1000000x128xf32, #tpu.memory_space<hbm>>
    tpu.enqueue_indirect_dma source(%dma_start3A_95 : memref<1000000x128xf32, #tpu.memory_space<hbm>>) target(%dma_start3A_86 : memref<50x128xf32, #tpu.memory_space<vmem>>) offsets(%dma_start3A_89 : memref<50xi32, #tpu.memory_space<vmem>>) semaphore(%arg9 : memref<!tpu.dma_semaphore, #tpu.memory_space<semaphore_mem>>)
    %dma_start3A_96 = arith.constant 0 : i32
    %dma_start3A_97 = arith.constant 0 : i32
    %dma_start3A_98 = arith.constant 1 : i32
    %dma_start3A_99 = arith.constant 0 : i32
    %dma_start3A_100 = arith.constant 0 : i32
    %dma_start3A_101 = tpu.memref_slice %arg7[%dma_start3A_97, %dma_start3A_98, %dma_start3A_99, %dma_start3A_100] : memref<2x2x50x128xf32, #tpu.memory_space<vmem>> -> memref<1x1x50x128xf32, #tpu.memory_space<vmem>>
    %dma_start3A_102 = tpu.memref_squeeze %dma_start3A_101 : memref<1x1x50x128xf32, #tpu.memory_space<vmem>> -> memref<50x128xf32, #tpu.memory_space<vmem>>
    %dma_start3A_103 = arith.constant 0 : i32
    %dma_start3A_104 = tpu.memref_slice %arg6[%dma_start3A_96, %dma_start3A_103] : memref<512x50xi32, #tpu.memory_space<vmem>> -> memref<1x50xi32, #tpu.memory_space<vmem>>
    %dma_start3A_105 = tpu.memref_squeeze %dma_start3A_104 : memref<1x50xi32, #tpu.memory_space<vmem>> -> memref<50xi32, #tpu.memory_space<vmem>>
    %dma_start3A_106 = arith.constant 0 : i32
    %dma_start3A_107 = arith.constant 128 : i32
    %dma_start3A_108 = tpu.memref_slice %arg3[%dma_start3A_106, %dma_start3A_107] : memref<1000000x256xf32, #tpu.memory_space<hbm>> -> memref<1000000x128xf32, #tpu.memory_space<hbm>>
    %dma_start3A_109 = arith.constant 0 : i32
    %dma_start3A_110 = arith.constant 0 : i32
    %dma_start3A_111 = tpu.memref_slice %dma_start3A_108[%dma_start3A_109, %dma_start3A_110] : memref<1000000x128xf32, #tpu.memory_space<hbm>> -> memref<1000000x128xf32, #tpu.memory_space<hbm>>
    tpu.enqueue_indirect_dma source(%dma_start3A_111 : memref<1000000x128xf32, #tpu.memory_space<hbm>>) target(%dma_start3A_102 : memref<50x128xf32, #tpu.memory_space<vmem>>) offsets(%dma_start3A_105 : memref<50xi32, #tpu.memory_space<vmem>>) semaphore(%arg9 : memref<!tpu.dma_semaphore, #tpu.memory_space<semaphore_mem>>)
    %dma_start3A_112 = arith.constant 1 : i32
    %dma_start3A_113 = arith.constant 1 : i32
    %dma_start3A_114 = arith.constant 0 : i32
    %dma_start3A_115 = arith.constant 0 : i32
    %dma_start3A_116 = arith.constant 0 : i32
    %dma_start3A_117 = tpu.memref_slice %arg7[%dma_start3A_113, %dma_start3A_114, %dma_start3A_115, %dma_start3A_116] : memref<2x2x50x128xf32, #tpu.memory_space<vmem>> -> memref<1x1x50x128xf32, #tpu.memory_space<vmem>>
    %dma_start3A_118 = tpu.memref_squeeze %dma_start3A_117 : memref<1x1x50x128xf32, #tpu.memory_space<vmem>> -> memref<50x128xf32, #tpu.memory_space<vmem>>
    %dma_start3A_119 = arith.constant 0 : i32
    %dma_start3A_120 = tpu.memref_slice %arg6[%dma_start3A_112, %dma_start3A_119] : memref<512x50xi32, #tpu.memory_space<vmem>> -> memref<1x50xi32, #tpu.memory_space<vmem>>
    %dma_start3A_121 = tpu.memref_squeeze %dma_start3A_120 : memref<1x50xi32, #tpu.memory_space<vmem>> -> memref<50xi32, #tpu.memory_space<vmem>>
    %dma_start3A_122 = arith.constant 0 : i32
    %dma_start3A_123 = arith.constant 0 : i32
    %dma_start3A_124 = tpu.memref_slice %arg3[%dma_start3A_122, %dma_start3A_123] : memref<1000000x256xf32, #tpu.memory_space<hbm>> -> memref<1000000x128xf32, #tpu.memory_space<hbm>>
    %dma_start3A_125 = arith.constant 0 : i32
    %dma_start3A_126 = arith.constant 0 : i32
    %dma_start3A_127 = tpu.memref_slice %dma_start3A_124[%dma_start3A_125, %dma_start3A_126] : memref<1000000x128xf32, #tpu.memory_space<hbm>> -> memref<1000000x128xf32, #tpu.memory_space<hbm>>
    tpu.enqueue_indirect_dma source(%dma_start3A_127 : memref<1000000x128xf32, #tpu.memory_space<hbm>>) target(%dma_start3A_118 : memref<50x128xf32, #tpu.memory_space<vmem>>) offsets(%dma_start3A_121 : memref<50xi32, #tpu.memory_space<vmem>>) semaphore(%arg10 : memref<!tpu.dma_semaphore, #tpu.memory_space<semaphore_mem>>)
    %dma_start3A_128 = arith.constant 1 : i32
    %dma_start3A_129 = arith.constant 1 : i32
    %dma_start3A_130 = arith.constant 1 : i32
    %dma_start3A_131 = arith.constant 0 : i32
    %dma_start3A_132 = arith.constant 0 : i32
    %dma_start3A_133 = tpu.memref_slice %arg7[%dma_start3A_129, %dma_start3A_130, %dma_start3A_131, %dma_start3A_132] : memref<2x2x50x128xf32, #tpu.memory_space<vmem>> -> memref<1x1x50x128xf32, #tpu.memory_space<vmem>>
    %dma_start3A_134 = tpu.memref_squeeze %dma_start3A_133 : memref<1x1x50x128xf32, #tpu.memory_space<vmem>> -> memref<50x128xf32, #tpu.memory_space<vmem>>
    %dma_start3A_135 = arith.constant 0 : i32
    %dma_start3A_136 = tpu.memref_slice %arg6[%dma_start3A_128, %dma_start3A_135] : memref<512x50xi32, #tpu.memory_space<vmem>> -> memref<1x50xi32, #tpu.memory_space<vmem>>
    %dma_start3A_137 = tpu.memref_squeeze %dma_start3A_136 : memref<1x50xi32, #tpu.memory_space<vmem>> -> memref<50xi32, #tpu.memory_space<vmem>>
    %dma_start3A_138 = arith.constant 0 : i32
    %dma_start3A_139 = arith.constant 128 : i32
    %dma_start3A_140 = tpu.memref_slice %arg3[%dma_start3A_138, %dma_start3A_139] : memref<1000000x256xf32, #tpu.memory_space<hbm>> -> memref<1000000x128xf32, #tpu.memory_space<hbm>>
    %dma_start3A_141 = arith.constant 0 : i32
    %dma_start3A_142 = arith.constant 0 : i32
    %dma_start3A_143 = tpu.memref_slice %dma_start3A_140[%dma_start3A_141, %dma_start3A_142] : memref<1000000x128xf32, #tpu.memory_space<hbm>> -> memref<1000000x128xf32, #tpu.memory_space<hbm>>
    tpu.enqueue_indirect_dma source(%dma_start3A_143 : memref<1000000x128xf32, #tpu.memory_space<hbm>>) target(%dma_start3A_134 : memref<50x128xf32, #tpu.memory_space<vmem>>) offsets(%dma_start3A_137 : memref<50xi32, #tpu.memory_space<vmem>>) semaphore(%arg10 : memref<!tpu.dma_semaphore, #tpu.memory_space<semaphore_mem>>)
    %scan3A_144 = arith.constant 0 : i32
    %scan3A_145 = arith.constant 0 : i32
    %scan3A_146 = arith.constant 64 : i32
    %scan3A_147 = arith.addi %scan3A_145, %scan3A_146 : i32
    %scan3A_148 = arith.constant 1 : i32
    %scan3A_149 = scf.for %scan3A_151 = %scan3A_145 to %scan3A_147 step %scan3A_148 iter_args(%scan3A_152 = %scan3A_144) -> (i32)  : i32 {
      %mul3A_153 = arith.constant 2 : i32
      %mul3A_154 = arith.muli %mul3A_153, %scan3A_151 : i32
      %add3A_155 = arith.constant 0 : i32
      %add3A_156 = arith.addi %mul3A_154, %add3A_155 : i32
      %dma_wait3A = arith.constant 0 : i32
      %dma_wait3A_157 = arith.constant 0 : i32
      %dma_wait3A_158 = arith.constant 0 : i32
      %dma_wait3A_159 = arith.constant 0 : i32
      %dma_wait3A_160 = tpu.memref_slice %arg7[%dma_wait3A, %dma_wait3A_157, %dma_wait3A_158, %dma_wait3A_159] : memref<2x2x50x128xf32, #tpu.memory_space<vmem>> -> memref<1x1x50x128xf32, #tpu.memory_space<vmem>>
      %dma_wait3A_161 = tpu.memref_squeeze %dma_wait3A_160 : memref<1x1x50x128xf32, #tpu.memory_space<vmem>> -> memref<50x128xf32, #tpu.memory_space<vmem>>
      %dma_wait3A_162 = arith.constant 0 : i32
      %dma_wait3A_163 = tpu.memref_slice %arg6[%add3A_156, %dma_wait3A_162] : memref<512x50xi32, #tpu.memory_space<vmem>> -> memref<1x50xi32, #tpu.memory_space<vmem>>
      %dma_wait3A_164 = tpu.memref_squeeze %dma_wait3A_163 : memref<1x50xi32, #tpu.memory_space<vmem>> -> memref<50xi32, #tpu.memory_space<vmem>>
      %dma_wait3A_165 = arith.constant 0 : i32
      %dma_wait3A_166 = arith.constant 0 : i32
      %dma_wait3A_167 = tpu.memref_slice %arg3[%dma_wait3A_165, %dma_wait3A_166] : memref<1000000x256xf32, #tpu.memory_space<hbm>> -> memref<1000000x128xf32, #tpu.memory_space<hbm>>
      %dma_wait3A_168 = arith.constant 0 : i32
      %dma_wait3A_169 = arith.constant 0 : i32
      %dma_wait3A_170 = tpu.memref_slice %dma_wait3A_167[%dma_wait3A_168, %dma_wait3A_169] : memref<1000000x128xf32, #tpu.memory_space<hbm>> -> memref<1000000x128xf32, #tpu.memory_space<hbm>>
      tpu.wait_indirect_dma semaphore(%arg9 : memref<!tpu.dma_semaphore, #tpu.memory_space<semaphore_mem>>) src(%dma_wait3A_170 : memref<1000000x128xf32, #tpu.memory_space<hbm>>) dst(%dma_wait3A_161 : memref<50x128xf32, #tpu.memory_space<vmem>>)
      %dma_wait3A_171 = arith.constant 0 : i32
      %dma_wait3A_172 = arith.constant 1 : i32
      %dma_wait3A_173 = arith.constant 0 : i32
      %dma_wait3A_174 = arith.constant 0 : i32
      %dma_wait3A_175 = tpu.memref_slice %arg7[%dma_wait3A_171, %dma_wait3A_172, %dma_wait3A_173, %dma_wait3A_174] : memref<2x2x50x128xf32, #tpu.memory_space<vmem>> -> memref<1x1x50x128xf32, #tpu.memory_space<vmem>>
      %dma_wait3A_176 = tpu.memref_squeeze %dma_wait3A_175 : memref<1x1x50x128xf32, #tpu.memory_space<vmem>> -> memref<50x128xf32, #tpu.memory_space<vmem>>
      %dma_wait3A_177 = arith.constant 0 : i32
      %dma_wait3A_178 = tpu.memref_slice %arg6[%add3A_156, %dma_wait3A_177] : memref<512x50xi32, #tpu.memory_space<vmem>> -> memref<1x50xi32, #tpu.memory_space<vmem>>
      %dma_wait3A_179 = tpu.memref_squeeze %dma_wait3A_178 : memref<1x50xi32, #tpu.memory_space<vmem>> -> memref<50xi32, #tpu.memory_space<vmem>>
      %dma_wait3A_180 = arith.constant 0 : i32
      %dma_wait3A_181 = arith.constant 128 : i32
      %dma_wait3A_182 = tpu.memref_slice %arg3[%dma_wait3A_180, %dma_wait3A_181] : memref<1000000x256xf32, #tpu.memory_space<hbm>> -> memref<1000000x128xf32, #tpu.memory_space<hbm>>
      %dma_wait3A_183 = arith.constant 0 : i32
      %dma_wait3A_184 = arith.constant 0 : i32
      %dma_wait3A_185 = tpu.memref_slice %dma_wait3A_182[%dma_wait3A_183, %dma_wait3A_184] : memref<1000000x128xf32, #tpu.memory_space<hbm>> -> memref<1000000x128xf32, #tpu.memory_space<hbm>>
      tpu.wait_indirect_dma semaphore(%arg9 : memref<!tpu.dma_semaphore, #tpu.memory_space<semaphore_mem>>) src(%dma_wait3A_185 : memref<1000000x128xf32, #tpu.memory_space<hbm>>) dst(%dma_wait3A_176 : memref<50x128xf32, #tpu.memory_space<vmem>>)
      %broadcast_in_dim3A = arith.constant 0.000000e+00 : f32
      %broadcast_in_dim3A_186 = vector.broadcast %broadcast_in_dim3A : f32 to vector<16xf32>
      %broadcast_in_dim3A_187 = arith.constant 0.000000e+00 : f32
      %broadcast_in_dim3A_188 = vector.broadcast %broadcast_in_dim3A_187 : f32 to vector<16xf32>
      %broadcast_in_dim3A_189 = arith.constant 0.000000e+00 : f32
      %broadcast_in_dim3A_190 = vector.broadcast %broadcast_in_dim3A_189 : f32 to vector<16xf32>
      %broadcast_in_dim3A_191 = arith.constant 0.000000e+00 : f32
      %broadcast_in_dim3A_192 = vector.broadcast %broadcast_in_dim3A_191 : f32 to vector<16xf32>
      %broadcast_in_dim3A_193 = arith.constant 0.000000e+00 : f32
      %broadcast_in_dim3A_194 = vector.broadcast %broadcast_in_dim3A_193 : f32 to vector<16xf32>
      %broadcast_in_dim3A_195 = arith.constant 0.000000e+00 : f32
      %broadcast_in_dim3A_196 = vector.broadcast %broadcast_in_dim3A_195 : f32 to vector<16xf32>
      %broadcast_in_dim3A_197 = arith.constant 0.000000e+00 : f32
      %broadcast_in_dim3A_198 = vector.broadcast %broadcast_in_dim3A_197 : f32 to vector<16xf32>
      %broadcast_in_dim3A_199 = arith.constant 0.000000e+00 : f32
      %broadcast_in_dim3A_200 = vector.broadcast %broadcast_in_dim3A_199 : f32 to vector<16xf32>
      %broadcast_in_dim3A_201 = arith.constant 0.000000e+00 : f32
      %broadcast_in_dim3A_202 = vector.broadcast %broadcast_in_dim3A_201 : f32 to vector<16xf32>
      %broadcast_in_dim3A_203 = arith.constant 0.000000e+00 : f32
      %broadcast_in_dim3A_204 = vector.broadcast %broadcast_in_dim3A_203 : f32 to vector<16xf32>
      %broadcast_in_dim3A_205 = arith.constant 0.000000e+00 : f32
      %broadcast_in_dim3A_206 = vector.broadcast %broadcast_in_dim3A_205 : f32 to vector<16xf32>
      %broadcast_in_dim3A_207 = arith.constant 0.000000e+00 : f32
      %broadcast_in_dim3A_208 = vector.broadcast %broadcast_in_dim3A_207 : f32 to vector<16xf32>
      %broadcast_in_dim3A_209 = arith.constant 0.000000e+00 : f32
      %broadcast_in_dim3A_210 = vector.broadcast %broadcast_in_dim3A_209 : f32 to vector<16xf32>
      %broadcast_in_dim3A_211 = arith.constant 0.000000e+00 : f32
      %broadcast_in_dim3A_212 = vector.broadcast %broadcast_in_dim3A_211 : f32 to vector<16xf32>
      %broadcast_in_dim3A_213 = arith.constant 0.000000e+00 : f32
      %broadcast_in_dim3A_214 = vector.broadcast %broadcast_in_dim3A_213 : f32 to vector<16xf32>
      %broadcast_in_dim3A_215 = arith.constant 0.000000e+00 : f32
      %broadcast_in_dim3A_216 = vector.broadcast %broadcast_in_dim3A_215 : f32 to vector<16xf32>
      %scan3A_217 = arith.constant 0 : i32
      %scan3A_218 = arith.constant 50 : i32
      %scan3A_219 = arith.addi %scan3A_217, %scan3A_218 : i32
      %scan3A_220 = arith.constant 2 : i32
      %scan3A_221:16 = scf.for %scan3A_480 = %scan3A_217 to %scan3A_219 step %scan3A_220 iter_args(%scan3A_481 = %broadcast_in_dim3A_186, %scan3A_482 = %broadcast_in_dim3A_188, %scan3A_483 = %broadcast_in_dim3A_190, %scan3A_484 = %broadcast_in_dim3A_192, %scan3A_485 = %broadcast_in_dim3A_194, %scan3A_486 = %broadcast_in_dim3A_196, %scan3A_487 = %broadcast_in_dim3A_198, %scan3A_488 = %broadcast_in_dim3A_200, %scan3A_489 = %broadcast_in_dim3A_202, %scan3A_490 = %broadcast_in_dim3A_204, %scan3A_491 = %broadcast_in_dim3A_206, %scan3A_492 = %broadcast_in_dim3A_208, %scan3A_493 = %broadcast_in_dim3A_210, %scan3A_494 = %broadcast_in_dim3A_212, %scan3A_495 = %broadcast_in_dim3A_214, %scan3A_496 = %broadcast_in_dim3A_216) -> (vector<16xf32>, vector<16xf32>, vector<16xf32>, vector<16xf32>, vector<16xf32>, vector<16xf32>, vector<16xf32>, vector<16xf32>, vector<16xf32>, vector<16xf32>, vector<16xf32>, vector<16xf32>, vector<16xf32>, vector<16xf32>, vector<16xf32>, vector<16xf32>)  : i32 {
        %get3A = arith.constant 0 : i32
        %get3A_497 = arith.constant 0 : i32
        %get3A_498 = arith.index_cast %get3A : i32 to index
        %get3A_499 = arith.index_cast %get3A_497 : i32 to index
        %get3A_500 = arith.index_cast %scan3A_480 : i32 to index
        %get3A_501 = arith.constant 0 : index
        %get3A_502 = tpu.vector_load %arg7[%get3A_498, %get3A_499, %get3A_500, %get3A_501] {strides = array<i32>} : memref<2x2x50x128xf32, #tpu.memory_space<vmem>>, vector<1x1x1x16xf32>,
        %get3A_503 = vector.shape_cast %get3A_502 : vector<1x1x1x16xf32> to vector<16xf32>
        %add3A_504 = arith.addf %scan3A_481, %get3A_503 : vector<16xf32>
        %get3A_505 = arith.constant 0 : i32
        %get3A_506 = arith.constant 0 : i32
        %get3A_507 = arith.index_cast %get3A_505 : i32 to index
        %get3A_508 = arith.index_cast %get3A_506 : i32 to index
        %get3A_509 = arith.index_cast %scan3A_480 : i32 to index
        %get3A_510 = arith.constant 16 : index
        %get3A_511 = tpu.vector_load %arg7[%get3A_507, %get3A_508, %get3A_509, %get3A_510] {strides = array<i32>} : memref<2x2x50x128xf32, #tpu.memory_space<vmem>>, vector<1x1x1x16xf32>,
        %get3A_512 = vector.shape_cast %get3A_511 : vector<1x1x1x16xf32> to vector<16xf32>
        %add3A_513 = arith.addf %scan3A_482, %get3A_512 : vector<16xf32>
        %get3A_514 = arith.constant 0 : i32
        %get3A_515 = arith.constant 0 : i32
        %get3A_516 = arith.index_cast %get3A_514 : i32 to index
        %get3A_517 = arith.index_cast %get3A_515 : i32 to index
        %get3A_518 = arith.index_cast %scan3A_480 : i32 to index
        %get3A_519 = arith.constant 32 : index
        %get3A_520 = tpu.vector_load %arg7[%get3A_516, %get3A_517, %get3A_518, %get3A_519] {strides = array<i32>} : memref<2x2x50x128xf32, #tpu.memory_space<vmem>>, vector<1x1x1x16xf32>,
        %get3A_521 = vector.shape_cast %get3A_520 : vector<1x1x1x16xf32> to vector<16xf32>
        %add3A_522 = arith.addf %scan3A_483, %get3A_521 : vector<16xf32>
        %get3A_523 = arith.constant 0 : i32
        %get3A_524 = arith.constant 0 : i32
        %get3A_525 = arith.index_cast %get3A_523 : i32 to index
        %get3A_526 = arith.index_cast %get3A_524 : i32 to index
        %get3A_527 = arith.index_cast %scan3A_480 : i32 to index
        %get3A_528 = arith.constant 48 : index
        %get3A_529 = tpu.vector_load %arg7[%get3A_525, %get3A_526, %get3A_527, %get3A_528] {strides = array<i32>} : memref<2x2x50x128xf32, #tpu.memory_space<vmem>>, vector<1x1x1x16xf32>,
        %get3A_530 = vector.shape_cast %get3A_529 : vector<1x1x1x16xf32> to vector<16xf32>
        %add3A_531 = arith.addf %scan3A_484, %get3A_530 : vector<16xf32>
        %get3A_532 = arith.constant 0 : i32
        %get3A_533 = arith.constant 0 : i32
        %get3A_534 = arith.index_cast %get3A_532 : i32 to index
        %get3A_535 = arith.index_cast %get3A_533 : i32 to index
        %get3A_536 = arith.index_cast %scan3A_480 : i32 to index
        %get3A_537 = arith.constant 64 : index
        %get3A_538 = tpu.vector_load %arg7[%get3A_534, %get3A_535, %get3A_536, %get3A_537] {strides = array<i32>} : memref<2x2x50x128xf32, #tpu.memory_space<vmem>>, vector<1x1x1x16xf32>,
        %get3A_539 = vector.shape_cast %get3A_538 : vector<1x1x1x16xf32> to vector<16xf32>
        %add3A_540 = arith.addf %scan3A_485, %get3A_539 : vector<16xf32>
        %get3A_541 = arith.constant 0 : i32
        %get3A_542 = arith.constant 0 : i32
        %get3A_543 = arith.index_cast %get3A_541 : i32 to index
        %get3A_544 = arith.index_cast %get3A_542 : i32 to index
        %get3A_545 = arith.index_cast %scan3A_480 : i32 to index
        %get3A_546 = arith.constant 80 : index
        %get3A_547 = tpu.vector_load %arg7[%get3A_543, %get3A_544, %get3A_545, %get3A_546] {strides = array<i32>} : memref<2x2x50x128xf32, #tpu.memory_space<vmem>>, vector<1x1x1x16xf32>,
        %get3A_548 = vector.shape_cast %get3A_547 : vector<1x1x1x16xf32> to vector<16xf32>
        %add3A_549 = arith.addf %scan3A_486, %get3A_548 : vector<16xf32>
        %get3A_550 = arith.constant 0 : i32
        %get3A_551 = arith.constant 0 : i32
        %get3A_552 = arith.index_cast %get3A_550 : i32 to index
        %get3A_553 = arith.index_cast %get3A_551 : i32 to index
        %get3A_554 = arith.index_cast %scan3A_480 : i32 to index
        %get3A_555 = arith.constant 96 : index
        %get3A_556 = tpu.vector_load %arg7[%get3A_552, %get3A_553, %get3A_554, %get3A_555] {strides = array<i32>} : memref<2x2x50x128xf32, #tpu.memory_space<vmem>>, vector<1x1x1x16xf32>,
        %get3A_557 = vector.shape_cast %get3A_556 : vector<1x1x1x16xf32> to vector<16xf32>
        %add3A_558 = arith.addf %scan3A_487, %get3A_557 : vector<16xf32>
        %get3A_559 = arith.constant 0 : i32
        %get3A_560 = arith.constant 0 : i32
        %get3A_561 = arith.index_cast %get3A_559 : i32 to index
        %get3A_562 = arith.index_cast %get3A_560 : i32 to index
        %get3A_563 = arith.index_cast %scan3A_480 : i32 to index
        %get3A_564 = arith.constant 112 : index
        %get3A_565 = tpu.vector_load %arg7[%get3A_561, %get3A_562, %get3A_563, %get3A_564] {strides = array<i32>} : memref<2x2x50x128xf32, #tpu.memory_space<vmem>>, vector<1x1x1x16xf32>,
        %get3A_566 = vector.shape_cast %get3A_565 : vector<1x1x1x16xf32> to vector<16xf32>
        %add3A_567 = arith.addf %scan3A_488, %get3A_566 : vector<16xf32>
        %get3A_568 = arith.constant 0 : i32
        %get3A_569 = arith.constant 1 : i32
        %get3A_570 = arith.index_cast %get3A_568 : i32 to index
        %get3A_571 = arith.index_cast %get3A_569 : i32 to index
        %get3A_572 = arith.index_cast %scan3A_480 : i32 to index
        %get3A_573 = arith.constant 0 : index
        %get3A_574 = tpu.vector_load %arg7[%get3A_570, %get3A_571, %get3A_572, %get3A_573] {strides = array<i32>} : memref<2x2x50x128xf32, #tpu.memory_space<vmem>>, vector<1x1x1x16xf32>,
        %get3A_575 = vector.shape_cast %get3A_574 : vector<1x1x1x16xf32> to vector<16xf32>
        %add3A_576 = arith.addf %scan3A_489, %get3A_575 : vector<16xf32>
        %get3A_577 = arith.constant 0 : i32
        %get3A_578 = arith.constant 1 : i32
        %get3A_579 = arith.index_cast %get3A_577 : i32 to index
        %get3A_580 = arith.index_cast %get3A_578 : i32 to index
        %get3A_581 = arith.index_cast %scan3A_480 : i32 to index
        %get3A_582 = arith.constant 16 : index
        %get3A_583 = tpu.vector_load %arg7[%get3A_579, %get3A_580, %get3A_581, %get3A_582] {strides = array<i32>} : memref<2x2x50x128xf32, #tpu.memory_space<vmem>>, vector<1x1x1x16xf32>,
        %get3A_584 = vector.shape_cast %get3A_583 : vector<1x1x1x16xf32> to vector<16xf32>
        %add3A_585 = arith.addf %scan3A_490, %get3A_584 : vector<16xf32>
        %get3A_586 = arith.constant 0 : i32
        %get3A_587 = arith.constant 1 : i32
        %get3A_588 = arith.index_cast %get3A_586 : i32 to index
        %get3A_589 = arith.index_cast %get3A_587 : i32 to index
        %get3A_590 = arith.index_cast %scan3A_480 : i32 to index
        %get3A_591 = arith.constant 32 : index
        %get3A_592 = tpu.vector_load %arg7[%get3A_588, %get3A_589, %get3A_590, %get3A_591] {strides = array<i32>} : memref<2x2x50x128xf32, #tpu.memory_space<vmem>>, vector<1x1x1x16xf32>,
        %get3A_593 = vector.shape_cast %get3A_592 : vector<1x1x1x16xf32> to vector<16xf32>
        %add3A_594 = arith.addf %scan3A_491, %get3A_593 : vector<16xf32>
        %get3A_595 = arith.constant 0 : i32
        %get3A_596 = arith.constant 1 : i32
        %get3A_597 = arith.index_cast %get3A_595 : i32 to index
        %get3A_598 = arith.index_cast %get3A_596 : i32 to index
        %get3A_599 = arith.index_cast %scan3A_480 : i32 to index
        %get3A_600 = arith.constant 48 : index
        %get3A_601 = tpu.vector_load %arg7[%get3A_597, %get3A_598, %get3A_599, %get3A_600] {strides = array<i32>} : memref<2x2x50x128xf32, #tpu.memory_space<vmem>>, vector<1x1x1x16xf32>,
        %get3A_602 = vector.shape_cast %get3A_601 : vector<1x1x1x16xf32> to vector<16xf32>
        %add3A_603 = arith.addf %scan3A_492, %get3A_602 : vector<16xf32>
        %get3A_604 = arith.constant 0 : i32
        %get3A_605 = arith.constant 1 : i32
        %get3A_606 = arith.index_cast %get3A_604 : i32 to index
        %get3A_607 = arith.index_cast %get3A_605 : i32 to index
        %get3A_608 = arith.index_cast %scan3A_480 : i32 to index
        %get3A_609 = arith.constant 64 : index
        %get3A_610 = tpu.vector_load %arg7[%get3A_606, %get3A_607, %get3A_608, %get3A_609] {strides = array<i32>} : memref<2x2x50x128xf32, #tpu.memory_space<vmem>>, vector<1x1x1x16xf32>,
        %get3A_611 = vector.shape_cast %get3A_610 : vector<1x1x1x16xf32> to vector<16xf32>
        %add3A_612 = arith.addf %scan3A_493, %get3A_611 : vector<16xf32>
        %get3A_613 = arith.constant 0 : i32
        %get3A_614 = arith.constant 1 : i32
        %get3A_615 = arith.index_cast %get3A_613 : i32 to index
        %get3A_616 = arith.index_cast %get3A_614 : i32 to index
        %get3A_617 = arith.index_cast %scan3A_480 : i32 to index
        %get3A_618 = arith.constant 80 : index
        %get3A_619 = tpu.vector_load %arg7[%get3A_615, %get3A_616, %get3A_617, %get3A_618] {strides = array<i32>} : memref<2x2x50x128xf32, #tpu.memory_space<vmem>>, vector<1x1x1x16xf32>,
        %get3A_620 = vector.shape_cast %get3A_619 : vector<1x1x1x16xf32> to vector<16xf32>
        %add3A_621 = arith.addf %scan3A_494, %get3A_620 : vector<16xf32>
        %get3A_622 = arith.constant 0 : i32
        %get3A_623 = arith.constant 1 : i32
        %get3A_624 = arith.index_cast %get3A_622 : i32 to index
        %get3A_625 = arith.index_cast %get3A_623 : i32 to index
        %get3A_626 = arith.index_cast %scan3A_480 : i32 to index
        %get3A_627 = arith.constant 96 : index
        %get3A_628 = tpu.vector_load %arg7[%get3A_624, %get3A_625, %get3A_626, %get3A_627] {strides = array<i32>} : memref<2x2x50x128xf32, #tpu.memory_space<vmem>>, vector<1x1x1x16xf32>,
        %get3A_629 = vector.shape_cast %get3A_628 : vector<1x1x1x16xf32> to vector<16xf32>
        %add3A_630 = arith.addf %scan3A_495, %get3A_629 : vector<16xf32>
        %get3A_631 = arith.constant 0 : i32
        %get3A_632 = arith.constant 1 : i32
        %get3A_633 = arith.index_cast %get3A_631 : i32 to index
        %get3A_634 = arith.index_cast %get3A_632 : i32 to index
        %get3A_635 = arith.index_cast %scan3A_480 : i32 to index
        %get3A_636 = arith.constant 112 : index
        %get3A_637 = tpu.vector_load %arg7[%get3A_633, %get3A_634, %get3A_635, %get3A_636] {strides = array<i32>} : memref<2x2x50x128xf32, #tpu.memory_space<vmem>>, vector<1x1x1x16xf32>,
        %get3A_638 = vector.shape_cast %get3A_637 : vector<1x1x1x16xf32> to vector<16xf32>
        %add3A_639 = arith.addf %scan3A_496, %get3A_638 : vector<16xf32>
        %scan3A_640 = arith.constant 1 : i32
        %scan3A_641 = arith.addi %scan3A_480, %scan3A_640 : i32
        %get3A_642 = arith.constant 0 : i32
        %get3A_643 = arith.constant 0 : i32
        %get3A_644 = arith.index_cast %get3A_642 : i32 to index
        %get3A_645 = arith.index_cast %get3A_643 : i32 to index
        %get3A_646 = arith.index_cast %scan3A_641 : i32 to index
        %get3A_647 = arith.constant 0 : index
        %get3A_648 = tpu.vector_load %arg7[%get3A_644, %get3A_645, %get3A_646, %get3A_647] {strides = array<i32>} : memref<2x2x50x128xf32, #tpu.memory_space<vmem>>, vector<1x1x1x16xf32>,
        %get3A_649 = vector.shape_cast %get3A_648 : vector<1x1x1x16xf32> to vector<16xf32>
        %add3A_650 = arith.addf %add3A_504, %get3A_649 : vector<16xf32>
        %get3A_651 = arith.constant 0 : i32
        %get3A_652 = arith.constant 0 : i32
        %get3A_653 = arith.index_cast %get3A_651 : i32 to index
        %get3A_654 = arith.index_cast %get3A_652 : i32 to index
        %get3A_655 = arith.index_cast %scan3A_641 : i32 to index
        %get3A_656 = arith.constant 16 : index
        %get3A_657 = tpu.vector_load %arg7[%get3A_653, %get3A_654, %get3A_655, %get3A_656] {strides = array<i32>} : memref<2x2x50x128xf32, #tpu.memory_space<vmem>>, vector<1x1x1x16xf32>,
        %get3A_658 = vector.shape_cast %get3A_657 : vector<1x1x1x16xf32> to vector<16xf32>
        %add3A_659 = arith.addf %add3A_513, %get3A_658 : vector<16xf32>
        %get3A_660 = arith.constant 0 : i32
        %get3A_661 = arith.constant 0 : i32
        %get3A_662 = arith.index_cast %get3A_660 : i32 to index
        %get3A_663 = arith.index_cast %get3A_661 : i32 to index
        %get3A_664 = arith.index_cast %scan3A_641 : i32 to index
        %get3A_665 = arith.constant 32 : index
        %get3A_666 = tpu.vector_load %arg7[%get3A_662, %get3A_663, %get3A_664, %get3A_665] {strides = array<i32>} : memref<2x2x50x128xf32, #tpu.memory_space<vmem>>, vector<1x1x1x16xf32>,
        %get3A_667 = vector.shape_cast %get3A_666 : vector<1x1x1x16xf32> to vector<16xf32>
        %add3A_668 = arith.addf %add3A_522, %get3A_667 : vector<16xf32>
        %get3A_669 = arith.constant 0 : i32
        %get3A_670 = arith.constant 0 : i32
        %get3A_671 = arith.index_cast %get3A_669 : i32 to index
        %get3A_672 = arith.index_cast %get3A_670 : i32 to index
        %get3A_673 = arith.index_cast %scan3A_641 : i32 to index
        %get3A_674 = arith.constant 48 : index
        %get3A_675 = tpu.vector_load %arg7[%get3A_671, %get3A_672, %get3A_673, %get3A_674] {strides = array<i32>} : memref<2x2x50x128xf32, #tpu.memory_space<vmem>>, vector<1x1x1x16xf32>,
        %get3A_676 = vector.shape_cast %get3A_675 : vector<1x1x1x16xf32> to vector<16xf32>
        %add3A_677 = arith.addf %add3A_531, %get3A_676 : vector<16xf32>
        %get3A_678 = arith.constant 0 : i32
        %get3A_679 = arith.constant 0 : i32
        %get3A_680 = arith.index_cast %get3A_678 : i32 to index
        %get3A_681 = arith.index_cast %get3A_679 : i32 to index
        %get3A_682 = arith.index_cast %scan3A_641 : i32 to index
        %get3A_683 = arith.constant 64 : index
        %get3A_684 = tpu.vector_load %arg7[%get3A_680, %get3A_681, %get3A_682, %get3A_683] {strides = array<i32>} : memref<2x2x50x128xf32, #tpu.memory_space<vmem>>, vector<1x1x1x16xf32>,
        %get3A_685 = vector.shape_cast %get3A_684 : vector<1x1x1x16xf32> to vector<16xf32>
        %add3A_686 = arith.addf %add3A_540, %get3A_685 : vector<16xf32>
        %get3A_687 = arith.constant 0 : i32
        %get3A_688 = arith.constant 0 : i32
        %get3A_689 = arith.index_cast %get3A_687 : i32 to index
        %get3A_690 = arith.index_cast %get3A_688 : i32 to index
        %get3A_691 = arith.index_cast %scan3A_641 : i32 to index
        %get3A_692 = arith.constant 80 : index
        %get3A_693 = tpu.vector_load %arg7[%get3A_689, %get3A_690, %get3A_691, %get3A_692] {strides = array<i32>} : memref<2x2x50x128xf32, #tpu.memory_space<vmem>>, vector<1x1x1x16xf32>,
        %get3A_694 = vector.shape_cast %get3A_693 : vector<1x1x1x16xf32> to vector<16xf32>
        %add3A_695 = arith.addf %add3A_549, %get3A_694 : vector<16xf32>
        %get3A_696 = arith.constant 0 : i32
        %get3A_697 = arith.constant 0 : i32
        %get3A_698 = arith.index_cast %get3A_696 : i32 to index
        %get3A_699 = arith.index_cast %get3A_697 : i32 to index
        %get3A_700 = arith.index_cast %scan3A_641 : i32 to index
        %get3A_701 = arith.constant 96 : index
        %get3A_702 = tpu.vector_load %arg7[%get3A_698, %get3A_699, %get3A_700, %get3A_701] {strides = array<i32>} : memref<2x2x50x128xf32, #tpu.memory_space<vmem>>, vector<1x1x1x16xf32>,
        %get3A_703 = vector.shape_cast %get3A_702 : vector<1x1x1x16xf32> to vector<16xf32>
        %add3A_704 = arith.addf %add3A_558, %get3A_703 : vector<16xf32>
        %get3A_705 = arith.constant 0 : i32
        %get3A_706 = arith.constant 0 : i32
        %get3A_707 = arith.index_cast %get3A_705 : i32 to index
        %get3A_708 = arith.index_cast %get3A_706 : i32 to index
        %get3A_709 = arith.index_cast %scan3A_641 : i32 to index
        %get3A_710 = arith.constant 112 : index
        %get3A_711 = tpu.vector_load %arg7[%get3A_707, %get3A_708, %get3A_709, %get3A_710] {strides = array<i32>} : memref<2x2x50x128xf32, #tpu.memory_space<vmem>>, vector<1x1x1x16xf32>,
        %get3A_712 = vector.shape_cast %get3A_711 : vector<1x1x1x16xf32> to vector<16xf32>
        %add3A_713 = arith.addf %add3A_567, %get3A_712 : vector<16xf32>
        %get3A_714 = arith.constant 0 : i32
        %get3A_715 = arith.constant 1 : i32
        %get3A_716 = arith.index_cast %get3A_714 : i32 to index
        %get3A_717 = arith.index_cast %get3A_715 : i32 to index
        %get3A_718 = arith.index_cast %scan3A_641 : i32 to index
        %get3A_719 = arith.constant 0 : index
        %get3A_720 = tpu.vector_load %arg7[%get3A_716, %get3A_717, %get3A_718, %get3A_719] {strides = array<i32>} : memref<2x2x50x128xf32, #tpu.memory_space<vmem>>, vector<1x1x1x16xf32>,
        %get3A_721 = vector.shape_cast %get3A_720 : vector<1x1x1x16xf32> to vector<16xf32>
        %add3A_722 = arith.addf %add3A_576, %get3A_721 : vector<16xf32>
        %get3A_723 = arith.constant 0 : i32
        %get3A_724 = arith.constant 1 : i32
        %get3A_725 = arith.index_cast %get3A_723 : i32 to index
        %get3A_726 = arith.index_cast %get3A_724 : i32 to index
        %get3A_727 = arith.index_cast %scan3A_641 : i32 to index
        %get3A_728 = arith.constant 16 : index
        %get3A_729 = tpu.vector_load %arg7[%get3A_725, %get3A_726, %get3A_727, %get3A_728] {strides = array<i32>} : memref<2x2x50x128xf32, #tpu.memory_space<vmem>>, vector<1x1x1x16xf32>,
        %get3A_730 = vector.shape_cast %get3A_729 : vector<1x1x1x16xf32> to vector<16xf32>
        %add3A_731 = arith.addf %add3A_585, %get3A_730 : vector<16xf32>
        %get3A_732 = arith.constant 0 : i32
        %get3A_733 = arith.constant 1 : i32
        %get3A_734 = arith.index_cast %get3A_732 : i32 to index
        %get3A_735 = arith.index_cast %get3A_733 : i32 to index
        %get3A_736 = arith.index_cast %scan3A_641 : i32 to index
        %get3A_737 = arith.constant 32 : index
        %get3A_738 = tpu.vector_load %arg7[%get3A_734, %get3A_735, %get3A_736, %get3A_737] {strides = array<i32>} : memref<2x2x50x128xf32, #tpu.memory_space<vmem>>, vector<1x1x1x16xf32>,
        %get3A_739 = vector.shape_cast %get3A_738 : vector<1x1x1x16xf32> to vector<16xf32>
        %add3A_740 = arith.addf %add3A_594, %get3A_739 : vector<16xf32>
        %get3A_741 = arith.constant 0 : i32
        %get3A_742 = arith.constant 1 : i32
        %get3A_743 = arith.index_cast %get3A_741 : i32 to index
        %get3A_744 = arith.index_cast %get3A_742 : i32 to index
        %get3A_745 = arith.index_cast %scan3A_641 : i32 to index
        %get3A_746 = arith.constant 48 : index
        %get3A_747 = tpu.vector_load %arg7[%get3A_743, %get3A_744, %get3A_745, %get3A_746] {strides = array<i32>} : memref<2x2x50x128xf32, #tpu.memory_space<vmem>>, vector<1x1x1x16xf32>,
        %get3A_748 = vector.shape_cast %get3A_747 : vector<1x1x1x16xf32> to vector<16xf32>
        %add3A_749 = arith.addf %add3A_603, %get3A_748 : vector<16xf32>
        %get3A_750 = arith.constant 0 : i32
        %get3A_751 = arith.constant 1 : i32
        %get3A_752 = arith.index_cast %get3A_750 : i32 to index
        %get3A_753 = arith.index_cast %get3A_751 : i32 to index
        %get3A_754 = arith.index_cast %scan3A_641 : i32 to index
        %get3A_755 = arith.constant 64 : index
        %get3A_756 = tpu.vector_load %arg7[%get3A_752, %get3A_753, %get3A_754, %get3A_755] {strides = array<i32>} : memref<2x2x50x128xf32, #tpu.memory_space<vmem>>, vector<1x1x1x16xf32>,
        %get3A_757 = vector.shape_cast %get3A_756 : vector<1x1x1x16xf32> to vector<16xf32>
        %add3A_758 = arith.addf %add3A_612, %get3A_757 : vector<16xf32>
        %get3A_759 = arith.constant 0 : i32
        %get3A_760 = arith.constant 1 : i32
        %get3A_761 = arith.index_cast %get3A_759 : i32 to index
        %get3A_762 = arith.index_cast %get3A_760 : i32 to index
        %get3A_763 = arith.index_cast %scan3A_641 : i32 to index
        %get3A_764 = arith.constant 80 : index
        %get3A_765 = tpu.vector_load %arg7[%get3A_761, %get3A_762, %get3A_763, %get3A_764] {strides = array<i32>} : memref<2x2x50x128xf32, #tpu.memory_space<vmem>>, vector<1x1x1x16xf32>,
        %get3A_766 = vector.shape_cast %get3A_765 : vector<1x1x1x16xf32> to vector<16xf32>
        %add3A_767 = arith.addf %add3A_621, %get3A_766 : vector<16xf32>
        %get3A_768 = arith.constant 0 : i32
        %get3A_769 = arith.constant 1 : i32
        %get3A_770 = arith.index_cast %get3A_768 : i32 to index
        %get3A_771 = arith.index_cast %get3A_769 : i32 to index
        %get3A_772 = arith.index_cast %scan3A_641 : i32 to index
        %get3A_773 = arith.constant 96 : index
        %get3A_774 = tpu.vector_load %arg7[%get3A_770, %get3A_771, %get3A_772, %get3A_773] {strides = array<i32>} : memref<2x2x50x128xf32, #tpu.memory_space<vmem>>, vector<1x1x1x16xf32>,
        %get3A_775 = vector.shape_cast %get3A_774 : vector<1x1x1x16xf32> to vector<16xf32>
        %add3A_776 = arith.addf %add3A_630, %get3A_775 : vector<16xf32>
        %get3A_777 = arith.constant 0 : i32
        %get3A_778 = arith.constant 1 : i32
        %get3A_779 = arith.index_cast %get3A_777 : i32 to index
        %get3A_780 = arith.index_cast %get3A_778 : i32 to index
        %get3A_781 = arith.index_cast %scan3A_641 : i32 to index
        %get3A_782 = arith.constant 112 : index
        %get3A_783 = tpu.vector_load %arg7[%get3A_779, %get3A_780, %get3A_781, %get3A_782] {strides = array<i32>} : memref<2x2x50x128xf32, #tpu.memory_space<vmem>>, vector<1x1x1x16xf32>,
        %get3A_784 = vector.shape_cast %get3A_783 : vector<1x1x1x16xf32> to vector<16xf32>
        %add3A_785 = arith.addf %add3A_639, %get3A_784 : vector<16xf32>
        scf.yield %add3A_650, %add3A_659, %add3A_668, %add3A_677, %add3A_686, %add3A_695, %add3A_704, %add3A_713, %add3A_722, %add3A_731, %add3A_740, %add3A_749, %add3A_758, %add3A_767, %add3A_776, %add3A_785 : vector<16xf32>, vector<16xf32>, vector<16xf32>, vector<16xf32>, vector<16xf32>, vector<16xf32>, vector<16xf32>, vector<16xf32>, vector<16xf32>, vector<16xf32>, vector<16xf32>, vector<16xf32>, vector<16xf32>, vector<16xf32>, vector<16xf32>, vector<16xf32>
      }
      %scan3A_222 = arith.constant 50 : i32
      %rem3A = arith.constant 64 : i32
      %rem3A_223 = arith.remsi %add3A_156, %rem3A : i32
      %swap3A = arith.index_cast %rem3A_223 : i32 to index
      %swap3A_224 = arith.constant 0 : index
      %swap3A_225 = tpu.vector_load %arg8[%swap3A, %swap3A_224] {strides = array<i32>} : memref<64x256xf32, #tpu.memory_space<vmem>>, vector<1x16xf32>,
      %swap3A_226 = vector.shape_cast %swap3A_225 : vector<1x16xf32> to vector<16xf32>
      %swap3A_227 = vector.shape_cast %scan3A_221#0 : vector<16xf32> to vector<1x16xf32>
      tpu.vector_store %arg8[%swap3A, %swap3A_224], %swap3A_227 {strides = array<i32>} : memref<64x256xf32, #tpu.memory_space<vmem>>, vector<1x16xf32>,
      %swap3A_228 = arith.index_cast %rem3A_223 : i32 to index
      %swap3A_229 = arith.constant 16 : index
      %swap3A_230 = tpu.vector_load %arg8[%swap3A_228, %swap3A_229] {strides = array<i32>} : memref<64x256xf32, #tpu.memory_space<vmem>>, vector<1x16xf32>,
      %swap3A_231 = vector.shape_cast %swap3A_230 : vector<1x16xf32> to vector<16xf32>
      %swap3A_232 = vector.shape_cast %scan3A_221#1 : vector<16xf32> to vector<1x16xf32>
      tpu.vector_store %arg8[%swap3A_228, %swap3A_229], %swap3A_232 {strides = array<i32>} : memref<64x256xf32, #tpu.memory_space<vmem>>, vector<1x16xf32>,
      %swap3A_233 = arith.index_cast %rem3A_223 : i32 to index
      %swap3A_234 = arith.constant 32 : index
      %swap3A_235 = tpu.vector_load %arg8[%swap3A_233, %swap3A_234] {strides = array<i32>} : memref<64x256xf32, #tpu.memory_space<vmem>>, vector<1x16xf32>,
      %swap3A_236 = vector.shape_cast %swap3A_235 : vector<1x16xf32> to vector<16xf32>
      %swap3A_237 = vector.shape_cast %scan3A_221#2 : vector<16xf32> to vector<1x16xf32>
      tpu.vector_store %arg8[%swap3A_233, %swap3A_234], %swap3A_237 {strides = array<i32>} : memref<64x256xf32, #tpu.memory_space<vmem>>, vector<1x16xf32>,
      %swap3A_238 = arith.index_cast %rem3A_223 : i32 to index
      %swap3A_239 = arith.constant 48 : index
      %swap3A_240 = tpu.vector_load %arg8[%swap3A_238, %swap3A_239] {strides = array<i32>} : memref<64x256xf32, #tpu.memory_space<vmem>>, vector<1x16xf32>,
      %swap3A_241 = vector.shape_cast %swap3A_240 : vector<1x16xf32> to vector<16xf32>
      %swap3A_242 = vector.shape_cast %scan3A_221#3 : vector<16xf32> to vector<1x16xf32>
      tpu.vector_store %arg8[%swap3A_238, %swap3A_239], %swap3A_242 {strides = array<i32>} : memref<64x256xf32, #tpu.memory_space<vmem>>, vector<1x16xf32>,
      %swap3A_243 = arith.index_cast %rem3A_223 : i32 to index
      %swap3A_244 = arith.constant 64 : index
      %swap3A_245 = tpu.vector_load %arg8[%swap3A_243, %swap3A_244] {strides = array<i32>} : memref<64x256xf32, #tpu.memory_space<vmem>>, vector<1x16xf32>,
      %swap3A_246 = vector.shape_cast %swap3A_245 : vector<1x16xf32> to vector<16xf32>
      %swap3A_247 = vector.shape_cast %scan3A_221#4 : vector<16xf32> to vector<1x16xf32>
      tpu.vector_store %arg8[%swap3A_243, %swap3A_244], %swap3A_247 {strides = array<i32>} : memref<64x256xf32, #tpu.memory_space<vmem>>, vector<1x16xf32>,
      %swap3A_248 = arith.index_cast %rem3A_223 : i32 to index
      %swap3A_249 = arith.constant 80 : index
      %swap3A_250 = tpu.vector_load %arg8[%swap3A_248, %swap3A_249] {strides = array<i32>} : memref<64x256xf32, #tpu.memory_space<vmem>>, vector<1x16xf32>,
      %swap3A_251 = vector.shape_cast %swap3A_250 : vector<1x16xf32> to vector<16xf32>
      %swap3A_252 = vector.shape_cast %scan3A_221#5 : vector<16xf32> to vector<1x16xf32>
      tpu.vector_store %arg8[%swap3A_248, %swap3A_249], %swap3A_252 {strides = array<i32>} : memref<64x256xf32, #tpu.memory_space<vmem>>, vector<1x16xf32>,
      %swap3A_253 = arith.index_cast %rem3A_223 : i32 to index
      %swap3A_254 = arith.constant 96 : index
      %swap3A_255 = tpu.vector_load %arg8[%swap3A_253, %swap3A_254] {strides = array<i32>} : memref<64x256xf32, #tpu.memory_space<vmem>>, vector<1x16xf32>,
      %swap3A_256 = vector.shape_cast %swap3A_255 : vector<1x16xf32> to vector<16xf32>
      %swap3A_257 = vector.shape_cast %scan3A_221#6 : vector<16xf32> to vector<1x16xf32>
      tpu.vector_store %arg8[%swap3A_253, %swap3A_254], %swap3A_257 {strides = array<i32>} : memref<64x256xf32, #tpu.memory_space<vmem>>, vector<1x16xf32>,
      %swap3A_258 = arith.index_cast %rem3A_223 : i32 to index
      %swap3A_259 = arith.constant 112 : index
      %swap3A_260 = tpu.vector_load %arg8[%swap3A_258, %swap3A_259] {strides = array<i32>} : memref<64x256xf32, #tpu.memory_space<vmem>>, vector<1x16xf32>,
      %swap3A_261 = vector.shape_cast %swap3A_260 : vector<1x16xf32> to vector<16xf32>
      %swap3A_262 = vector.shape_cast %scan3A_221#7 : vector<16xf32> to vector<1x16xf32>
      tpu.vector_store %arg8[%swap3A_258, %swap3A_259], %swap3A_262 {strides = array<i32>} : memref<64x256xf32, #tpu.memory_space<vmem>>, vector<1x16xf32>,
      %swap3A_263 = arith.index_cast %rem3A_223 : i32 to index
      %swap3A_264 = arith.constant 128 : index
      %swap3A_265 = tpu.vector_load %arg8[%swap3A_263, %swap3A_264] {strides = array<i32>} : memref<64x256xf32, #tpu.memory_space<vmem>>, vector<1x16xf32>,
      %swap3A_266 = vector.shape_cast %swap3A_265 : vector<1x16xf32> to vector<16xf32>
      %swap3A_267 = vector.shape_cast %scan3A_221#8 : vector<16xf32> to vector<1x16xf32>
      tpu.vector_store %arg8[%swap3A_263, %swap3A_264], %swap3A_267 {strides = array<i32>} : memref<64x256xf32, #tpu.memory_space<vmem>>, vector<1x16xf32>,
      %swap3A_268 = arith.index_cast %rem3A_223 : i32 to index
      %swap3A_269 = arith.constant 144 : index
      %swap3A_270 = tpu.vector_load %arg8[%swap3A_268, %swap3A_269] {strides = array<i32>} : memref<64x256xf32, #tpu.memory_space<vmem>>, vector<1x16xf32>,
      %swap3A_271 = vector.shape_cast %swap3A_270 : vector<1x16xf32> to vector<16xf32>
      %swap3A_272 = vector.shape_cast %scan3A_221#9 : vector<16xf32> to vector<1x16xf32>
      tpu.vector_store %arg8[%swap3A_268, %swap3A_269], %swap3A_272 {strides = array<i32>} : memref<64x256xf32, #tpu.memory_space<vmem>>, vector<1x16xf32>,
      %swap3A_273 = arith.index_cast %rem3A_223 : i32 to index
      %swap3A_274 = arith.constant 160 : index
      %swap3A_275 = tpu.vector_load %arg8[%swap3A_273, %swap3A_274] {strides = array<i32>} : memref<64x256xf32, #tpu.memory_space<vmem>>, vector<1x16xf32>,
      %swap3A_276 = vector.shape_cast %swap3A_275 : vector<1x16xf32> to vector<16xf32>
      %swap3A_277 = vector.shape_cast %scan3A_221#10 : vector<16xf32> to vector<1x16xf32>
      tpu.vector_store %arg8[%swap3A_273, %swap3A_274], %swap3A_277 {strides = array<i32>} : memref<64x256xf32, #tpu.memory_space<vmem>>, vector<1x16xf32>,
      %swap3A_278 = arith.index_cast %rem3A_223 : i32 to index
      %swap3A_279 = arith.constant 176 : index
      %swap3A_280 = tpu.vector_load %arg8[%swap3A_278, %swap3A_279] {strides = array<i32>} : memref<64x256xf32, #tpu.memory_space<vmem>>, vector<1x16xf32>,
      %swap3A_281 = vector.shape_cast %swap3A_280 : vector<1x16xf32> to vector<16xf32>
      %swap3A_282 = vector.shape_cast %scan3A_221#11 : vector<16xf32> to vector<1x16xf32>
      tpu.vector_store %arg8[%swap3A_278, %swap3A_279], %swap3A_282 {strides = array<i32>} : memref<64x256xf32, #tpu.memory_space<vmem>>, vector<1x16xf32>,
      %swap3A_283 = arith.index_cast %rem3A_223 : i32 to index
      %swap3A_284 = arith.constant 192 : index
      %swap3A_285 = tpu.vector_load %arg8[%swap3A_283, %swap3A_284] {strides = array<i32>} : memref<64x256xf32, #tpu.memory_space<vmem>>, vector<1x16xf32>,
      %swap3A_286 = vector.shape_cast %swap3A_285 : vector<1x16xf32> to vector<16xf32>
      %swap3A_287 = vector.shape_cast %scan3A_221#12 : vector<16xf32> to vector<1x16xf32>
      tpu.vector_store %arg8[%swap3A_283, %swap3A_284], %swap3A_287 {strides = array<i32>} : memref<64x256xf32, #tpu.memory_space<vmem>>, vector<1x16xf32>,
      %swap3A_288 = arith.index_cast %rem3A_223 : i32 to index
      %swap3A_289 = arith.constant 208 : index
      %swap3A_290 = tpu.vector_load %arg8[%swap3A_288, %swap3A_289] {strides = array<i32>} : memref<64x256xf32, #tpu.memory_space<vmem>>, vector<1x16xf32>,
      %swap3A_291 = vector.shape_cast %swap3A_290 : vector<1x16xf32> to vector<16xf32>
      %swap3A_292 = vector.shape_cast %scan3A_221#13 : vector<16xf32> to vector<1x16xf32>
      tpu.vector_store %arg8[%swap3A_288, %swap3A_289], %swap3A_292 {strides = array<i32>} : memref<64x256xf32, #tpu.memory_space<vmem>>, vector<1x16xf32>,
      %swap3A_293 = arith.index_cast %rem3A_223 : i32 to index
      %swap3A_294 = arith.constant 224 : index
      %swap3A_295 = tpu.vector_load %arg8[%swap3A_293, %swap3A_294] {strides = array<i32>} : memref<64x256xf32, #tpu.memory_space<vmem>>, vector<1x16xf32>,
      %swap3A_296 = vector.shape_cast %swap3A_295 : vector<1x16xf32> to vector<16xf32>
      %swap3A_297 = vector.shape_cast %scan3A_221#14 : vector<16xf32> to vector<1x16xf32>
      tpu.vector_store %arg8[%swap3A_293, %swap3A_294], %swap3A_297 {strides = array<i32>} : memref<64x256xf32, #tpu.memory_space<vmem>>, vector<1x16xf32>,
      %swap3A_298 = arith.index_cast %rem3A_223 : i32 to index
      %swap3A_299 = arith.constant 240 : index
      %swap3A_300 = tpu.vector_load %arg8[%swap3A_298, %swap3A_299] {strides = array<i32>} : memref<64x256xf32, #tpu.memory_space<vmem>>, vector<1x16xf32>,
      %swap3A_301 = vector.shape_cast %swap3A_300 : vector<1x16xf32> to vector<16xf32>
      %swap3A_302 = vector.shape_cast %scan3A_221#15 : vector<16xf32> to vector<1x16xf32>
      tpu.vector_store %arg8[%swap3A_298, %swap3A_299], %swap3A_302 {strides = array<i32>} : memref<64x256xf32, #tpu.memory_space<vmem>>, vector<1x16xf32>,
      %add3A_303 = arith.constant 2 : i32
      %add3A_304 = arith.addi %add3A_156, %add3A_303 : i32
      %lt3A = arith.constant 128 : i32
      %lt3A_305 = arith.cmpi slt, %add3A_304, %lt3A : i32
      %convert_element_type3A = arith.extui %lt3A_305 : i1 to i32
      %cond3A = arith.constant 0 : i32
      %cond3A_306 = arith.cmpi ne, %convert_element_type3A, %cond3A : i32
      scf.if %cond3A_306 {
        %add3A_480 = arith.constant 2 : i32
        %add3A_481 = arith.addi %add3A_156, %add3A_480 : i32
        %dma_start3A_482 = arith.constant 0 : i32
        %dma_start3A_483 = arith.constant 0 : i32
        %dma_start3A_484 = arith.constant 0 : i32
        %dma_start3A_485 = arith.constant 0 : i32
        %dma_start3A_486 = tpu.memref_slice %arg7[%dma_start3A_482, %dma_start3A_483, %dma_start3A_484, %dma_start3A_485] : memref<2x2x50x128xf32, #tpu.memory_space<vmem>> -> memref<1x1x50x128xf32, #tpu.memory_space<vmem>>
        %dma_start3A_487 = tpu.memref_squeeze %dma_start3A_486 : memref<1x1x50x128xf32, #tpu.memory_space<vmem>> -> memref<50x128xf32, #tpu.memory_space<vmem>>
        %dma_start3A_488 = arith.constant 0 : i32
        %dma_start3A_489 = tpu.memref_slice %arg6[%add3A_481, %dma_start3A_488] : memref<512x50xi32, #tpu.memory_space<vmem>> -> memref<1x50xi32, #tpu.memory_space<vmem>>
        %dma_start3A_490 = tpu.memref_squeeze %dma_start3A_489 : memref<1x50xi32, #tpu.memory_space<vmem>> -> memref<50xi32, #tpu.memory_space<vmem>>
        %dma_start3A_491 = arith.constant 0 : i32
        %dma_start3A_492 = arith.constant 0 : i32
        %dma_start3A_493 = tpu.memref_slice %arg3[%dma_start3A_491, %dma_start3A_492] : memref<1000000x256xf32, #tpu.memory_space<hbm>> -> memref<1000000x128xf32, #tpu.memory_space<hbm>>
        %dma_start3A_494 = arith.constant 0 : i32
        %dma_start3A_495 = arith.constant 0 : i32
        %dma_start3A_496 = tpu.memref_slice %dma_start3A_493[%dma_start3A_494, %dma_start3A_495] : memref<1000000x128xf32, #tpu.memory_space<hbm>> -> memref<1000000x128xf32, #tpu.memory_space<hbm>>
        tpu.enqueue_indirect_dma source(%dma_start3A_496 : memref<1000000x128xf32, #tpu.memory_space<hbm>>) target(%dma_start3A_487 : memref<50x128xf32, #tpu.memory_space<vmem>>) offsets(%dma_start3A_490 : memref<50xi32, #tpu.memory_space<vmem>>) semaphore(%arg9 : memref<!tpu.dma_semaphore, #tpu.memory_space<semaphore_mem>>)
        %dma_start3A_497 = arith.constant 0 : i32
        %dma_start3A_498 = arith.constant 1 : i32
        %dma_start3A_499 = arith.constant 0 : i32
        %dma_start3A_500 = arith.constant 0 : i32
        %dma_start3A_501 = tpu.memref_slice %arg7[%dma_start3A_497, %dma_start3A_498, %dma_start3A_499, %dma_start3A_500] : memref<2x2x50x128xf32, #tpu.memory_space<vmem>> -> memref<1x1x50x128xf32, #tpu.memory_space<vmem>>
        %dma_start3A_502 = tpu.memref_squeeze %dma_start3A_501 : memref<1x1x50x128xf32, #tpu.memory_space<vmem>> -> memref<50x128xf32, #tpu.memory_space<vmem>>
        %dma_start3A_503 = arith.constant 0 : i32
        %dma_start3A_504 = tpu.memref_slice %arg6[%add3A_481, %dma_start3A_503] : memref<512x50xi32, #tpu.memory_space<vmem>> -> memref<1x50xi32, #tpu.memory_space<vmem>>
        %dma_start3A_505 = tpu.memref_squeeze %dma_start3A_504 : memref<1x50xi32, #tpu.memory_space<vmem>> -> memref<50xi32, #tpu.memory_space<vmem>>
        %dma_start3A_506 = arith.constant 0 : i32
        %dma_start3A_507 = arith.constant 128 : i32
        %dma_start3A_508 = tpu.memref_slice %arg3[%dma_start3A_506, %dma_start3A_507] : memref<1000000x256xf32, #tpu.memory_space<hbm>> -> memref<1000000x128xf32, #tpu.memory_space<hbm>>
        %dma_start3A_509 = arith.constant 0 : i32
        %dma_start3A_510 = arith.constant 0 : i32
        %dma_start3A_511 = tpu.memref_slice %dma_start3A_508[%dma_start3A_509, %dma_start3A_510] : memref<1000000x128xf32, #tpu.memory_space<hbm>> -> memref<1000000x128xf32, #tpu.memory_space<hbm>>
        tpu.enqueue_indirect_dma source(%dma_start3A_511 : memref<1000000x128xf32, #tpu.memory_space<hbm>>) target(%dma_start3A_502 : memref<50x128xf32, #tpu.memory_space<vmem>>) offsets(%dma_start3A_505 : memref<50xi32, #tpu.memory_space<vmem>>) semaphore(%arg9 : memref<!tpu.dma_semaphore, #tpu.memory_space<semaphore_mem>>)
      } else {
      }
      %rem3A_307 = arith.constant 64 : i32
      %rem3A_308 = arith.remsi %add3A_156, %rem3A_307 : i32
      %eq3A = arith.constant 63 : i32
      %eq3A_309 = arith.cmpi eq, %rem3A_308, %eq3A : i32
      %convert_element_type3A_310 = arith.extui %eq3A_309 : i1 to i32
      %cond3A_311 = arith.constant 0 : i32
      %cond3A_312 = arith.cmpi ne, %convert_element_type3A_310, %cond3A_311 : i32
      scf.if %cond3A_312 {
        %add3A_480 = arith.addi %mul3A_79, %add3A_156 : i32
        %add3A_481 = arith.constant 1 : i32
        %add3A_482 = arith.addi %add3A_480, %add3A_481 : i32
        %sub3A = arith.constant 64 : i32
        %sub3A_483 = arith.subi %add3A_482, %sub3A : i32
        %multiple_of3A = tpu.assume_multiple %sub3A_483, 64 : i32
        "tpu.region"() ({
          %run_scoped3A = tpu.sem_alloc : memref<!tpu.dma_semaphore, #tpu.memory_space<semaphore_mem>>
          %dma_start3A_484 = arith.constant 0 : i32
          %dma_start3A_485 = tpu.memref_slice %arg5[%multiple_of3A, %dma_start3A_484] : memref<4096x256xf32, #tpu.memory_space<hbm>> -> memref<64x256xf32, #tpu.memory_space<hbm>>
          %dma_start3A_486 = arith.constant 0 : i32
          %dma_start3A_487 = tpu.memref_slice %arg5[%multiple_of3A, %dma_start3A_486] : memref<4096x256xf32, #tpu.memory_space<hbm>> -> memref<64x256xf32, #tpu.memory_space<hbm>>
          tpu.enqueue_dma source(%arg8 : memref<64x256xf32, #tpu.memory_space<vmem>>) target(%dma_start3A_487 : memref<64x256xf32, #tpu.memory_space<hbm>>) target_semaphore(%run_scoped3A : memref<!tpu.dma_semaphore, #tpu.memory_space<semaphore_mem>>)
          %dma_wait3A_488 = arith.constant 0 : i32
          %dma_wait3A_489 = tpu.memref_slice %arg5[%multiple_of3A, %dma_wait3A_488] : memref<4096x256xf32, #tpu.memory_space<hbm>> -> memref<64x256xf32, #tpu.memory_space<hbm>>
          %dma_wait3A_490 = arith.constant 0 : i32
          %dma_wait3A_491 = tpu.memref_slice %arg5[%multiple_of3A, %dma_wait3A_490] : memref<4096x256xf32, #tpu.memory_space<hbm>> -> memref<64x256xf32, #tpu.memory_space<hbm>>
          tpu.wait_dma2 semaphore(%run_scoped3A : memref<!tpu.dma_semaphore, #tpu.memory_space<semaphore_mem>>) src(%arg8 : memref<64x256xf32, #tpu.memory_space<vmem>>) dst(%dma_wait3A_491 : memref<64x256xf32, #tpu.memory_space<hbm>>)
          tpu.yield
        }) : () -> ()
      } else {
      }
      %add3A_313 = arith.constant 1 : i32
      %add3A_314 = arith.addi %mul3A_154, %add3A_313 : i32
      %dma_wait3A_315 = arith.constant 1 : i32
      %dma_wait3A_316 = arith.constant 0 : i32
      %dma_wait3A_317 = arith.constant 0 : i32
      %dma_wait3A_318 = arith.constant 0 : i32
      %dma_wait3A_319 = tpu.memref_slice %arg7[%dma_wait3A_315, %dma_wait3A_316, %dma_wait3A_317, %dma_wait3A_318] : memref<2x2x50x128xf32, #tpu.memory_space<vmem>> -> memref<1x1x50x128xf32, #tpu.memory_space<vmem>>
      %dma_wait3A_320 = tpu.memref_squeeze %dma_wait3A_319 : memref<1x1x50x128xf32, #tpu.memory_space<vmem>> -> memref<50x128xf32, #tpu.memory_space<vmem>>
      %dma_wait3A_321 = arith.constant 0 : i32
      %dma_wait3A_322 = tpu.memref_slice %arg6[%add3A_314, %dma_wait3A_321] : memref<512x50xi32, #tpu.memory_space<vmem>> -> memref<1x50xi32, #tpu.memory_space<vmem>>
      %dma_wait3A_323 = tpu.memref_squeeze %dma_wait3A_322 : memref<1x50xi32, #tpu.memory_space<vmem>> -> memref<50xi32, #tpu.memory_space<vmem>>
      %dma_wait3A_324 = arith.constant 0 : i32
      %dma_wait3A_325 = arith.constant 0 : i32
      %dma_wait3A_326 = tpu.memref_slice %arg3[%dma_wait3A_324, %dma_wait3A_325] : memref<1000000x256xf32, #tpu.memory_space<hbm>> -> memref<1000000x128xf32, #tpu.memory_space<hbm>>
      %dma_wait3A_327 = arith.constant 0 : i32
      %dma_wait3A_328 = arith.constant 0 : i32
      %dma_wait3A_329 = tpu.memref_slice %dma_wait3A_326[%dma_wait3A_327, %dma_wait3A_328] : memref<1000000x128xf32, #tpu.memory_space<hbm>> -> memref<1000000x128xf32, #tpu.memory_space<hbm>>
      tpu.wait_indirect_dma semaphore(%arg10 : memref<!tpu.dma_semaphore, #tpu.memory_space<semaphore_mem>>) src(%dma_wait3A_329 : memref<1000000x128xf32, #tpu.memory_space<hbm>>) dst(%dma_wait3A_320 : memref<50x128xf32, #tpu.memory_space<vmem>>)
      %dma_wait3A_330 = arith.constant 1 : i32
      %dma_wait3A_331 = arith.constant 1 : i32
      %dma_wait3A_332 = arith.constant 0 : i32
      %dma_wait3A_333 = arith.constant 0 : i32
      %dma_wait3A_334 = tpu.memref_slice %arg7[%dma_wait3A_330, %dma_wait3A_331, %dma_wait3A_332, %dma_wait3A_333] : memref<2x2x50x128xf32, #tpu.memory_space<vmem>> -> memref<1x1x50x128xf32, #tpu.memory_space<vmem>>
      %dma_wait3A_335 = tpu.memref_squeeze %dma_wait3A_334 : memref<1x1x50x128xf32, #tpu.memory_space<vmem>> -> memref<50x128xf32, #tpu.memory_space<vmem>>
      %dma_wait3A_336 = arith.constant 0 : i32
      %dma_wait3A_337 = tpu.memref_slice %arg6[%add3A_314, %dma_wait3A_336] : memref<512x50xi32, #tpu.memory_space<vmem>> -> memref<1x50xi32, #tpu.memory_space<vmem>>
      %dma_wait3A_338 = tpu.memref_squeeze %dma_wait3A_337 : memref<1x50xi32, #tpu.memory_space<vmem>> -> memref<50xi32, #tpu.memory_space<vmem>>
      %dma_wait3A_339 = arith.constant 0 : i32
      %dma_wait3A_340 = arith.constant 128 : i32
      %dma_wait3A_341 = tpu.memref_slice %arg3[%dma_wait3A_339, %dma_wait3A_340] : memref<1000000x256xf32, #tpu.memory_space<hbm>> -> memref<1000000x128xf32, #tpu.memory_space<hbm>>
      %dma_wait3A_342 = arith.constant 0 : i32
      %dma_wait3A_343 = arith.constant 0 : i32
      %dma_wait3A_344 = tpu.memref_slice %dma_wait3A_341[%dma_wait3A_342, %dma_wait3A_343] : memref<1000000x128xf32, #tpu.memory_space<hbm>> -> memref<1000000x128xf32, #tpu.memory_space<hbm>>
      tpu.wait_indirect_dma semaphore(%arg10 : memref<!tpu.dma_semaphore, #tpu.memory_space<semaphore_mem>>) src(%dma_wait3A_344 : memref<1000000x128xf32, #tpu.memory_space<hbm>>) dst(%dma_wait3A_335 : memref<50x128xf32, #tpu.memory_space<vmem>>)
      %broadcast_in_dim3A_345 = arith.constant 0.000000e+00 : f32
      %broadcast_in_dim3A_346 = vector.broadcast %broadcast_in_dim3A_345 : f32 to vector<16xf32>
      %broadcast_in_dim3A_347 = arith.constant 0.000000e+00 : f32
      %broadcast_in_dim3A_348 = vector.broadcast %broadcast_in_dim3A_347 : f32 to vector<16xf32>
      %broadcast_in_dim3A_349 = arith.constant 0.000000e+00 : f32
      %broadcast_in_dim3A_350 = vector.broadcast %broadcast_in_dim3A_349 : f32 to vector<16xf32>
      %broadcast_in_dim3A_351 = arith.constant 0.000000e+00 : f32
      %broadcast_in_dim3A_352 = vector.broadcast %broadcast_in_dim3A_351 : f32 to vector<16xf32>
      %broadcast_in_dim3A_353 = arith.constant 0.000000e+00 : f32
      %broadcast_in_dim3A_354 = vector.broadcast %broadcast_in_dim3A_353 : f32 to vector<16xf32>
      %broadcast_in_dim3A_355 = arith.constant 0.000000e+00 : f32
      %broadcast_in_dim3A_356 = vector.broadcast %broadcast_in_dim3A_355 : f32 to vector<16xf32>
      %broadcast_in_dim3A_357 = arith.constant 0.000000e+00 : f32
      %broadcast_in_dim3A_358 = vector.broadcast %broadcast_in_dim3A_357 : f32 to vector<16xf32>
      %broadcast_in_dim3A_359 = arith.constant 0.000000e+00 : f32
      %broadcast_in_dim3A_360 = vector.broadcast %broadcast_in_dim3A_359 : f32 to vector<16xf32>
      %broadcast_in_dim3A_361 = arith.constant 0.000000e+00 : f32
      %broadcast_in_dim3A_362 = vector.broadcast %broadcast_in_dim3A_361 : f32 to vector<16xf32>
      %broadcast_in_dim3A_363 = arith.constant 0.000000e+00 : f32
      %broadcast_in_dim3A_364 = vector.broadcast %broadcast_in_dim3A_363 : f32 to vector<16xf32>
      %broadcast_in_dim3A_365 = arith.constant 0.000000e+00 : f32
      %broadcast_in_dim3A_366 = vector.broadcast %broadcast_in_dim3A_365 : f32 to vector<16xf32>
      %broadcast_in_dim3A_367 = arith.constant 0.000000e+00 : f32
      %broadcast_in_dim3A_368 = vector.broadcast %broadcast_in_dim3A_367 : f32 to vector<16xf32>
      %broadcast_in_dim3A_369 = arith.constant 0.000000e+00 : f32
      %broadcast_in_dim3A_370 = vector.broadcast %broadcast_in_dim3A_369 : f32 to vector<16xf32>
      %broadcast_in_dim3A_371 = arith.constant 0.000000e+00 : f32
      %broadcast_in_dim3A_372 = vector.broadcast %broadcast_in_dim3A_371 : f32 to vector<16xf32>
      %broadcast_in_dim3A_373 = arith.constant 0.000000e+00 : f32
      %broadcast_in_dim3A_374 = vector.broadcast %broadcast_in_dim3A_373 : f32 to vector<16xf32>
      %broadcast_in_dim3A_375 = arith.constant 0.000000e+00 : f32
      %broadcast_in_dim3A_376 = vector.broadcast %broadcast_in_dim3A_375 : f32 to vector<16xf32>
      %scan3A_377 = arith.constant 0 : i32
      %scan3A_378 = arith.constant 50 : i32
      %scan3A_379 = arith.addi %scan3A_377, %scan3A_378 : i32
      %scan3A_380 = arith.constant 2 : i32
      %scan3A_381:16 = scf.for %scan3A_480 = %scan3A_377 to %scan3A_379 step %scan3A_380 iter_args(%scan3A_481 = %broadcast_in_dim3A_346, %scan3A_482 = %broadcast_in_dim3A_348, %scan3A_483 = %broadcast_in_dim3A_350, %scan3A_484 = %broadcast_in_dim3A_352, %scan3A_485 = %broadcast_in_dim3A_354, %scan3A_486 = %broadcast_in_dim3A_356, %scan3A_487 = %broadcast_in_dim3A_358, %scan3A_488 = %broadcast_in_dim3A_360, %scan3A_489 = %broadcast_in_dim3A_362, %scan3A_490 = %broadcast_in_dim3A_364, %scan3A_491 = %broadcast_in_dim3A_366, %scan3A_492 = %broadcast_in_dim3A_368, %scan3A_493 = %broadcast_in_dim3A_370, %scan3A_494 = %broadcast_in_dim3A_372, %scan3A_495 = %broadcast_in_dim3A_374, %scan3A_496 = %broadcast_in_dim3A_376) -> (vector<16xf32>, vector<16xf32>, vector<16xf32>, vector<16xf32>, vector<16xf32>, vector<16xf32>, vector<16xf32>, vector<16xf32>, vector<16xf32>, vector<16xf32>, vector<16xf32>, vector<16xf32>, vector<16xf32>, vector<16xf32>, vector<16xf32>, vector<16xf32>)  : i32 {
        %get3A = arith.constant 1 : i32
        %get3A_497 = arith.constant 0 : i32
        %get3A_498 = arith.index_cast %get3A : i32 to index
        %get3A_499 = arith.index_cast %get3A_497 : i32 to index
        %get3A_500 = arith.index_cast %scan3A_480 : i32 to index
        %get3A_501 = arith.constant 0 : index
        %get3A_502 = tpu.vector_load %arg7[%get3A_498, %get3A_499, %get3A_500, %get3A_501] {strides = array<i32>} : memref<2x2x50x128xf32, #tpu.memory_space<vmem>>, vector<1x1x1x16xf32>,
        %get3A_503 = vector.shape_cast %get3A_502 : vector<1x1x1x16xf32> to vector<16xf32>
        %add3A_504 = arith.addf %scan3A_481, %get3A_503 : vector<16xf32>
        %get3A_505 = arith.constant 1 : i32
        %get3A_506 = arith.constant 0 : i32
        %get3A_507 = arith.index_cast %get3A_505 : i32 to index
        %get3A_508 = arith.index_cast %get3A_506 : i32 to index
        %get3A_509 = arith.index_cast %scan3A_480 : i32 to index
        %get3A_510 = arith.constant 16 : index
        %get3A_511 = tpu.vector_load %arg7[%get3A_507, %get3A_508, %get3A_509, %get3A_510] {strides = array<i32>} : memref<2x2x50x128xf32, #tpu.memory_space<vmem>>, vector<1x1x1x16xf32>,
        %get3A_512 = vector.shape_cast %get3A_511 : vector<1x1x1x16xf32> to vector<16xf32>
        %add3A_513 = arith.addf %scan3A_482, %get3A_512 : vector<16xf32>
        %get3A_514 = arith.constant 1 : i32
        %get3A_515 = arith.constant 0 : i32
        %get3A_516 = arith.index_cast %get3A_514 : i32 to index
        %get3A_517 = arith.index_cast %get3A_515 : i32 to index
        %get3A_518 = arith.index_cast %scan3A_480 : i32 to index
        %get3A_519 = arith.constant 32 : index
        %get3A_520 = tpu.vector_load %arg7[%get3A_516, %get3A_517, %get3A_518, %get3A_519] {strides = array<i32>} : memref<2x2x50x128xf32, #tpu.memory_space<vmem>>, vector<1x1x1x16xf32>,
        %get3A_521 = vector.shape_cast %get3A_520 : vector<1x1x1x16xf32> to vector<16xf32>
        %add3A_522 = arith.addf %scan3A_483, %get3A_521 : vector<16xf32>
        %get3A_523 = arith.constant 1 : i32
        %get3A_524 = arith.constant 0 : i32
        %get3A_525 = arith.index_cast %get3A_523 : i32 to index
        %get3A_526 = arith.index_cast %get3A_524 : i32 to index
        %get3A_527 = arith.index_cast %scan3A_480 : i32 to index
        %get3A_528 = arith.constant 48 : index
        %get3A_529 = tpu.vector_load %arg7[%get3A_525, %get3A_526, %get3A_527, %get3A_528] {strides = array<i32>} : memref<2x2x50x128xf32, #tpu.memory_space<vmem>>, vector<1x1x1x16xf32>,
        %get3A_530 = vector.shape_cast %get3A_529 : vector<1x1x1x16xf32> to vector<16xf32>
        %add3A_531 = arith.addf %scan3A_484, %get3A_530 : vector<16xf32>
        %get3A_532 = arith.constant 1 : i32
        %get3A_533 = arith.constant 0 : i32
        %get3A_534 = arith.index_cast %get3A_532 : i32 to index
        %get3A_535 = arith.index_cast %get3A_533 : i32 to index
        %get3A_536 = arith.index_cast %scan3A_480 : i32 to index
        %get3A_537 = arith.constant 64 : index
        %get3A_538 = tpu.vector_load %arg7[%get3A_534, %get3A_535, %get3A_536, %get3A_537] {strides = array<i32>} : memref<2x2x50x128xf32, #tpu.memory_space<vmem>>, vector<1x1x1x16xf32>,
        %get3A_539 = vector.shape_cast %get3A_538 : vector<1x1x1x16xf32> to vector<16xf32>
        %add3A_540 = arith.addf %scan3A_485, %get3A_539 : vector<16xf32>
        %get3A_541 = arith.constant 1 : i32
        %get3A_542 = arith.constant 0 : i32
        %get3A_543 = arith.index_cast %get3A_541 : i32 to index
        %get3A_544 = arith.index_cast %get3A_542 : i32 to index
        %get3A_545 = arith.index_cast %scan3A_480 : i32 to index
        %get3A_546 = arith.constant 80 : index
        %get3A_547 = tpu.vector_load %arg7[%get3A_543, %get3A_544, %get3A_545, %get3A_546] {strides = array<i32>} : memref<2x2x50x128xf32, #tpu.memory_space<vmem>>, vector<1x1x1x16xf32>,
        %get3A_548 = vector.shape_cast %get3A_547 : vector<1x1x1x16xf32> to vector<16xf32>
        %add3A_549 = arith.addf %scan3A_486, %get3A_548 : vector<16xf32>
        %get3A_550 = arith.constant 1 : i32
        %get3A_551 = arith.constant 0 : i32
        %get3A_552 = arith.index_cast %get3A_550 : i32 to index
        %get3A_553 = arith.index_cast %get3A_551 : i32 to index
        %get3A_554 = arith.index_cast %scan3A_480 : i32 to index
        %get3A_555 = arith.constant 96 : index
        %get3A_556 = tpu.vector_load %arg7[%get3A_552, %get3A_553, %get3A_554, %get3A_555] {strides = array<i32>} : memref<2x2x50x128xf32, #tpu.memory_space<vmem>>, vector<1x1x1x16xf32>,
        %get3A_557 = vector.shape_cast %get3A_556 : vector<1x1x1x16xf32> to vector<16xf32>
        %add3A_558 = arith.addf %scan3A_487, %get3A_557 : vector<16xf32>
        %get3A_559 = arith.constant 1 : i32
        %get3A_560 = arith.constant 0 : i32
        %get3A_561 = arith.index_cast %get3A_559 : i32 to index
        %get3A_562 = arith.index_cast %get3A_560 : i32 to index
        %get3A_563 = arith.index_cast %scan3A_480 : i32 to index
        %get3A_564 = arith.constant 112 : index
        %get3A_565 = tpu.vector_load %arg7[%get3A_561, %get3A_562, %get3A_563, %get3A_564] {strides = array<i32>} : memref<2x2x50x128xf32, #tpu.memory_space<vmem>>, vector<1x1x1x16xf32>,
        %get3A_566 = vector.shape_cast %get3A_565 : vector<1x1x1x16xf32> to vector<16xf32>
        %add3A_567 = arith.addf %scan3A_488, %get3A_566 : vector<16xf32>
        %get3A_568 = arith.constant 1 : i32
        %get3A_569 = arith.constant 1 : i32
        %get3A_570 = arith.index_cast %get3A_568 : i32 to index
        %get3A_571 = arith.index_cast %get3A_569 : i32 to index
        %get3A_572 = arith.index_cast %scan3A_480 : i32 to index
        %get3A_573 = arith.constant 0 : index
        %get3A_574 = tpu.vector_load %arg7[%get3A_570, %get3A_571, %get3A_572, %get3A_573] {strides = array<i32>} : memref<2x2x50x128xf32, #tpu.memory_space<vmem>>, vector<1x1x1x16xf32>,
        %get3A_575 = vector.shape_cast %get3A_574 : vector<1x1x1x16xf32> to vector<16xf32>
        %add3A_576 = arith.addf %scan3A_489, %get3A_575 : vector<16xf32>
        %get3A_577 = arith.constant 1 : i32
        %get3A_578 = arith.constant 1 : i32
        %get3A_579 = arith.index_cast %get3A_577 : i32 to index
        %get3A_580 = arith.index_cast %get3A_578 : i32 to index
        %get3A_581 = arith.index_cast %scan3A_480 : i32 to index
        %get3A_582 = arith.constant 16 : index
        %get3A_583 = tpu.vector_load %arg7[%get3A_579, %get3A_580, %get3A_581, %get3A_582] {strides = array<i32>} : memref<2x2x50x128xf32, #tpu.memory_space<vmem>>, vector<1x1x1x16xf32>,
        %get3A_584 = vector.shape_cast %get3A_583 : vector<1x1x1x16xf32> to vector<16xf32>
        %add3A_585 = arith.addf %scan3A_490, %get3A_584 : vector<16xf32>
        %get3A_586 = arith.constant 1 : i32
        %get3A_587 = arith.constant 1 : i32
        %get3A_588 = arith.index_cast %get3A_586 : i32 to index
        %get3A_589 = arith.index_cast %get3A_587 : i32 to index
        %get3A_590 = arith.index_cast %scan3A_480 : i32 to index
        %get3A_591 = arith.constant 32 : index
        %get3A_592 = tpu.vector_load %arg7[%get3A_588, %get3A_589, %get3A_590, %get3A_591] {strides = array<i32>} : memref<2x2x50x128xf32, #tpu.memory_space<vmem>>, vector<1x1x1x16xf32>,
        %get3A_593 = vector.shape_cast %get3A_592 : vector<1x1x1x16xf32> to vector<16xf32>
        %add3A_594 = arith.addf %scan3A_491, %get3A_593 : vector<16xf32>
        %get3A_595 = arith.constant 1 : i32
        %get3A_596 = arith.constant 1 : i32
        %get3A_597 = arith.index_cast %get3A_595 : i32 to index
        %get3A_598 = arith.index_cast %get3A_596 : i32 to index
        %get3A_599 = arith.index_cast %scan3A_480 : i32 to index
        %get3A_600 = arith.constant 48 : index
        %get3A_601 = tpu.vector_load %arg7[%get3A_597, %get3A_598, %get3A_599, %get3A_600] {strides = array<i32>} : memref<2x2x50x128xf32, #tpu.memory_space<vmem>>, vector<1x1x1x16xf32>,
        %get3A_602 = vector.shape_cast %get3A_601 : vector<1x1x1x16xf32> to vector<16xf32>
        %add3A_603 = arith.addf %scan3A_492, %get3A_602 : vector<16xf32>
        %get3A_604 = arith.constant 1 : i32
        %get3A_605 = arith.constant 1 : i32
        %get3A_606 = arith.index_cast %get3A_604 : i32 to index
        %get3A_607 = arith.index_cast %get3A_605 : i32 to index
        %get3A_608 = arith.index_cast %scan3A_480 : i32 to index
        %get3A_609 = arith.constant 64 : index
        %get3A_610 = tpu.vector_load %arg7[%get3A_606, %get3A_607, %get3A_608, %get3A_609] {strides = array<i32>} : memref<2x2x50x128xf32, #tpu.memory_space<vmem>>, vector<1x1x1x16xf32>,
        %get3A_611 = vector.shape_cast %get3A_610 : vector<1x1x1x16xf32> to vector<16xf32>
        %add3A_612 = arith.addf %scan3A_493, %get3A_611 : vector<16xf32>
        %get3A_613 = arith.constant 1 : i32
        %get3A_614 = arith.constant 1 : i32
        %get3A_615 = arith.index_cast %get3A_613 : i32 to index
        %get3A_616 = arith.index_cast %get3A_614 : i32 to index
        %get3A_617 = arith.index_cast %scan3A_480 : i32 to index
        %get3A_618 = arith.constant 80 : index
        %get3A_619 = tpu.vector_load %arg7[%get3A_615, %get3A_616, %get3A_617, %get3A_618] {strides = array<i32>} : memref<2x2x50x128xf32, #tpu.memory_space<vmem>>, vector<1x1x1x16xf32>,
        %get3A_620 = vector.shape_cast %get3A_619 : vector<1x1x1x16xf32> to vector<16xf32>
        %add3A_621 = arith.addf %scan3A_494, %get3A_620 : vector<16xf32>
        %get3A_622 = arith.constant 1 : i32
        %get3A_623 = arith.constant 1 : i32
        %get3A_624 = arith.index_cast %get3A_622 : i32 to index
        %get3A_625 = arith.index_cast %get3A_623 : i32 to index
        %get3A_626 = arith.index_cast %scan3A_480 : i32 to index
        %get3A_627 = arith.constant 96 : index
        %get3A_628 = tpu.vector_load %arg7[%get3A_624, %get3A_625, %get3A_626, %get3A_627] {strides = array<i32>} : memref<2x2x50x128xf32, #tpu.memory_space<vmem>>, vector<1x1x1x16xf32>,
        %get3A_629 = vector.shape_cast %get3A_628 : vector<1x1x1x16xf32> to vector<16xf32>
        %add3A_630 = arith.addf %scan3A_495, %get3A_629 : vector<16xf32>
        %get3A_631 = arith.constant 1 : i32
        %get3A_632 = arith.constant 1 : i32
        %get3A_633 = arith.index_cast %get3A_631 : i32 to index
        %get3A_634 = arith.index_cast %get3A_632 : i32 to index
        %get3A_635 = arith.index_cast %scan3A_480 : i32 to index
        %get3A_636 = arith.constant 112 : index
        %get3A_637 = tpu.vector_load %arg7[%get3A_633, %get3A_634, %get3A_635, %get3A_636] {strides = array<i32>} : memref<2x2x50x128xf32, #tpu.memory_space<vmem>>, vector<1x1x1x16xf32>,
        %get3A_638 = vector.shape_cast %get3A_637 : vector<1x1x1x16xf32> to vector<16xf32>
        %add3A_639 = arith.addf %scan3A_496, %get3A_638 : vector<16xf32>
        %scan3A_640 = arith.constant 1 : i32
        %scan3A_641 = arith.addi %scan3A_480, %scan3A_640 : i32
        %get3A_642 = arith.constant 1 : i32
        %get3A_643 = arith.constant 0 : i32
        %get3A_644 = arith.index_cast %get3A_642 : i32 to index
        %get3A_645 = arith.index_cast %get3A_643 : i32 to index
        %get3A_646 = arith.index_cast %scan3A_641 : i32 to index
        %get3A_647 = arith.constant 0 : index
        %get3A_648 = tpu.vector_load %arg7[%get3A_644, %get3A_645, %get3A_646, %get3A_647] {strides = array<i32>} : memref<2x2x50x128xf32, #tpu.memory_space<vmem>>, vector<1x1x1x16xf32>,
        %get3A_649 = vector.shape_cast %get3A_648 : vector<1x1x1x16xf32> to vector<16xf32>
        %add3A_650 = arith.addf %add3A_504, %get3A_649 : vector<16xf32>
        %get3A_651 = arith.constant 1 : i32
        %get3A_652 = arith.constant 0 : i32
        %get3A_653 = arith.index_cast %get3A_651 : i32 to index
        %get3A_654 = arith.index_cast %get3A_652 : i32 to index
        %get3A_655 = arith.index_cast %scan3A_641 : i32 to index
        %get3A_656 = arith.constant 16 : index
        %get3A_657 = tpu.vector_load %arg7[%get3A_653, %get3A_654, %get3A_655, %get3A_656] {strides = array<i32>} : memref<2x2x50x128xf32, #tpu.memory_space<vmem>>, vector<1x1x1x16xf32>,
        %get3A_658 = vector.shape_cast %get3A_657 : vector<1x1x1x16xf32> to vector<16xf32>
        %add3A_659 = arith.addf %add3A_513, %get3A_658 : vector<16xf32>
        %get3A_660 = arith.constant 1 : i32
        %get3A_661 = arith.constant 0 : i32
        %get3A_662 = arith.index_cast %get3A_660 : i32 to index
        %get3A_663 = arith.index_cast %get3A_661 : i32 to index
        %get3A_664 = arith.index_cast %scan3A_641 : i32 to index
        %get3A_665 = arith.constant 32 : index
        %get3A_666 = tpu.vector_load %arg7[%get3A_662, %get3A_663, %get3A_664, %get3A_665] {strides = array<i32>} : memref<2x2x50x128xf32, #tpu.memory_space<vmem>>, vector<1x1x1x16xf32>,
        %get3A_667 = vector.shape_cast %get3A_666 : vector<1x1x1x16xf32> to vector<16xf32>
        %add3A_668 = arith.addf %add3A_522, %get3A_667 : vector<16xf32>
        %get3A_669 = arith.constant 1 : i32
        %get3A_670 = arith.constant 0 : i32
        %get3A_671 = arith.index_cast %get3A_669 : i32 to index
        %get3A_672 = arith.index_cast %get3A_670 : i32 to index
        %get3A_673 = arith.index_cast %scan3A_641 : i32 to index
        %get3A_674 = arith.constant 48 : index
        %get3A_675 = tpu.vector_load %arg7[%get3A_671, %get3A_672, %get3A_673, %get3A_674] {strides = array<i32>} : memref<2x2x50x128xf32, #tpu.memory_space<vmem>>, vector<1x1x1x16xf32>,
        %get3A_676 = vector.shape_cast %get3A_675 : vector<1x1x1x16xf32> to vector<16xf32>
        %add3A_677 = arith.addf %add3A_531, %get3A_676 : vector<16xf32>
        %get3A_678 = arith.constant 1 : i32
        %get3A_679 = arith.constant 0 : i32
        %get3A_680 = arith.index_cast %get3A_678 : i32 to index
        %get3A_681 = arith.index_cast %get3A_679 : i32 to index
        %get3A_682 = arith.index_cast %scan3A_641 : i32 to index
        %get3A_683 = arith.constant 64 : index
        %get3A_684 = tpu.vector_load %arg7[%get3A_680, %get3A_681, %get3A_682, %get3A_683] {strides = array<i32>} : memref<2x2x50x128xf32, #tpu.memory_space<vmem>>, vector<1x1x1x16xf32>,
        %get3A_685 = vector.shape_cast %get3A_684 : vector<1x1x1x16xf32> to vector<16xf32>
        %add3A_686 = arith.addf %add3A_540, %get3A_685 : vector<16xf32>
        %get3A_687 = arith.constant 1 : i32
        %get3A_688 = arith.constant 0 : i32
        %get3A_689 = arith.index_cast %get3A_687 : i32 to index
        %get3A_690 = arith.index_cast %get3A_688 : i32 to index
        %get3A_691 = arith.index_cast %scan3A_641 : i32 to index
        %get3A_692 = arith.constant 80 : index
        %get3A_693 = tpu.vector_load %arg7[%get3A_689, %get3A_690, %get3A_691, %get3A_692] {strides = array<i32>} : memref<2x2x50x128xf32, #tpu.memory_space<vmem>>, vector<1x1x1x16xf32>,
        %get3A_694 = vector.shape_cast %get3A_693 : vector<1x1x1x16xf32> to vector<16xf32>
        %add3A_695 = arith.addf %add3A_549, %get3A_694 : vector<16xf32>
        %get3A_696 = arith.constant 1 : i32
        %get3A_697 = arith.constant 0 : i32
        %get3A_698 = arith.index_cast %get3A_696 : i32 to index
        %get3A_699 = arith.index_cast %get3A_697 : i32 to index
        %get3A_700 = arith.index_cast %scan3A_641 : i32 to index
        %get3A_701 = arith.constant 96 : index
        %get3A_702 = tpu.vector_load %arg7[%get3A_698, %get3A_699, %get3A_700, %get3A_701] {strides = array<i32>} : memref<2x2x50x128xf32, #tpu.memory_space<vmem>>, vector<1x1x1x16xf32>,
        %get3A_703 = vector.shape_cast %get3A_702 : vector<1x1x1x16xf32> to vector<16xf32>
        %add3A_704 = arith.addf %add3A_558, %get3A_703 : vector<16xf32>
        %get3A_705 = arith.constant 1 : i32
        %get3A_706 = arith.constant 0 : i32
        %get3A_707 = arith.index_cast %get3A_705 : i32 to index
        %get3A_708 = arith.index_cast %get3A_706 : i32 to index
        %get3A_709 = arith.index_cast %scan3A_641 : i32 to index
        %get3A_710 = arith.constant 112 : index
        %get3A_711 = tpu.vector_load %arg7[%get3A_707, %get3A_708, %get3A_709, %get3A_710] {strides = array<i32>} : memref<2x2x50x128xf32, #tpu.memory_space<vmem>>, vector<1x1x1x16xf32>,
        %get3A_712 = vector.shape_cast %get3A_711 : vector<1x1x1x16xf32> to vector<16xf32>
        %add3A_713 = arith.addf %add3A_567, %get3A_712 : vector<16xf32>
        %get3A_714 = arith.constant 1 : i32
        %get3A_715 = arith.constant 1 : i32
        %get3A_716 = arith.index_cast %get3A_714 : i32 to index
        %get3A_717 = arith.index_cast %get3A_715 : i32 to index
        %get3A_718 = arith.index_cast %scan3A_641 : i32 to index
        %get3A_719 = arith.constant 0 : index
        %get3A_720 = tpu.vector_load %arg7[%get3A_716, %get3A_717, %get3A_718, %get3A_719] {strides = array<i32>} : memref<2x2x50x128xf32, #tpu.memory_space<vmem>>, vector<1x1x1x16xf32>,
        %get3A_721 = vector.shape_cast %get3A_720 : vector<1x1x1x16xf32> to vector<16xf32>
        %add3A_722 = arith.addf %add3A_576, %get3A_721 : vector<16xf32>
        %get3A_723 = arith.constant 1 : i32
        %get3A_724 = arith.constant 1 : i32
        %get3A_725 = arith.index_cast %get3A_723 : i32 to index
        %get3A_726 = arith.index_cast %get3A_724 : i32 to index
        %get3A_727 = arith.index_cast %scan3A_641 : i32 to index
        %get3A_728 = arith.constant 16 : index
        %get3A_729 = tpu.vector_load %arg7[%get3A_725, %get3A_726, %get3A_727, %get3A_728] {strides = array<i32>} : memref<2x2x50x128xf32, #tpu.memory_space<vmem>>, vector<1x1x1x16xf32>,
        %get3A_730 = vector.shape_cast %get3A_729 : vector<1x1x1x16xf32> to vector<16xf32>
        %add3A_731 = arith.addf %add3A_585, %get3A_730 : vector<16xf32>
        %get3A_732 = arith.constant 1 : i32
        %get3A_733 = arith.constant 1 : i32
        %get3A_734 = arith.index_cast %get3A_732 : i32 to index
        %get3A_735 = arith.index_cast %get3A_733 : i32 to index
        %get3A_736 = arith.index_cast %scan3A_641 : i32 to index
        %get3A_737 = arith.constant 32 : index
        %get3A_738 = tpu.vector_load %arg7[%get3A_734, %get3A_735, %get3A_736, %get3A_737] {strides = array<i32>} : memref<2x2x50x128xf32, #tpu.memory_space<vmem>>, vector<1x1x1x16xf32>,
        %get3A_739 = vector.shape_cast %get3A_738 : vector<1x1x1x16xf32> to vector<16xf32>
        %add3A_740 = arith.addf %add3A_594, %get3A_739 : vector<16xf32>
        %get3A_741 = arith.constant 1 : i32
        %get3A_742 = arith.constant 1 : i32
        %get3A_743 = arith.index_cast %get3A_741 : i32 to index
        %get3A_744 = arith.index_cast %get3A_742 : i32 to index
        %get3A_745 = arith.index_cast %scan3A_641 : i32 to index
        %get3A_746 = arith.constant 48 : index
        %get3A_747 = tpu.vector_load %arg7[%get3A_743, %get3A_744, %get3A_745, %get3A_746] {strides = array<i32>} : memref<2x2x50x128xf32, #tpu.memory_space<vmem>>, vector<1x1x1x16xf32>,
        %get3A_748 = vector.shape_cast %get3A_747 : vector<1x1x1x16xf32> to vector<16xf32>
        %add3A_749 = arith.addf %add3A_603, %get3A_748 : vector<16xf32>
        %get3A_750 = arith.constant 1 : i32
        %get3A_751 = arith.constant 1 : i32
        %get3A_752 = arith.index_cast %get3A_750 : i32 to index
        %get3A_753 = arith.index_cast %get3A_751 : i32 to index
        %get3A_754 = arith.index_cast %scan3A_641 : i32 to index
        %get3A_755 = arith.constant 64 : index
        %get3A_756 = tpu.vector_load %arg7[%get3A_752, %get3A_753, %get3A_754, %get3A_755] {strides = array<i32>} : memref<2x2x50x128xf32, #tpu.memory_space<vmem>>, vector<1x1x1x16xf32>,
        %get3A_757 = vector.shape_cast %get3A_756 : vector<1x1x1x16xf32> to vector<16xf32>
        %add3A_758 = arith.addf %add3A_612, %get3A_757 : vector<16xf32>
        %get3A_759 = arith.constant 1 : i32
        %get3A_760 = arith.constant 1 : i32
        %get3A_761 = arith.index_cast %get3A_759 : i32 to index
        %get3A_762 = arith.index_cast %get3A_760 : i32 to index
        %get3A_763 = arith.index_cast %scan3A_641 : i32 to index
        %get3A_764 = arith.constant 80 : index
        %get3A_765 = tpu.vector_load %arg7[%get3A_761, %get3A_762, %get3A_763, %get3A_764] {strides = array<i32>} : memref<2x2x50x128xf32, #tpu.memory_space<vmem>>, vector<1x1x1x16xf32>,
        %get3A_766 = vector.shape_cast %get3A_765 : vector<1x1x1x16xf32> to vector<16xf32>
        %add3A_767 = arith.addf %add3A_621, %get3A_766 : vector<16xf32>
        %get3A_768 = arith.constant 1 : i32
        %get3A_769 = arith.constant 1 : i32
        %get3A_770 = arith.index_cast %get3A_768 : i32 to index
        %get3A_771 = arith.index_cast %get3A_769 : i32 to index
        %get3A_772 = arith.index_cast %scan3A_641 : i32 to index
        %get3A_773 = arith.constant 96 : index
        %get3A_774 = tpu.vector_load %arg7[%get3A_770, %get3A_771, %get3A_772, %get3A_773] {strides = array<i32>} : memref<2x2x50x128xf32, #tpu.memory_space<vmem>>, vector<1x1x1x16xf32>,
        %get3A_775 = vector.shape_cast %get3A_774 : vector<1x1x1x16xf32> to vector<16xf32>
        %add3A_776 = arith.addf %add3A_630, %get3A_775 : vector<16xf32>
        %get3A_777 = arith.constant 1 : i32
        %get3A_778 = arith.constant 1 : i32
        %get3A_779 = arith.index_cast %get3A_777 : i32 to index
        %get3A_780 = arith.index_cast %get3A_778 : i32 to index
        %get3A_781 = arith.index_cast %scan3A_641 : i32 to index
        %get3A_782 = arith.constant 112 : index
        %get3A_783 = tpu.vector_load %arg7[%get3A_779, %get3A_780, %get3A_781, %get3A_782] {strides = array<i32>} : memref<2x2x50x128xf32, #tpu.memory_space<vmem>>, vector<1x1x1x16xf32>,
        %get3A_784 = vector.shape_cast %get3A_783 : vector<1x1x1x16xf32> to vector<16xf32>
        %add3A_785 = arith.addf %add3A_639, %get3A_784 : vector<16xf32>
        scf.yield %add3A_650, %add3A_659, %add3A_668, %add3A_677, %add3A_686, %add3A_695, %add3A_704, %add3A_713, %add3A_722, %add3A_731, %add3A_740, %add3A_749, %add3A_758, %add3A_767, %add3A_776, %add3A_785 : vector<16xf32>, vector<16xf32>, vector<16xf32>, vector<16xf32>, vector<16xf32>, vector<16xf32>, vector<16xf32>, vector<16xf32>, vector<16xf32>, vector<16xf32>, vector<16xf32>, vector<16xf32>, vector<16xf32>, vector<16xf32>, vector<16xf32>, vector<16xf32>
      }
      %scan3A_382 = arith.constant 50 : i32
      %rem3A_383 = arith.constant 64 : i32
      %rem3A_384 = arith.remsi %add3A_314, %rem3A_383 : i32
      %swap3A_385 = arith.index_cast %rem3A_384 : i32 to index
      %swap3A_386 = arith.constant 0 : index
      %swap3A_387 = tpu.vector_load %arg8[%swap3A_385, %swap3A_386] {strides = array<i32>} : memref<64x256xf32, #tpu.memory_space<vmem>>, vector<1x16xf32>,
      %swap3A_388 = vector.shape_cast %swap3A_387 : vector<1x16xf32> to vector<16xf32>
      %swap3A_389 = vector.shape_cast %scan3A_381#0 : vector<16xf32> to vector<1x16xf32>
      tpu.vector_store %arg8[%swap3A_385, %swap3A_386], %swap3A_389 {strides = array<i32>} : memref<64x256xf32, #tpu.memory_space<vmem>>, vector<1x16xf32>,
      %swap3A_390 = arith.index_cast %rem3A_384 : i32 to index
      %swap3A_391 = arith.constant 16 : index
      %swap3A_392 = tpu.vector_load %arg8[%swap3A_390, %swap3A_391] {strides = array<i32>} : memref<64x256xf32, #tpu.memory_space<vmem>>, vector<1x16xf32>,
      %swap3A_393 = vector.shape_cast %swap3A_392 : vector<1x16xf32> to vector<16xf32>
      %swap3A_394 = vector.shape_cast %scan3A_381#1 : vector<16xf32> to vector<1x16xf32>
      tpu.vector_store %arg8[%swap3A_390, %swap3A_391], %swap3A_394 {strides = array<i32>} : memref<64x256xf32, #tpu.memory_space<vmem>>, vector<1x16xf32>,
      %swap3A_395 = arith.index_cast %rem3A_384 : i32 to index
      %swap3A_396 = arith.constant 32 : index
      %swap3A_397 = tpu.vector_load %arg8[%swap3A_395, %swap3A_396] {strides = array<i32>} : memref<64x256xf32, #tpu.memory_space<vmem>>, vector<1x16xf32>,
      %swap3A_398 = vector.shape_cast %swap3A_397 : vector<1x16xf32> to vector<16xf32>
      %swap3A_399 = vector.shape_cast %scan3A_381#2 : vector<16xf32> to vector<1x16xf32>
      tpu.vector_store %arg8[%swap3A_395, %swap3A_396], %swap3A_399 {strides = array<i32>} : memref<64x256xf32, #tpu.memory_space<vmem>>, vector<1x16xf32>,
      %swap3A_400 = arith.index_cast %rem3A_384 : i32 to index
      %swap3A_401 = arith.constant 48 : index
      %swap3A_402 = tpu.vector_load %arg8[%swap3A_400, %swap3A_401] {strides = array<i32>} : memref<64x256xf32, #tpu.memory_space<vmem>>, vector<1x16xf32>,
      %swap3A_403 = vector.shape_cast %swap3A_402 : vector<1x16xf32> to vector<16xf32>
      %swap3A_404 = vector.shape_cast %scan3A_381#3 : vector<16xf32> to vector<1x16xf32>
      tpu.vector_store %arg8[%swap3A_400, %swap3A_401], %swap3A_404 {strides = array<i32>} : memref<64x256xf32, #tpu.memory_space<vmem>>, vector<1x16xf32>,
      %swap3A_405 = arith.index_cast %rem3A_384 : i32 to index
      %swap3A_406 = arith.constant 64 : index
      %swap3A_407 = tpu.vector_load %arg8[%swap3A_405, %swap3A_406] {strides = array<i32>} : memref<64x256xf32, #tpu.memory_space<vmem>>, vector<1x16xf32>,
      %swap3A_408 = vector.shape_cast %swap3A_407 : vector<1x16xf32> to vector<16xf32>
      %swap3A_409 = vector.shape_cast %scan3A_381#4 : vector<16xf32> to vector<1x16xf32>
      tpu.vector_store %arg8[%swap3A_405, %swap3A_406], %swap3A_409 {strides = array<i32>} : memref<64x256xf32, #tpu.memory_space<vmem>>, vector<1x16xf32>,
      %swap3A_410 = arith.index_cast %rem3A_384 : i32 to index
      %swap3A_411 = arith.constant 80 : index
      %swap3A_412 = tpu.vector_load %arg8[%swap3A_410, %swap3A_411] {strides = array<i32>} : memref<64x256xf32, #tpu.memory_space<vmem>>, vector<1x16xf32>,
      %swap3A_413 = vector.shape_cast %swap3A_412 : vector<1x16xf32> to vector<16xf32>
      %swap3A_414 = vector.shape_cast %scan3A_381#5 : vector<16xf32> to vector<1x16xf32>
      tpu.vector_store %arg8[%swap3A_410, %swap3A_411], %swap3A_414 {strides = array<i32>} : memref<64x256xf32, #tpu.memory_space<vmem>>, vector<1x16xf32>,
      %swap3A_415 = arith.index_cast %rem3A_384 : i32 to index
      %swap3A_416 = arith.constant 96 : index
      %swap3A_417 = tpu.vector_load %arg8[%swap3A_415, %swap3A_416] {strides = array<i32>} : memref<64x256xf32, #tpu.memory_space<vmem>>, vector<1x16xf32>,
      %swap3A_418 = vector.shape_cast %swap3A_417 : vector<1x16xf32> to vector<16xf32>
      %swap3A_419 = vector.shape_cast %scan3A_381#6 : vector<16xf32> to vector<1x16xf32>
      tpu.vector_store %arg8[%swap3A_415, %swap3A_416], %swap3A_419 {strides = array<i32>} : memref<64x256xf32, #tpu.memory_space<vmem>>, vector<1x16xf32>,
      %swap3A_420 = arith.index_cast %rem3A_384 : i32 to index
      %swap3A_421 = arith.constant 112 : index
      %swap3A_422 = tpu.vector_load %arg8[%swap3A_420, %swap3A_421] {strides = array<i32>} : memref<64x256xf32, #tpu.memory_space<vmem>>, vector<1x16xf32>,
      %swap3A_423 = vector.shape_cast %swap3A_422 : vector<1x16xf32> to vector<16xf32>
      %swap3A_424 = vector.shape_cast %scan3A_381#7 : vector<16xf32> to vector<1x16xf32>
      tpu.vector_store %arg8[%swap3A_420, %swap3A_421], %swap3A_424 {strides = array<i32>} : memref<64x256xf32, #tpu.memory_space<vmem>>, vector<1x16xf32>,
      %swap3A_425 = arith.index_cast %rem3A_384 : i32 to index
      %swap3A_426 = arith.constant 128 : index
      %swap3A_427 = tpu.vector_load %arg8[%swap3A_425, %swap3A_426] {strides = array<i32>} : memref<64x256xf32, #tpu.memory_space<vmem>>, vector<1x16xf32>,
      %swap3A_428 = vector.shape_cast %swap3A_427 : vector<1x16xf32> to vector<16xf32>
      %swap3A_429 = vector.shape_cast %scan3A_381#8 : vector<16xf32> to vector<1x16xf32>
      tpu.vector_store %arg8[%swap3A_425, %swap3A_426], %swap3A_429 {strides = array<i32>} : memref<64x256xf32, #tpu.memory_space<vmem>>, vector<1x16xf32>,
      %swap3A_430 = arith.index_cast %rem3A_384 : i32 to index
      %swap3A_431 = arith.constant 144 : index
      %swap3A_432 = tpu.vector_load %arg8[%swap3A_430, %swap3A_431] {strides = array<i32>} : memref<64x256xf32, #tpu.memory_space<vmem>>, vector<1x16xf32>,
      %swap3A_433 = vector.shape_cast %swap3A_432 : vector<1x16xf32> to vector<16xf32>
      %swap3A_434 = vector.shape_cast %scan3A_381#9 : vector<16xf32> to vector<1x16xf32>
      tpu.vector_store %arg8[%swap3A_430, %swap3A_431], %swap3A_434 {strides = array<i32>} : memref<64x256xf32, #tpu.memory_space<vmem>>, vector<1x16xf32>,
      %swap3A_435 = arith.index_cast %rem3A_384 : i32 to index
      %swap3A_436 = arith.constant 160 : index
      %swap3A_437 = tpu.vector_load %arg8[%swap3A_435, %swap3A_436] {strides = array<i32>} : memref<64x256xf32, #tpu.memory_space<vmem>>, vector<1x16xf32>,
      %swap3A_438 = vector.shape_cast %swap3A_437 : vector<1x16xf32> to vector<16xf32>
      %swap3A_439 = vector.shape_cast %scan3A_381#10 : vector<16xf32> to vector<1x16xf32>
      tpu.vector_store %arg8[%swap3A_435, %swap3A_436], %swap3A_439 {strides = array<i32>} : memref<64x256xf32, #tpu.memory_space<vmem>>, vector<1x16xf32>,
      %swap3A_440 = arith.index_cast %rem3A_384 : i32 to index
      %swap3A_441 = arith.constant 176 : index
      %swap3A_442 = tpu.vector_load %arg8[%swap3A_440, %swap3A_441] {strides = array<i32>} : memref<64x256xf32, #tpu.memory_space<vmem>>, vector<1x16xf32>,
      %swap3A_443 = vector.shape_cast %swap3A_442 : vector<1x16xf32> to vector<16xf32>
      %swap3A_444 = vector.shape_cast %scan3A_381#11 : vector<16xf32> to vector<1x16xf32>
      tpu.vector_store %arg8[%swap3A_440, %swap3A_441], %swap3A_444 {strides = array<i32>} : memref<64x256xf32, #tpu.memory_space<vmem>>, vector<1x16xf32>,
      %swap3A_445 = arith.index_cast %rem3A_384 : i32 to index
      %swap3A_446 = arith.constant 192 : index
      %swap3A_447 = tpu.vector_load %arg8[%swap3A_445, %swap3A_446] {strides = array<i32>} : memref<64x256xf32, #tpu.memory_space<vmem>>, vector<1x16xf32>,
      %swap3A_448 = vector.shape_cast %swap3A_447 : vector<1x16xf32> to vector<16xf32>
      %swap3A_449 = vector.shape_cast %scan3A_381#12 : vector<16xf32> to vector<1x16xf32>
      tpu.vector_store %arg8[%swap3A_445, %swap3A_446], %swap3A_449 {strides = array<i32>} : memref<64x256xf32, #tpu.memory_space<vmem>>, vector<1x16xf32>,
      %swap3A_450 = arith.index_cast %rem3A_384 : i32 to index
      %swap3A_451 = arith.constant 208 : index
      %swap3A_452 = tpu.vector_load %arg8[%swap3A_450, %swap3A_451] {strides = array<i32>} : memref<64x256xf32, #tpu.memory_space<vmem>>, vector<1x16xf32>,
      %swap3A_453 = vector.shape_cast %swap3A_452 : vector<1x16xf32> to vector<16xf32>
      %swap3A_454 = vector.shape_cast %scan3A_381#13 : vector<16xf32> to vector<1x16xf32>
      tpu.vector_store %arg8[%swap3A_450, %swap3A_451], %swap3A_454 {strides = array<i32>} : memref<64x256xf32, #tpu.memory_space<vmem>>, vector<1x16xf32>,
      %swap3A_455 = arith.index_cast %rem3A_384 : i32 to index
      %swap3A_456 = arith.constant 224 : index
      %swap3A_457 = tpu.vector_load %arg8[%swap3A_455, %swap3A_456] {strides = array<i32>} : memref<64x256xf32, #tpu.memory_space<vmem>>, vector<1x16xf32>,
      %swap3A_458 = vector.shape_cast %swap3A_457 : vector<1x16xf32> to vector<16xf32>
      %swap3A_459 = vector.shape_cast %scan3A_381#14 : vector<16xf32> to vector<1x16xf32>
      tpu.vector_store %arg8[%swap3A_455, %swap3A_456], %swap3A_459 {strides = array<i32>} : memref<64x256xf32, #tpu.memory_space<vmem>>, vector<1x16xf32>,
      %swap3A_460 = arith.index_cast %rem3A_384 : i32 to index
      %swap3A_461 = arith.constant 240 : index
      %swap3A_462 = tpu.vector_load %arg8[%swap3A_460, %swap3A_461] {strides = array<i32>} : memref<64x256xf32, #tpu.memory_space<vmem>>, vector<1x16xf32>,
      %swap3A_463 = vector.shape_cast %swap3A_462 : vector<1x16xf32> to vector<16xf32>
      %swap3A_464 = vector.shape_cast %scan3A_381#15 : vector<16xf32> to vector<1x16xf32>
      tpu.vector_store %arg8[%swap3A_460, %swap3A_461], %swap3A_464 {strides = array<i32>} : memref<64x256xf32, #tpu.memory_space<vmem>>, vector<1x16xf32>,
      %add3A_465 = arith.constant 2 : i32
      %add3A_466 = arith.addi %add3A_314, %add3A_465 : i32
      %lt3A_467 = arith.constant 128 : i32
      %lt3A_468 = arith.cmpi slt, %add3A_466, %lt3A_467 : i32
      %convert_element_type3A_469 = arith.extui %lt3A_468 : i1 to i32
      %cond3A_470 = arith.constant 0 : i32
      %cond3A_471 = arith.cmpi ne, %convert_element_type3A_469, %cond3A_470 : i32
      scf.if %cond3A_471 {
        %add3A_480 = arith.constant 2 : i32
        %add3A_481 = arith.addi %add3A_314, %add3A_480 : i32
        %dma_start3A_482 = arith.constant 1 : i32
        %dma_start3A_483 = arith.constant 0 : i32
        %dma_start3A_484 = arith.constant 0 : i32
        %dma_start3A_485 = arith.constant 0 : i32
        %dma_start3A_486 = tpu.memref_slice %arg7[%dma_start3A_482, %dma_start3A_483, %dma_start3A_484, %dma_start3A_485] : memref<2x2x50x128xf32, #tpu.memory_space<vmem>> -> memref<1x1x50x128xf32, #tpu.memory_space<vmem>>
        %dma_start3A_487 = tpu.memref_squeeze %dma_start3A_486 : memref<1x1x50x128xf32, #tpu.memory_space<vmem>> -> memref<50x128xf32, #tpu.memory_space<vmem>>
        %dma_start3A_488 = arith.constant 0 : i32
        %dma_start3A_489 = tpu.memref_slice %arg6[%add3A_481, %dma_start3A_488] : memref<512x50xi32, #tpu.memory_space<vmem>> -> memref<1x50xi32, #tpu.memory_space<vmem>>
        %dma_start3A_490 = tpu.memref_squeeze %dma_start3A_489 : memref<1x50xi32, #tpu.memory_space<vmem>> -> memref<50xi32, #tpu.memory_space<vmem>>
        %dma_start3A_491 = arith.constant 0 : i32
        %dma_start3A_492 = arith.constant 0 : i32
        %dma_start3A_493 = tpu.memref_slice %arg3[%dma_start3A_491, %dma_start3A_492] : memref<1000000x256xf32, #tpu.memory_space<hbm>> -> memref<1000000x128xf32, #tpu.memory_space<hbm>>
        %dma_start3A_494 = arith.constant 0 : i32
        %dma_start3A_495 = arith.constant 0 : i32
        %dma_start3A_496 = tpu.memref_slice %dma_start3A_493[%dma_start3A_494, %dma_start3A_495] : memref<1000000x128xf32, #tpu.memory_space<hbm>> -> memref<1000000x128xf32, #tpu.memory_space<hbm>>
        tpu.enqueue_indirect_dma source(%dma_start3A_496 : memref<1000000x128xf32, #tpu.memory_space<hbm>>) target(%dma_start3A_487 : memref<50x128xf32, #tpu.memory_space<vmem>>) offsets(%dma_start3A_490 : memref<50xi32, #tpu.memory_space<vmem>>) semaphore(%arg10 : memref<!tpu.dma_semaphore, #tpu.memory_space<semaphore_mem>>)
        %dma_start3A_497 = arith.constant 1 : i32
        %dma_start3A_498 = arith.constant 1 : i32
        %dma_start3A_499 = arith.constant 0 : i32
        %dma_start3A_500 = arith.constant 0 : i32
        %dma_start3A_501 = tpu.memref_slice %arg7[%dma_start3A_497, %dma_start3A_498, %dma_start3A_499, %dma_start3A_500] : memref<2x2x50x128xf32, #tpu.memory_space<vmem>> -> memref<1x1x50x128xf32, #tpu.memory_space<vmem>>
        %dma_start3A_502 = tpu.memref_squeeze %dma_start3A_501 : memref<1x1x50x128xf32, #tpu.memory_space<vmem>> -> memref<50x128xf32, #tpu.memory_space<vmem>>
        %dma_start3A_503 = arith.constant 0 : i32
        %dma_start3A_504 = tpu.memref_slice %arg6[%add3A_481, %dma_start3A_503] : memref<512x50xi32, #tpu.memory_space<vmem>> -> memref<1x50xi32, #tpu.memory_space<vmem>>
        %dma_start3A_505 = tpu.memref_squeeze %dma_start3A_504 : memref<1x50xi32, #tpu.memory_space<vmem>> -> memref<50xi32, #tpu.memory_space<vmem>>
        %dma_start3A_506 = arith.constant 0 : i32
        %dma_start3A_507 = arith.constant 128 : i32
        %dma_start3A_508 = tpu.memref_slice %arg3[%dma_start3A_506, %dma_start3A_507] : memref<1000000x256xf32, #tpu.memory_space<hbm>> -> memref<1000000x128xf32, #tpu.memory_space<hbm>>
        %dma_start3A_509 = arith.constant 0 : i32
        %dma_start3A_510 = arith.constant 0 : i32
        %dma_start3A_511 = tpu.memref_slice %dma_start3A_508[%dma_start3A_509, %dma_start3A_510] : memref<1000000x128xf32, #tpu.memory_space<hbm>> -> memref<1000000x128xf32, #tpu.memory_space<hbm>>
        tpu.enqueue_indirect_dma source(%dma_start3A_511 : memref<1000000x128xf32, #tpu.memory_space<hbm>>) target(%dma_start3A_502 : memref<50x128xf32, #tpu.memory_space<vmem>>) offsets(%dma_start3A_505 : memref<50xi32, #tpu.memory_space<vmem>>) semaphore(%arg10 : memref<!tpu.dma_semaphore, #tpu.memory_space<semaphore_mem>>)
      } else {
      }
      %rem3A_472 = arith.constant 64 : i32
      %rem3A_473 = arith.remsi %add3A_314, %rem3A_472 : i32
      %eq3A_474 = arith.constant 63 : i32
      %eq3A_475 = arith.cmpi eq, %rem3A_473, %eq3A_474 : i32
      %convert_element_type3A_476 = arith.extui %eq3A_475 : i1 to i32
      %cond3A_477 = arith.constant 0 : i32
      %cond3A_478 = arith.cmpi ne, %convert_element_type3A_476, %cond3A_477 : i32
      scf.if %cond3A_478 {
        %add3A_480 = arith.addi %mul3A_79, %add3A_314 : i32
        %add3A_481 = arith.constant 1 : i32
        %add3A_482 = arith.addi %add3A_480, %add3A_481 : i32
        %sub3A = arith.constant 64 : i32
        %sub3A_483 = arith.subi %add3A_482, %sub3A : i32
        %multiple_of3A = tpu.assume_multiple %sub3A_483, 64 : i32
        "tpu.region"() ({
          %run_scoped3A = tpu.sem_alloc : memref<!tpu.dma_semaphore, #tpu.memory_space<semaphore_mem>>
          %dma_start3A_484 = arith.constant 0 : i32
          %dma_start3A_485 = tpu.memref_slice %arg5[%multiple_of3A, %dma_start3A_484] : memref<4096x256xf32, #tpu.memory_space<hbm>> -> memref<64x256xf32, #tpu.memory_space<hbm>>
          %dma_start3A_486 = arith.constant 0 : i32
          %dma_start3A_487 = tpu.memref_slice %arg5[%multiple_of3A, %dma_start3A_486] : memref<4096x256xf32, #tpu.memory_space<hbm>> -> memref<64x256xf32, #tpu.memory_space<hbm>>
          tpu.enqueue_dma source(%arg8 : memref<64x256xf32, #tpu.memory_space<vmem>>) target(%dma_start3A_487 : memref<64x256xf32, #tpu.memory_space<hbm>>) target_semaphore(%run_scoped3A : memref<!tpu.dma_semaphore, #tpu.memory_space<semaphore_mem>>)
          %dma_wait3A_488 = arith.constant 0 : i32
          %dma_wait3A_489 = tpu.memref_slice %arg5[%multiple_of3A, %dma_wait3A_488] : memref<4096x256xf32, #tpu.memory_space<hbm>> -> memref<64x256xf32, #tpu.memory_space<hbm>>
          %dma_wait3A_490 = arith.constant 0 : i32
          %dma_wait3A_491 = tpu.memref_slice %arg5[%multiple_of3A, %dma_wait3A_490] : memref<4096x256xf32, #tpu.memory_space<hbm>> -> memref<64x256xf32, #tpu.memory_space<hbm>>
          tpu.wait_dma2 semaphore(%run_scoped3A : memref<!tpu.dma_semaphore, #tpu.memory_space<semaphore_mem>>) src(%arg8 : memref<64x256xf32, #tpu.memory_space<vmem>>) dst(%dma_wait3A_491 : memref<64x256xf32, #tpu.memory_space<hbm>>)
          tpu.yield
        }) : () -> ()
      } else {
      }
      %scan3A_479 = arith.constant 0 : i32
      scf.yield %scan3A_479 : i32
    }
    %scan3A_150 = arith.constant 64 : i32
    return
  }
}

module attributes {stable_mosaic.version = 14 : i64} {
  func.func @body(%arg0: i32, %arg1: memref<512x1024xf32, #tpu.memory_space<vmem>>, %arg2: memref<512x256xf32, #tpu.memory_space<vmem>>, %arg3: memref<256x32xf32, #tpu.memory_space<vmem>>, %arg4: memref<1x32xf32, #tpu.memory_space<vmem>>, %arg5: memref<1024x128xf32, #tpu.memory_space<vmem>>, %arg6: memref<1x128xf32, #tpu.memory_space<vmem>>, %arg7: memref<128x128xf32, #tpu.memory_space<vmem>>, %arg8: memref<1x128xf32, #tpu.memory_space<vmem>>, %arg9: memref<128x32xf32, #tpu.memory_space<vmem>>, %arg10: memref<1x32xf32, #tpu.memory_space<vmem>>, %arg11: memref<512x32xf32, #tpu.memory_space<vmem>>) attributes {dimension_semantics = [#tpu.dimension_semantics<arbitrary>], iteration_bounds = array<i64: 8>, scalar_prefetch = 0 : i64, scratch_operands = 0 : i64, tpu.core_type = #tpu.core_type<tc>, window_params = [{transform_indices = @transform_0, window_bounds = array<i64: 512, 1024>}, {transform_indices = @transform_1, window_bounds = array<i64: 512, 256>}, {pipeline_mode = #tpu.pipeline_mode<synchronous>, transform_indices = @transform_2, window_bounds = array<i64: 256, 32>}, {pipeline_mode = #tpu.pipeline_mode<synchronous>, transform_indices = @transform_3, window_bounds = array<i64: 1, 32>}, {pipeline_mode = #tpu.pipeline_mode<synchronous>, transform_indices = @transform_4, window_bounds = array<i64: 1024, 128>}, {pipeline_mode = #tpu.pipeline_mode<synchronous>, transform_indices = @transform_5, window_bounds = array<i64: 1, 128>}, {pipeline_mode = #tpu.pipeline_mode<synchronous>, transform_indices = @transform_6, window_bounds = array<i64: 128, 128>}, {pipeline_mode = #tpu.pipeline_mode<synchronous>, transform_indices = @transform_7, window_bounds = array<i64: 1, 128>}, {pipeline_mode = #tpu.pipeline_mode<synchronous>, transform_indices = @transform_8, window_bounds = array<i64: 128, 32>}, {pipeline_mode = #tpu.pipeline_mode<synchronous>, transform_indices = @transform_9, window_bounds = array<i64: 1, 32>}, {transform_indices = @transform_10, window_bounds = array<i64: 512, 32>}]} {
    %get3A = arith.constant 0 : index
    %get3A_0 = arith.constant 0 : index
    %get3A_1 = vector.load %arg1[%get3A, %get3A_0] : memref<512x1024xf32, #tpu.memory_space<vmem>>, vector<512x1024xf32>
    %max3A = arith.constant 0.000000e+00 : f32
    %max3A_2 = vector.broadcast %max3A : f32 to vector<512x1024xf32>
    %max3A_3 = arith.maximumf %get3A_1, %max3A_2 : vector<512x1024xf32>
    %get3A_4 = arith.constant 0 : index
    %get3A_5 = arith.constant 0 : index
    %get3A_6 = vector.load %arg2[%get3A_4, %get3A_5] : memref<512x256xf32, #tpu.memory_space<vmem>>, vector<512x256xf32>
    %max3A_7 = arith.constant 0.000000e+00 : f32
    %max3A_8 = vector.broadcast %max3A_7 : f32 to vector<512x256xf32>
    %max3A_9 = arith.maximumf %get3A_6, %max3A_8 : vector<512x256xf32>
    %slice3A = vector.extract_strided_slice %max3A_3 {offsets = [0, 0], sizes = [512, 256], strides = [1, 1]} : vector<512x1024xf32> to vector<512x256xf32>
    %slice3A_10 = vector.extract_strided_slice %max3A_3 {offsets = [0, 256], sizes = [512, 256], strides = [1, 1]} : vector<512x1024xf32> to vector<512x256xf32>
    %add3A = arith.addf %slice3A, %slice3A_10 : vector<512x256xf32>
    %slice3A_11 = vector.extract_strided_slice %max3A_3 {offsets = [0, 512], sizes = [512, 256], strides = [1, 1]} : vector<512x1024xf32> to vector<512x256xf32>
    %add3A_12 = arith.addf %add3A, %slice3A_11 : vector<512x256xf32>
    %slice3A_13 = vector.extract_strided_slice %max3A_3 {offsets = [0, 768], sizes = [512, 256], strides = [1, 1]} : vector<512x1024xf32> to vector<512x256xf32>
    %add3A_14 = arith.addf %add3A_12, %slice3A_13 : vector<512x256xf32>
    %add3A_15 = arith.addf %max3A_9, %add3A_14 : vector<512x256xf32>
    %get3A_16 = arith.constant 0 : index
    %get3A_17 = arith.constant 0 : index
    %get3A_18 = vector.load %arg3[%get3A_16, %get3A_17] : memref<256x32xf32, #tpu.memory_space<vmem>>, vector<256x32xf32>
    %dot_general3A = arith.constant dense<0.000000e+00> : vector<512x32xf32>
    %dot_general3A_19 = tpu.matmul %add3A_15, %get3A_18, %dot_general3A {dimension_numbers = #tpu.dot_dimension_numbers<[1], [0], [0], [1], [0, 0, 1, 1], [], []>, transpose_lhs_hint = false} : vector<512x256xf32>, vector<256x32xf32>, vector<512x32xf32> -> vector<512x32xf32>
    %get3A_20 = arith.constant 0 : index
    %get3A_21 = arith.constant 0 : index
    %get3A_22 = vector.load %arg4[%get3A_20, %get3A_21] : memref<1x32xf32, #tpu.memory_space<vmem>>, vector<1x32xf32>
    %add3A_23 = vector.broadcast %get3A_22 : vector<1x32xf32> to vector<512x32xf32>
    %add3A_24 = arith.addf %dot_general3A_19, %add3A_23 : vector<512x32xf32>
    %max3A_25 = arith.constant 0.000000e+00 : f32
    %max3A_26 = vector.broadcast %max3A_25 : f32 to vector<512x32xf32>
    %max3A_27 = arith.maximumf %add3A_24, %max3A_26 : vector<512x32xf32>
    %concatenate3A = tpu.concatenate %max3A_27, %max3A_27, %max3A_27, %max3A_27 in 1 : vector<512x32xf32>, vector<512x32xf32>, vector<512x32xf32>, vector<512x32xf32> -> vector<512x128xf32>
    %get3A_28 = arith.constant 0 : index
    %get3A_29 = arith.constant 0 : index
    %get3A_30 = vector.load %arg5[%get3A_28, %get3A_29] : memref<1024x128xf32, #tpu.memory_space<vmem>>, vector<1024x128xf32>
    %dot_general3A_31 = arith.constant dense<0.000000e+00> : vector<512x128xf32>
    %dot_general3A_32 = tpu.matmul %max3A_3, %get3A_30, %dot_general3A_31 {dimension_numbers = #tpu.dot_dimension_numbers<[1], [0], [0], [1], [0, 0, 1, 1], [], []>, transpose_lhs_hint = false} : vector<512x1024xf32>, vector<1024x128xf32>, vector<512x128xf32> -> vector<512x128xf32>
    %get3A_33 = arith.constant 0 : index
    %get3A_34 = arith.constant 0 : index
    %get3A_35 = vector.load %arg6[%get3A_33, %get3A_34] : memref<1x128xf32, #tpu.memory_space<vmem>>, vector<1x128xf32>
    %add3A_36 = vector.broadcast %get3A_35 : vector<1x128xf32> to vector<512x128xf32>
    %add3A_37 = arith.addf %dot_general3A_32, %add3A_36 : vector<512x128xf32>
    %max3A_38 = arith.constant 0.000000e+00 : f32
    %max3A_39 = vector.broadcast %max3A_38 : f32 to vector<512x128xf32>
    %max3A_40 = arith.maximumf %add3A_37, %max3A_39 : vector<512x128xf32>
    %add3A_41 = arith.addf %max3A_40, %concatenate3A : vector<512x128xf32>
    %get3A_42 = arith.constant 0 : index
    %get3A_43 = arith.constant 0 : index
    %get3A_44 = vector.load %arg7[%get3A_42, %get3A_43] : memref<128x128xf32, #tpu.memory_space<vmem>>, vector<128x128xf32>
    %dot_general3A_45 = arith.constant dense<0.000000e+00> : vector<512x128xf32>
    %dot_general3A_46 = tpu.matmul %add3A_41, %get3A_44, %dot_general3A_45 {dimension_numbers = #tpu.dot_dimension_numbers<[1], [0], [0], [1], [0, 0, 1, 1], [], []>, transpose_lhs_hint = false} : vector<512x128xf32>, vector<128x128xf32>, vector<512x128xf32> -> vector<512x128xf32>
    %get3A_47 = arith.constant 0 : index
    %get3A_48 = arith.constant 0 : index
    %get3A_49 = vector.load %arg8[%get3A_47, %get3A_48] : memref<1x128xf32, #tpu.memory_space<vmem>>, vector<1x128xf32>
    %add3A_50 = vector.broadcast %get3A_49 : vector<1x128xf32> to vector<512x128xf32>
    %add3A_51 = arith.addf %dot_general3A_46, %add3A_50 : vector<512x128xf32>
    %max3A_52 = arith.constant 0.000000e+00 : f32
    %max3A_53 = vector.broadcast %max3A_52 : f32 to vector<512x128xf32>
    %max3A_54 = arith.maximumf %add3A_51, %max3A_53 : vector<512x128xf32>
    %get3A_55 = arith.constant 0 : index
    %get3A_56 = arith.constant 0 : index
    %get3A_57 = vector.load %arg9[%get3A_55, %get3A_56] : memref<128x32xf32, #tpu.memory_space<vmem>>, vector<128x32xf32>
    %dot_general3A_58 = arith.constant dense<0.000000e+00> : vector<512x32xf32>
    %dot_general3A_59 = tpu.matmul %max3A_54, %get3A_57, %dot_general3A_58 {dimension_numbers = #tpu.dot_dimension_numbers<[1], [0], [0], [1], [0, 0, 1, 1], [], []>, transpose_lhs_hint = false} : vector<512x128xf32>, vector<128x32xf32>, vector<512x32xf32> -> vector<512x32xf32>
    %get3A_60 = arith.constant 0 : index
    %get3A_61 = arith.constant 0 : index
    %get3A_62 = vector.load %arg10[%get3A_60, %get3A_61] : memref<1x32xf32, #tpu.memory_space<vmem>>, vector<1x32xf32>
    %add3A_63 = vector.broadcast %get3A_62 : vector<1x32xf32> to vector<512x32xf32>
    %add3A_64 = arith.addf %dot_general3A_59, %add3A_63 : vector<512x32xf32>
    %swap3A = arith.constant 0 : index
    %swap3A_65 = arith.constant 0 : index
    %swap3A_66 = vector.load %arg11[%swap3A, %swap3A_65] : memref<512x32xf32, #tpu.memory_space<vmem>>, vector<512x32xf32>
    tpu.vector_store %arg11[%swap3A, %swap3A_65], %add3A_64 {strides = array<i32>} : memref<512x32xf32, #tpu.memory_space<vmem>>, vector<512x32xf32>,
    return
  }
  func.func @transform_0(%arg0: i32) -> (i32, i32) {
    %c0_i32 = arith.constant 0 : i32
    %c0_i32_0 = arith.constant 0 : i32
    return %arg0, %c0_i32 : i32, i32
  }
  func.func @transform_1(%arg0: i32) -> (i32, i32) {
    %c0_i32 = arith.constant 0 : i32
    %c0_i32_0 = arith.constant 0 : i32
    return %arg0, %c0_i32 : i32, i32
  }
  func.func @transform_2(%arg0: i32) -> (i32, i32) {
    %c0_i32 = arith.constant 0 : i32
    %c0_i32_0 = arith.constant 0 : i32
    %c0_i32_1 = arith.constant 0 : i32
    return %c0_i32, %c0_i32_0 : i32, i32
  }
  func.func @transform_3(%arg0: i32) -> (i32, i32) {
    %c0_i32 = arith.constant 0 : i32
    %c0_i32_0 = arith.constant 0 : i32
    %c0_i32_1 = arith.constant 0 : i32
    return %c0_i32, %c0_i32_0 : i32, i32
  }
  func.func @transform_4(%arg0: i32) -> (i32, i32) {
    %c0_i32 = arith.constant 0 : i32
    %c0_i32_0 = arith.constant 0 : i32
    %c0_i32_1 = arith.constant 0 : i32
    return %c0_i32, %c0_i32_0 : i32, i32
  }
  func.func @transform_5(%arg0: i32) -> (i32, i32) {
    %c0_i32 = arith.constant 0 : i32
    %c0_i32_0 = arith.constant 0 : i32
    %c0_i32_1 = arith.constant 0 : i32
    return %c0_i32, %c0_i32_0 : i32, i32
  }
  func.func @transform_6(%arg0: i32) -> (i32, i32) {
    %c0_i32 = arith.constant 0 : i32
    %c0_i32_0 = arith.constant 0 : i32
    %c0_i32_1 = arith.constant 0 : i32
    return %c0_i32, %c0_i32_0 : i32, i32
  }
  func.func @transform_7(%arg0: i32) -> (i32, i32) {
    %c0_i32 = arith.constant 0 : i32
    %c0_i32_0 = arith.constant 0 : i32
    %c0_i32_1 = arith.constant 0 : i32
    return %c0_i32, %c0_i32_0 : i32, i32
  }
  func.func @transform_8(%arg0: i32) -> (i32, i32) {
    %c0_i32 = arith.constant 0 : i32
    %c0_i32_0 = arith.constant 0 : i32
    %c0_i32_1 = arith.constant 0 : i32
    return %c0_i32, %c0_i32_0 : i32, i32
  }
  func.func @transform_9(%arg0: i32) -> (i32, i32) {
    %c0_i32 = arith.constant 0 : i32
    %c0_i32_0 = arith.constant 0 : i32
    %c0_i32_1 = arith.constant 0 : i32
    return %c0_i32, %c0_i32_0 : i32, i32
  }
  func.func @transform_10(%arg0: i32) -> (i32, i32) {
    %c0_i32 = arith.constant 0 : i32
    %c0_i32_0 = arith.constant 0 : i32
    return %arg0, %c0_i32 : i32, i32
  }
}

</mosaic_0001>

<sc_bundles>
// kernel: kernel.4.cloned.1.call-start
scs
__scs_entry_jumppad:
0x0: {  	(pc) =	sbr.rel $0x88, $3  }
0x1: {  	(tag) =	ssettag $0x0;
	lr =	simm.s32 $0x1  }
0x2: {  	[smem:$0x3F96] =	sst lr;
	_ =	strace $0xD0000000  }
0x3: {  	_ = 	snop  }
0x4: {  	_ = 	snop  }
0x5: {  	_ = 	snop  }
0x6: {  	_ = 	snop  }
0x7: {  	_ = 	snop  }
__scs_overlays_trampoline_lowered:
0x8: {  	[smem:$0x3FA5] =	sst s0  }
0x9: {  	[smem:$0x3FA6] =	sst s1  }
0xa: {  	[smem:$0x3FA7] =	sst s2  }
0xb: {  	[smem:$0x3FA8] =	sst s3  }
0xc: {  	[smem:$0x3FA9] =	sst s4  }
0xd: {  	[smem:$0x3FAA] =	sst s5  }
0xe: {  	[smem:$0x3FAB] =	sst s6  }
0xf: {  	[smem:$0x3FAC] =	sst s7  }
0x10: {  	[smem:$0x3FAD] =	sst s8  }
0x11: {  	[smem:$0x3FAE] =	sst s9;
	s0 =	simm.s32 @!p0 $0x0  }
0x12: {  	s1 =	sld [smem:$0x3F94];
	s0 =	simm.s32 @p0 $0x1  }
0x13: {  	[smem:$0x3FAF] =	sst s0;
	s0 =	simm.s32 @!p1 $0x0  }
0x14: {  	s2 =	sld [smem:$0x3F93];
	s0 =	simm.s32 @p1 $0x1  }
0x15: {  	[smem:$0x3FB0] =	sst s0;
	s0 =	simm.s32 @!p2 $0x0  }
0x16: {  	s3 =	sld [smem:$0x3FDB];
	s0 =	simm.s32 @p2 $0x1  }
0x17: {  	s4 =	simm.s32 $0x1BF5;
	[smem:$0x3FB2] =	sst s0  }
0x18: {  	s0 =	sld [smem:$0x3F95];
	_ =	swait.ge [sflag:s4], $0x0  }
0x19: {  	s7 =	sld [smem:$0x3F96]  }
0x1a: {  	s8 =	sadd.s32 $0xFFFFE003, lr  }
0x1b: {  	s9 =	sadd.s32 $0xFFFFFEF7, lr;
	s5 =	simm.s32 $0xFFFFFFFF;
	p2 =	slt.u32 s8, $0xFFFFF086  }
0x1c: {  	p1 =	slt.u32 s9, $0xF7A;
	s5 =	simm.s32 @!p2 $0x0  }
0x1d: {  	s5 =	simm.s32 @p1 $0x1;
	p0 =	seq.s32 s7, s2  }
0x1e: {  	s7 =	smul.u32 @!p0 $0xF7A, s2;
	p2 =	seq.s32 @!p0 s5, $0x0  }
0x1f: {  	s9 =	smul.u32 $0xF7A, s1;
	s8 =	simm.s32 @!p0 $0x1BF5;
	p2 =	por !p2, p0  }
0x20: {  	[sflag:s8] =	ssyncset.s32 @!p0 $0xFFFFF086;
	s6 =	sadd.s32 @!p0 s3, s7;
	s7 =	simm.s32 @!p0 $0x108  }
0x21: {  	s3 =	sadd.s32 s3, s9;
	s6 =	sadd.s32 @!p0 $0x88, s6;
	s7 =	simm.s32 @p2 $0x1082  }
0x22: {  	[simem:s7], [sflag:s8] =	dma.local @!p0 [hbm:s6], $0xF7A  }
0x23: {  	s9 =	sor.u32 $0xD0000000, s2;
	s6 =	simm.s32 $0x108;
	_ =	swait.ge @!p0 [sflag:s8], $0x0  }
0x24: {  	s3 =	sadd.s32 $0x88, s3;
	s6 =	simm.s32 @!p1 $0x1082;
	[sflag:s4] =	ssyncset.s32 $0xFFFFF086  }
0x25: {  	[simem:s6], [sflag:s4] =	dma.local [hbm:s3], $0xF7A  }
0x26: {  	[smem:$0x3F96] =	sst s1;
	(tag) =	ssettag s2;
	_ =	strace s9  }
0x27: {  	s1 =	sld [smem:$0x3FA6]  }
0x28: {  	s2 =	sld [smem:$0x3FA7]  }
0x29: {  	s4 =	sld [smem:$0x3FA9]  }
0x2a: {  	p0 =	seq.s32 s5, $0x0;
	s5 =	sld [smem:$0x3FAA]  }
0x2b: {  	s6 =	sld [smem:$0x3FAB]  }
0x2c: {  	s7 =	sld [smem:$0x3FAC]  }
0x2d: {  	s3 =	simm.s32 $0x108;
	s8 =	sld [smem:$0x3FAD]  }
0x2e: {  	s3 =	simm.s32 @!p0 $0x1082;
	s9 =	sld [smem:$0x3FAE]  }
0x2f: {  	lr =	sadd.s32 s0, s3;
	s0 =	sld [smem:$0x3FA5]  }
0x30: {  	s3 =	sld [smem:$0x3FA8]  }
0x31: {  	[smem:$0x3FB1] =	sst s10  }
0x32: {  	s10 =	sld [smem:$0x3FAF];
	_ =	sdelay $0x3  }
0x33: {  	p0 =	seq.s32 s10, $0x1;
	s10 =	sld [smem:$0x3FB1];
	_ =	sdelay $0x3  }
0x34: {  	[smem:$0x3FB1] =	sst s10  }
0x35: {  	s10 =	sld [smem:$0x3FB0];
	_ =	sdelay $0x3  }
0x36: {  	p1 =	seq.s32 s10, $0x1;
	s10 =	sld [smem:$0x3FB1];
	_ =	sdelay $0x3  }
0x37: {  	[smem:$0x3FB1] =	sst s10  }
0x38: {  	s10 =	sld [smem:$0x3FB2]  }
0x39: {  	_ = 	snop;
	(pc) =	sbr.ind lr, $3  }
0x3a: {  	_ = 	snop  }
0x3b: {  	_ = 	snop  }
0x3c: {  	p2 =	seq.s32 s10, $0x1;
	s10 =	sld [smem:$0x3FB1]  }
0x3d: {  	_ =	shalt  }
0x3e: {  	_ =	shalt  }
0x3f: {  	_ =	shalt  }
0x40: {  	_ =	shalt  }
0x41: {  	_ =	shalt  }
0x42: {  	_ =	shalt  }
0x43: {  	_ =	shalt  }
0x44: {  	_ =	shalt  }
0x45: {  	_ =	shalt  }
0x46: {  	_ =	shalt  }
0x47: {  	_ =	shalt  }
0x48: {  	_ =	shalt  }
0x49: {  	_ =	shalt  }
0x4a: {  	_ =	shalt  }
0x4b: {  	_ =	shalt  }
0x4c: {  	_ =	shalt  }
0x4d: {  	_ =	shalt  }
0x4e: {  	_ =	shalt  }
0x4f: {  	_ =	shalt  }
0x50: {  	_ =	shalt  }
0x51: {  	_ =	shalt  }
0x52: {  	_ =	shalt  }
0x53: {  	_ =	shalt  }
0x54: {  	_ =	shalt  }
0x55: {  	_ =	shalt  }
0x56: {  	_ =	shalt  }
0x57: {  	_ =	shalt  }
0x58: {  	_ =	shalt  }
0x59: {  	_ =	shalt  }
0x5a: {  	_ =	shalt  }
0x5b: {  	_ =	shalt  }
0x5c: {  	_ =	shalt  }
0x5d: {  	_ =	shalt  }
0x5e: {  	_ =	shalt  }
0x5f: {  	_ =	shalt  }
0x60: {  	_ =	shalt  }
0x61: {  	_ =	shalt  }
0x62: {  	_ =	shalt  }
0x63: {  	_ =	shalt  }
0x64: {  	_ =	shalt  }
0x65: {  	_ =	shalt  }
0x66: {  	_ =	shalt  }
0x67: {  	_ =	shalt  }
0x68: {  	_ =	shalt  }
0x69: {  	_ =	shalt  }
0x6a: {  	_ =	shalt  }
0x6b: {  	_ =	shalt  }
0x6c: {  	_ =	shalt  }
0x6d: {  	_ =	shalt  }
0x6e: {  	_ =	shalt  }
0x6f: {  	_ =	shalt  }
0x70: {  	_ =	shalt  }
0x71: {  	_ =	shalt  }
0x72: {  	_ =	shalt  }
0x73: {  	_ =	shalt  }
0x74: {  	_ =	shalt  }
0x75: {  	_ =	shalt  }
0x76: {  	_ =	shalt  }
0x77: {  	_ =	shalt  }
0x78: {  	_ =	shalt  }
0x79: {  	_ =	shalt  }
0x7a: {  	_ =	shalt  }
0x7b: {  	_ =	shalt  }
0x7c: {  	_ =	shalt  }
0x7d: {  	_ =	shalt  }
0x7e: {  	_ =	shalt  }
0x7f: {  	_ =	shalt  }
0x80: {  	_ =	shalt  }
0x81: {  	_ =	shalt  }
0x82: {  	_ =	shalt  }
0x83: {  	_ =	shalt  }
0x84: {  	_ =	shalt  }
0x85: {  	_ =	shalt  }
0x86: {  	_ =	shalt  }
0x87: {  	_ =	shalt  }
.Lfunc_end0:
.L_simem_size_0:
called_computation_lowered:
.L_overlay_start_0:
0x88: {  	s2 =	sld [smem:$0x3FD9]  }
0x89: {  	s3 =	sld [smem:$0x3FFE];
	_ =	sdelay $0x1  }
0x8a: {  	s1 =	srdreg.scid  }
0x8b: {  	s0 =	sand.u32 $0x1, s1  }
0x8c: {  	s17 =	sshll.u32 s0, $0xA;
	s2 =	sadd.s32 s3, s2  }
0x8d: {  	s2 =	sadd.s32 s2, s17  }
0x8e: {  	[smem:$0x3FBD] =	sst s2  }
0x8f: {  	_ = 	snop  }
0x90: {  	s2 =	sld [smem:$0x3FC7];
	(tm) =	ssettm $0x1  }
0x91: {  	s18 =	sld [smem:$0x3FFB];
	_ =	sdelay $0x3  }
0x92: {  	_ =	strace s18  }
0x93: {  	s3 =	sld [smem:$0x3FFC];
	_ =	sdelay $0x3  }
0x94: {  	_ =	strace s3  }
0x95: {  	s3 =	sld [smem:$0x3FFD];
	_ =	sdelay $0x3  }
0x96: {  	_ =	strace s3  }
0x97: {  	_ =	strace $0x8FFFFFFF  }
0x98: {  	s19 =	sld [smem:$0x3FDB];
	_ =	sdelay $0x1  }
0x99: {  	s4 =	simm.s32 $_scs_section_size  }
0x9a: {  	s5 =	simm.s32 $_size__tile_overlayer_lowered;
	s6 =	simm.s32 $_tile_overlayer_lowered  }
0x9b: {  	s22 =	simm.s32 $0x1BFF;
	s21 =	sshll.u32 s6, $0x1;
	s3 =	sadd.s32 s4, s19  }
0x9c: {  	s7 =	simm.s32 $0x0;
	s20 =	sshll.u32 s5, $0x1;
	s5 =	sadd.s32 s21, s3  }
0x9d: {  	[timem:s7], [sflag:s22] =	dma.local [hbm:s5], s20  }
0x9e: {  	_ =	swait.ge [sflag:s22], s20  }
0x9f: {  	s4 =	ssub.s32 $0x0, s20;
	[sflag:s22] =	ssyncset.done $0x0  }
0xa0: {  	[sflag:s22] =	ssyncadd.s32 s4;
	_ =	sdelay $0x1  }
0xa1: {  	s23 =	simm.s32 $0x1B8B  }
0xa2: {  	_ =	swait.ge [sflag:s23], $0x1  }
0xa3: {  	[sflag:s23] =	ssyncset.done $0x0  }
0xa4: {  	s25 =	simm.s32 $0x1B8E;
	s24 =	sld [smem:$0x3FFE];
	[sflag:s23] =	ssyncadd.s32 $0xFFFFFFFF  }
0xa5: {  	s26 =	simm.s32 $execute0_lowered;
	[smem:$0x3FD2] =	sst s25  }
0xa6: {  	s5 =	sshll.u32 s26, $0x1;
	_ =	strace $0x80000046;
	[dreg:$0x1] =	wrdreg $0xFFFFFFFF  }
0xa7: {  	s28 =	simm.s32 $_size_execute0_lowered;
	s3 =	sadd.s32 s3, s5;
	[dreg:$0x0] =	wrdreg $0x0  }
0xa8: {  	s5 =	sshll.u32 s28, $0x1;
	[dreg:$0x2] =	wrdreg s3  }
0xa9: {  	[dreg:$0x3] =	wrdreg s5  }
0xaa: {  	[dreg:$0x4] =	wrdreg $0xC0  }
0xab: {  	_ =	task [dreg:s7], $0x5FFFF  }
0xac: {  	[dreg:$0x1] =	wrdreg $0xFFFFFFFF  }
0xad: {  	[dreg:$0x0] =	wrdreg $0x60  }
0xae: {  	[dreg:$0x2] =	wrdreg s24  }
0xaf: {  	[dreg:$0x3] =	wrdreg s2  }
0xb0: {  	[dreg:$0x4] =	wrdreg $0x9  }
0xb1: {  	_ =	task.clear_ibuf [dreg:s7], $0x5FFFF;
	_ =	strace $0x90000046  }
0xb2: {  	s29 =	simm.s32 $0x9;
	_ =	strace $0x80000048  }
0xb3: {  	_ =	swait.ge [sflag:s29], $0x1  }
0xb4: {  	[sflag:s29] =	ssyncadd.s32 $0xFFFFFFFF  }
0xb5: {  	_ =	strace $0x90000048  }
0xb6: {  	_ =	sfence  }
0xb7: {  	s30 =	sld [smem:$0x0];
	_ =	sdelay $0x2  }
0xb8: {  	s31 =	sshll.u32 s1, $0xD;
	s1 =	sshrl.u32 s1, $0x2  }
0xb9: {  	s3 =	sand.u32 $0x4000, s31;
	s1 =	sadd.s32 s1, s30  }
0xba: {  	s0 =	sor.u32 s3, s0;
	s1 =	sshll.u32 s1, $0x11  }
0xbb: {  	s0 =	sor.u32 s1, s0  }
0xbc: {  	s0 =	sadd.s32 $0x8F2B, s0  }
0xbd: {  	[sflag:s0] =	ssyncadd.remote.s32 $0x1  }
0xbe: {  	_ =	sfence.sel $0xFFFF  }
0xbf: {  	[dreg:$0x0] =	wrdreg $0xFFFFFFFF;
	(pc) =	sbr.abs _section_cstart, $3  }
0xc0: {  	[dreg:$0x1] =	wrdreg $0xFFFFFFFF  }
0xc1: {  	_ =	task.clear_ibuf [dreg:s7], $0x2FFFF;
	_ =	strace $0x9FFFFFFF  }
0xc2: {  	(tm) =	ssettm $0x7FFFFFFF  }
0xc3: {  	_ =	shalt  }
tec
execute0_lowered:
.L_overlay_start_1:
0x0: {  	(tag) =	ssettag $0x1  }
0x1: {  	s0 =	rddreg [dreg:$0x0]  }
0x2: {  	s2 =	rddreg [dreg:$0x1]  }
0x3: {  	s1 =	srdreg.scid;
	s4 =	stileid.u32  }
0x4: {  	s3 =	simm.s32 $0x0;
	s11 =	simm.s32 $0x16400;
	s12 =	simm.s32 $0x16480  }
0x5: {  	s13 =	simm.s32 $0x16500;
	s14 =	simm.s32 $0x16580;
	s15 =	simm.s32 $0x16600  }
0x6: {  	s16 =	simm.s32 $0x16680;
	s17 =	simm.s32 $0x16700;
	s18 =	simm.s32 $0x16780  }
0x7: {  	s19 =	simm.s32 $0x16800;
	s20 =	simm.s32 $0x16880;
	s21 =	simm.s32 $0x16900  }
0x8: {  	s22 =	simm.s32 $0x16980;
	s28 =	simm.s32 $0x16C00;
	s29 =	simm.s32 $0x16C80  }
0x9: {  	s30 =	simm.s32 $0x1;
	s31 =	simm.s32 $0x2;
	s1 =	sand.u32 $0x1, s1  }
0xa: {  	s4 =	sshll.u32 s4, $0x1;
	[smem:$0x7FF] =	sst s3;
	s7 =	sadd.s32 $0x1C00, s0  }
0xb: {  	s4 =	sor.u32 s1, s4;
	_ =	strace $0x80000047;
	s1 =	ssub.s32 $0x2, s1  }
0xc: {  	s5 =	sshll.u32 s4, $0xE;
	s23 =	sshll.u32 s4, $0xC;
	s24 =	sshrl.u32 s1, $0x1  }
0xd: {  	v0 =	vimm.s32 $0x7;
	s8 =	sshll.u32 s4, $0xD;
	s4 =	sshll.u32 s4, $0xB;
	s6 =	sadd.s32 s5, s0  }
0xe: {  	v1 =	vimm.s32 $0x1;
	v2 =	vimm.s32 $0x0;
	v3 =	vlaneseq.u32;
	s0 =	sadd.s32 s23, s0;
	s1 =	ssub.s32 s1, s24;
	s25 =	sadd.s32 s7, s8  }
.Ltmp0:
0xf: {  	vm0 =	vmmov $0x1;
	v4 =	vimm.s32 $0x2;
	v5 =	vimm.s32 $0x3;
	s5 =	sadd.s32 $0x80, s2;
	s4 =	sadd.s32 s4, s7;
	(pc) =	sbr.rel .LBB2_1-.Ltmp0, $4  }
0x10: {  	v6 =	vimm.s32 $0x4;
	v7 =	vimm.s32 $0x5;
	v8 =	vimm.s32 $0x6;
	s23 =	simm.s32 $0x16A00;
	s24 =	simm.s32 $0x16A80;
	[dreg:$0x3] =	wrdreg s25  }
0x11: {  	v9 =	vimm.s32 $0x8;
	v10 =	vimm.s32 $0x9;
	v11 =	vimm.s32 $0xA;
	s6 =	sadd.s32 $0x51420, s6;
	s4 =	sadd.s32 $0x40000, s4;
	s8 =	sadd.s32 $0xD1420, s0  }
0x12: {  	v12 =	vimm.s32 $0xB;
	v13 =	vimm.s32 $0xC;
	v14 =	vimm.s32 $0xD;
	s26 =	smax.u32 s1, $0x1;
	s25 =	simm.s32 $0x16B00;
	[dreg:$0x4] =	wrdreg s4  }
0x13: {  	v15 =	vimm.s32 $0xE;
	v16 =	vimm.s32 $0xF;
	v3 =	vmul.u32 $0x8, v3;
	s1 =	simm.s32 $0x0;
	[dreg:$0x5] =	wrdreg s26;
	s26 =	simm.s32 $0x16B80  }
.LBB2_21:
0x14: {  	s1 =	rddreg [dreg:$0x6]  }
0x15: {  	s0 =	rddreg [dreg:$0x5];
	s1 =	sadd.s32 $0x1, s1  }
0x16: {  	p0 =	sne.s32 s1, s0  }
.Ltmp1:
0x17: {  	_ = 	snop;
	(pc) =	sbr.rel @!p0 .LBB2_22-.Ltmp1, $1  }
0x18: {  	_ =	sdelay $0x3  }
.LBB2_1:
0x19: {  	[dreg:$0x6] =	wrdreg s1  }
0x1a: {  	s0 =	rddreg [dreg:$0x3];
	s7 =	simm.s32 $0x3  }
0x1b: {  	[tilespmem:s3], [sflag:$0x3] =	stream.linear.gather [hbm4b:s0+s3], $0x10000, $0x38;
	[tilespmem:$0x1B000] =	vst v63  }
0x1c: {  	_ =	swait.ge [sflag:s7], $0x10000  }
0x1d: {  	[sflag:s7] =	ssyncset.done $0x0  }
0x1e: {  	[sflag:s7] =	ssyncadd.s32 $0xFFFF0000  }
0x1f: {  	v17 =	vld [tilespmem:$0x0];
	_ =	sdelay $0x4  }
0x20: {  	v18 =	vshll.u32 v17, $0x1  }
0x21: {  	v17 =	vand.u32 $0x7, v17;
	v18 =	vand.u32 $0xFFFFFFF0, v18  }
0x22: {  	v17 =	vor.u32 v17, v18  }
0x23: {  	v18 =	vperm.xlane v17, v2;
	_ =	sdelay $0x1  }
0x24: {  	v19 =	vperm.xlane v17, v1;
	v18 =	vadd.s32 v3, v18;
	_ =	sdelay $0x1  }
0x25: {  	v20 =	vperm.xlane v17, v4;
	v19 =	vadd.s32 v3, v19;
	_ =	sdelay $0x1  }
0x26: {  	s9 =	simm.s32 $0x10000;
	v21 =	vperm.xlane v17, v5;
	v20 =	vadd.s32 v3, v20  }
0x27: {  	[tilespmem:s9], [sflag:$0x1] =	stream.indirect_vreg.gather [hbm4b:s2+s3], $0x80, v18, vm0, $0xb8;
	[tilespmem:$0x1B000] =	vst v63  }
0x28: {  	s10 =	simm.s32 $0x10080;
	v62 =	vperm.xlane v17, v6;
	v18 =	vadd.s32 v3, v21  }
0x29: {  	[tilespmem:s10], [sflag:$0x1] =	stream.indirect_vreg.gather [hbm4b:s2+s3], $0x80, v19, vm0, $0xb8;
	[tilespmem:$0x1B000] =	vst v63  }
0x2a: {  	s1 =	simm.s32 $0x10100;
	v63 =	vperm.xlane v17, v7;
	v19 =	vadd.s32 v3, v62  }
0x2b: {  	[tilespmem:s1], [sflag:$0x1] =	stream.indirect_vreg.gather [hbm4b:s2+s3], $0x80, v20, vm0, $0xb8;
	[tilespmem:$0x1B000] =	vst v63  }
0x2c: {  	s4 =	simm.s32 $0x10180;
	v25 =	vperm.xlane v17, v8;
	v24 =	vadd.s32 v3, v63  }
0x2d: {  	[tilespmem:s4], [sflag:$0x1] =	stream.indirect_vreg.gather [hbm4b:s2+s3], $0x80, v18, vm0, $0xb8;
	[tilespmem:$0x1B000] =	vst v63  }
0x2e: {  	s7 =	simm.s32 $0x10200;
	v26 =	vperm.xlane v17, v0;
	v18 =	vadd.s32 v3, v25  }
0x2f: {  	[tilespmem:s7], [sflag:$0x1] =	stream.indirect_vreg.gather [hbm4b:s2+s3], $0x80, v19, vm0, $0xb8;
	[tilespmem:$0x1B000] =	vst v63  }
0x30: {  	v27 =	vperm.xlane v17, v9;
	s9 =	simm.s32 $0x10280;
	v19 =	vadd.s32 v3, v26  }
0x31: {  	[tilespmem:s9], [sflag:$0x1] =	stream.indirect_vreg.gather [hbm4b:s2+s3], $0x80, v24, vm0, $0xb8;
	[tilespmem:$0x1B000] =	vst v63  }
0x32: {  	v29 =	vperm.xlane v17, v10;
	v28 =	vadd.s32 v3, v27;
	s10 =	simm.s32 $0x10300  }
0x33: {  	[tilespmem:s10], [sflag:$0x1] =	stream.indirect_vreg.gather [hbm4b:s2+s3], $0x80, v18, vm0, $0xb8;
	[tilespmem:$0x1B000] =	vst v63  }
0x34: {  	v30 =	vperm.xlane v17, v11;
	s1 =	simm.s32 $0x10380;
	v18 =	vadd.s32 v3, v29  }
0x35: {  	[tilespmem:s1], [sflag:$0x1] =	stream.indirect_vreg.gather [hbm4b:s2+s3], $0x80, v19, vm0, $0xb8;
	[tilespmem:$0x1B000] =	vst v63  }
0x36: {  	v31 =	vperm.xlane v17, v12;
	s4 =	simm.s32 $0x10400;
	v19 =	vadd.s32 v3, v30  }
0x37: {  	[tilespmem:s4], [sflag:$0x1] =	stream.indirect_vreg.gather [hbm4b:s2+s3], $0x80, v28, vm0, $0xb8;
	[tilespmem:$0x1B000] =	vst v63  }
0x38: {  	v33 =	vperm.xlane v17, v13;
	v32 =	vadd.s32 v3, v31;
	s7 =	simm.s32 $0x10480  }
0x39: {  	[tilespmem:s7], [sflag:$0x1] =	stream.indirect_vreg.gather [hbm4b:s2+s3], $0x80, v18, vm0, $0xb8;
	[tilespmem:$0x1B000] =	vst v63  }
0x3a: {  	v34 =	vperm.xlane v17, v14;
	s9 =	simm.s32 $0x10500;
	v18 =	vadd.s32 v3, v33  }
0x3b: {  	[tilespmem:s9], [sflag:$0x1] =	stream.indirect_vreg.gather [hbm4b:s2+s3], $0x80, v19, vm0, $0xb8;
	[tilespmem:$0x1B000] =	vst v63  }
0x3c: {  	v35 =	vperm.xlane v17, v15;
	s10 =	simm.s32 $0x10580;
	v19 =	vadd.s32 v3, v34  }
0x3d: {  	[tilespmem:s10], [sflag:$0x1] =	stream.indirect_vreg.gather [hbm4b:s2+s3], $0x80, v32, vm0, $0xb8;
	[tilespmem:$0x1B000] =	vst v63  }
0x3e: {  	v17 =	vperm.xlane v17, v16;
	v36 =	vadd.s32 v3, v35;
	s1 =	simm.s32 $0x10600  }
0x3f: {  	[tilespmem:s1], [sflag:$0x1] =	stream.indirect_vreg.gather [hbm4b:s2+s3], $0x80, v18, vm0, $0xb8;
	[tilespmem:$0x1B000] =	vst v63  }
0x40: {  	v17 =	vadd.s32 v3, v17;
	s4 =	simm.s32 $0x10680  }
0x41: {  	[tilespmem:s4], [sflag:$0x1] =	stream.indirect_vreg.gather [hbm4b:s2+s3], $0x80, v19, vm0, $0xb8;
	[tilespmem:$0x1B000] =	vst v63  }
0x42: {  	s7 =	simm.s32 $0x10700  }
0x43: {  	[tilespmem:s7], [sflag:$0x1] =	stream.indirect_vreg.gather [hbm4b:s2+s3], $0x80, v36, vm0, $0xb8;
	[tilespmem:$0x1B000] =	vst v63  }
0x44: {  	s9 =	simm.s32 $0x10780  }
0x45: {  	[tilespmem:s9], [sflag:$0x1] =	stream.indirect_vreg.gather [hbm4b:s2+s3], $0x80, v17, vm0, $0xb8;
	[tilespmem:$0x1B000] =	vst v63  }
0x46: {  	v17 =	vld [tilespmem:$0x10];
	_ =	sdelay $0x4  }
0x47: {  	v18 =	vshll.u32 v17, $0x1  }
0x48: {  	v17 =	vand.u32 $0x7, v17;
	v18 =	vand.u32 $0xFFFFFFF0, v18  }
0x49: {  	v17 =	vor.u32 v17, v18  }
0x4a: {  	v18 =	vperm.xlane v17, v2;
	_ =	sdelay $0x1  }
0x4b: {  	v19 =	vperm.xlane v17, v1;
	v18 =	vadd.s32 v3, v18;
	_ =	sdelay $0x1  }
0x4c: {  	v37 =	vperm.xlane v17, v4;
	v19 =	vadd.s32 v3, v19;
	_ =	sdelay $0x1  }
0x4d: {  	s10 =	simm.s32 $0x10800;
	v38 =	vperm.xlane v17, v5;
	v20 =	vadd.s32 v3, v37  }
0x4e: {  	[tilespmem:s10], [sflag:$0x1] =	stream.indirect_vreg.gather [hbm4b:s2+s3], $0x80, v18, vm0, $0xb8;
	[tilespmem:$0x1B000] =	vst v63  }
0x4f: {  	s1 =	simm.s32 $0x10880;
	v39 =	vperm.xlane v17, v6;
	v18 =	vadd.s32 v3, v38  }
0x50: {  	[tilespmem:s1], [sflag:$0x1] =	stream.indirect_vreg.gather [hbm4b:s2+s3], $0x80, v19, vm0, $0xb8;
	[tilespmem:$0x1B000] =	vst v63  }
0x51: {  	s4 =	simm.s32 $0x10900;
	v40 =	vperm.xlane v17, v7;
	v19 =	vadd.s32 v3, v39  }
0x52: {  	[tilespmem:s4], [sflag:$0x1] =	stream.indirect_vreg.gather [hbm4b:s2+s3], $0x80, v20, vm0, $0xb8;
	[tilespmem:$0x1B000] =	vst v63  }
0x53: {  	s7 =	simm.s32 $0x10980;
	v42 =	vperm.xlane v17, v8;
	v41 =	vadd.s32 v3, v40  }
0x54: {  	[tilespmem:s7], [sflag:$0x1] =	stream.indirect_vreg.gather [hbm4b:s2+s3], $0x80, v18, vm0, $0xb8;
	[tilespmem:$0x1B000] =	vst v63  }
0x55: {  	s9 =	simm.s32 $0x10A00;
	v43 =	vperm.xlane v17, v0;
	v18 =	vadd.s32 v3, v42  }
0x56: {  	[tilespmem:s9], [sflag:$0x1] =	stream.indirect_vreg.gather [hbm4b:s2+s3], $0x80, v19, vm0, $0xb8;
	[tilespmem:$0x1B000] =	vst v63  }
0x57: {  	v44 =	vperm.xlane v17, v9;
	s10 =	simm.s32 $0x10A80;
	v19 =	vadd.s32 v3, v43  }
0x58: {  	[tilespmem:s10], [sflag:$0x1] =	stream.indirect_vreg.gather [hbm4b:s2+s3], $0x80, v41, vm0, $0xb8;
	[tilespmem:$0x1B000] =	vst v63  }
0x59: {  	v46 =	vperm.xlane v17, v10;
	v45 =	vadd.s32 v3, v44;
	s1 =	simm.s32 $0x10B00  }
0x5a: {  	[tilespmem:s1], [sflag:$0x1] =	stream.indirect_vreg.gather [hbm4b:s2+s3], $0x80, v18, vm0, $0xb8;
	[tilespmem:$0x1B000] =	vst v63  }
0x5b: {  	v47 =	vperm.xlane v17, v11;
	s4 =	simm.s32 $0x10B80;
	v18 =	vadd.s32 v3, v46  }
0x5c: {  	[tilespmem:s4], [sflag:$0x1] =	stream.indirect_vreg.gather [hbm4b:s2+s3], $0x80, v19, vm0, $0xb8;
	[tilespmem:$0x1B000] =	vst v63  }
0x5d: {  	v48 =	vperm.xlane v17, v12;
	s7 =	simm.s32 $0x10C00;
	v19 =	vadd.s32 v3, v47  }
0x5e: {  	[tilespmem:s7], [sflag:$0x1] =	stream.indirect_vreg.gather [hbm4b:s2+s3], $0x80, v45, vm0, $0xb8;
	[tilespmem:$0x1B000] =	vst v63  }
0x5f: {  	v50 =	vperm.xlane v17, v13;
	v49 =	vadd.s32 v3, v48;
	s9 =	simm.s32 $0x10C80  }
0x60: {  	[tilespmem:s9], [sflag:$0x1] =	stream.indirect_vreg.gather [hbm4b:s2+s3], $0x80, v18, vm0, $0xb8;
	[tilespmem:$0x1B000] =	vst v63  }
0x61: {  	v51 =	vperm.xlane v17, v14;
	s10 =	simm.s32 $0x10D00;
	v18 =	vadd.s32 v3, v50  }
0x62: {  	[tilespmem:s10], [sflag:$0x1] =	stream.indirect_vreg.gather [hbm4b:s2+s3], $0x80, v19, vm0, $0xb8;
	[tilespmem:$0x1B000] =	vst v63  }
0x63: {  	v52 =	vperm.xlane v17, v15;
	s1 =	simm.s32 $0x10D80;
	v19 =	vadd.s32 v3, v51  }
0x64: {  	[tilespmem:s1], [sflag:$0x1] =	stream.indirect_vreg.gather [hbm4b:s2+s3], $0x80, v49, vm0, $0xb8;
	[tilespmem:$0x1B000] =	vst v63  }
0x65: {  	v17 =	vperm.xlane v17, v16;
	v53 =	vadd.s32 v3, v52;
	s4 =	simm.s32 $0x10E00  }
0x66: {  	[tilespmem:s4], [sflag:$0x1] =	stream.indirect_vreg.gather [hbm4b:s2+s3], $0x80, v18, vm0, $0xb8;
	[tilespmem:$0x1B000] =	vst v63  }
0x67: {  	v17 =	vadd.s32 v3, v17;
	s7 =	simm.s32 $0x10E80  }
0x68: {  	[tilespmem:s7], [sflag:$0x1] =	stream.indirect_vreg.gather [hbm4b:s2+s3], $0x80, v19, vm0, $0xb8;
	[tilespmem:$0x1B000] =	vst v63  }
0x69: {  	s9 =	simm.s32 $0x10F00  }
0x6a: {  	[tilespmem:s9], [sflag:$0x1] =	stream.indirect_vreg.gather [hbm4b:s2+s3], $0x80, v53, vm0, $0xb8;
	[tilespmem:$0x1B000] =	vst v63  }
0x6b: {  	s10 =	simm.s32 $0x10F80  }
0x6c: {  	[tilespmem:s10], [sflag:$0x1] =	stream.indirect_vreg.gather [hbm4b:s2+s3], $0x80, v17, vm0, $0xb8;
	[tilespmem:$0x1B000] =	vst v63  }
0x6d: {  	v17 =	vld [tilespmem:$0x20];
	_ =	sdelay $0x4  }
0x6e: {  	v18 =	vshll.u32 v17, $0x1  }
0x6f: {  	v17 =	vand.u32 $0x7, v17;
	v18 =	vand.u32 $0xFFFFFFF0, v18  }
0x70: {  	v17 =	vor.u32 v17, v18  }
0x71: {  	v18 =	vperm.xlane v17, v2;
	_ =	sdelay $0x1  }
0x72: {  	v19 =	vperm.xlane v17, v1;
	v18 =	vadd.s32 v3, v18;
	_ =	sdelay $0x1  }
0x73: {  	v54 =	vperm.xlane v17, v4;
	v19 =	vadd.s32 v3, v19;
	_ =	sdelay $0x1  }
0x74: {  	s1 =	simm.s32 $0x11000;
	v55 =	vperm.xlane v17, v5;
	v20 =	vadd.s32 v3, v54  }
0x75: {  	[tilespmem:s1], [sflag:$0x1] =	stream.indirect_vreg.gather [hbm4b:s2+s3], $0x80, v18, vm0, $0xb8;
	[tilespmem:$0x1B000] =	vst v63  }
0x76: {  	s4 =	simm.s32 $0x11080;
	v56 =	vperm.xlane v17, v6;
	v18 =	vadd.s32 v3, v55  }
0x77: {  	[tilespmem:s4], [sflag:$0x1] =	stream.indirect_vreg.gather [hbm4b:s2+s3], $0x80, v19, vm0, $0xb8;
	[tilespmem:$0x1B000] =	vst v63  }
0x78: {  	s7 =	simm.s32 $0x11100;
	v57 =	vperm.xlane v17, v7;
	v19 =	vadd.s32 v3, v56  }
0x79: {  	[tilespmem:s7], [sflag:$0x1] =	stream.indirect_vreg.gather [hbm4b:s2+s3], $0x80, v20, vm0, $0xb8;
	[tilespmem:$0x1B000] =	vst v63  }
0x7a: {  	s9 =	simm.s32 $0x11180;
	v59 =	vperm.xlane v17, v8;
	v58 =	vadd.s32 v3, v57  }
0x7b: {  	[tilespmem:s9], [sflag:$0x1] =	stream.indirect_vreg.gather [hbm4b:s2+s3], $0x80, v18, vm0, $0xb8;
	[tilespmem:$0x1B000] =	vst v63  }
0x7c: {  	s10 =	simm.s32 $0x11200;
	v60 =	vperm.xlane v17, v0;
	v18 =	vadd.s32 v3, v59  }
0x7d: {  	[tilespmem:s10], [sflag:$0x1] =	stream.indirect_vreg.gather [hbm4b:s2+s3], $0x80, v19, vm0, $0xb8;
	[tilespmem:$0x1B000] =	vst v63  }
0x7e: {  	v61 =	vperm.xlane v17, v9;
	s1 =	simm.s32 $0x11280;
	v19 =	vadd.s32 v3, v60  }
0x7f: {  	[tilespmem:s1], [sflag:$0x1] =	stream.indirect_vreg.gather [hbm4b:s2+s3], $0x80, v58, vm0, $0xb8;
	[tilespmem:$0x1B000] =	vst v63  }
0x80: {  	v63 =	vperm.xlane v17, v10;
	v62 =	vadd.s32 v3, v61;
	s4 =	simm.s32 $0x11300  }
0x81: {  	[tilespmem:s4], [sflag:$0x1] =	stream.indirect_vreg.gather [hbm4b:s2+s3], $0x80, v18, vm0, $0xb8;
	[tilespmem:$0x1B000] =	vst v63  }
0x82: {  	v24 =	vperm.xlane v17, v11;
	s7 =	simm.s32 $0x11380;
	v18 =	vadd.s32 v3, v63  }
0x83: {  	[tilespmem:s7], [sflag:$0x1] =	stream.indirect_vreg.gather [hbm4b:s2+s3], $0x80, v19, vm0, $0xb8;
	[tilespmem:$0x1B000] =	vst v63  }
0x84: {  	v25 =	vperm.xlane v17, v12;
	s9 =	simm.s32 $0x11400;
	v19 =	vadd.s32 v3, v24  }
0x85: {  	[tilespmem:s9], [sflag:$0x1] =	stream.indirect_vreg.gather [hbm4b:s2+s3], $0x80, v62, vm0, $0xb8;
	[tilespmem:$0x1B000] =	vst v63  }
0x86: {  	v27 =	vperm.xlane v17, v13;
	v26 =	vadd.s32 v3, v25;
	s10 =	simm.s32 $0x11480  }
0x87: {  	[tilespmem:s10], [sflag:$0x1] =	stream.indirect_vreg.gather [hbm4b:s2+s3], $0x80, v18, vm0, $0xb8;
	[tilespmem:$0x1B000] =	vst v63  }
0x88: {  	v28 =	vperm.xlane v17, v14;
	s1 =	simm.s32 $0x11500;
	v18 =	vadd.s32 v3, v27  }
0x89: {  	[tilespmem:s1], [sflag:$0x1] =	stream.indirect_vreg.gather [hbm4b:s2+s3], $0x80, v19, vm0, $0xb8;
	[tilespmem:$0x1B000] =	vst v63  }
0x8a: {  	v29 =	vperm.xlane v17, v15;
	s4 =	simm.s32 $0x11580;
	v19 =	vadd.s32 v3, v28  }
0x8b: {  	[tilespmem:s4], [sflag:$0x1] =	stream.indirect_vreg.gather [hbm4b:s2+s3], $0x80, v26, vm0, $0xb8;
	[tilespmem:$0x1B000] =	vst v63  }
0x8c: {  	v17 =	vperm.xlane v17, v16;
	v30 =	vadd.s32 v3, v29;
	s7 =	simm.s32 $0x11600  }
0x8d: {  	[tilespmem:s7], [sflag:$0x1] =	stream.indirect_vreg.gather [hbm4b:s2+s3], $0x80, v18, vm0, $0xb8;
	[tilespmem:$0x1B000] =	vst v63  }
0x8e: {  	v17 =	vadd.s32 v3, v17;
	s9 =	simm.s32 $0x11680  }
0x8f: {  	[tilespmem:s9], [sflag:$0x1] =	stream.indirect_vreg.gather [hbm4b:s2+s3], $0x80, v19, vm0, $0xb8;
	[tilespmem:$0x1B000] =	vst v63  }
0x90: {  	s10 =	simm.s32 $0x11700  }
0x91: {  	[tilespmem:s10], [sflag:$0x1] =	stream.indirect_vreg.gather [hbm4b:s2+s3], $0x80, v30, vm0, $0xb8;
	[tilespmem:$0x1B000] =	vst v63  }
0x92: {  	s1 =	simm.s32 $0x11780  }
0x93: {  	[tilespmem:s1], [sflag:$0x1] =	stream.indirect_vreg.gather [hbm4b:s2+s3], $0x80, v17, vm0, $0xb8;
	[tilespmem:$0x1B000] =	vst v63  }
0x94: {  	v17 =	vld.msk [tilespmem:$0x30], $0x3;
	_ =	sdelay $0x4  }
0x95: {  	v18 =	vshll.u32 v17, $0x1  }
0x96: {  	v17 =	vand.u32 $0x7, v17;
	v18 =	vand.u32 $0xFFFFFFF0, v18  }
0x97: {  	v17 =	vor.u32 v17, v18  }
0x98: {  	v18 =	vperm.xlane v17, v2;
	_ =	sdelay $0x1  }
0x99: {  	v17 =	vperm.xlane v17, v1;
	v18 =	vadd.s32 v3, v18;
	_ =	sdelay $0x1  }
0x9a: {  	v17 =	vadd.s32 v3, v17;
	_ =	sdelay $0x1  }
0x9b: {  	s4 =	simm.s32 $0x11800  }
0x9c: {  	[tilespmem:s4], [sflag:$0x1] =	stream.indirect_vreg.gather [hbm4b:s2+s3], $0x80, v18, vm0, $0xb8;
	[tilespmem:$0x1B000] =	vst v63  }
0x9d: {  	s7 =	simm.s32 $0x11880  }
0x9e: {  	[tilespmem:s7], [sflag:$0x1] =	stream.indirect_vreg.gather [hbm4b:s2+s3], $0x80, v17, vm0, $0xb8;
	[tilespmem:$0x1B000] =	vst v63  }
0x9f: {  	v17 =	vld [tilespmem:$0x0];
	_ =	sdelay $0x4  }
0xa0: {  	v18 =	vshll.u32 v17, $0x1  }
0xa1: {  	v17 =	vand.u32 $0x7, v17;
	v18 =	vand.u32 $0xFFFFFFF0, v18  }
0xa2: {  	v17 =	vor.u32 v17, v18  }
0xa3: {  	v18 =	vperm.xlane v17, v2;
	_ =	sdelay $0x1  }
0xa4: {  	v19 =	vperm.xlane v17, v1;
	v18 =	vadd.s32 v3, v18;
	_ =	sdelay $0x1  }
0xa5: {  	v31 =	vperm.xlane v17, v4;
	v19 =	vadd.s32 v3, v19;
	_ =	sdelay $0x1  }
0xa6: {  	s9 =	simm.s32 $0x11C00;
	v32 =	vperm.xlane v17, v5;
	v20 =	vadd.s32 v3, v31  }
0xa7: {  	[tilespmem:s9], [sflag:$0x1] =	stream.indirect_vreg.gather [hbm4b:s5+s3], $0x80, v18, vm0, $0xb8;
	[tilespmem:$0x1B000] =	vst v63  }
0xa8: {  	s10 =	simm.s32 $0x11C80;
	v33 =	vperm.xlane v17, v6;
	v18 =	vadd.s32 v3, v32  }
0xa9: {  	[tilespmem:s10], [sflag:$0x1] =	stream.indirect_vreg.gather [hbm4b:s5+s3], $0x80, v19, vm0, $0xb8;
	[tilespmem:$0x1B000] =	vst v63  }
0xaa: {  	s1 =	simm.s32 $0x11D00;
	v34 =	vperm.xlane v17, v7;
	v19 =	vadd.s32 v3, v33  }
0xab: {  	[tilespmem:s1], [sflag:$0x1] =	stream.indirect_vreg.gather [hbm4b:s5+s3], $0x80, v20, vm0, $0xb8;
	[tilespmem:$0x1B000] =	vst v63  }
0xac: {  	s4 =	simm.s32 $0x11D80;
	v36 =	vperm.xlane v17, v8;
	v35 =	vadd.s32 v3, v34  }
0xad: {  	[tilespmem:s4], [sflag:$0x1] =	stream.indirect_vreg.gather [hbm4b:s5+s3], $0x80, v18, vm0, $0xb8;
	[tilespmem:$0x1B000] =	vst v63  }
0xae: {  	s7 =	simm.s32 $0x11E00;
	v37 =	vperm.xlane v17, v0;
	v18 =	vadd.s32 v3, v36  }
0xaf: {  	[tilespmem:s7], [sflag:$0x1] =	stream.indirect_vreg.gather [hbm4b:s5+s3], $0x80, v19, vm0, $0xb8;
	[tilespmem:$0x1B000] =	vst v63  }
0xb0: {  	v38 =	vperm.xlane v17, v9;
	s9 =	simm.s32 $0x11E80;
	v19 =	vadd.s32 v3, v37  }
0xb1: {  	[tilespmem:s9], [sflag:$0x1] =	stream.indirect_vreg.gather [hbm4b:s5+s3], $0x80, v35, vm0, $0xb8;
	[tilespmem:$0x1B000] =	vst v63  }
0xb2: {  	v40 =	vperm.xlane v17, v10;
	v39 =	vadd.s32 v3, v38;
	s10 =	simm.s32 $0x11F00  }
0xb3: {  	[tilespmem:s10], [sflag:$0x1] =	stream.indirect_vreg.gather [hbm4b:s5+s3], $0x80, v18, vm0, $0xb8;
	[tilespmem:$0x1B000] =	vst v63  }
0xb4: {  	v41 =	vperm.xlane v17, v11;
	s1 =	simm.s32 $0x11F80;
	v18 =	vadd.s32 v3, v40  }
0xb5: {  	[tilespmem:s1], [sflag:$0x1] =	stream.indirect_vreg.gather [hbm4b:s5+s3], $0x80, v19, vm0, $0xb8;
	[tilespmem:$0x1B000] =	vst v63  }
0xb6: {  	v42 =	vperm.xlane v17, v12;
	s4 =	simm.s32 $0x12000;
	v19 =	vadd.s32 v3, v41  }
0xb7: {  	[tilespmem:s4], [sflag:$0x1] =	stream.indirect_vreg.gather [hbm4b:s5+s3], $0x80, v39, vm0, $0xb8;
	[tilespmem:$0x1B000] =	vst v63  }
0xb8: {  	v44 =	vperm.xlane v17, v13;
	v43 =	vadd.s32 v3, v42;
	s7 =	simm.s32 $0x12080  }
0xb9: {  	[tilespmem:s7], [sflag:$0x1] =	stream.indirect_vreg.gather [hbm4b:s5+s3], $0x80, v18, vm0, $0xb8;
	[tilespmem:$0x1B000] =	vst v63  }
0xba: {  	v45 =	vperm.xlane v17, v14;
	s9 =	simm.s32 $0x12100;
	v18 =	vadd.s32 v3, v44  }
0xbb: {  	[tilespmem:s9], [sflag:$0x1] =	stream.indirect_vreg.gather [hbm4b:s5+s3], $0x80, v19, vm0, $0xb8;
	[tilespmem:$0x1B000] =	vst v63  }
0xbc: {  	v46 =	vperm.xlane v17, v15;
	s10 =	simm.s32 $0x12180;
	v19 =	vadd.s32 v3, v45  }
0xbd: {  	[tilespmem:s10], [sflag:$0x1] =	stream.indirect_vreg.gather [hbm4b:s5+s3], $0x80, v43, vm0, $0xb8;
	[tilespmem:$0x1B000] =	vst v63  }
0xbe: {  	v17 =	vperm.xlane v17, v16;
	v47 =	vadd.s32 v3, v46;
	s1 =	simm.s32 $0x12200  }
0xbf: {  	[tilespmem:s1], [sflag:$0x1] =	stream.indirect_vreg.gather [hbm4b:s5+s3], $0x80, v18, vm0, $0xb8;
	[tilespmem:$0x1B000] =	vst v63  }
0xc0: {  	v17 =	vadd.s32 v3, v17;
	s4 =	simm.s32 $0x12280  }
0xc1: {  	[tilespmem:s4], [sflag:$0x1] =	stream.indirect_vreg.gather [hbm4b:s5+s3], $0x80, v19, vm0, $0xb8;
	[tilespmem:$0x1B000] =	vst v63  }
0xc2: {  	s7 =	simm.s32 $0x12300  }
0xc3: {  	[tilespmem:s7], [sflag:$0x1] =	stream.indirect_vreg.gather [hbm4b:s5+s3], $0x80, v47, vm0, $0xb8;
	[tilespmem:$0x1B000] =	vst v63  }
0xc4: {  	s9 =	simm.s32 $0x12380  }
0xc5: {  	[tilespmem:s9], [sflag:$0x1] =	stream.indirect_vreg.gather [hbm4b:s5+s3], $0x80, v17, vm0, $0xb8;
	[tilespmem:$0x1B000] =	vst v63  }
0xc6: {  	v17 =	vld [tilespmem:$0x10];
	_ =	sdelay $0x4  }
0xc7: {  	v18 =	vshll.u32 v17, $0x1  }
0xc8: {  	v17 =	vand.u32 $0x7, v17;
	v18 =	vand.u32 $0xFFFFFFF0, v18  }
0xc9: {  	v17 =	vor.u32 v17, v18  }
0xca: {  	v18 =	vperm.xlane v17, v2;
	_ =	sdelay $0x1  }
0xcb: {  	v19 =	vperm.xlane v17, v1;
	v18 =	vadd.s32 v3, v18;
	_ =	sdelay $0x1  }
0xcc: {  	v48 =	vperm.xlane v17, v4;
	v19 =	vadd.s32 v3, v19;
	_ =	sdelay $0x1  }
0xcd: {  	s10 =	simm.s32 $0x12400;
	v49 =	vperm.xlane v17, v5;
	v20 =	vadd.s32 v3, v48  }
0xce: {  	[tilespmem:s10], [sflag:$0x1] =	stream.indirect_vreg.gather [hbm4b:s5+s3], $0x80, v18, vm0, $0xb8;
	[tilespmem:$0x1B000] =	vst v63  }
0xcf: {  	s1 =	simm.s32 $0x12480;
	v50 =	vperm.xlane v17, v6;
	v18 =	vadd.s32 v3, v49  }
0xd0: {  	[tilespmem:s1], [sflag:$0x1] =	stream.indirect_vreg.gather [hbm4b:s5+s3], $0x80, v19, vm0, $0xb8;
	[tilespmem:$0x1B000] =	vst v63  }
0xd1: {  	s4 =	simm.s32 $0x12500;
	v51 =	vperm.xlane v17, v7;
	v19 =	vadd.s32 v3, v50  }
0xd2: {  	[tilespmem:s4], [sflag:$0x1] =	stream.indirect_vreg.gather [hbm4b:s5+s3], $0x80, v20, vm0, $0xb8;
	[tilespmem:$0x1B000] =	vst v63  }
0xd3: {  	s7 =	simm.s32 $0x12580;
	v53 =	vperm.xlane v17, v8;
	v52 =	vadd.s32 v3, v51  }
0xd4: {  	[tilespmem:s7], [sflag:$0x1] =	stream.indirect_vreg.gather [hbm4b:s5+s3], $0x80, v18, vm0, $0xb8;
	[tilespmem:$0x1B000] =	vst v63  }
0xd5: {  	s9 =	simm.s32 $0x12600;
	v54 =	vperm.xlane v17, v0;
	v18 =	vadd.s32 v3, v53  }
0xd6: {  	[tilespmem:s9], [sflag:$0x1] =	stream.indirect_vreg.gather [hbm4b:s5+s3], $0x80, v19, vm0, $0xb8;
	[tilespmem:$0x1B000] =	vst v63  }
0xd7: {  	v55 =	vperm.xlane v17, v9;
	s10 =	simm.s32 $0x12680;
	v19 =	vadd.s32 v3, v54  }
0xd8: {  	[tilespmem:s10], [sflag:$0x1] =	stream.indirect_vreg.gather [hbm4b:s5+s3], $0x80, v52, vm0, $0xb8;
	[tilespmem:$0x1B000] =	vst v63  }
0xd9: {  	v57 =	vperm.xlane v17, v10;
	v56 =	vadd.s32 v3, v55;
	s1 =	simm.s32 $0x12700  }
0xda: {  	[tilespmem:s1], [sflag:$0x1] =	stream.indirect_vreg.gather [hbm4b:s5+s3], $0x80, v18, vm0, $0xb8;
	[tilespmem:$0x1B000] =	vst v63  }
0xdb: {  	v58 =	vperm.xlane v17, v11;
	s4 =	simm.s32 $0x12780;
	v18 =	vadd.s32 v3, v57  }
0xdc: {  	[tilespmem:s4], [sflag:$0x1] =	stream.indirect_vreg.gather [hbm4b:s5+s3], $0x80, v19, vm0, $0xb8;
	[tilespmem:$0x1B000] =	vst v63  }
0xdd: {  	v59 =	vperm.xlane v17, v12;
	s7 =	simm.s32 $0x12800;
	v19 =	vadd.s32 v3, v58  }
0xde: {  	[tilespmem:s7], [sflag:$0x1] =	stream.indirect_vreg.gather [hbm4b:s5+s3], $0x80, v56, vm0, $0xb8;
	[tilespmem:$0x1B000] =	vst v63  }
0xdf: {  	v61 =	vperm.xlane v17, v13;
	v60 =	vadd.s32 v3, v59;
	s9 =	simm.s32 $0x12880  }
0xe0: {  	[tilespmem:s9], [sflag:$0x1] =	stream.indirect_vreg.gather [hbm4b:s5+s3], $0x80, v18, vm0, $0xb8;
	[tilespmem:$0x1B000] =	vst v63  }
0xe1: {  	v62 =	vperm.xlane v17, v14;
	s10 =	simm.s32 $0x12900;
	v18 =	vadd.s32 v3, v61  }
0xe2: {  	[tilespmem:s10], [sflag:$0x1] =	stream.indirect_vreg.gather [hbm4b:s5+s3], $0x80, v19, vm0, $0xb8;
	[tilespmem:$0x1B000] =	vst v63  }
0xe3: {  	v63 =	vperm.xlane v17, v15;
	s1 =	simm.s32 $0x12980;
	v19 =	vadd.s32 v3, v62  }
0xe4: {  	[tilespmem:s1], [sflag:$0x1] =	stream.indirect_vreg.gather [hbm4b:s5+s3], $0x80, v60, vm0, $0xb8;
	[tilespmem:$0x1B000] =	vst v63  }
0xe5: {  	v17 =	vperm.xlane v17, v16;
	v24 =	vadd.s32 v3, v63;
	s4 =	simm.s32 $0x12A00  }
0xe6: {  	[tilespmem:s4], [sflag:$0x1] =	stream.indirect_vreg.gather [hbm4b:s5+s3], $0x80, v18, vm0, $0xb8;
	[tilespmem:$0x1B000] =	vst v63  }
0xe7: {  	v17 =	vadd.s32 v3, v17;
	s7 =	simm.s32 $0x12A80  }
0xe8: {  	[tilespmem:s7], [sflag:$0x1] =	stream.indirect_vreg.gather [hbm4b:s5+s3], $0x80, v19, vm0, $0xb8;
	[tilespmem:$0x1B000] =	vst v63  }
0xe9: {  	s9 =	simm.s32 $0x12B00  }
0xea: {  	[tilespmem:s9], [sflag:$0x1] =	stream.indirect_vreg.gather [hbm4b:s5+s3], $0x80, v24, vm0, $0xb8;
	[tilespmem:$0x1B000] =	vst v63  }
0xeb: {  	s10 =	simm.s32 $0x12B80  }
0xec: {  	[tilespmem:s10], [sflag:$0x1] =	stream.indirect_vreg.gather [hbm4b:s5+s3], $0x80, v17, vm0, $0xb8;
	[tilespmem:$0x1B000] =	vst v63  }
0xed: {  	v17 =	vld [tilespmem:$0x20];
	_ =	sdelay $0x4  }
0xee: {  	v18 =	vshll.u32 v17, $0x1  }
0xef: {  	v17 =	vand.u32 $0x7, v17;
	v18 =	vand.u32 $0xFFFFFFF0, v18  }
0xf0: {  	v17 =	vor.u32 v17, v18  }
0xf1: {  	v18 =	vperm.xlane v17, v2;
	_ =	sdelay $0x1  }
0xf2: {  	v19 =	vperm.xlane v17, v1;
	v18 =	vadd.s32 v3, v18;
	_ =	sdelay $0x1  }
0xf3: {  	v25 =	vperm.xlane v17, v4;
	v19 =	vadd.s32 v3, v19;
	_ =	sdelay $0x1  }
0xf4: {  	s1 =	simm.s32 $0x12C00;
	v26 =	vperm.xlane v17, v5;
	v20 =	vadd.s32 v3, v25  }
0xf5: {  	[tilespmem:s1], [sflag:$0x1] =	stream.indirect_vreg.gather [hbm4b:s5+s3], $0x80, v18, vm0, $0xb8;
	[tilespmem:$0x1B000] =	vst v63  }
0xf6: {  	s4 =	simm.s32 $0x12C80;
	v27 =	vperm.xlane v17, v6;
	v18 =	vadd.s32 v3, v26  }
0xf7: {  	[tilespmem:s4], [sflag:$0x1] =	stream.indirect_vreg.gather [hbm4b:s5+s3], $0x80, v19, vm0, $0xb8;
	[tilespmem:$0x1B000] =	vst v63  }
0xf8: {  	s7 =	simm.s32 $0x12D00;
	v28 =	vperm.xlane v17, v7;
	v19 =	vadd.s32 v3, v27  }
0xf9: {  	[tilespmem:s7], [sflag:$0x1] =	stream.indirect_vreg.gather [hbm4b:s5+s3], $0x80, v20, vm0, $0xb8;
	[tilespmem:$0x1B000] =	vst v63  }
0xfa: {  	s9 =	simm.s32 $0x12D80;
	v30 =	vperm.xlane v17, v8;
	v29 =	vadd.s32 v3, v28  }
0xfb: {  	[tilespmem:s9], [sflag:$0x1] =	stream.indirect_vreg.gather [hbm4b:s5+s3], $0x80, v18, vm0, $0xb8;
	[tilespmem:$0x1B000] =	vst v63  }
0xfc: {  	s10 =	simm.s32 $0x12E00;
	v31 =	vperm.xlane v17, v0;
	v18 =	vadd.s32 v3, v30  }
0xfd: {  	[tilespmem:s10], [sflag:$0x1] =	stream.indirect_vreg.gather [hbm4b:s5+s3], $0x80, v19, vm0, $0xb8;
	[tilespmem:$0x1B000] =	vst v63  }
0xfe: {  	v32 =	vperm.xlane v17, v9;
	s1 =	simm.s32 $0x12E80;
	v19 =	vadd.s32 v3, v31  }
0xff: {  	[tilespmem:s1], [sflag:$0x1] =	stream.indirect_vreg.gather [hbm4b:s5+s3], $0x80, v29, vm0, $0xb8;
	[tilespmem:$0x1B000] =	vst v63  }
0x100: {  	v34 =	vperm.xlane v17, v10;
	v33 =	vadd.s32 v3, v32;
	s4 =	simm.s32 $0x12F00  }
0x101: {  	[tilespmem:s4], [sflag:$0x1] =	stream.indirect_vreg.gather [hbm4b:s5+s3], $0x80, v18, vm0, $0xb8;
	[tilespmem:$0x1B000] =	vst v63  }
0x102: {  	v35 =	vperm.xlane v17, v11;
	s7 =	simm.s32 $0x12F80;
	v18 =	vadd.s32 v3, v34  }
0x103: {  	[tilespmem:s7], [sflag:$0x1] =	stream.indirect_vreg.gather [hbm4b:s5+s3], $0x80, v19, vm0, $0xb8;
	[tilespmem:$0x1B000] =	vst v63  }
0x104: {  	v36 =	vperm.xlane v17, v12;
	s9 =	simm.s32 $0x13000;
	v19 =	vadd.s32 v3, v35  }
0x105: {  	[tilespmem:s9], [sflag:$0x1] =	stream.indirect_vreg.gather [hbm4b:s5+s3], $0x80, v33, vm0, $0xb8;
	[tilespmem:$0x1B000] =	vst v63  }
0x106: {  	v38 =	vperm.xlane v17, v13;
	v37 =	vadd.s32 v3, v36;
	s10 =	simm.s32 $0x13080  }
0x107: {  	[tilespmem:s10], [sflag:$0x1] =	stream.indirect_vreg.gather [hbm4b:s5+s3], $0x80, v18, vm0, $0xb8;
	[tilespmem:$0x1B000] =	vst v63  }
0x108: {  	v39 =	vperm.xlane v17, v14;
	s1 =	simm.s32 $0x13100;
	v18 =	vadd.s32 v3, v38  }
0x109: {  	[tilespmem:s1], [sflag:$0x1] =	stream.indirect_vreg.gather [hbm4b:s5+s3], $0x80, v19, vm0, $0xb8;
	[tilespmem:$0x1B000] =	vst v63  }
0x10a: {  	v40 =	vperm.xlane v17, v15;
	s4 =	simm.s32 $0x13180;
	v19 =	vadd.s32 v3, v39  }
0x10b: {  	[tilespmem:s4], [sflag:$0x1] =	stream.indirect_vreg.gather [hbm4b:s5+s3], $0x80, v37, vm0, $0xb8;
	[tilespmem:$0x1B000] =	vst v63  }
0x10c: {  	v17 =	vperm.xlane v17, v16;
	v41 =	vadd.s32 v3, v40;
	s7 =	simm.s32 $0x13200  }
0x10d: {  	[tilespmem:s7], [sflag:$0x1] =	stream.indirect_vreg.gather [hbm4b:s5+s3], $0x80, v18, vm0, $0xb8;
	[tilespmem:$0x1B000] =	vst v63  }
0x10e: {  	v17 =	vadd.s32 v3, v17;
	s9 =	simm.s32 $0x13280  }
0x10f: {  	[tilespmem:s9], [sflag:$0x1] =	stream.indirect_vreg.gather [hbm4b:s5+s3], $0x80, v19, vm0, $0xb8;
	[tilespmem:$0x1B000] =	vst v63  }
0x110: {  	s10 =	simm.s32 $0x13300  }
0x111: {  	[tilespmem:s10], [sflag:$0x1] =	stream.indirect_vreg.gather [hbm4b:s5+s3], $0x80, v41, vm0, $0xb8;
	[tilespmem:$0x1B000] =	vst v63  }
0x112: {  	s1 =	simm.s32 $0x13380  }
0x113: {  	[tilespmem:s1], [sflag:$0x1] =	stream.indirect_vreg.gather [hbm4b:s5+s3], $0x80, v17, vm0, $0xb8;
	[tilespmem:$0x1B000] =	vst v63  }
0x114: {  	v17 =	vld.msk [tilespmem:$0x30], $0x3;
	_ =	sdelay $0x4  }
0x115: {  	v18 =	vshll.u32 v17, $0x1  }
0x116: {  	v17 =	vand.u32 $0x7, v17;
	v18 =	vand.u32 $0xFFFFFFF0, v18  }
0x117: {  	v17 =	vor.u32 v17, v18  }
0x118: {  	v18 =	vperm.xlane v17, v2;
	_ =	sdelay $0x1  }
0x119: {  	v17 =	vperm.xlane v17, v1;
	v18 =	vadd.s32 v3, v18;
	_ =	sdelay $0x1  }
0x11a: {  	v17 =	vadd.s32 v3, v17;
	_ =	sdelay $0x1  }
0x11b: {  	s4 =	simm.s32 $0x13400  }
0x11c: {  	[tilespmem:s4], [sflag:$0x1] =	stream.indirect_vreg.gather [hbm4b:s5+s3], $0x80, v18, vm0, $0xb8;
	[tilespmem:$0x1B000] =	vst v63  }
0x11d: {  	s7 =	simm.s32 $0x13480  }
0x11e: {  	[tilespmem:s7], [sflag:$0x1] =	stream.indirect_vreg.gather [hbm4b:s5+s3], $0x80, v17, vm0, $0xb8;
	[tilespmem:$0x1B000] =	vst v63  }
0x11f: {  	v17 =	vld [tilespmem:$0x80];
	_ =	sdelay $0x4  }
0x120: {  	v18 =	vshll.u32 v17, $0x1  }
0x121: {  	v17 =	vand.u32 $0x7, v17;
	v18 =	vand.u32 $0xFFFFFFF0, v18  }
0x122: {  	v17 =	vor.u32 v17, v18  }
0x123: {  	v18 =	vperm.xlane v17, v2;
	_ =	sdelay $0x1  }
0x124: {  	v19 =	vperm.xlane v17, v1;
	v18 =	vadd.s32 v3, v18;
	_ =	sdelay $0x1  }
0x125: {  	v42 =	vperm.xlane v17, v4;
	v19 =	vadd.s32 v3, v19;
	_ =	sdelay $0x1  }
0x126: {  	s9 =	simm.s32 $0x13800;
	v43 =	vperm.xlane v17, v5;
	v20 =	vadd.s32 v3, v42  }
0x127: {  	[tilespmem:s9], [sflag:$0x2] =	stream.indirect_vreg.gather [hbm4b:s2+s3], $0x80, v18, vm0, $0xb8;
	[tilespmem:$0x1B000] =	vst v63  }
0x128: {  	s10 =	simm.s32 $0x13880;
	v44 =	vperm.xlane v17, v6;
	v18 =	vadd.s32 v3, v43  }
0x129: {  	[tilespmem:s10], [sflag:$0x2] =	stream.indirect_vreg.gather [hbm4b:s2+s3], $0x80, v19, vm0, $0xb8;
	[tilespmem:$0x1B000] =	vst v63  }
0x12a: {  	s1 =	simm.s32 $0x13900;
	v45 =	vperm.xlane v17, v7;
	v19 =	vadd.s32 v3, v44  }
0x12b: {  	[tilespmem:s1], [sflag:$0x2] =	stream.indirect_vreg.gather [hbm4b:s2+s3], $0x80, v20, vm0, $0xb8;
	[tilespmem:$0x1B000] =	vst v63  }
0x12c: {  	s4 =	simm.s32 $0x13980;
	v47 =	vperm.xlane v17, v8;
	v46 =	vadd.s32 v3, v45  }
0x12d: {  	[tilespmem:s4], [sflag:$0x2] =	stream.indirect_vreg.gather [hbm4b:s2+s3], $0x80, v18, vm0, $0xb8;
	[tilespmem:$0x1B000] =	vst v63  }
0x12e: {  	s7 =	simm.s32 $0x13A00;
	v48 =	vperm.xlane v17, v0;
	v18 =	vadd.s32 v3, v47  }
0x12f: {  	[tilespmem:s7], [sflag:$0x2] =	stream.indirect_vreg.gather [hbm4b:s2+s3], $0x80, v19, vm0, $0xb8;
	[tilespmem:$0x1B000] =	vst v63  }
0x130: {  	v49 =	vperm.xlane v17, v9;
	s9 =	simm.s32 $0x13A80;
	v19 =	vadd.s32 v3, v48  }
0x131: {  	[tilespmem:s9], [sflag:$0x2] =	stream.indirect_vreg.gather [hbm4b:s2+s3], $0x80, v46, vm0, $0xb8;
	[tilespmem:$0x1B000] =	vst v63  }
0x132: {  	v51 =	vperm.xlane v17, v10;
	v50 =	vadd.s32 v3, v49;
	s10 =	simm.s32 $0x13B00  }
0x133: {  	[tilespmem:s10], [sflag:$0x2] =	stream.indirect_vreg.gather [hbm4b:s2+s3], $0x80, v18, vm0, $0xb8;
	[tilespmem:$0x1B000] =	vst v63  }
0x134: {  	v52 =	vperm.xlane v17, v11;
	s1 =	simm.s32 $0x13B80;
	v18 =	vadd.s32 v3, v51  }
0x135: {  	[tilespmem:s1], [sflag:$0x2] =	stream.indirect_vreg.gather [hbm4b:s2+s3], $0x80, v19, vm0, $0xb8;
	[tilespmem:$0x1B000] =	vst v63  }
0x136: {  	v53 =	vperm.xlane v17, v12;
	s4 =	simm.s32 $0x13C00;
	v19 =	vadd.s32 v3, v52  }
0x137: {  	[tilespmem:s4], [sflag:$0x2] =	stream.indirect_vreg.gather [hbm4b:s2+s3], $0x80, v50, vm0, $0xb8;
	[tilespmem:$0x1B000] =	vst v63  }
0x138: {  	v55 =	vperm.xlane v17, v13;
	v54 =	vadd.s32 v3, v53;
	s7 =	simm.s32 $0x13C80  }
0x139: {  	[tilespmem:s7], [sflag:$0x2] =	stream.indirect_vreg.gather [hbm4b:s2+s3], $0x80, v18, vm0, $0xb8;
	[tilespmem:$0x1B000] =	vst v63  }
0x13a: {  	v56 =	vperm.xlane v17, v14;
	s9 =	simm.s32 $0x13D00;
	v18 =	vadd.s32 v3, v55  }
0x13b: {  	[tilespmem:s9], [sflag:$0x2] =	stream.indirect_vreg.gather [hbm4b:s2+s3], $0x80, v19, vm0, $0xb8;
	[tilespmem:$0x1B000] =	vst v63  }
0x13c: {  	v57 =	vperm.xlane v17, v15;
	s10 =	simm.s32 $0x13D80;
	v19 =	vadd.s32 v3, v56  }
0x13d: {  	[tilespmem:s10], [sflag:$0x2] =	stream.indirect_vreg.gather [hbm4b:s2+s3], $0x80, v54, vm0, $0xb8;
	[tilespmem:$0x1B000] =	vst v63  }
0x13e: {  	v17 =	vperm.xlane v17, v16;
	v58 =	vadd.s32 v3, v57;
	s1 =	simm.s32 $0x13E00  }
0x13f: {  	[tilespmem:s1], [sflag:$0x2] =	stream.indirect_vreg.gather [hbm4b:s2+s3], $0x80, v18, vm0, $0xb8;
	[tilespmem:$0x1B000] =	vst v63  }
0x140: {  	v17 =	vadd.s32 v3, v17;
	s4 =	simm.s32 $0x13E80  }
0x141: {  	[tilespmem:s4], [sflag:$0x2] =	stream.indirect_vreg.gather [hbm4b:s2+s3], $0x80, v19, vm0, $0xb8;
	[tilespmem:$0x1B000] =	vst v63  }
0x142: {  	s7 =	simm.s32 $0x13F00  }
0x143: {  	[tilespmem:s7], [sflag:$0x2] =	stream.indirect_vreg.gather [hbm4b:s2+s3], $0x80, v58, vm0, $0xb8;
	[tilespmem:$0x1B000] =	vst v63  }
0x144: {  	s9 =	simm.s32 $0x13F80  }
0x145: {  	[tilespmem:s9], [sflag:$0x2] =	stream.indirect_vreg.gather [hbm4b:s2+s3], $0x80, v17, vm0, $0xb8;
	[tilespmem:$0x1B000] =	vst v63  }
0x146: {  	v17 =	vld [tilespmem:$0x90];
	_ =	sdelay $0x4  }
0x147: {  	v18 =	vshll.u32 v17, $0x1  }
0x148: {  	v17 =	vand.u32 $0x7, v17;
	v18 =	vand.u32 $0xFFFFFFF0, v18  }
0x149: {  	v17 =	vor.u32 v17, v18  }
0x14a: {  	v18 =	vperm.xlane v17, v2;
	_ =	sdelay $0x1  }
0x14b: {  	v19 =	vperm.xlane v17, v1;
	v18 =	vadd.s32 v3, v18;
	_ =	sdelay $0x1  }
0x14c: {  	v59 =	vperm.xlane v17, v4;
	v19 =	vadd.s32 v3, v19;
	_ =	sdelay $0x1  }
0x14d: {  	s10 =	simm.s32 $0x14000;
	v60 =	vperm.xlane v17, v5;
	v20 =	vadd.s32 v3, v59  }
0x14e: {  	[tilespmem:s10], [sflag:$0x2] =	stream.indirect_vreg.gather [hbm4b:s2+s3], $0x80, v18, vm0, $0xb8;
	[tilespmem:$0x1B000] =	vst v63  }
0x14f: {  	s1 =	simm.s32 $0x14080;
	v61 =	vperm.xlane v17, v6;
	v18 =	vadd.s32 v3, v60  }
0x150: {  	[tilespmem:s1], [sflag:$0x2] =	stream.indirect_vreg.gather [hbm4b:s2+s3], $0x80, v19, vm0, $0xb8;
	[tilespmem:$0x1B000] =	vst v63  }
0x151: {  	s4 =	simm.s32 $0x14100;
	v62 =	vperm.xlane v17, v7;
	v19 =	vadd.s32 v3, v61  }
0x152: {  	[tilespmem:s4], [sflag:$0x2] =	stream.indirect_vreg.gather [hbm4b:s2+s3], $0x80, v20, vm0, $0xb8;
	[tilespmem:$0x1B000] =	vst v63  }
0x153: {  	s7 =	simm.s32 $0x14180;
	v24 =	vperm.xlane v17, v8;
	v63 =	vadd.s32 v3, v62  }
0x154: {  	[tilespmem:s7], [sflag:$0x2] =	stream.indirect_vreg.gather [hbm4b:s2+s3], $0x80, v18, vm0, $0xb8;
	[tilespmem:$0x1B000] =	vst v63  }
0x155: {  	s9 =	simm.s32 $0x14200;
	v25 =	vperm.xlane v17, v0;
	v18 =	vadd.s32 v3, v24  }
0x156: {  	[tilespmem:s9], [sflag:$0x2] =	stream.indirect_vreg.gather [hbm4b:s2+s3], $0x80, v19, vm0, $0xb8;
	[tilespmem:$0x1B000] =	vst v63  }
0x157: {  	v26 =	vperm.xlane v17, v9;
	s10 =	simm.s32 $0x14280;
	v19 =	vadd.s32 v3, v25  }
0x158: {  	[tilespmem:s10], [sflag:$0x2] =	stream.indirect_vreg.gather [hbm4b:s2+s3], $0x80, v63, vm0, $0xb8;
	[tilespmem:$0x1B000] =	vst v63  }
0x159: {  	v28 =	vperm.xlane v17, v10;
	v27 =	vadd.s32 v3, v26;
	s1 =	simm.s32 $0x14300  }
0x15a: {  	[tilespmem:s1], [sflag:$0x2] =	stream.indirect_vreg.gather [hbm4b:s2+s3], $0x80, v18, vm0, $0xb8;
	[tilespmem:$0x1B000] =	vst v63  }
0x15b: {  	v29 =	vperm.xlane v17, v11;
	s4 =	simm.s32 $0x14380;
	v18 =	vadd.s32 v3, v28  }
0x15c: {  	[tilespmem:s4], [sflag:$0x2] =	stream.indirect_vreg.gather [hbm4b:s2+s3], $0x80, v19, vm0, $0xb8;
	[tilespmem:$0x1B000] =	vst v63  }
0x15d: {  	v30 =	vperm.xlane v17, v12;
	s7 =	simm.s32 $0x14400;
	v19 =	vadd.s32 v3, v29  }
0x15e: {  	[tilespmem:s7], [sflag:$0x2] =	stream.indirect_vreg.gather [hbm4b:s2+s3], $0x80, v27, vm0, $0xb8;
	[tilespmem:$0x1B000] =	vst v63  }
0x15f: {  	v32 =	vperm.xlane v17, v13;
	v31 =	vadd.s32 v3, v30;
	s9 =	simm.s32 $0x14480  }
0x160: {  	[tilespmem:s9], [sflag:$0x2] =	stream.indirect_vreg.gather [hbm4b:s2+s3], $0x80, v18, vm0, $0xb8;
	[tilespmem:$0x1B000] =	vst v63  }
0x161: {  	v33 =	vperm.xlane v17, v14;
	s10 =	simm.s32 $0x14500;
	v18 =	vadd.s32 v3, v32  }
0x162: {  	[tilespmem:s10], [sflag:$0x2] =	stream.indirect_vreg.gather [hbm4b:s2+s3], $0x80, v19, vm0, $0xb8;
	[tilespmem:$0x1B000] =	vst v63  }
0x163: {  	v34 =	vperm.xlane v17, v15;
	s1 =	simm.s32 $0x14580;
	v19 =	vadd.s32 v3, v33  }
0x164: {  	[tilespmem:s1], [sflag:$0x2] =	stream.indirect_vreg.gather [hbm4b:s2+s3], $0x80, v31, vm0, $0xb8;
	[tilespmem:$0x1B000] =	vst v63  }
0x165: {  	v17 =	vperm.xlane v17, v16;
	v35 =	vadd.s32 v3, v34;
	s4 =	simm.s32 $0x14600  }
0x166: {  	[tilespmem:s4], [sflag:$0x2] =	stream.indirect_vreg.gather [hbm4b:s2+s3], $0x80, v18, vm0, $0xb8;
	[tilespmem:$0x1B000] =	vst v63  }
0x167: {  	v17 =	vadd.s32 v3, v17;
	s7 =	simm.s32 $0x14680  }
0x168: {  	[tilespmem:s7], [sflag:$0x2] =	stream.indirect_vreg.gather [hbm4b:s2+s3], $0x80, v19, vm0, $0xb8;
	[tilespmem:$0x1B000] =	vst v63  }
0x169: {  	s9 =	simm.s32 $0x14700  }
0x16a: {  	[tilespmem:s9], [sflag:$0x2] =	stream.indirect_vreg.gather [hbm4b:s2+s3], $0x80, v35, vm0, $0xb8;
	[tilespmem:$0x1B000] =	vst v63  }
0x16b: {  	s10 =	simm.s32 $0x14780  }
0x16c: {  	[tilespmem:s10], [sflag:$0x2] =	stream.indirect_vreg.gather [hbm4b:s2+s3], $0x80, v17, vm0, $0xb8;
	[tilespmem:$0x1B000] =	vst v63  }
0x16d: {  	v17 =	vld [tilespmem:$0xA0];
	_ =	sdelay $0x4  }
0x16e: {  	v18 =	vshll.u32 v17, $0x1  }
0x16f: {  	v17 =	vand.u32 $0x7, v17;
	v18 =	vand.u32 $0xFFFFFFF0, v18  }
0x170: {  	v17 =	vor.u32 v17, v18  }
0x171: {  	v18 =	vperm.xlane v17, v2;
	_ =	sdelay $0x1  }
0x172: {  	v19 =	vperm.xlane v17, v1;
	v18 =	vadd.s32 v3, v18;
	_ =	sdelay $0x1  }
0x173: {  	v36 =	vperm.xlane v17, v4;
	v19 =	vadd.s32 v3, v19;
	_ =	sdelay $0x1  }
0x174: {  	s1 =	simm.s32 $0x14800;
	v37 =	vperm.xlane v17, v5;
	v20 =	vadd.s32 v3, v36  }
0x175: {  	[tilespmem:s1], [sflag:$0x2] =	stream.indirect_vreg.gather [hbm4b:s2+s3], $0x80, v18, vm0, $0xb8;
	[tilespmem:$0x1B000] =	vst v63  }
0x176: {  	s4 =	simm.s32 $0x14880;
	v38 =	vperm.xlane v17, v6;
	v18 =	vadd.s32 v3, v37  }
0x177: {  	[tilespmem:s4], [sflag:$0x2] =	stream.indirect_vreg.gather [hbm4b:s2+s3], $0x80, v19, vm0, $0xb8;
	[tilespmem:$0x1B000] =	vst v63  }
0x178: {  	s7 =	simm.s32 $0x14900;
	v39 =	vperm.xlane v17, v7;
	v19 =	vadd.s32 v3, v38  }
0x179: {  	[tilespmem:s7], [sflag:$0x2] =	stream.indirect_vreg.gather [hbm4b:s2+s3], $0x80, v20, vm0, $0xb8;
	[tilespmem:$0x1B000] =	vst v63  }
0x17a: {  	s9 =	simm.s32 $0x14980;
	v41 =	vperm.xlane v17, v8;
	v40 =	vadd.s32 v3, v39  }
0x17b: {  	[tilespmem:s9], [sflag:$0x2] =	stream.indirect_vreg.gather [hbm4b:s2+s3], $0x80, v18, vm0, $0xb8;
	[tilespmem:$0x1B000] =	vst v63  }
0x17c: {  	s10 =	simm.s32 $0x14A00;
	v42 =	vperm.xlane v17, v0;
	v18 =	vadd.s32 v3, v41  }
0x17d: {  	[tilespmem:s10], [sflag:$0x2] =	stream.indirect_vreg.gather [hbm4b:s2+s3], $0x80, v19, vm0, $0xb8;
	[tilespmem:$0x1B000] =	vst v63  }
0x17e: {  	v43 =	vperm.xlane v17, v9;
	s1 =	simm.s32 $0x14A80;
	v19 =	vadd.s32 v3, v42  }
0x17f: {  	[tilespmem:s1], [sflag:$0x2] =	stream.indirect_vreg.gather [hbm4b:s2+s3], $0x80, v40, vm0, $0xb8;
	[tilespmem:$0x1B000] =	vst v63  }
0x180: {  	v45 =	vperm.xlane v17, v10;
	v44 =	vadd.s32 v3, v43;
	s4 =	simm.s32 $0x14B00  }
0x181: {  	[tilespmem:s4], [sflag:$0x2] =	stream.indirect_vreg.gather [hbm4b:s2+s3], $0x80, v18, vm0, $0xb8;
	[tilespmem:$0x1B000] =	vst v63  }
0x182: {  	v46 =	vperm.xlane v17, v11;
	s7 =	simm.s32 $0x14B80;
	v18 =	vadd.s32 v3, v45  }
0x183: {  	[tilespmem:s7], [sflag:$0x2] =	stream.indirect_vreg.gather [hbm4b:s2+s3], $0x80, v19, vm0, $0xb8;
	[tilespmem:$0x1B000] =	vst v63  }
0x184: {  	v47 =	vperm.xlane v17, v12;
	s9 =	simm.s32 $0x14C00;
	v19 =	vadd.s32 v3, v46  }
0x185: {  	[tilespmem:s9], [sflag:$0x2] =	stream.indirect_vreg.gather [hbm4b:s2+s3], $0x80, v44, vm0, $0xb8;
	[tilespmem:$0x1B000] =	vst v63  }
0x186: {  	v49 =	vperm.xlane v17, v13;
	v48 =	vadd.s32 v3, v47;
	s10 =	simm.s32 $0x14C80  }
0x187: {  	[tilespmem:s10], [sflag:$0x2] =	stream.indirect_vreg.gather [hbm4b:s2+s3], $0x80, v18, vm0, $0xb8;
	[tilespmem:$0x1B000] =	vst v63  }
0x188: {  	v50 =	vperm.xlane v17, v14;
	s1 =	simm.s32 $0x14D00;
	v18 =	vadd.s32 v3, v49  }
0x189: {  	[tilespmem:s1], [sflag:$0x2] =	stream.indirect_vreg.gather [hbm4b:s2+s3], $0x80, v19, vm0, $0xb8;
	[tilespmem:$0x1B000] =	vst v63  }
0x18a: {  	v51 =	vperm.xlane v17, v15;
	s4 =	simm.s32 $0x14D80;
	v19 =	vadd.s32 v3, v50  }
0x18b: {  	[tilespmem:s4], [sflag:$0x2] =	stream.indirect_vreg.gather [hbm4b:s2+s3], $0x80, v48, vm0, $0xb8;
	[tilespmem:$0x1B000] =	vst v63  }
0x18c: {  	v17 =	vperm.xlane v17, v16;
	v52 =	vadd.s32 v3, v51;
	s7 =	simm.s32 $0x14E00  }
0x18d: {  	[tilespmem:s7], [sflag:$0x2] =	stream.indirect_vreg.gather [hbm4b:s2+s3], $0x80, v18, vm0, $0xb8;
	[tilespmem:$0x1B000] =	vst v63  }
0x18e: {  	v17 =	vadd.s32 v3, v17;
	s9 =	simm.s32 $0x14E80  }
0x18f: {  	[tilespmem:s9], [sflag:$0x2] =	stream.indirect_vreg.gather [hbm4b:s2+s3], $0x80, v19, vm0, $0xb8;
	[tilespmem:$0x1B000] =	vst v63  }
0x190: {  	s10 =	simm.s32 $0x14F00  }
0x191: {  	[tilespmem:s10], [sflag:$0x2] =	stream.indirect_vreg.gather [hbm4b:s2+s3], $0x80, v52, vm0, $0xb8;
	[tilespmem:$0x1B000] =	vst v63  }
0x192: {  	s1 =	simm.s32 $0x14F80  }
0x193: {  	[tilespmem:s1], [sflag:$0x2] =	stream.indirect_vreg.gather [hbm4b:s2+s3], $0x80, v17, vm0, $0xb8;
	[tilespmem:$0x1B000] =	vst v63  }
0x194: {  	v17 =	vld.msk [tilespmem:$0xB0], $0x3;
	_ =	sdelay $0x4  }
0x195: {  	v18 =	vshll.u32 v17, $0x1  }
0x196: {  	v17 =	vand.u32 $0x7, v17;
	v18 =	vand.u32 $0xFFFFFFF0, v18  }
0x197: {  	v17 =	vor.u32 v17, v18  }
0x198: {  	v18 =	vperm.xlane v17, v2;
	_ =	sdelay $0x1  }
0x199: {  	v17 =	vperm.xlane v17, v1;
	v18 =	vadd.s32 v3, v18;
	_ =	sdelay $0x1  }
0x19a: {  	v17 =	vadd.s32 v3, v17;
	_ =	sdelay $0x1  }
0x19b: {  	s4 =	simm.s32 $0x15000  }
0x19c: {  	[tilespmem:s4], [sflag:$0x2] =	stream.indirect_vreg.gather [hbm4b:s2+s3], $0x80, v18, vm0, $0xb8;
	[tilespmem:$0x1B000] =	vst v63  }
0x19d: {  	s7 =	simm.s32 $0x15080  }
0x19e: {  	[tilespmem:s7], [sflag:$0x2] =	stream.indirect_vreg.gather [hbm4b:s2+s3], $0x80, v17, vm0, $0xb8;
	[tilespmem:$0x1B000] =	vst v63  }
0x19f: {  	v17 =	vld [tilespmem:$0x80];
	_ =	sdelay $0x4  }
0x1a0: {  	v18 =	vshll.u32 v17, $0x1  }
0x1a1: {  	v17 =	vand.u32 $0x7, v17;
	v18 =	vand.u32 $0xFFFFFFF0, v18  }
0x1a2: {  	v17 =	vor.u32 v17, v18  }
0x1a3: {  	v18 =	vperm.xlane v17, v2;
	_ =	sdelay $0x1  }
0x1a4: {  	v19 =	vperm.xlane v17, v1;
	v18 =	vadd.s32 v3, v18;
	_ =	sdelay $0x1  }
0x1a5: {  	v53 =	vperm.xlane v17, v4;
	v19 =	vadd.s32 v3, v19;
	_ =	sdelay $0x1  }
0x1a6: {  	s9 =	simm.s32 $0x15400;
	v54 =	vperm.xlane v17, v5;
	v20 =	vadd.s32 v3, v53  }
0x1a7: {  	[tilespmem:s9], [sflag:$0x2] =	stream.indirect_vreg.gather [hbm4b:s5+s3], $0x80, v18, vm0, $0xb8;
	[tilespmem:$0x1B000] =	vst v63  }
0x1a8: {  	s10 =	simm.s32 $0x15480;
	v55 =	vperm.xlane v17, v6;
	v18 =	vadd.s32 v3, v54  }
0x1a9: {  	[tilespmem:s10], [sflag:$0x2] =	stream.indirect_vreg.gather [hbm4b:s5+s3], $0x80, v19, vm0, $0xb8;
	[tilespmem:$0x1B000] =	vst v63  }
0x1aa: {  	s1 =	simm.s32 $0x15500;
	v56 =	vperm.xlane v17, v7;
	v19 =	vadd.s32 v3, v55  }
0x1ab: {  	[tilespmem:s1], [sflag:$0x2] =	stream.indirect_vreg.gather [hbm4b:s5+s3], $0x80, v20, vm0, $0xb8;
	[tilespmem:$0x1B000] =	vst v63  }
0x1ac: {  	s4 =	simm.s32 $0x15580;
	v58 =	vperm.xlane v17, v8;
	v57 =	vadd.s32 v3, v56  }
0x1ad: {  	[tilespmem:s4], [sflag:$0x2] =	stream.indirect_vreg.gather [hbm4b:s5+s3], $0x80, v18, vm0, $0xb8;
	[tilespmem:$0x1B000] =	vst v63  }
0x1ae: {  	s7 =	simm.s32 $0x15600;
	v59 =	vperm.xlane v17, v0;
	v18 =	vadd.s32 v3, v58  }
0x1af: {  	[tilespmem:s7], [sflag:$0x2] =	stream.indirect_vreg.gather [hbm4b:s5+s3], $0x80, v19, vm0, $0xb8;
	[tilespmem:$0x1B000] =	vst v63  }
0x1b0: {  	v60 =	vperm.xlane v17, v9;
	s9 =	simm.s32 $0x15680;
	v19 =	vadd.s32 v3, v59  }
0x1b1: {  	[tilespmem:s9], [sflag:$0x2] =	stream.indirect_vreg.gather [hbm4b:s5+s3], $0x80, v57, vm0, $0xb8;
	[tilespmem:$0x1B000] =	vst v63  }
0x1b2: {  	v62 =	vperm.xlane v17, v10;
	v61 =	vadd.s32 v3, v60;
	s10 =	simm.s32 $0x15700  }
0x1b3: {  	[tilespmem:s10], [sflag:$0x2] =	stream.indirect_vreg.gather [hbm4b:s5+s3], $0x80, v18, vm0, $0xb8;
	[tilespmem:$0x1B000] =	vst v63  }
0x1b4: {  	v63 =	vperm.xlane v17, v11;
	s1 =	simm.s32 $0x15780;
	v18 =	vadd.s32 v3, v62  }
0x1b5: {  	[tilespmem:s1], [sflag:$0x2] =	stream.indirect_vreg.gather [hbm4b:s5+s3], $0x80, v19, vm0, $0xb8;
	[tilespmem:$0x1B000] =	vst v63  }
0x1b6: {  	v24 =	vperm.xlane v17, v12;
	s4 =	simm.s32 $0x15800;
	v19 =	vadd.s32 v3, v63  }
0x1b7: {  	[tilespmem:s4], [sflag:$0x2] =	stream.indirect_vreg.gather [hbm4b:s5+s3], $0x80, v61, vm0, $0xb8;
	[tilespmem:$0x1B000] =	vst v63  }
0x1b8: {  	v26 =	vperm.xlane v17, v13;
	v25 =	vadd.s32 v3, v24;
	s7 =	simm.s32 $0x15880  }
0x1b9: {  	[tilespmem:s7], [sflag:$0x2] =	stream.indirect_vreg.gather [hbm4b:s5+s3], $0x80, v18, vm0, $0xb8;
	[tilespmem:$0x1B000] =	vst v63  }
0x1ba: {  	v27 =	vperm.xlane v17, v14;
	s9 =	simm.s32 $0x15900;
	v18 =	vadd.s32 v3, v26  }
0x1bb: {  	[tilespmem:s9], [sflag:$0x2] =	stream.indirect_vreg.gather [hbm4b:s5+s3], $0x80, v19, vm0, $0xb8;
	[tilespmem:$0x1B000] =	vst v63  }
0x1bc: {  	v28 =	vperm.xlane v17, v15;
	s10 =	simm.s32 $0x15980;
	v19 =	vadd.s32 v3, v27  }
0x1bd: {  	[tilespmem:s10], [sflag:$0x2] =	stream.indirect_vreg.gather [hbm4b:s5+s3], $0x80, v25, vm0, $0xb8;
	[tilespmem:$0x1B000] =	vst v63  }
0x1be: {  	v17 =	vperm.xlane v17, v16;
	v29 =	vadd.s32 v3, v28;
	s1 =	simm.s32 $0x15A00  }
0x1bf: {  	[tilespmem:s1], [sflag:$0x2] =	stream.indirect_vreg.gather [hbm4b:s5+s3], $0x80, v18, vm0, $0xb8;
	[tilespmem:$0x1B000] =	vst v63  }
0x1c0: {  	v17 =	vadd.s32 v3, v17;
	s4 =	simm.s32 $0x15A80  }
0x1c1: {  	[tilespmem:s4], [sflag:$0x2] =	stream.indirect_vreg.gather [hbm4b:s5+s3], $0x80, v19, vm0, $0xb8;
	[tilespmem:$0x1B000] =	vst v63  }
0x1c2: {  	s7 =	simm.s32 $0x15B00  }
0x1c3: {  	[tilespmem:s7], [sflag:$0x2] =	stream.indirect_vreg.gather [hbm4b:s5+s3], $0x80, v29, vm0, $0xb8;
	[tilespmem:$0x1B000] =	vst v63  }
0x1c4: {  	s9 =	simm.s32 $0x15B80  }
0x1c5: {  	[tilespmem:s9], [sflag:$0x2] =	stream.indirect_vreg.gather [hbm4b:s5+s3], $0x80, v17, vm0, $0xb8;
	[tilespmem:$0x1B000] =	vst v63  }
0x1c6: {  	v17 =	vld [tilespmem:$0x90];
	_ =	sdelay $0x4  }
0x1c7: {  	v18 =	vshll.u32 v17, $0x1  }
0x1c8: {  	v17 =	vand.u32 $0x7, v17;
	v18 =	vand.u32 $0xFFFFFFF0, v18  }
0x1c9: {  	v17 =	vor.u32 v17, v18  }
0x1ca: {  	v18 =	vperm.xlane v17, v2;
	_ =	sdelay $0x1  }
0x1cb: {  	v19 =	vperm.xlane v17, v1;
	v18 =	vadd.s32 v3, v18;
	_ =	sdelay $0x1  }
0x1cc: {  	v30 =	vperm.xlane v17, v4;
	v19 =	vadd.s32 v3, v19;
	_ =	sdelay $0x1  }
0x1cd: {  	s10 =	simm.s32 $0x15C00;
	v31 =	vperm.xlane v17, v5;
	v20 =	vadd.s32 v3, v30  }
0x1ce: {  	[tilespmem:s10], [sflag:$0x2] =	stream.indirect_vreg.gather [hbm4b:s5+s3], $0x80, v18, vm0, $0xb8;
	[tilespmem:$0x1B000] =	vst v63  }
0x1cf: {  	s1 =	simm.s32 $0x15C80;
	v32 =	vperm.xlane v17, v6;
	v18 =	vadd.s32 v3, v31  }
0x1d0: {  	[tilespmem:s1], [sflag:$0x2] =	stream.indirect_vreg.gather [hbm4b:s5+s3], $0x80, v19, vm0, $0xb8;
	[tilespmem:$0x1B000] =	vst v63  }
0x1d1: {  	s4 =	simm.s32 $0x15D00;
	v33 =	vperm.xlane v17, v7;
	v19 =	vadd.s32 v3, v32  }
0x1d2: {  	[tilespmem:s4], [sflag:$0x2] =	stream.indirect_vreg.gather [hbm4b:s5+s3], $0x80, v20, vm0, $0xb8;
	[tilespmem:$0x1B000] =	vst v63  }
0x1d3: {  	s7 =	simm.s32 $0x15D80;
	v35 =	vperm.xlane v17, v8;
	v34 =	vadd.s32 v3, v33  }
0x1d4: {  	[tilespmem:s7], [sflag:$0x2] =	stream.indirect_vreg.gather [hbm4b:s5+s3], $0x80, v18, vm0, $0xb8;
	[tilespmem:$0x1B000] =	vst v63  }
0x1d5: {  	s9 =	simm.s32 $0x15E00;
	v36 =	vperm.xlane v17, v0;
	v18 =	vadd.s32 v3, v35  }
0x1d6: {  	[tilespmem:s9], [sflag:$0x2] =	stream.indirect_vreg.gather [hbm4b:s5+s3], $0x80, v19, vm0, $0xb8;
	[tilespmem:$0x1B000] =	vst v63  }
0x1d7: {  	v37 =	vperm.xlane v17, v9;
	s10 =	simm.s32 $0x15E80;
	v19 =	vadd.s32 v3, v36  }
0x1d8: {  	[tilespmem:s10], [sflag:$0x2] =	stream.indirect_vreg.gather [hbm4b:s5+s3], $0x80, v34, vm0, $0xb8;
	[tilespmem:$0x1B000] =	vst v63  }
0x1d9: {  	v39 =	vperm.xlane v17, v10;
	v38 =	vadd.s32 v3, v37;
	s1 =	simm.s32 $0x15F00  }
0x1da: {  	[tilespmem:s1], [sflag:$0x2] =	stream.indirect_vreg.gather [hbm4b:s5+s3], $0x80, v18, vm0, $0xb8;
	[tilespmem:$0x1B000] =	vst v63  }
0x1db: {  	v40 =	vperm.xlane v17, v11;
	s4 =	simm.s32 $0x15F80;
	v18 =	vadd.s32 v3, v39  }
0x1dc: {  	[tilespmem:s4], [sflag:$0x2] =	stream.indirect_vreg.gather [hbm4b:s5+s3], $0x80, v19, vm0, $0xb8;
	[tilespmem:$0x1B000] =	vst v63  }
0x1dd: {  	v41 =	vperm.xlane v17, v12;
	s7 =	simm.s32 $0x16000;
	v19 =	vadd.s32 v3, v40  }
0x1de: {  	[tilespmem:s7], [sflag:$0x2] =	stream.indirect_vreg.gather [hbm4b:s5+s3], $0x80, v38, vm0, $0xb8;
	[tilespmem:$0x1B000] =	vst v63  }
0x1df: {  	v43 =	vperm.xlane v17, v13;
	v42 =	vadd.s32 v3, v41;
	s9 =	simm.s32 $0x16080  }
0x1e0: {  	[tilespmem:s9], [sflag:$0x2] =	stream.indirect_vreg.gather [hbm4b:s5+s3], $0x80, v18, vm0, $0xb8;
	[tilespmem:$0x1B000] =	vst v63  }
0x1e1: {  	v44 =	vperm.xlane v17, v14;
	s10 =	simm.s32 $0x16100;
	v18 =	vadd.s32 v3, v43  }
0x1e2: {  	[tilespmem:s10], [sflag:$0x2] =	stream.indirect_vreg.gather [hbm4b:s5+s3], $0x80, v19, vm0, $0xb8;
	[tilespmem:$0x1B000] =	vst v63  }
0x1e3: {  	v45 =	vperm.xlane v17, v15;
	s1 =	simm.s32 $0x16180;
	v19 =	vadd.s32 v3, v44  }
0x1e4: {  	[tilespmem:s1], [sflag:$0x2] =	stream.indirect_vreg.gather [hbm4b:s5+s3], $0x80, v42, vm0, $0xb8;
	[tilespmem:$0x1B000] =	vst v63  }
0x1e5: {  	v17 =	vperm.xlane v17, v16;
	v46 =	vadd.s32 v3, v45;
	s4 =	simm.s32 $0x16200  }
0x1e6: {  	[tilespmem:s4], [sflag:$0x2] =	stream.indirect_vreg.gather [hbm4b:s5+s3], $0x80, v18, vm0, $0xb8;
	[tilespmem:$0x1B000] =	vst v63  }
0x1e7: {  	v17 =	vadd.s32 v3, v17;
	s7 =	simm.s32 $0x16280  }
0x1e8: {  	[tilespmem:s7], [sflag:$0x2] =	stream.indirect_vreg.gather [hbm4b:s5+s3], $0x80, v19, vm0, $0xb8;
	[tilespmem:$0x1B000] =	vst v63  }
0x1e9: {  	s9 =	simm.s32 $0x16300  }
0x1ea: {  	[tilespmem:s9], [sflag:$0x2] =	stream.indirect_vreg.gather [hbm4b:s5+s3], $0x80, v46, vm0, $0xb8;
	[tilespmem:$0x1B000] =	vst v63  }
0x1eb: {  	s10 =	simm.s32 $0x16380  }
0x1ec: {  	[tilespmem:s10], [sflag:$0x2] =	stream.indirect_vreg.gather [hbm4b:s5+s3], $0x80, v17, vm0, $0xb8;
	[tilespmem:$0x1B000] =	vst v63  }
0x1ed: {  	v17 =	vld [tilespmem:$0xA0];
	_ =	sdelay $0x4  }
0x1ee: {  	v18 =	vshll.u32 v17, $0x1  }
0x1ef: {  	v17 =	vand.u32 $0x7, v17;
	v18 =	vand.u32 $0xFFFFFFF0, v18  }
0x1f0: {  	v17 =	vor.u32 v17, v18  }
0x1f1: {  	v18 =	vperm.xlane v17, v2;
	_ =	sdelay $0x1  }
0x1f2: {  	v19 =	vperm.xlane v17, v1;
	v18 =	vadd.s32 v3, v18;
	_ =	sdelay $0x1  }
0x1f3: {  	v47 =	vperm.xlane v17, v4;
	v19 =	vadd.s32 v3, v19;
	_ =	sdelay $0x1  }
0x1f4: {  	v48 =	vperm.xlane v17, v5;
	v20 =	vadd.s32 v3, v47  }
0x1f5: {  	[tilespmem:s11], [sflag:$0x2] =	stream.indirect_vreg.gather [hbm4b:s5+s3], $0x80, v18, vm0, $0xb8;
	[tilespmem:$0x1B000] =	vst v63  }
0x1f6: {  	v49 =	vperm.xlane v17, v6;
	v18 =	vadd.s32 v3, v48  }
0x1f7: {  	[tilespmem:s12], [sflag:$0x2] =	stream.indirect_vreg.gather [hbm4b:s5+s3], $0x80, v19, vm0, $0xb8;
	[tilespmem:$0x1B000] =	vst v63  }
0x1f8: {  	v50 =	vperm.xlane v17, v7;
	v19 =	vadd.s32 v3, v49  }
0x1f9: {  	[tilespmem:s13], [sflag:$0x2] =	stream.indirect_vreg.gather [hbm4b:s5+s3], $0x80, v20, vm0, $0xb8;
	[tilespmem:$0x1B000] =	vst v63  }
0x1fa: {  	v52 =	vperm.xlane v17, v8;
	v51 =	vadd.s32 v3, v50  }
0x1fb: {  	[tilespmem:s14], [sflag:$0x2] =	stream.indirect_vreg.gather [hbm4b:s5+s3], $0x80, v18, vm0, $0xb8;
	[tilespmem:$0x1B000] =	vst v63  }
0x1fc: {  	v53 =	vperm.xlane v17, v0;
	v18 =	vadd.s32 v3, v52  }
0x1fd: {  	[tilespmem:s15], [sflag:$0x2] =	stream.indirect_vreg.gather [hbm4b:s5+s3], $0x80, v19, vm0, $0xb8;
	[tilespmem:$0x1B000] =	vst v63  }
0x1fe: {  	v54 =	vperm.xlane v17, v9;
	v19 =	vadd.s32 v3, v53  }
0x1ff: {  	[tilespmem:s16], [sflag:$0x2] =	stream.indirect_vreg.gather [hbm4b:s5+s3], $0x80, v51, vm0, $0xb8;
	[tilespmem:$0x1B000] =	vst v63  }
0x200: {  	v56 =	vperm.xlane v17, v10;
	v55 =	vadd.s32 v3, v54  }
0x201: {  	[tilespmem:s17], [sflag:$0x2] =	stream.indirect_vreg.gather [hbm4b:s5+s3], $0x80, v18, vm0, $0xb8;
	[tilespmem:$0x1B000] =	vst v63  }
0x202: {  	v57 =	vperm.xlane v17, v11;
	v18 =	vadd.s32 v3, v56  }
0x203: {  	[tilespmem:s18], [sflag:$0x2] =	stream.indirect_vreg.gather [hbm4b:s5+s3], $0x80, v19, vm0, $0xb8;
	[tilespmem:$0x1B000] =	vst v63  }
0x204: {  	v58 =	vperm.xlane v17, v12;
	v19 =	vadd.s32 v3, v57  }
0x205: {  	[tilespmem:s19], [sflag:$0x2] =	stream.indirect_vreg.gather [hbm4b:s5+s3], $0x80, v55, vm0, $0xb8;
	[tilespmem:$0x1B000] =	vst v63  }
0x206: {  	v60 =	vperm.xlane v17, v13;
	v59 =	vadd.s32 v3, v58  }
0x207: {  	[tilespmem:s20], [sflag:$0x2] =	stream.indirect_vreg.gather [hbm4b:s5+s3], $0x80, v18, vm0, $0xb8;
	[tilespmem:$0x1B000] =	vst v63  }
0x208: {  	v61 =	vperm.xlane v17, v14;
	v18 =	vadd.s32 v3, v60  }
0x209: {  	[tilespmem:s21], [sflag:$0x2] =	stream.indirect_vreg.gather [hbm4b:s5+s3], $0x80, v19, vm0, $0xb8;
	[tilespmem:$0x1B000] =	vst v63  }
0x20a: {  	v62 =	vperm.xlane v17, v15;
	v19 =	vadd.s32 v3, v61  }
0x20b: {  	[tilespmem:s22], [sflag:$0x2] =	stream.indirect_vreg.gather [hbm4b:s5+s3], $0x80, v59, vm0, $0xb8;
	[tilespmem:$0x1B000] =	vst v63  }
0x20c: {  	v17 =	vperm.xlane v17, v16;
	v63 =	vadd.s32 v3, v62  }
0x20d: {  	[tilespmem:s23], [sflag:$0x2] =	stream.indirect_vreg.gather [hbm4b:s5+s3], $0x80, v18, vm0, $0xb8;
	[tilespmem:$0x1B000] =	vst v63  }
0x20e: {  	v17 =	vadd.s32 v3, v17  }
0x20f: {  	[tilespmem:s24], [sflag:$0x2] =	stream.indirect_vreg.gather [hbm4b:s5+s3], $0x80, v19, vm0, $0xb8;
	[tilespmem:$0x1B000] =	vst v63  }
0x210: {  	_ = 	snop  }
0x211: {  	[tilespmem:s25], [sflag:$0x2] =	stream.indirect_vreg.gather [hbm4b:s5+s3], $0x80, v63, vm0, $0xb8;
	[tilespmem:$0x1B000] =	vst v63  }
0x212: {  	_ = 	snop  }
0x213: {  	[tilespmem:s26], [sflag:$0x2] =	stream.indirect_vreg.gather [hbm4b:s5+s3], $0x80, v17, vm0, $0xb8;
	[tilespmem:$0x1B000] =	vst v63  }
0x214: {  	v17 =	vld.msk [tilespmem:$0xB0], $0x3;
	_ =	sdelay $0x4  }
0x215: {  	v18 =	vshll.u32 v17, $0x1  }
0x216: {  	v17 =	vand.u32 $0x7, v17;
	v18 =	vand.u32 $0xFFFFFFF0, v18  }
0x217: {  	v17 =	vor.u32 v17, v18  }
0x218: {  	v18 =	vperm.xlane v17, v2;
	_ =	sdelay $0x1  }
0x219: {  	v17 =	vperm.xlane v17, v1;
	v18 =	vadd.s32 v3, v18;
	_ =	sdelay $0x1  }
0x21a: {  	v17 =	vadd.s32 v3, v17  }
.Ltmp2:
0x21b: {  	_ = 	snop;
	(pc) =	sbr.rel .LBB2_2-.Ltmp2, $4  }
0x21c: {  	_ = 	snop  }
0x21d: {  	[tilespmem:s28], [sflag:$0x2] =	stream.indirect_vreg.gather [hbm4b:s5+s3], $0x80, v18, vm0, $0xb8;
	[tilespmem:$0x1B000] =	vst v63  }
0x21e: {  	s0 =	simm.s32 $0x0  }
0x21f: {  	[tilespmem:s29], [sflag:$0x2] =	stream.indirect_vreg.gather [hbm4b:s5+s3], $0x80, v17, vm0, $0xb8;
	[tilespmem:$0x1B000] =	vst v63  }
.LBB2_10:
0x220: {  	s1 =	sand.u32 $0x3F, s7  }
0x221: {  	s0 =	sadd.s32 $0x1, s0;
	p0 =	sne.s32 s1, $0x3F  }
0x222: {  	p1 =	sne.s32 s0, $0x100;
	s1 =	sshll.u32 @!p0 s7, $0x5  }
0x223: {  	s4 =	simm.s32 @!p0 $0x0;
	s7 =	simm.s32 @!p0 $0x17000;
	s1 =	sadd.s32 @!p0 s1, s6  }
0x224: {  	[hbm4b:s1+s4] =	stream.linear.scatter @!p0 [tilespmem:s7], [sflag:$0x3], $0x4000, $0x38;
	[tilespmem:$0x1B000] =	vst v63  }
.Ltmp3:
0x225: {  	_ = 	snop;
	(pc) =	sbr.rel @!p1 .LBB2_11-.Ltmp3, $4  }
0x226: {  	s1 =	simm.s32 @!p0 $0x3  }
0x227: {  	_ =	swait.ge @!p0 [sflag:s1], $0x4000  }
0x228: {  	[sflag:s1] =	ssyncset.done @!p0 $0x0  }
0x229: {  	[sflag:s1] =	ssyncadd.s32 @!p0 $0xFFFFC000  }
.LBB2_2:
0x22a: {  	_ =	swait.ge [sflag:s30], $0x1900  }
0x22b: {  	[sflag:s30] =	ssyncset.done $0x0  }
0x22c: {  	[sflag:s30] =	ssyncadd.s32 $0xFFFFE700  }
0x22d: {  	_ =	swait.ge [sflag:s30], $0x1900  }
0x22e: {  	[sflag:s30] =	ssyncset.done $0x0  }
0x22f: {  	s4 =	simm.s32 $0x11CF0;
	[sflag:s30] =	ssyncadd.s32 $0xFFFFE700  }
0x230: {  	v21 =	vld [tilespmem:s4+$0xFFFFE390]  }
0x231: {  	v22 =	vld [tilespmem:s4+$0xFFFFE3A0]  }
0x232: {  	v23 =	vld [tilespmem:s4+$0xFFFFE3B0]  }
0x233: {  	v24 =	vld [tilespmem:s4+$0xFFFFE3C0]  }
0x234: {  	v26 =	vld [tilespmem:s4+$0xFFFFE3D0]  }
0x235: {  	v27 =	vld [tilespmem:s4+$0xFFFFE3E0]  }
0x236: {  	v28 =	vld [tilespmem:s4+$0xFFFFE3F0]  }
0x237: {  	v29 =	vld [tilespmem:s4+$0xFFFFE400]  }
0x238: {  	v30 =	vld [tilespmem:s4+$0xFFFFFF90]  }
0x239: {  	v25 =	vld [tilespmem:s4+$0xFFFFE310]  }
0x23a: {  	v32 =	vld [tilespmem:s4+$0xFFFFE320]  }
0x23b: {  	v33 =	vld [tilespmem:s4+$0xFFFFE330]  }
0x23c: {  	v34 =	vld [tilespmem:s4+$0xFFFFE340]  }
0x23d: {  	v35 =	vld [tilespmem:s4+$0xFFFFE350]  }
0x23e: {  	v36 =	vld [tilespmem:s4+$0xFFFFE360]  }
0x23f: {  	v37 =	vld [tilespmem:s4+$0xFFFFE370]  }
0x240: {  	v38 =	vld [tilespmem:s4+$0xFFFFE380]  }
0x241: {  	v39 =	vld [tilespmem:s4+$0xFFFFFF10]  }
0x242: {  	v40 =	vld [tilespmem:s4+$0xFFFFFF20]  }
0x243: {  	v17 =	vimm.f32 $0.0e+00;
	v59 =	vld [tilespmem:s4+$0xFFFFFF30]  }
0x244: {  	v41 =	vld [tilespmem:s4+$0xFFFFFF40];
	v25 =	vadd.f32 v25, v17;
	v32 =	vadd.f32 v32, v17  }
0x245: {  	v31 =	vld [tilespmem:s4+$0xFFFFFFA0];
	v33 =	vadd.f32 v33, v17;
	v34 =	vadd.f32 v34, v17  }
0x246: {  	v20 =	vld [tilespmem:s4+$0xFFFFFFB0];
	v60 =	vadd.f32 v35, v17;
	v61 =	vadd.f32 v36, v17  }
0x247: {  	v19 =	vld [tilespmem:s4+$0xFFFFFFC0];
	v37 =	vadd.f32 v37, v17;
	v38 =	vadd.f32 v38, v17  }
0x248: {  	v18 =	vld [tilespmem:s4+$0xFFFFFFD0];
	v62 =	vadd.f32 v39, v17;
	v63 =	vadd.f32 v40, v17  }
0x249: {  	v35 =	vld [tilespmem:s4+$0xFFFFFF50];
	v42 =	vadd.f32 v59, v17;
	v41 =	vadd.f32 v41, v17  }
0x24a: {  	v36 =	vld [tilespmem:s4+$0xFFFFFF60];
	v21 =	vadd.f32 v21, v25;
	v22 =	vadd.f32 v22, v32  }
0x24b: {  	v39 =	vld [tilespmem:s4+$0xFFFFFF80];
	v23 =	vadd.f32 v23, v33;
	v24 =	vadd.f32 v24, v34  }
0x24c: {  	v40 =	vld [tilespmem:s4+$0x0];
	v26 =	vadd.f32 v26, v60;
	v27 =	vadd.f32 v27, v61  }
0x24d: {  	v28 =	vadd.f32 v28, v37;
	v29 =	vadd.f32 v29, v38;
	v37 =	vld [tilespmem:s4+$0xFFFFFF70]  }
0x24e: {  	v25 =	vld [tilespmem:s4+$0xFFFFFFE0];
	v33 =	vadd.f32 v30, v62;
	v31 =	vadd.f32 v31, v63  }
0x24f: {  	s1 =	simm.s32 $0x0;
	v38 =	vld [tilespmem:s4+$0xFFFFFFF0];
	s4 =	simm.s32 $0x11DF0;
	v34 =	vimm.f32 $0.0e+00;
	v32 =	vimm.f32 $0.0e+00;
	v30 =	vimm.f32 $0.0e+00  }
.LBB2_3:
0x250: {  	v43 =	vld [tilespmem:s4+$0xFFFFE390];
	v42 =	vadd.f32 v20, v42;
	v41 =	vadd.f32 v19, v41  }
0x251: {  	v17 =	vadd.f32 v35, v17;
	v19 =	vadd.f32 v36, v34;
	v44 =	vld [tilespmem:s4+$0xFFFFE3A0]  }
0x252: {  	v20 =	vadd.f32 v37, v32;
	v35 =	vld [tilespmem:s4+$0xFFFFE3B0];
	v30 =	vadd.f32 v39, v30  }
0x253: {  	v17 =	vadd.f32 v18, v17;
	v34 =	vadd.f32 v25, v19;
	v36 =	vld [tilespmem:s4+$0xFFFFE3C0]  }
0x254: {  	v32 =	vadd.f32 v38, v20;
	v37 =	vld [tilespmem:s4+$0xFFFFE3D0];
	v30 =	vadd.f32 v40, v30  }
0x255: {  	v38 =	vld [tilespmem:s4+$0xFFFFE3E0]  }
0x256: {  	v39 =	vld [tilespmem:s4+$0xFFFFE3F0]  }
0x257: {  	v40 =	vld [tilespmem:s4+$0xFFFFE400]  }
0x258: {  	v45 =	vld [tilespmem:s4+$0xFFFFFF90]  }
0x259: {  	v46 =	vld [tilespmem:s4+$0xFFFFFFA0]  }
0x25a: {  	v20 =	vld [tilespmem:s4+$0xFFFFFFB0]  }
0x25b: {  	v19 =	vld [tilespmem:s4+$0xFFFFFFC0]  }
0x25c: {  	v18 =	vld [tilespmem:s4+$0xFFFFFFD0]  }
0x25d: {  	v25 =	vld [tilespmem:s4+$0xFFFFFFE0]  }
0x25e: {  	v47 =	vld [tilespmem:s4+$0xFFFFE310]  }
0x25f: {  	v48 =	vld [tilespmem:s4+$0xFFFFE320]  }
0x260: {  	v49 =	vld [tilespmem:s4+$0xFFFFE330]  }
0x261: {  	v50 =	vld [tilespmem:s4+$0xFFFFE340]  }
0x262: {  	v51 =	vld [tilespmem:s4+$0xFFFFE350]  }
0x263: {  	v52 =	vld [tilespmem:s4+$0xFFFFE360]  }
0x264: {  	v53 =	vld [tilespmem:s4+$0xFFFFE370]  }
0x265: {  	v21 =	vadd.f32 v47, v21;
	v22 =	vadd.f32 v48, v22;
	v47 =	vld [tilespmem:s4+$0xFFFFE380]  }
0x266: {  	v23 =	vadd.f32 v49, v23;
	v24 =	vadd.f32 v50, v24;
	v48 =	vld [tilespmem:s4+$0xFFFFFF10]  }
0x267: {  	v21 =	vadd.f32 v43, v21;
	v22 =	vadd.f32 v44, v22;
	v49 =	vld [tilespmem:s4+$0xFFFFFF20]  }
0x268: {  	v23 =	vadd.f32 v35, v23;
	v43 =	vld [tilespmem:s4+$0xFFFFFF30];
	v24 =	vadd.f32 v36, v24  }
0x269: {  	s1 =	sadd.s32 $0x2, s1;
	v26 =	vadd.f32 v51, v26;
	v27 =	vadd.f32 v52, v27;
	v44 =	vld [tilespmem:s4+$0xFFFFFF40]  }
0x26a: {  	p0 =	slt.u32 s1, $0x30;
	v28 =	vadd.f32 v53, v28;
	v29 =	vadd.f32 v47, v29;
	v35 =	vld [tilespmem:s4+$0xFFFFFF50]  }
.Ltmp4:
0x26b: {  	v26 =	vadd.f32 v37, v26;
	v27 =	vadd.f32 v38, v27;
	v36 =	vld [tilespmem:s4+$0xFFFFFF60];
	(pc) =	sbr.rel @p0 .LBB2_3-.Ltmp4, $4  }
0x26c: {  	v28 =	vadd.f32 v39, v28;
	v37 =	vld [tilespmem:s4+$0xFFFFFF70];
	v29 =	vadd.f32 v40, v29  }
0x26d: {  	v33 =	vadd.f32 v48, v33;
	v31 =	vadd.f32 v49, v31;
	v39 =	vld [tilespmem:s4+$0xFFFFFF80]  }
0x26e: {  	v42 =	vadd.f32 v43, v42;
	v41 =	vadd.f32 v44, v41;
	v38 =	vld [tilespmem:s4+$0xFFFFFFF0]  }
0x26f: {  	v33 =	vadd.f32 v45, v33;
	v31 =	vadd.f32 v46, v31;
	v40 =	vld [tilespmem:s4+$0x0];
	s4 =	sadd.s32 $0x100, s4  }
0x270: {  	s1 =	sshll.u32 s0, $0x9  }
0x271: {  	s4 =	sand.u32 $0x3800, s1;
	s1 =	sshll.u32 s0, $0x8  }
0x272: {  	s7 =	sand.u32 $0x300, s1;
	s4 =	sadd.s32 $0x17000, s4  }
0x273: {  	s7 =	sor.u32 s7, s4  }
0x274: {  	[tilespmem:s7+$0x0] =	vst v21  }
0x275: {  	[tilespmem:s7+$0x10] =	vst v22  }
0x276: {  	[tilespmem:s7+$0x20] =	vst v23  }
0x277: {  	[tilespmem:s7+$0x30] =	vst v24  }
0x278: {  	[tilespmem:s7+$0x40] =	vst v26  }
0x279: {  	[tilespmem:s7+$0x50] =	vst v27  }
0x27a: {  	[tilespmem:s7+$0x60] =	vst v28  }
0x27b: {  	[tilespmem:s7+$0x70] =	vst v29  }
0x27c: {  	v20 =	vadd.f32 v20, v42;
	v17 =	vadd.f32 v35, v17;
	[tilespmem:s7+$0x400] =	vst v33  }
0x27d: {  	v19 =	vadd.f32 v19, v41;
	v61 =	vadd.f32 v36, v34;
	[tilespmem:s7+$0x410] =	vst v31  }
0x27e: {  	p0 =	seq.s32 s0, $0xFF;
	v62 =	vadd.f32 v37, v32;
	v17 =	vadd.f32 v18, v17;
	[tilespmem:s7+$0x420] =	vst v20  }
.Ltmp5:
0x27f: {  	v18 =	vadd.f32 v39, v30;
	v63 =	vadd.f32 v25, v61;
	[tilespmem:s7+$0x430] =	vst v19;
	(pc) =	sbr.rel @p0 .LBB2_6-.Ltmp5, $4  }
0x280: {  	v19 =	vadd.f32 v38, v62;
	[tilespmem:s7+$0x440] =	vst v17  }
0x281: {  	v17 =	vadd.f32 v40, v18;
	[tilespmem:s7+$0x450] =	vst v63  }
0x282: {  	[tilespmem:s7+$0x460] =	vst v19  }
0x283: {  	[tilespmem:s7+$0x470] =	vst v17  }
0x284: {  	s7 =	sand.u32 $0x3FFFFF00, s1  }
0x285: {  	v17 =	vld [tilespmem:s7+$0x100];
	_ =	sdelay $0x4  }
0x286: {  	v18 =	vshll.u32 v17, $0x1  }
0x287: {  	v17 =	vand.u32 $0x7, v17;
	v18 =	vand.u32 $0xFFFFFFF0, v18  }
0x288: {  	v17 =	vor.u32 v17, v18  }
0x289: {  	v18 =	vperm.xlane v17, v2;
	_ =	sdelay $0x1  }
0x28a: {  	v19 =	vperm.xlane v17, v1;
	v18 =	vadd.s32 v3, v18;
	_ =	sdelay $0x1  }
0x28b: {  	v20 =	vperm.xlane v17, v4;
	v19 =	vadd.s32 v3, v19;
	_ =	sdelay $0x1  }
0x28c: {  	s9 =	simm.s32 $0x10000;
	v21 =	vperm.xlane v17, v5;
	v20 =	vadd.s32 v3, v20  }
0x28d: {  	[tilespmem:s9], [sflag:$0x1] =	stream.indirect_vreg.gather [hbm4b:s2+s3], $0x80, v18, vm0, $0xb8;
	[tilespmem:$0x1B000] =	vst v63  }
0x28e: {  	s10 =	simm.s32 $0x10080;
	v44 =	vperm.xlane v17, v6;
	v18 =	vadd.s32 v3, v21  }
0x28f: {  	[tilespmem:s10], [sflag:$0x1] =	stream.indirect_vreg.gather [hbm4b:s2+s3], $0x80, v19, vm0, $0xb8;
	[tilespmem:$0x1B000] =	vst v63  }
0x290: {  	v45 =	vperm.xlane v17, v7;
	v19 =	vadd.s32 v3, v44;
	s10 =	simm.s32 $0x10100  }
0x291: {  	[tilespmem:s10], [sflag:$0x1] =	stream.indirect_vreg.gather [hbm4b:s2+s3], $0x80, v20, vm0, $0xb8;
	[tilespmem:$0x1B000] =	vst v63  }
0x292: {  	v47 =	vperm.xlane v17, v8;
	v46 =	vadd.s32 v3, v45;
	s10 =	simm.s32 $0x10180  }
0x293: {  	[tilespmem:s10], [sflag:$0x1] =	stream.indirect_vreg.gather [hbm4b:s2+s3], $0x80, v18, vm0, $0xb8;
	[tilespmem:$0x1B000] =	vst v63  }
0x294: {  	v48 =	vperm.xlane v17, v0;
	v18 =	vadd.s32 v3, v47;
	s10 =	simm.s32 $0x10200  }
0x295: {  	[tilespmem:s10], [sflag:$0x1] =	stream.indirect_vreg.gather [hbm4b:s2+s3], $0x80, v19, vm0, $0xb8;
	[tilespmem:$0x1B000] =	vst v63  }
0x296: {  	v49 =	vperm.xlane v17, v9;
	v19 =	vadd.s32 v3, v48;
	s10 =	simm.s32 $0x10280  }
0x297: {  	[tilespmem:s10], [sflag:$0x1] =	stream.indirect_vreg.gather [hbm4b:s2+s3], $0x80, v46, vm0, $0xb8;
	[tilespmem:$0x1B000] =	vst v63  }
0x298: {  	v51 =	vperm.xlane v17, v10;
	v50 =	vadd.s32 v3, v49;
	s10 =	simm.s32 $0x10300  }
0x299: {  	[tilespmem:s10], [sflag:$0x1] =	stream.indirect_vreg.gather [hbm4b:s2+s3], $0x80, v18, vm0, $0xb8;
	[tilespmem:$0x1B000] =	vst v63  }
0x29a: {  	v52 =	vperm.xlane v17, v11;
	v18 =	vadd.s32 v3, v51;
	s10 =	simm.s32 $0x10380  }
0x29b: {  	[tilespmem:s10], [sflag:$0x1] =	stream.indirect_vreg.gather [hbm4b:s2+s3], $0x80, v19, vm0, $0xb8;
	[tilespmem:$0x1B000] =	vst v63  }
0x29c: {  	v53 =	vperm.xlane v17, v12;
	v19 =	vadd.s32 v3, v52;
	s10 =	simm.s32 $0x10400  }
0x29d: {  	[tilespmem:s10], [sflag:$0x1] =	stream.indirect_vreg.gather [hbm4b:s2+s3], $0x80, v50, vm0, $0xb8;
	[tilespmem:$0x1B000] =	vst v63  }
0x29e: {  	v55 =	vperm.xlane v17, v13;
	v54 =	vadd.s32 v3, v53;
	s10 =	simm.s32 $0x10480  }
0x29f: {  	[tilespmem:s10], [sflag:$0x1] =	stream.indirect_vreg.gather [hbm4b:s2+s3], $0x80, v18, vm0, $0xb8;
	[tilespmem:$0x1B000] =	vst v63  }
0x2a0: {  	v56 =	vperm.xlane v17, v14;
	v18 =	vadd.s32 v3, v55;
	s10 =	simm.s32 $0x10500  }
0x2a1: {  	[tilespmem:s10], [sflag:$0x1] =	stream.indirect_vreg.gather [hbm4b:s2+s3], $0x80, v19, vm0, $0xb8;
	[tilespmem:$0x1B000] =	vst v63  }
0x2a2: {  	v57 =	vperm.xlane v17, v15;
	v19 =	vadd.s32 v3, v56;
	s10 =	simm.s32 $0x10580  }
0x2a3: {  	[tilespmem:s10], [sflag:$0x1] =	stream.indirect_vreg.gather [hbm4b:s2+s3], $0x80, v54, vm0, $0xb8;
	[tilespmem:$0x1B000] =	vst v63  }
0x2a4: {  	v17 =	vperm.xlane v17, v16;
	v58 =	vadd.s32 v3, v57;
	s10 =	simm.s32 $0x10600  }
0x2a5: {  	[tilespmem:s10], [sflag:$0x1] =	stream.indirect_vreg.gather [hbm4b:s2+s3], $0x80, v18, vm0, $0xb8;
	[tilespmem:$0x1B000] =	vst v63  }
0x2a6: {  	v17 =	vadd.s32 v3, v17;
	s10 =	simm.s32 $0x10680  }
0x2a7: {  	[tilespmem:s10], [sflag:$0x1] =	stream.indirect_vreg.gather [hbm4b:s2+s3], $0x80, v19, vm0, $0xb8;
	[tilespmem:$0x1B000] =	vst v63  }
0x2a8: {  	s10 =	simm.s32 $0x10700  }
0x2a9: {  	[tilespmem:s10], [sflag:$0x1] =	stream.indirect_vreg.gather [hbm4b:s2+s3], $0x80, v58, vm0, $0xb8;
	[tilespmem:$0x1B000] =	vst v63  }
0x2aa: {  	s10 =	simm.s32 $0x10780  }
0x2ab: {  	[tilespmem:s10], [sflag:$0x1] =	stream.indirect_vreg.gather [hbm4b:s2+s3], $0x80, v17, vm0, $0xb8;
	[tilespmem:$0x1B000] =	vst v63  }
0x2ac: {  	v17 =	vld [tilespmem:s7+$0x110];
	_ =	sdelay $0x4  }
0x2ad: {  	v18 =	vshll.u32 v17, $0x1  }
0x2ae: {  	v17 =	vand.u32 $0x7, v17;
	v18 =	vand.u32 $0xFFFFFFF0, v18  }
0x2af: {  	v17 =	vor.u32 v17, v18  }
0x2b0: {  	v18 =	vperm.xlane v17, v2;
	_ =	sdelay $0x1  }
0x2b1: {  	v19 =	vperm.xlane v17, v1;
	v18 =	vadd.s32 v3, v18;
	_ =	sdelay $0x1  }
0x2b2: {  	v59 =	vperm.xlane v17, v4;
	v19 =	vadd.s32 v3, v19;
	_ =	sdelay $0x1  }
0x2b3: {  	s10 =	simm.s32 $0x10800;
	v60 =	vperm.xlane v17, v5;
	v20 =	vadd.s32 v3, v59  }
0x2b4: {  	[tilespmem:s10], [sflag:$0x1] =	stream.indirect_vreg.gather [hbm4b:s2+s3], $0x80, v18, vm0, $0xb8;
	[tilespmem:$0x1B000] =	vst v63  }
0x2b5: {  	v61 =	vperm.xlane v17, v6;
	v18 =	vadd.s32 v3, v60;
	s10 =	simm.s32 $0x10880  }
0x2b6: {  	[tilespmem:s10], [sflag:$0x1] =	stream.indirect_vreg.gather [hbm4b:s2+s3], $0x80, v19, vm0, $0xb8;
	[tilespmem:$0x1B000] =	vst v63  }
0x2b7: {  	v62 =	vperm.xlane v17, v7;
	v19 =	vadd.s32 v3, v61;
	s10 =	simm.s32 $0x10900  }
0x2b8: {  	[tilespmem:s10], [sflag:$0x1] =	stream.indirect_vreg.gather [hbm4b:s2+s3], $0x80, v20, vm0, $0xb8;
	[tilespmem:$0x1B000] =	vst v63  }
0x2b9: {  	v24 =	vperm.xlane v17, v8;
	v63 =	vadd.s32 v3, v62;
	s10 =	simm.s32 $0x10980  }
0x2ba: {  	[tilespmem:s10], [sflag:$0x1] =	stream.indirect_vreg.gather [hbm4b:s2+s3], $0x80, v18, vm0, $0xb8;
	[tilespmem:$0x1B000] =	vst v63  }
0x2bb: {  	v25 =	vperm.xlane v17, v0;
	v18 =	vadd.s32 v3, v24;
	s10 =	simm.s32 $0x10A00  }
0x2bc: {  	[tilespmem:s10], [sflag:$0x1] =	stream.indirect_vreg.gather [hbm4b:s2+s3], $0x80, v19, vm0, $0xb8;
	[tilespmem:$0x1B000] =	vst v63  }
0x2bd: {  	v26 =	vperm.xlane v17, v9;
	v19 =	vadd.s32 v3, v25;
	s10 =	simm.s32 $0x10A80  }
0x2be: {  	[tilespmem:s10], [sflag:$0x1] =	stream.indirect_vreg.gather [hbm4b:s2+s3], $0x80, v63, vm0, $0xb8;
	[tilespmem:$0x1B000] =	vst v63  }
0x2bf: {  	v28 =	vperm.xlane v17, v10;
	v27 =	vadd.s32 v3, v26;
	s10 =	simm.s32 $0x10B00  }
0x2c0: {  	[tilespmem:s10], [sflag:$0x1] =	stream.indirect_vreg.gather [hbm4b:s2+s3], $0x80, v18, vm0, $0xb8;
	[tilespmem:$0x1B000] =	vst v63  }
0x2c1: {  	v29 =	vperm.xlane v17, v11;
	v18 =	vadd.s32 v3, v28;
	s10 =	simm.s32 $0x10B80  }
0x2c2: {  	[tilespmem:s10], [sflag:$0x1] =	stream.indirect_vreg.gather [hbm4b:s2+s3], $0x80, v19, vm0, $0xb8;
	[tilespmem:$0x1B000] =	vst v63  }
0x2c3: {  	v30 =	vperm.xlane v17, v12;
	v19 =	vadd.s32 v3, v29;
	s10 =	simm.s32 $0x10C00  }
0x2c4: {  	[tilespmem:s10], [sflag:$0x1] =	stream.indirect_vreg.gather [hbm4b:s2+s3], $0x80, v27, vm0, $0xb8;
	[tilespmem:$0x1B000] =	vst v63  }
0x2c5: {  	v32 =	vperm.xlane v17, v13;
	v31 =	vadd.s32 v3, v30;
	s10 =	simm.s32 $0x10C80  }
0x2c6: {  	[tilespmem:s10], [sflag:$0x1] =	stream.indirect_vreg.gather [hbm4b:s2+s3], $0x80, v18, vm0, $0xb8;
	[tilespmem:$0x1B000] =	vst v63  }
0x2c7: {  	v33 =	vperm.xlane v17, v14;
	v18 =	vadd.s32 v3, v32;
	s10 =	simm.s32 $0x10D00  }
0x2c8: {  	[tilespmem:s10], [sflag:$0x1] =	stream.indirect_vreg.gather [hbm4b:s2+s3], $0x80, v19, vm0, $0xb8;
	[tilespmem:$0x1B000] =	vst v63  }
0x2c9: {  	v34 =	vperm.xlane v17, v15;
	v19 =	vadd.s32 v3, v33;
	s10 =	simm.s32 $0x10D80  }
0x2ca: {  	[tilespmem:s10], [sflag:$0x1] =	stream.indirect_vreg.gather [hbm4b:s2+s3], $0x80, v31, vm0, $0xb8;
	[tilespmem:$0x1B000] =	vst v63  }
0x2cb: {  	v17 =	vperm.xlane v17, v16;
	v35 =	vadd.s32 v3, v34;
	s10 =	simm.s32 $0x10E00  }
0x2cc: {  	[tilespmem:s10], [sflag:$0x1] =	stream.indirect_vreg.gather [hbm4b:s2+s3], $0x80, v18, vm0, $0xb8;
	[tilespmem:$0x1B000] =	vst v63  }
0x2cd: {  	v17 =	vadd.s32 v3, v17;
	s10 =	simm.s32 $0x10E80  }
0x2ce: {  	[tilespmem:s10], [sflag:$0x1] =	stream.indirect_vreg.gather [hbm4b:s2+s3], $0x80, v19, vm0, $0xb8;
	[tilespmem:$0x1B000] =	vst v63  }
0x2cf: {  	s10 =	simm.s32 $0x10F00  }
0x2d0: {  	[tilespmem:s10], [sflag:$0x1] =	stream.indirect_vreg.gather [hbm4b:s2+s3], $0x80, v35, vm0, $0xb8;
	[tilespmem:$0x1B000] =	vst v63  }
0x2d1: {  	s10 =	simm.s32 $0x10F80  }
0x2d2: {  	[tilespmem:s10], [sflag:$0x1] =	stream.indirect_vreg.gather [hbm4b:s2+s3], $0x80, v17, vm0, $0xb8;
	[tilespmem:$0x1B000] =	vst v63  }
0x2d3: {  	v17 =	vld [tilespmem:s7+$0x120];
	_ =	sdelay $0x4  }
0x2d4: {  	v18 =	vshll.u32 v17, $0x1  }
0x2d5: {  	v17 =	vand.u32 $0x7, v17;
	v18 =	vand.u32 $0xFFFFFFF0, v18  }
0x2d6: {  	v17 =	vor.u32 v17, v18  }
0x2d7: {  	v18 =	vperm.xlane v17, v2;
	_ =	sdelay $0x1  }
0x2d8: {  	v19 =	vperm.xlane v17, v1;
	v18 =	vadd.s32 v3, v18;
	_ =	sdelay $0x1  }
0x2d9: {  	v36 =	vperm.xlane v17, v4;
	v19 =	vadd.s32 v3, v19;
	_ =	sdelay $0x1  }
0x2da: {  	s10 =	simm.s32 $0x11000;
	v37 =	vperm.xlane v17, v5;
	v20 =	vadd.s32 v3, v36  }
0x2db: {  	[tilespmem:s10], [sflag:$0x1] =	stream.indirect_vreg.gather [hbm4b:s2+s3], $0x80, v18, vm0, $0xb8;
	[tilespmem:$0x1B000] =	vst v63  }
0x2dc: {  	v38 =	vperm.xlane v17, v6;
	v18 =	vadd.s32 v3, v37;
	s10 =	simm.s32 $0x11080  }
0x2dd: {  	[tilespmem:s10], [sflag:$0x1] =	stream.indirect_vreg.gather [hbm4b:s2+s3], $0x80, v19, vm0, $0xb8;
	[tilespmem:$0x1B000] =	vst v63  }
0x2de: {  	v39 =	vperm.xlane v17, v7;
	v19 =	vadd.s32 v3, v38;
	s10 =	simm.s32 $0x11100  }
0x2df: {  	[tilespmem:s10], [sflag:$0x1] =	stream.indirect_vreg.gather [hbm4b:s2+s3], $0x80, v20, vm0, $0xb8;
	[tilespmem:$0x1B000] =	vst v63  }
0x2e0: {  	v41 =	vperm.xlane v17, v8;
	v40 =	vadd.s32 v3, v39;
	s10 =	simm.s32 $0x11180  }
0x2e1: {  	[tilespmem:s10], [sflag:$0x1] =	stream.indirect_vreg.gather [hbm4b:s2+s3], $0x80, v18, vm0, $0xb8;
	[tilespmem:$0x1B000] =	vst v63  }
0x2e2: {  	v42 =	vperm.xlane v17, v0;
	v18 =	vadd.s32 v3, v41;
	s10 =	simm.s32 $0x11200  }
0x2e3: {  	[tilespmem:s10], [sflag:$0x1] =	stream.indirect_vreg.gather [hbm4b:s2+s3], $0x80, v19, vm0, $0xb8;
	[tilespmem:$0x1B000] =	vst v63  }
0x2e4: {  	v43 =	vperm.xlane v17, v9;
	v19 =	vadd.s32 v3, v42;
	s10 =	simm.s32 $0x11280  }
0x2e5: {  	[tilespmem:s10], [sflag:$0x1] =	stream.indirect_vreg.gather [hbm4b:s2+s3], $0x80, v40, vm0, $0xb8;
	[tilespmem:$0x1B000] =	vst v63  }
0x2e6: {  	v45 =	vperm.xlane v17, v10;
	v44 =	vadd.s32 v3, v43;
	s10 =	simm.s32 $0x11300  }
0x2e7: {  	[tilespmem:s10], [sflag:$0x1] =	stream.indirect_vreg.gather [hbm4b:s2+s3], $0x80, v18, vm0, $0xb8;
	[tilespmem:$0x1B000] =	vst v63  }
0x2e8: {  	v46 =	vperm.xlane v17, v11;
	v18 =	vadd.s32 v3, v45;
	s10 =	simm.s32 $0x11380  }
0x2e9: {  	[tilespmem:s10], [sflag:$0x1] =	stream.indirect_vreg.gather [hbm4b:s2+s3], $0x80, v19, vm0, $0xb8;
	[tilespmem:$0x1B000] =	vst v63  }
0x2ea: {  	v47 =	vperm.xlane v17, v12;
	v19 =	vadd.s32 v3, v46;
	s10 =	simm.s32 $0x11400  }
0x2eb: {  	[tilespmem:s10], [sflag:$0x1] =	stream.indirect_vreg.gather [hbm4b:s2+s3], $0x80, v44, vm0, $0xb8;
	[tilespmem:$0x1B000] =	vst v63  }
0x2ec: {  	v49 =	vperm.xlane v17, v13;
	v48 =	vadd.s32 v3, v47;
	s10 =	simm.s32 $0x11480  }
0x2ed: {  	[tilespmem:s10], [sflag:$0x1] =	stream.indirect_vreg.gather [hbm4b:s2+s3], $0x80, v18, vm0, $0xb8;
	[tilespmem:$0x1B000] =	vst v63  }
0x2ee: {  	v50 =	vperm.xlane v17, v14;
	v18 =	vadd.s32 v3, v49;
	s10 =	simm.s32 $0x11500  }
0x2ef: {  	[tilespmem:s10], [sflag:$0x1] =	stream.indirect_vreg.gather [hbm4b:s2+s3], $0x80, v19, vm0, $0xb8;
	[tilespmem:$0x1B000] =	vst v63  }
0x2f0: {  	v51 =	vperm.xlane v17, v15;
	v19 =	vadd.s32 v3, v50;
	s10 =	simm.s32 $0x11580  }
0x2f1: {  	[tilespmem:s10], [sflag:$0x1] =	stream.indirect_vreg.gather [hbm4b:s2+s3], $0x80, v48, vm0, $0xb8;
	[tilespmem:$0x1B000] =	vst v63  }
0x2f2: {  	v17 =	vperm.xlane v17, v16;
	v52 =	vadd.s32 v3, v51;
	s10 =	simm.s32 $0x11600  }
0x2f3: {  	[tilespmem:s10], [sflag:$0x1] =	stream.indirect_vreg.gather [hbm4b:s2+s3], $0x80, v18, vm0, $0xb8;
	[tilespmem:$0x1B000] =	vst v63  }
0x2f4: {  	v17 =	vadd.s32 v3, v17;
	s10 =	simm.s32 $0x11680  }
0x2f5: {  	[tilespmem:s10], [sflag:$0x1] =	stream.indirect_vreg.gather [hbm4b:s2+s3], $0x80, v19, vm0, $0xb8;
	[tilespmem:$0x1B000] =	vst v63  }
0x2f6: {  	s10 =	simm.s32 $0x11700  }
0x2f7: {  	[tilespmem:s10], [sflag:$0x1] =	stream.indirect_vreg.gather [hbm4b:s2+s3], $0x80, v52, vm0, $0xb8;
	[tilespmem:$0x1B000] =	vst v63  }
0x2f8: {  	s10 =	simm.s32 $0x11780  }
0x2f9: {  	[tilespmem:s10], [sflag:$0x1] =	stream.indirect_vreg.gather [hbm4b:s2+s3], $0x80, v17, vm0, $0xb8;
	[tilespmem:$0x1B000] =	vst v63  }
0x2fa: {  	v17 =	vld.msk [tilespmem:s7+$0x130], $0x3;
	_ =	sdelay $0x4  }
0x2fb: {  	v18 =	vshll.u32 v17, $0x1  }
0x2fc: {  	v17 =	vand.u32 $0x7, v17;
	v18 =	vand.u32 $0xFFFFFFF0, v18  }
0x2fd: {  	v17 =	vor.u32 v17, v18  }
0x2fe: {  	v18 =	vperm.xlane v17, v2;
	_ =	sdelay $0x1  }
0x2ff: {  	v17 =	vperm.xlane v17, v1;
	v18 =	vadd.s32 v3, v18;
	_ =	sdelay $0x1  }
0x300: {  	v17 =	vadd.s32 v3, v17;
	_ =	sdelay $0x1  }
0x301: {  	s10 =	simm.s32 $0x11800  }
0x302: {  	[tilespmem:s10], [sflag:$0x1] =	stream.indirect_vreg.gather [hbm4b:s2+s3], $0x80, v18, vm0, $0xb8;
	[tilespmem:$0x1B000] =	vst v63  }
0x303: {  	s10 =	simm.s32 $0x11880  }
0x304: {  	[tilespmem:s10], [sflag:$0x1] =	stream.indirect_vreg.gather [hbm4b:s2+s3], $0x80, v17, vm0, $0xb8;
	[tilespmem:$0x1B000] =	vst v63  }
0x305: {  	v17 =	vld [tilespmem:s7+$0x100];
	_ =	sdelay $0x4  }
0x306: {  	v18 =	vshll.u32 v17, $0x1  }
0x307: {  	v17 =	vand.u32 $0x7, v17;
	v18 =	vand.u32 $0xFFFFFFF0, v18  }
0x308: {  	v17 =	vor.u32 v17, v18  }
0x309: {  	v18 =	vperm.xlane v17, v2;
	_ =	sdelay $0x1  }
0x30a: {  	v19 =	vperm.xlane v17, v1;
	v18 =	vadd.s32 v3, v18;
	_ =	sdelay $0x1  }
0x30b: {  	v53 =	vperm.xlane v17, v4;
	v19 =	vadd.s32 v3, v19;
	_ =	sdelay $0x1  }
0x30c: {  	s10 =	simm.s32 $0x11C00;
	v54 =	vperm.xlane v17, v5;
	v20 =	vadd.s32 v3, v53  }
0x30d: {  	[tilespmem:s10], [sflag:$0x1] =	stream.indirect_vreg.gather [hbm4b:s5+s3], $0x80, v18, vm0, $0xb8;
	[tilespmem:$0x1B000] =	vst v63  }
0x30e: {  	v55 =	vperm.xlane v17, v6;
	v18 =	vadd.s32 v3, v54;
	s10 =	simm.s32 $0x11C80  }
0x30f: {  	[tilespmem:s10], [sflag:$0x1] =	stream.indirect_vreg.gather [hbm4b:s5+s3], $0x80, v19, vm0, $0xb8;
	[tilespmem:$0x1B000] =	vst v63  }
0x310: {  	v56 =	vperm.xlane v17, v7;
	v19 =	vadd.s32 v3, v55;
	s10 =	simm.s32 $0x11D00  }
0x311: {  	[tilespmem:s10], [sflag:$0x1] =	stream.indirect_vreg.gather [hbm4b:s5+s3], $0x80, v20, vm0, $0xb8;
	[tilespmem:$0x1B000] =	vst v63  }
0x312: {  	v58 =	vperm.xlane v17, v8;
	v57 =	vadd.s32 v3, v56;
	s10 =	simm.s32 $0x11D80  }
0x313: {  	[tilespmem:s10], [sflag:$0x1] =	stream.indirect_vreg.gather [hbm4b:s5+s3], $0x80, v18, vm0, $0xb8;
	[tilespmem:$0x1B000] =	vst v63  }
0x314: {  	v59 =	vperm.xlane v17, v0;
	v18 =	vadd.s32 v3, v58;
	s10 =	simm.s32 $0x11E00  }
0x315: {  	[tilespmem:s10], [sflag:$0x1] =	stream.indirect_vreg.gather [hbm4b:s5+s3], $0x80, v19, vm0, $0xb8;
	[tilespmem:$0x1B000] =	vst v63  }
0x316: {  	v60 =	vperm.xlane v17, v9;
	v19 =	vadd.s32 v3, v59;
	s10 =	simm.s32 $0x11E80  }
0x317: {  	[tilespmem:s10], [sflag:$0x1] =	stream.indirect_vreg.gather [hbm4b:s5+s3], $0x80, v57, vm0, $0xb8;
	[tilespmem:$0x1B000] =	vst v63  }
0x318: {  	v62 =	vperm.xlane v17, v10;
	v61 =	vadd.s32 v3, v60;
	s10 =	simm.s32 $0x11F00  }
0x319: {  	[tilespmem:s10], [sflag:$0x1] =	stream.indirect_vreg.gather [hbm4b:s5+s3], $0x80, v18, vm0, $0xb8;
	[tilespmem:$0x1B000] =	vst v63  }
0x31a: {  	v63 =	vperm.xlane v17, v11;
	v18 =	vadd.s32 v3, v62;
	s10 =	simm.s32 $0x11F80  }
0x31b: {  	[tilespmem:s10], [sflag:$0x1] =	stream.indirect_vreg.gather [hbm4b:s5+s3], $0x80, v19, vm0, $0xb8;
	[tilespmem:$0x1B000] =	vst v63  }
0x31c: {  	v24 =	vperm.xlane v17, v12;
	v19 =	vadd.s32 v3, v63;
	s10 =	simm.s32 $0x12000  }
0x31d: {  	[tilespmem:s10], [sflag:$0x1] =	stream.indirect_vreg.gather [hbm4b:s5+s3], $0x80, v61, vm0, $0xb8;
	[tilespmem:$0x1B000] =	vst v63  }
0x31e: {  	v26 =	vperm.xlane v17, v13;
	v25 =	vadd.s32 v3, v24;
	s10 =	simm.s32 $0x12080  }
0x31f: {  	[tilespmem:s10], [sflag:$0x1] =	stream.indirect_vreg.gather [hbm4b:s5+s3], $0x80, v18, vm0, $0xb8;
	[tilespmem:$0x1B000] =	vst v63  }
0x320: {  	v27 =	vperm.xlane v17, v14;
	v18 =	vadd.s32 v3, v26;
	s10 =	simm.s32 $0x12100  }
0x321: {  	[tilespmem:s10], [sflag:$0x1] =	stream.indirect_vreg.gather [hbm4b:s5+s3], $0x80, v19, vm0, $0xb8;
	[tilespmem:$0x1B000] =	vst v63  }
0x322: {  	v28 =	vperm.xlane v17, v15;
	v19 =	vadd.s32 v3, v27;
	s10 =	simm.s32 $0x12180  }
0x323: {  	[tilespmem:s10], [sflag:$0x1] =	stream.indirect_vreg.gather [hbm4b:s5+s3], $0x80, v25, vm0, $0xb8;
	[tilespmem:$0x1B000] =	vst v63  }
0x324: {  	v17 =	vperm.xlane v17, v16;
	v29 =	vadd.s32 v3, v28;
	s10 =	simm.s32 $0x12200  }
0x325: {  	[tilespmem:s10], [sflag:$0x1] =	stream.indirect_vreg.gather [hbm4b:s5+s3], $0x80, v18, vm0, $0xb8;
	[tilespmem:$0x1B000] =	vst v63  }
0x326: {  	v17 =	vadd.s32 v3, v17;
	s10 =	simm.s32 $0x12280  }
0x327: {  	[tilespmem:s10], [sflag:$0x1] =	stream.indirect_vreg.gather [hbm4b:s5+s3], $0x80, v19, vm0, $0xb8;
	[tilespmem:$0x1B000] =	vst v63  }
0x328: {  	s10 =	simm.s32 $0x12300  }
0x329: {  	[tilespmem:s10], [sflag:$0x1] =	stream.indirect_vreg.gather [hbm4b:s5+s3], $0x80, v29, vm0, $0xb8;
	[tilespmem:$0x1B000] =	vst v63  }
0x32a: {  	s10 =	simm.s32 $0x12380  }
0x32b: {  	[tilespmem:s10], [sflag:$0x1] =	stream.indirect_vreg.gather [hbm4b:s5+s3], $0x80, v17, vm0, $0xb8;
	[tilespmem:$0x1B000] =	vst v63  }
0x32c: {  	v17 =	vld [tilespmem:s7+$0x110];
	_ =	sdelay $0x4  }
0x32d: {  	v18 =	vshll.u32 v17, $0x1  }
0x32e: {  	v17 =	vand.u32 $0x7, v17;
	v18 =	vand.u32 $0xFFFFFFF0, v18  }
0x32f: {  	v17 =	vor.u32 v17, v18  }
0x330: {  	v18 =	vperm.xlane v17, v2;
	_ =	sdelay $0x1  }
0x331: {  	v19 =	vperm.xlane v17, v1;
	v18 =	vadd.s32 v3, v18;
	_ =	sdelay $0x1  }
0x332: {  	v30 =	vperm.xlane v17, v4;
	v19 =	vadd.s32 v3, v19;
	_ =	sdelay $0x1  }
0x333: {  	s10 =	simm.s32 $0x12400;
	v31 =	vperm.xlane v17, v5;
	v20 =	vadd.s32 v3, v30  }
0x334: {  	[tilespmem:s10], [sflag:$0x1] =	stream.indirect_vreg.gather [hbm4b:s5+s3], $0x80, v18, vm0, $0xb8;
	[tilespmem:$0x1B000] =	vst v63  }
0x335: {  	v32 =	vperm.xlane v17, v6;
	v18 =	vadd.s32 v3, v31;
	s10 =	simm.s32 $0x12480  }
0x336: {  	[tilespmem:s10], [sflag:$0x1] =	stream.indirect_vreg.gather [hbm4b:s5+s3], $0x80, v19, vm0, $0xb8;
	[tilespmem:$0x1B000] =	vst v63  }
0x337: {  	v33 =	vperm.xlane v17, v7;
	v19 =	vadd.s32 v3, v32;
	s10 =	simm.s32 $0x12500  }
0x338: {  	[tilespmem:s10], [sflag:$0x1] =	stream.indirect_vreg.gather [hbm4b:s5+s3], $0x80, v20, vm0, $0xb8;
	[tilespmem:$0x1B000] =	vst v63  }
0x339: {  	v35 =	vperm.xlane v17, v8;
	v34 =	vadd.s32 v3, v33;
	s10 =	simm.s32 $0x12580  }
0x33a: {  	[tilespmem:s10], [sflag:$0x1] =	stream.indirect_vreg.gather [hbm4b:s5+s3], $0x80, v18, vm0, $0xb8;
	[tilespmem:$0x1B000] =	vst v63  }
0x33b: {  	v36 =	vperm.xlane v17, v0;
	v18 =	vadd.s32 v3, v35;
	s10 =	simm.s32 $0x12600  }
0x33c: {  	[tilespmem:s10], [sflag:$0x1] =	stream.indirect_vreg.gather [hbm4b:s5+s3], $0x80, v19, vm0, $0xb8;
	[tilespmem:$0x1B000] =	vst v63  }
0x33d: {  	v37 =	vperm.xlane v17, v9;
	v19 =	vadd.s32 v3, v36;
	s10 =	simm.s32 $0x12680  }
0x33e: {  	[tilespmem:s10], [sflag:$0x1] =	stream.indirect_vreg.gather [hbm4b:s5+s3], $0x80, v34, vm0, $0xb8;
	[tilespmem:$0x1B000] =	vst v63  }
0x33f: {  	v39 =	vperm.xlane v17, v10;
	v38 =	vadd.s32 v3, v37;
	s10 =	simm.s32 $0x12700  }
0x340: {  	[tilespmem:s10], [sflag:$0x1] =	stream.indirect_vreg.gather [hbm4b:s5+s3], $0x80, v18, vm0, $0xb8;
	[tilespmem:$0x1B000] =	vst v63  }
0x341: {  	v40 =	vperm.xlane v17, v11;
	v18 =	vadd.s32 v3, v39;
	s10 =	simm.s32 $0x12780  }
0x342: {  	[tilespmem:s10], [sflag:$0x1] =	stream.indirect_vreg.gather [hbm4b:s5+s3], $0x80, v19, vm0, $0xb8;
	[tilespmem:$0x1B000] =	vst v63  }
0x343: {  	v41 =	vperm.xlane v17, v12;
	v19 =	vadd.s32 v3, v40;
	s10 =	simm.s32 $0x12800  }
0x344: {  	[tilespmem:s10], [sflag:$0x1] =	stream.indirect_vreg.gather [hbm4b:s5+s3], $0x80, v38, vm0, $0xb8;
	[tilespmem:$0x1B000] =	vst v63  }
0x345: {  	v43 =	vperm.xlane v17, v13;
	v42 =	vadd.s32 v3, v41;
	s10 =	simm.s32 $0x12880  }
0x346: {  	[tilespmem:s10], [sflag:$0x1] =	stream.indirect_vreg.gather [hbm4b:s5+s3], $0x80, v18, vm0, $0xb8;
	[tilespmem:$0x1B000] =	vst v63  }
0x347: {  	v44 =	vperm.xlane v17, v14;
	v18 =	vadd.s32 v3, v43;
	s10 =	simm.s32 $0x12900  }
0x348: {  	[tilespmem:s10], [sflag:$0x1] =	stream.indirect_vreg.gather [hbm4b:s5+s3], $0x80, v19, vm0, $0xb8;
	[tilespmem:$0x1B000] =	vst v63  }
0x349: {  	v45 =	vperm.xlane v17, v15;
	v19 =	vadd.s32 v3, v44;
	s10 =	simm.s32 $0x12980  }
0x34a: {  	[tilespmem:s10], [sflag:$0x1] =	stream.indirect_vreg.gather [hbm4b:s5+s3], $0x80, v42, vm0, $0xb8;
	[tilespmem:$0x1B000] =	vst v63  }
0x34b: {  	v17 =	vperm.xlane v17, v16;
	v46 =	vadd.s32 v3, v45;
	s10 =	simm.s32 $0x12A00  }
0x34c: {  	[tilespmem:s10], [sflag:$0x1] =	stream.indirect_vreg.gather [hbm4b:s5+s3], $0x80, v18, vm0, $0xb8;
	[tilespmem:$0x1B000] =	vst v63  }
0x34d: {  	v17 =	vadd.s32 v3, v17;
	s10 =	simm.s32 $0x12A80  }
0x34e: {  	[tilespmem:s10], [sflag:$0x1] =	stream.indirect_vreg.gather [hbm4b:s5+s3], $0x80, v19, vm0, $0xb8;
	[tilespmem:$0x1B000] =	vst v63  }
0x34f: {  	s10 =	simm.s32 $0x12B00  }
0x350: {  	[tilespmem:s10], [sflag:$0x1] =	stream.indirect_vreg.gather [hbm4b:s5+s3], $0x80, v46, vm0, $0xb8;
	[tilespmem:$0x1B000] =	vst v63  }
0x351: {  	s10 =	simm.s32 $0x12B80  }
0x352: {  	[tilespmem:s10], [sflag:$0x1] =	stream.indirect_vreg.gather [hbm4b:s5+s3], $0x80, v17, vm0, $0xb8;
	[tilespmem:$0x1B000] =	vst v63  }
0x353: {  	v17 =	vld [tilespmem:s7+$0x120];
	_ =	sdelay $0x4  }
0x354: {  	v18 =	vshll.u32 v17, $0x1  }
0x355: {  	v17 =	vand.u32 $0x7, v17;
	v18 =	vand.u32 $0xFFFFFFF0, v18  }
0x356: {  	v17 =	vor.u32 v17, v18  }
0x357: {  	v18 =	vperm.xlane v17, v2;
	_ =	sdelay $0x1  }
0x358: {  	v19 =	vperm.xlane v17, v1;
	v18 =	vadd.s32 v3, v18;
	_ =	sdelay $0x1  }
0x359: {  	v47 =	vperm.xlane v17, v4;
	v19 =	vadd.s32 v3, v19;
	_ =	sdelay $0x1  }
0x35a: {  	s10 =	simm.s32 $0x12C00;
	v48 =	vperm.xlane v17, v5;
	v20 =	vadd.s32 v3, v47  }
0x35b: {  	[tilespmem:s10], [sflag:$0x1] =	stream.indirect_vreg.gather [hbm4b:s5+s3], $0x80, v18, vm0, $0xb8;
	[tilespmem:$0x1B000] =	vst v63  }
0x35c: {  	v49 =	vperm.xlane v17, v6;
	v18 =	vadd.s32 v3, v48;
	s10 =	simm.s32 $0x12C80  }
0x35d: {  	[tilespmem:s10], [sflag:$0x1] =	stream.indirect_vreg.gather [hbm4b:s5+s3], $0x80, v19, vm0, $0xb8;
	[tilespmem:$0x1B000] =	vst v63  }
0x35e: {  	v50 =	vperm.xlane v17, v7;
	v19 =	vadd.s32 v3, v49;
	s10 =	simm.s32 $0x12D00  }
0x35f: {  	[tilespmem:s10], [sflag:$0x1] =	stream.indirect_vreg.gather [hbm4b:s5+s3], $0x80, v20, vm0, $0xb8;
	[tilespmem:$0x1B000] =	vst v63  }
0x360: {  	v52 =	vperm.xlane v17, v8;
	v51 =	vadd.s32 v3, v50;
	s10 =	simm.s32 $0x12D80  }
0x361: {  	[tilespmem:s10], [sflag:$0x1] =	stream.indirect_vreg.gather [hbm4b:s5+s3], $0x80, v18, vm0, $0xb8;
	[tilespmem:$0x1B000] =	vst v63  }
0x362: {  	v53 =	vperm.xlane v17, v0;
	v18 =	vadd.s32 v3, v52;
	s10 =	simm.s32 $0x12E00  }
0x363: {  	[tilespmem:s10], [sflag:$0x1] =	stream.indirect_vreg.gather [hbm4b:s5+s3], $0x80, v19, vm0, $0xb8;
	[tilespmem:$0x1B000] =	vst v63  }
0x364: {  	v54 =	vperm.xlane v17, v9;
	v19 =	vadd.s32 v3, v53;
	s10 =	simm.s32 $0x12E80  }
0x365: {  	[tilespmem:s10], [sflag:$0x1] =	stream.indirect_vreg.gather [hbm4b:s5+s3], $0x80, v51, vm0, $0xb8;
	[tilespmem:$0x1B000] =	vst v63  }
0x366: {  	v56 =	vperm.xlane v17, v10;
	v55 =	vadd.s32 v3, v54;
	s10 =	simm.s32 $0x12F00  }
0x367: {  	[tilespmem:s10], [sflag:$0x1] =	stream.indirect_vreg.gather [hbm4b:s5+s3], $0x80, v18, vm0, $0xb8;
	[tilespmem:$0x1B000] =	vst v63  }
0x368: {  	v57 =	vperm.xlane v17, v11;
	v18 =	vadd.s32 v3, v56;
	s10 =	simm.s32 $0x12F80  }
0x369: {  	[tilespmem:s10], [sflag:$0x1] =	stream.indirect_vreg.gather [hbm4b:s5+s3], $0x80, v19, vm0, $0xb8;
	[tilespmem:$0x1B000] =	vst v63  }
0x36a: {  	v58 =	vperm.xlane v17, v12;
	v19 =	vadd.s32 v3, v57;
	s10 =	simm.s32 $0x13000  }
0x36b: {  	[tilespmem:s10], [sflag:$0x1] =	stream.indirect_vreg.gather [hbm4b:s5+s3], $0x80, v55, vm0, $0xb8;
	[tilespmem:$0x1B000] =	vst v63  }
0x36c: {  	v60 =	vperm.xlane v17, v13;
	v59 =	vadd.s32 v3, v58;
	s10 =	simm.s32 $0x13080  }
0x36d: {  	[tilespmem:s10], [sflag:$0x1] =	stream.indirect_vreg.gather [hbm4b:s5+s3], $0x80, v18, vm0, $0xb8;
	[tilespmem:$0x1B000] =	vst v63  }
0x36e: {  	v61 =	vperm.xlane v17, v14;
	v18 =	vadd.s32 v3, v60;
	s10 =	simm.s32 $0x13100  }
0x36f: {  	[tilespmem:s10], [sflag:$0x1] =	stream.indirect_vreg.gather [hbm4b:s5+s3], $0x80, v19, vm0, $0xb8;
	[tilespmem:$0x1B000] =	vst v63  }
0x370: {  	v62 =	vperm.xlane v17, v15;
	v19 =	vadd.s32 v3, v61;
	s10 =	simm.s32 $0x13180  }
0x371: {  	[tilespmem:s10], [sflag:$0x1] =	stream.indirect_vreg.gather [hbm4b:s5+s3], $0x80, v59, vm0, $0xb8;
	[tilespmem:$0x1B000] =	vst v63  }
0x372: {  	v17 =	vperm.xlane v17, v16;
	v63 =	vadd.s32 v3, v62;
	s10 =	simm.s32 $0x13200  }
0x373: {  	[tilespmem:s10], [sflag:$0x1] =	stream.indirect_vreg.gather [hbm4b:s5+s3], $0x80, v18, vm0, $0xb8;
	[tilespmem:$0x1B000] =	vst v63  }
0x374: {  	v17 =	vadd.s32 v3, v17;
	s10 =	simm.s32 $0x13280  }
0x375: {  	[tilespmem:s10], [sflag:$0x1] =	stream.indirect_vreg.gather [hbm4b:s5+s3], $0x80, v19, vm0, $0xb8;
	[tilespmem:$0x1B000] =	vst v63  }
0x376: {  	s10 =	simm.s32 $0x13300  }
0x377: {  	[tilespmem:s10], [sflag:$0x1] =	stream.indirect_vreg.gather [hbm4b:s5+s3], $0x80, v63, vm0, $0xb8;
	[tilespmem:$0x1B000] =	vst v63  }
0x378: {  	s10 =	simm.s32 $0x13380  }
0x379: {  	[tilespmem:s10], [sflag:$0x1] =	stream.indirect_vreg.gather [hbm4b:s5+s3], $0x80, v17, vm0, $0xb8;
	[tilespmem:$0x1B000] =	vst v63  }
0x37a: {  	v17 =	vld.msk [tilespmem:s7+$0x130], $0x3;
	_ =	sdelay $0x4  }
0x37b: {  	v18 =	vshll.u32 v17, $0x1  }
0x37c: {  	v17 =	vand.u32 $0x7, v17;
	v18 =	vand.u32 $0xFFFFFFF0, v18  }
0x37d: {  	v17 =	vor.u32 v17, v18  }
0x37e: {  	v18 =	vperm.xlane v17, v2;
	_ =	sdelay $0x1  }
0x37f: {  	v17 =	vperm.xlane v17, v1;
	v18 =	vadd.s32 v3, v18;
	_ =	sdelay $0x1  }
0x380: {  	v17 =	vadd.s32 v3, v17;
	_ =	sdelay $0x1  }
0x381: {  	s9 =	simm.s32 $0x13400  }
0x382: {  	[tilespmem:s9], [sflag:$0x1] =	stream.indirect_vreg.gather [hbm4b:s5+s3], $0x80, v18, vm0, $0xb8;
	[tilespmem:$0x1B000] =	vst v63  }
0x383: {  	s10 =	simm.s32 $0x13480  }
0x384: {  	[tilespmem:s10], [sflag:$0x1] =	stream.indirect_vreg.gather [hbm4b:s5+s3], $0x80, v17, vm0, $0xb8;
	[tilespmem:$0x1B000] =	vst v63  }
.LBB2_6:
0x385: {  	_ =	swait.ge [sflag:s31], $0x1900  }
0x386: {  	[sflag:s31] =	ssyncset.done $0x0  }
0x387: {  	[sflag:s31] =	ssyncadd.s32 $0xFFFFE700  }
0x388: {  	_ =	swait.ge [sflag:s31], $0x1900  }
0x389: {  	[sflag:s31] =	ssyncset.done $0x0  }
0x38a: {  	s10 =	simm.s32 $0x154F0;
	[sflag:s31] =	ssyncadd.s32 $0xFFFFE700  }
0x38b: {  	v21 =	vld [tilespmem:s10+$0xFFFFE390]  }
0x38c: {  	v22 =	vld [tilespmem:s10+$0xFFFFE3A0]  }
0x38d: {  	v23 =	vld [tilespmem:s10+$0xFFFFE3B0]  }
0x38e: {  	v24 =	vld [tilespmem:s10+$0xFFFFE3C0]  }
0x38f: {  	v26 =	vld [tilespmem:s10+$0xFFFFE3D0]  }
0x390: {  	v27 =	vld [tilespmem:s10+$0xFFFFE3E0]  }
0x391: {  	v28 =	vld [tilespmem:s10+$0xFFFFE3F0]  }
0x392: {  	v29 =	vld [tilespmem:s10+$0xFFFFE400]  }
0x393: {  	v30 =	vld [tilespmem:s10+$0xFFFFFF90]  }
0x394: {  	v25 =	vld [tilespmem:s10+$0xFFFFE310]  }
0x395: {  	v32 =	vld [tilespmem:s10+$0xFFFFE320]  }
0x396: {  	v33 =	vld [tilespmem:s10+$0xFFFFE330]  }
0x397: {  	v34 =	vld [tilespmem:s10+$0xFFFFE340]  }
0x398: {  	v35 =	vld [tilespmem:s10+$0xFFFFE350]  }
0x399: {  	v36 =	vld [tilespmem:s10+$0xFFFFE360]  }
0x39a: {  	v37 =	vld [tilespmem:s10+$0xFFFFE370]  }
0x39b: {  	v38 =	vld [tilespmem:s10+$0xFFFFE380]  }
0x39c: {  	v39 =	vld [tilespmem:s10+$0xFFFFFF10]  }
0x39d: {  	v40 =	vld [tilespmem:s10+$0xFFFFFF20]  }
0x39e: {  	v17 =	vimm.f32 $0.0e+00;
	v59 =	vld [tilespmem:s10+$0xFFFFFF30]  }
0x39f: {  	v41 =	vld [tilespmem:s10+$0xFFFFFF40];
	v25 =	vadd.f32 v25, v17;
	v32 =	vadd.f32 v32, v17  }
0x3a0: {  	v31 =	vld [tilespmem:s10+$0xFFFFFFA0];
	v33 =	vadd.f32 v33, v17;
	v34 =	vadd.f32 v34, v17  }
0x3a1: {  	v20 =	vld [tilespmem:s10+$0xFFFFFFB0];
	v60 =	vadd.f32 v35, v17;
	v61 =	vadd.f32 v36, v17  }
0x3a2: {  	v19 =	vld [tilespmem:s10+$0xFFFFFFC0];
	v37 =	vadd.f32 v37, v17;
	v38 =	vadd.f32 v38, v17  }
0x3a3: {  	v18 =	vld [tilespmem:s10+$0xFFFFFFD0];
	v62 =	vadd.f32 v39, v17;
	v63 =	vadd.f32 v40, v17  }
0x3a4: {  	v35 =	vld [tilespmem:s10+$0xFFFFFF50];
	v42 =	vadd.f32 v59, v17;
	v41 =	vadd.f32 v41, v17  }
0x3a5: {  	v36 =	vld [tilespmem:s10+$0xFFFFFF60];
	v21 =	vadd.f32 v21, v25;
	v22 =	vadd.f32 v22, v32  }
0x3a6: {  	v39 =	vld [tilespmem:s10+$0xFFFFFF80];
	v23 =	vadd.f32 v23, v33;
	v24 =	vadd.f32 v24, v34  }
0x3a7: {  	v40 =	vld [tilespmem:s10+$0x0];
	v26 =	vadd.f32 v26, v60;
	v27 =	vadd.f32 v27, v61  }
0x3a8: {  	v28 =	vadd.f32 v28, v37;
	v29 =	vadd.f32 v29, v38;
	v37 =	vld [tilespmem:s10+$0xFFFFFF70]  }
0x3a9: {  	v25 =	vld [tilespmem:s10+$0xFFFFFFE0];
	v32 =	vadd.f32 v30, v62;
	v30 =	vadd.f32 v31, v63  }
0x3aa: {  	s7 =	sshll.u32 s0, $0x1;
	s9 =	simm.s32 $0x0;
	v38 =	vld [tilespmem:s10+$0xFFFFFFF0];
	s10 =	simm.s32 $0x155F0;
	v34 =	vimm.f32 $0.0e+00;
	v33 =	vimm.f32 $0.0e+00;
	v31 =	vimm.f32 $0.0e+00  }
.LBB2_7:
0x3ab: {  	v43 =	vld [tilespmem:s10+$0xFFFFE390];
	v42 =	vadd.f32 v20, v42;
	v41 =	vadd.f32 v19, v41  }
0x3ac: {  	v17 =	vadd.f32 v35, v17;
	v19 =	vadd.f32 v36, v34;
	v44 =	vld [tilespmem:s10+$0xFFFFE3A0]  }
0x3ad: {  	v20 =	vadd.f32 v37, v33;
	v35 =	vld [tilespmem:s10+$0xFFFFE3B0];
	v31 =	vadd.f32 v39, v31  }
0x3ae: {  	v17 =	vadd.f32 v18, v17;
	v34 =	vadd.f32 v25, v19;
	v36 =	vld [tilespmem:s10+$0xFFFFE3C0]  }
0x3af: {  	v33 =	vadd.f32 v38, v20;
	v37 =	vld [tilespmem:s10+$0xFFFFE3D0];
	v31 =	vadd.f32 v40, v31  }
0x3b0: {  	v38 =	vld [tilespmem:s10+$0xFFFFE3E0]  }
0x3b1: {  	v39 =	vld [tilespmem:s10+$0xFFFFE3F0]  }
0x3b2: {  	v40 =	vld [tilespmem:s10+$0xFFFFE400]  }
0x3b3: {  	v45 =	vld [tilespmem:s10+$0xFFFFFF90]  }
0x3b4: {  	v46 =	vld [tilespmem:s10+$0xFFFFFFA0]  }
0x3b5: {  	v20 =	vld [tilespmem:s10+$0xFFFFFFB0]  }
0x3b6: {  	v19 =	vld [tilespmem:s10+$0xFFFFFFC0]  }
0x3b7: {  	v18 =	vld [tilespmem:s10+$0xFFFFFFD0]  }
0x3b8: {  	v25 =	vld [tilespmem:s10+$0xFFFFFFE0]  }
0x3b9: {  	v47 =	vld [tilespmem:s10+$0xFFFFE310]  }
0x3ba: {  	v48 =	vld [tilespmem:s10+$0xFFFFE320]  }
0x3bb: {  	v49 =	vld [tilespmem:s10+$0xFFFFE330]  }
0x3bc: {  	v50 =	vld [tilespmem:s10+$0xFFFFE340]  }
0x3bd: {  	v51 =	vld [tilespmem:s10+$0xFFFFE350]  }
0x3be: {  	v52 =	vld [tilespmem:s10+$0xFFFFE360]  }
0x3bf: {  	v53 =	vld [tilespmem:s10+$0xFFFFE370]  }
0x3c0: {  	v21 =	vadd.f32 v47, v21;
	v22 =	vadd.f32 v48, v22;
	v47 =	vld [tilespmem:s10+$0xFFFFE380]  }
0x3c1: {  	v23 =	vadd.f32 v49, v23;
	v24 =	vadd.f32 v50, v24;
	v48 =	vld [tilespmem:s10+$0xFFFFFF10]  }
0x3c2: {  	v21 =	vadd.f32 v43, v21;
	v22 =	vadd.f32 v44, v22;
	v49 =	vld [tilespmem:s10+$0xFFFFFF20]  }
0x3c3: {  	v23 =	vadd.f32 v35, v23;
	v43 =	vld [tilespmem:s10+$0xFFFFFF30];
	v24 =	vadd.f32 v36, v24  }
0x3c4: {  	s9 =	sadd.s32 $0x2, s9;
	v26 =	vadd.f32 v51, v26;
	v27 =	vadd.f32 v52, v27;
	v44 =	vld [tilespmem:s10+$0xFFFFFF40]  }
0x3c5: {  	p1 =	slt.u32 s9, $0x30;
	v28 =	vadd.f32 v53, v28;
	v29 =	vadd.f32 v47, v29;
	v35 =	vld [tilespmem:s10+$0xFFFFFF50]  }
.Ltmp6:
0x3c6: {  	v26 =	vadd.f32 v37, v26;
	v27 =	vadd.f32 v38, v27;
	v36 =	vld [tilespmem:s10+$0xFFFFFF60];
	(pc) =	sbr.rel @p1 .LBB2_7-.Ltmp6, $4  }
0x3c7: {  	v28 =	vadd.f32 v39, v28;
	v37 =	vld [tilespmem:s10+$0xFFFFFF70];
	v29 =	vadd.f32 v40, v29  }
0x3c8: {  	v32 =	vadd.f32 v48, v32;
	v30 =	vadd.f32 v49, v30;
	v39 =	vld [tilespmem:s10+$0xFFFFFF80]  }
0x3c9: {  	v42 =	vadd.f32 v43, v42;
	v41 =	vadd.f32 v44, v41;
	v38 =	vld [tilespmem:s10+$0xFFFFFFF0]  }
0x3ca: {  	v32 =	vadd.f32 v45, v32;
	v30 =	vadd.f32 v46, v30;
	v40 =	vld [tilespmem:s10+$0x0];
	s10 =	sadd.s32 $0x100, s10  }
0x3cb: {  	s7 =	sor.u32 $0x1, s7  }
0x3cc: {  	s9 =	sshll.u32 s7, $0x7  }
0x3cd: {  	s9 =	sand.u32 $0x380, s9  }
0x3ce: {  	s4 =	sadd.s32 s9, s4  }
0x3cf: {  	[tilespmem:s4+$0x0] =	vst v21  }
0x3d0: {  	[tilespmem:s4+$0x10] =	vst v22  }
0x3d1: {  	[tilespmem:s4+$0x20] =	vst v23  }
0x3d2: {  	[tilespmem:s4+$0x30] =	vst v24  }
0x3d3: {  	[tilespmem:s4+$0x40] =	vst v26  }
0x3d4: {  	[tilespmem:s4+$0x50] =	vst v27  }
0x3d5: {  	[tilespmem:s4+$0x60] =	vst v28  }
0x3d6: {  	[tilespmem:s4+$0x70] =	vst v29  }
0x3d7: {  	v20 =	vadd.f32 v20, v42;
	v17 =	vadd.f32 v35, v17;
	[tilespmem:s4+$0x400] =	vst v32  }
0x3d8: {  	v19 =	vadd.f32 v19, v41;
	v61 =	vadd.f32 v36, v34;
	[tilespmem:s4+$0x410] =	vst v30  }
0x3d9: {  	v62 =	vadd.f32 v37, v33;
	v17 =	vadd.f32 v18, v17;
	[tilespmem:s4+$0x420] =	vst v20  }
.Ltmp7:
0x3da: {  	v18 =	vadd.f32 v39, v31;
	v63 =	vadd.f32 v25, v61;
	[tilespmem:s4+$0x430] =	vst v19;
	(pc) =	sbr.rel @p0 .LBB2_10-.Ltmp7, $4  }
0x3db: {  	v19 =	vadd.f32 v38, v62;
	[tilespmem:s4+$0x440] =	vst v17  }
0x3dc: {  	v17 =	vadd.f32 v40, v18;
	[tilespmem:s4+$0x450] =	vst v63  }
0x3dd: {  	[tilespmem:s4+$0x460] =	vst v19  }
0x3de: {  	[tilespmem:s4+$0x470] =	vst v17  }
0x3df: {  	s1 =	sand.u32 $0x3FFFFF00, s1  }
0x3e0: {  	v17 =	vld [tilespmem:s1+$0x180];
	_ =	sdelay $0x4  }
0x3e1: {  	v18 =	vshll.u32 v17, $0x1  }
0x3e2: {  	v17 =	vand.u32 $0x7, v17;
	v18 =	vand.u32 $0xFFFFFFF0, v18  }
0x3e3: {  	v17 =	vor.u32 v17, v18  }
0x3e4: {  	v18 =	vperm.xlane v17, v2;
	_ =	sdelay $0x1  }
0x3e5: {  	v19 =	vperm.xlane v17, v1;
	v18 =	vadd.s32 v3, v18;
	_ =	sdelay $0x1  }
0x3e6: {  	v20 =	vperm.xlane v17, v4;
	v19 =	vadd.s32 v3, v19;
	_ =	sdelay $0x1  }
0x3e7: {  	s4 =	simm.s32 $0x13800;
	v21 =	vperm.xlane v17, v5;
	v20 =	vadd.s32 v3, v20  }
0x3e8: {  	[tilespmem:s4], [sflag:$0x2] =	stream.indirect_vreg.gather [hbm4b:s2+s3], $0x80, v18, vm0, $0xb8;
	[tilespmem:$0x1B000] =	vst v63  }
0x3e9: {  	s10 =	simm.s32 $0x13880;
	v44 =	vperm.xlane v17, v6;
	v18 =	vadd.s32 v3, v21  }
0x3ea: {  	[tilespmem:s10], [sflag:$0x2] =	stream.indirect_vreg.gather [hbm4b:s2+s3], $0x80, v19, vm0, $0xb8;
	[tilespmem:$0x1B000] =	vst v63  }
0x3eb: {  	s9 =	simm.s32 $0x13900;
	v45 =	vperm.xlane v17, v7;
	v19 =	vadd.s32 v3, v44  }
0x3ec: {  	[tilespmem:s9], [sflag:$0x2] =	stream.indirect_vreg.gather [hbm4b:s2+s3], $0x80, v20, vm0, $0xb8;
	[tilespmem:$0x1B000] =	vst v63  }
0x3ed: {  	v47 =	vperm.xlane v17, v8;
	v46 =	vadd.s32 v3, v45;
	s10 =	simm.s32 $0x13980  }
0x3ee: {  	[tilespmem:s10], [sflag:$0x2] =	stream.indirect_vreg.gather [hbm4b:s2+s3], $0x80, v18, vm0, $0xb8;
	[tilespmem:$0x1B000] =	vst v63  }
0x3ef: {  	v48 =	vperm.xlane v17, v0;
	s9 =	simm.s32 $0x13A00;
	v18 =	vadd.s32 v3, v47  }
0x3f0: {  	[tilespmem:s9], [sflag:$0x2] =	stream.indirect_vreg.gather [hbm4b:s2+s3], $0x80, v19, vm0, $0xb8;
	[tilespmem:$0x1B000] =	vst v63  }
0x3f1: {  	v49 =	vperm.xlane v17, v9;
	s10 =	simm.s32 $0x13A80;
	v19 =	vadd.s32 v3, v48  }
0x3f2: {  	[tilespmem:s10], [sflag:$0x2] =	stream.indirect_vreg.gather [hbm4b:s2+s3], $0x80, v46, vm0, $0xb8;
	[tilespmem:$0x1B000] =	vst v63  }
0x3f3: {  	v51 =	vperm.xlane v17, v10;
	v50 =	vadd.s32 v3, v49;
	s9 =	simm.s32 $0x13B00  }
0x3f4: {  	[tilespmem:s9], [sflag:$0x2] =	stream.indirect_vreg.gather [hbm4b:s2+s3], $0x80, v18, vm0, $0xb8;
	[tilespmem:$0x1B000] =	vst v63  }
0x3f5: {  	v52 =	vperm.xlane v17, v11;
	s10 =	simm.s32 $0x13B80;
	v18 =	vadd.s32 v3, v51  }
0x3f6: {  	[tilespmem:s10], [sflag:$0x2] =	stream.indirect_vreg.gather [hbm4b:s2+s3], $0x80, v19, vm0, $0xb8;
	[tilespmem:$0x1B000] =	vst v63  }
0x3f7: {  	v53 =	vperm.xlane v17, v12;
	s9 =	simm.s32 $0x13C00;
	v19 =	vadd.s32 v3, v52  }
0x3f8: {  	[tilespmem:s9], [sflag:$0x2] =	stream.indirect_vreg.gather [hbm4b:s2+s3], $0x80, v50, vm0, $0xb8;
	[tilespmem:$0x1B000] =	vst v63  }
0x3f9: {  	v55 =	vperm.xlane v17, v13;
	v54 =	vadd.s32 v3, v53;
	s10 =	simm.s32 $0x13C80  }
0x3fa: {  	[tilespmem:s10], [sflag:$0x2] =	stream.indirect_vreg.gather [hbm4b:s2+s3], $0x80, v18, vm0, $0xb8;
	[tilespmem:$0x1B000] =	vst v63  }
0x3fb: {  	v56 =	vperm.xlane v17, v14;
	s9 =	simm.s32 $0x13D00;
	v18 =	vadd.s32 v3, v55  }
0x3fc: {  	[tilespmem:s9], [sflag:$0x2] =	stream.indirect_vreg.gather [hbm4b:s2+s3], $0x80, v19, vm0, $0xb8;
	[tilespmem:$0x1B000] =	vst v63  }
0x3fd: {  	v57 =	vperm.xlane v17, v15;
	s10 =	simm.s32 $0x13D80;
	v19 =	vadd.s32 v3, v56  }
0x3fe: {  	[tilespmem:s10], [sflag:$0x2] =	stream.indirect_vreg.gather [hbm4b:s2+s3], $0x80, v54, vm0, $0xb8;
	[tilespmem:$0x1B000] =	vst v63  }
0x3ff: {  	v17 =	vperm.xlane v17, v16;
	v58 =	vadd.s32 v3, v57;
	s9 =	simm.s32 $0x13E00  }
0x400: {  	[tilespmem:s9], [sflag:$0x2] =	stream.indirect_vreg.gather [hbm4b:s2+s3], $0x80, v18, vm0, $0xb8;
	[tilespmem:$0x1B000] =	vst v63  }
0x401: {  	v17 =	vadd.s32 v3, v17;
	s10 =	simm.s32 $0x13E80  }
0x402: {  	[tilespmem:s10], [sflag:$0x2] =	stream.indirect_vreg.gather [hbm4b:s2+s3], $0x80, v19, vm0, $0xb8;
	[tilespmem:$0x1B000] =	vst v63  }
0x403: {  	s9 =	simm.s32 $0x13F00  }
0x404: {  	[tilespmem:s9], [sflag:$0x2] =	stream.indirect_vreg.gather [hbm4b:s2+s3], $0x80, v58, vm0, $0xb8;
	[tilespmem:$0x1B000] =	vst v63  }
0x405: {  	s10 =	simm.s32 $0x13F80  }
0x406: {  	[tilespmem:s10], [sflag:$0x2] =	stream.indirect_vreg.gather [hbm4b:s2+s3], $0x80, v17, vm0, $0xb8;
	[tilespmem:$0x1B000] =	vst v63  }
0x407: {  	v17 =	vld [tilespmem:s1+$0x190];
	_ =	sdelay $0x4  }
0x408: {  	v18 =	vshll.u32 v17, $0x1  }
0x409: {  	v17 =	vand.u32 $0x7, v17;
	v18 =	vand.u32 $0xFFFFFFF0, v18  }
0x40a: {  	v17 =	vor.u32 v17, v18  }
0x40b: {  	v18 =	vperm.xlane v17, v2;
	_ =	sdelay $0x1  }
0x40c: {  	v19 =	vperm.xlane v17, v1;
	v18 =	vadd.s32 v3, v18;
	_ =	sdelay $0x1  }
0x40d: {  	v59 =	vperm.xlane v17, v4;
	v19 =	vadd.s32 v3, v19;
	_ =	sdelay $0x1  }
0x40e: {  	s9 =	simm.s32 $0x14000;
	v60 =	vperm.xlane v17, v5;
	v20 =	vadd.s32 v3, v59  }
0x40f: {  	[tilespmem:s9], [sflag:$0x2] =	stream.indirect_vreg.gather [hbm4b:s2+s3], $0x80, v18, vm0, $0xb8;
	[tilespmem:$0x1B000] =	vst v63  }
0x410: {  	s10 =	simm.s32 $0x14080;
	v61 =	vperm.xlane v17, v6;
	v18 =	vadd.s32 v3, v60  }
0x411: {  	[tilespmem:s10], [sflag:$0x2] =	stream.indirect_vreg.gather [hbm4b:s2+s3], $0x80, v19, vm0, $0xb8;
	[tilespmem:$0x1B000] =	vst v63  }
0x412: {  	v62 =	vperm.xlane v17, v7;
	s9 =	simm.s32 $0x14100;
	v19 =	vadd.s32 v3, v61  }
0x413: {  	[tilespmem:s9], [sflag:$0x2] =	stream.indirect_vreg.gather [hbm4b:s2+s3], $0x80, v20, vm0, $0xb8;
	[tilespmem:$0x1B000] =	vst v63  }
0x414: {  	v24 =	vperm.xlane v17, v8;
	v63 =	vadd.s32 v3, v62;
	s10 =	simm.s32 $0x14180  }
0x415: {  	[tilespmem:s10], [sflag:$0x2] =	stream.indirect_vreg.gather [hbm4b:s2+s3], $0x80, v18, vm0, $0xb8;
	[tilespmem:$0x1B000] =	vst v63  }
0x416: {  	v25 =	vperm.xlane v17, v0;
	s9 =	simm.s32 $0x14200;
	v18 =	vadd.s32 v3, v24  }
0x417: {  	[tilespmem:s9], [sflag:$0x2] =	stream.indirect_vreg.gather [hbm4b:s2+s3], $0x80, v19, vm0, $0xb8;
	[tilespmem:$0x1B000] =	vst v63  }
0x418: {  	v26 =	vperm.xlane v17, v9;
	s10 =	simm.s32 $0x14280;
	v19 =	vadd.s32 v3, v25  }
0x419: {  	[tilespmem:s10], [sflag:$0x2] =	stream.indirect_vreg.gather [hbm4b:s2+s3], $0x80, v63, vm0, $0xb8;
	[tilespmem:$0x1B000] =	vst v63  }
0x41a: {  	v28 =	vperm.xlane v17, v10;
	v27 =	vadd.s32 v3, v26;
	s9 =	simm.s32 $0x14300  }
0x41b: {  	[tilespmem:s9], [sflag:$0x2] =	stream.indirect_vreg.gather [hbm4b:s2+s3], $0x80, v18, vm0, $0xb8;
	[tilespmem:$0x1B000] =	vst v63  }
0x41c: {  	v29 =	vperm.xlane v17, v11;
	s10 =	simm.s32 $0x14380;
	v18 =	vadd.s32 v3, v28  }
0x41d: {  	[tilespmem:s10], [sflag:$0x2] =	stream.indirect_vreg.gather [hbm4b:s2+s3], $0x80, v19, vm0, $0xb8;
	[tilespmem:$0x1B000] =	vst v63  }
0x41e: {  	v30 =	vperm.xlane v17, v12;
	s9 =	simm.s32 $0x14400;
	v19 =	vadd.s32 v3, v29  }
0x41f: {  	[tilespmem:s9], [sflag:$0x2] =	stream.indirect_vreg.gather [hbm4b:s2+s3], $0x80, v27, vm0, $0xb8;
	[tilespmem:$0x1B000] =	vst v63  }
0x420: {  	v32 =	vperm.xlane v17, v13;
	v31 =	vadd.s32 v3, v30;
	s10 =	simm.s32 $0x14480  }
0x421: {  	[tilespmem:s10], [sflag:$0x2] =	stream.indirect_vreg.gather [hbm4b:s2+s3], $0x80, v18, vm0, $0xb8;
	[tilespmem:$0x1B000] =	vst v63  }
0x422: {  	v33 =	vperm.xlane v17, v14;
	s9 =	simm.s32 $0x14500;
	v18 =	vadd.s32 v3, v32  }
0x423: {  	[tilespmem:s9], [sflag:$0x2] =	stream.indirect_vreg.gather [hbm4b:s2+s3], $0x80, v19, vm0, $0xb8;
	[tilespmem:$0x1B000] =	vst v63  }
0x424: {  	v34 =	vperm.xlane v17, v15;
	s10 =	simm.s32 $0x14580;
	v19 =	vadd.s32 v3, v33  }
0x425: {  	[tilespmem:s10], [sflag:$0x2] =	stream.indirect_vreg.gather [hbm4b:s2+s3], $0x80, v31, vm0, $0xb8;
	[tilespmem:$0x1B000] =	vst v63  }
0x426: {  	v17 =	vperm.xlane v17, v16;
	v35 =	vadd.s32 v3, v34;
	s9 =	simm.s32 $0x14600  }
0x427: {  	[tilespmem:s9], [sflag:$0x2] =	stream.indirect_vreg.gather [hbm4b:s2+s3], $0x80, v18, vm0, $0xb8;
	[tilespmem:$0x1B000] =	vst v63  }
0x428: {  	v17 =	vadd.s32 v3, v17;
	s10 =	simm.s32 $0x14680  }
0x429: {  	[tilespmem:s10], [sflag:$0x2] =	stream.indirect_vreg.gather [hbm4b:s2+s3], $0x80, v19, vm0, $0xb8;
	[tilespmem:$0x1B000] =	vst v63  }
0x42a: {  	s9 =	simm.s32 $0x14700  }
0x42b: {  	[tilespmem:s9], [sflag:$0x2] =	stream.indirect_vreg.gather [hbm4b:s2+s3], $0x80, v35, vm0, $0xb8;
	[tilespmem:$0x1B000] =	vst v63  }
0x42c: {  	s10 =	simm.s32 $0x14780  }
0x42d: {  	[tilespmem:s10], [sflag:$0x2] =	stream.indirect_vreg.gather [hbm4b:s2+s3], $0x80, v17, vm0, $0xb8;
	[tilespmem:$0x1B000] =	vst v63  }
0x42e: {  	v17 =	vld [tilespmem:s1+$0x1A0];
	_ =	sdelay $0x4  }
0x42f: {  	v18 =	vshll.u32 v17, $0x1  }
0x430: {  	v17 =	vand.u32 $0x7, v17;
	v18 =	vand.u32 $0xFFFFFFF0, v18  }
0x431: {  	v17 =	vor.u32 v17, v18  }
0x432: {  	v18 =	vperm.xlane v17, v2;
	_ =	sdelay $0x1  }
0x433: {  	v19 =	vperm.xlane v17, v1;
	v18 =	vadd.s32 v3, v18;
	_ =	sdelay $0x1  }
0x434: {  	v36 =	vperm.xlane v17, v4;
	v19 =	vadd.s32 v3, v19;
	_ =	sdelay $0x1  }
0x435: {  	s9 =	simm.s32 $0x14800;
	v37 =	vperm.xlane v17, v5;
	v20 =	vadd.s32 v3, v36  }
0x436: {  	[tilespmem:s9], [sflag:$0x2] =	stream.indirect_vreg.gather [hbm4b:s2+s3], $0x80, v18, vm0, $0xb8;
	[tilespmem:$0x1B000] =	vst v63  }
0x437: {  	s10 =	simm.s32 $0x14880;
	v38 =	vperm.xlane v17, v6;
	v18 =	vadd.s32 v3, v37  }
0x438: {  	[tilespmem:s10], [sflag:$0x2] =	stream.indirect_vreg.gather [hbm4b:s2+s3], $0x80, v19, vm0, $0xb8;
	[tilespmem:$0x1B000] =	vst v63  }
0x439: {  	v39 =	vperm.xlane v17, v7;
	s9 =	simm.s32 $0x14900;
	v19 =	vadd.s32 v3, v38  }
0x43a: {  	[tilespmem:s9], [sflag:$0x2] =	stream.indirect_vreg.gather [hbm4b:s2+s3], $0x80, v20, vm0, $0xb8;
	[tilespmem:$0x1B000] =	vst v63  }
0x43b: {  	v41 =	vperm.xlane v17, v8;
	v40 =	vadd.s32 v3, v39;
	s10 =	simm.s32 $0x14980  }
0x43c: {  	[tilespmem:s10], [sflag:$0x2] =	stream.indirect_vreg.gather [hbm4b:s2+s3], $0x80, v18, vm0, $0xb8;
	[tilespmem:$0x1B000] =	vst v63  }
0x43d: {  	v42 =	vperm.xlane v17, v0;
	s9 =	simm.s32 $0x14A00;
	v18 =	vadd.s32 v3, v41  }
0x43e: {  	[tilespmem:s9], [sflag:$0x2] =	stream.indirect_vreg.gather [hbm4b:s2+s3], $0x80, v19, vm0, $0xb8;
	[tilespmem:$0x1B000] =	vst v63  }
0x43f: {  	v43 =	vperm.xlane v17, v9;
	s10 =	simm.s32 $0x14A80;
	v19 =	vadd.s32 v3, v42  }
0x440: {  	[tilespmem:s10], [sflag:$0x2] =	stream.indirect_vreg.gather [hbm4b:s2+s3], $0x80, v40, vm0, $0xb8;
	[tilespmem:$0x1B000] =	vst v63  }
0x441: {  	v45 =	vperm.xlane v17, v10;
	v44 =	vadd.s32 v3, v43;
	s9 =	simm.s32 $0x14B00  }
0x442: {  	[tilespmem:s9], [sflag:$0x2] =	stream.indirect_vreg.gather [hbm4b:s2+s3], $0x80, v18, vm0, $0xb8;
	[tilespmem:$0x1B000] =	vst v63  }
0x443: {  	v46 =	vperm.xlane v17, v11;
	s10 =	simm.s32 $0x14B80;
	v18 =	vadd.s32 v3, v45  }
0x444: {  	[tilespmem:s10], [sflag:$0x2] =	stream.indirect_vreg.gather [hbm4b:s2+s3], $0x80, v19, vm0, $0xb8;
	[tilespmem:$0x1B000] =	vst v63  }
0x445: {  	v47 =	vperm.xlane v17, v12;
	s9 =	simm.s32 $0x14C00;
	v19 =	vadd.s32 v3, v46  }
0x446: {  	[tilespmem:s9], [sflag:$0x2] =	stream.indirect_vreg.gather [hbm4b:s2+s3], $0x80, v44, vm0, $0xb8;
	[tilespmem:$0x1B000] =	vst v63  }
0x447: {  	v49 =	vperm.xlane v17, v13;
	v48 =	vadd.s32 v3, v47;
	s10 =	simm.s32 $0x14C80  }
0x448: {  	[tilespmem:s10], [sflag:$0x2] =	stream.indirect_vreg.gather [hbm4b:s2+s3], $0x80, v18, vm0, $0xb8;
	[tilespmem:$0x1B000] =	vst v63  }
0x449: {  	v50 =	vperm.xlane v17, v14;
	s9 =	simm.s32 $0x14D00;
	v18 =	vadd.s32 v3, v49  }
0x44a: {  	[tilespmem:s9], [sflag:$0x2] =	stream.indirect_vreg.gather [hbm4b:s2+s3], $0x80, v19, vm0, $0xb8;
	[tilespmem:$0x1B000] =	vst v63  }
0x44b: {  	v51 =	vperm.xlane v17, v15;
	s10 =	simm.s32 $0x14D80;
	v19 =	vadd.s32 v3, v50  }
0x44c: {  	[tilespmem:s10], [sflag:$0x2] =	stream.indirect_vreg.gather [hbm4b:s2+s3], $0x80, v48, vm0, $0xb8;
	[tilespmem:$0x1B000] =	vst v63  }
0x44d: {  	v17 =	vperm.xlane v17, v16;
	v52 =	vadd.s32 v3, v51;
	s9 =	simm.s32 $0x14E00  }
0x44e: {  	[tilespmem:s9], [sflag:$0x2] =	stream.indirect_vreg.gather [hbm4b:s2+s3], $0x80, v18, vm0, $0xb8;
	[tilespmem:$0x1B000] =	vst v63  }
0x44f: {  	v17 =	vadd.s32 v3, v17;
	s10 =	simm.s32 $0x14E80  }
0x450: {  	[tilespmem:s10], [sflag:$0x2] =	stream.indirect_vreg.gather [hbm4b:s2+s3], $0x80, v19, vm0, $0xb8;
	[tilespmem:$0x1B000] =	vst v63  }
0x451: {  	s9 =	simm.s32 $0x14F00  }
0x452: {  	[tilespmem:s9], [sflag:$0x2] =	stream.indirect_vreg.gather [hbm4b:s2+s3], $0x80, v52, vm0, $0xb8;
	[tilespmem:$0x1B000] =	vst v63  }
0x453: {  	s10 =	simm.s32 $0x14F80  }
0x454: {  	[tilespmem:s10], [sflag:$0x2] =	stream.indirect_vreg.gather [hbm4b:s2+s3], $0x80, v17, vm0, $0xb8;
	[tilespmem:$0x1B000] =	vst v63  }
0x455: {  	v17 =	vld.msk [tilespmem:s1+$0x1B0], $0x3;
	_ =	sdelay $0x4  }
0x456: {  	v18 =	vshll.u32 v17, $0x1  }
0x457: {  	v17 =	vand.u32 $0x7, v17;
	v18 =	vand.u32 $0xFFFFFFF0, v18  }
0x458: {  	v17 =	vor.u32 v17, v18  }
0x459: {  	v18 =	vperm.xlane v17, v2;
	_ =	sdelay $0x1  }
0x45a: {  	v17 =	vperm.xlane v17, v1;
	v18 =	vadd.s32 v3, v18;
	_ =	sdelay $0x1  }
0x45b: {  	v17 =	vadd.s32 v3, v17;
	_ =	sdelay $0x1  }
0x45c: {  	s9 =	simm.s32 $0x15000  }
0x45d: {  	[tilespmem:s9], [sflag:$0x2] =	stream.indirect_vreg.gather [hbm4b:s2+s3], $0x80, v18, vm0, $0xb8;
	[tilespmem:$0x1B000] =	vst v63  }
0x45e: {  	s10 =	simm.s32 $0x15080  }
0x45f: {  	[tilespmem:s10], [sflag:$0x2] =	stream.indirect_vreg.gather [hbm4b:s2+s3], $0x80, v17, vm0, $0xb8;
	[tilespmem:$0x1B000] =	vst v63  }
0x460: {  	v17 =	vld [tilespmem:s1+$0x180];
	_ =	sdelay $0x4  }
0x461: {  	v18 =	vshll.u32 v17, $0x1  }
0x462: {  	v17 =	vand.u32 $0x7, v17;
	v18 =	vand.u32 $0xFFFFFFF0, v18  }
0x463: {  	v17 =	vor.u32 v17, v18  }
0x464: {  	v18 =	vperm.xlane v17, v2;
	_ =	sdelay $0x1  }
0x465: {  	v19 =	vperm.xlane v17, v1;
	v18 =	vadd.s32 v3, v18;
	_ =	sdelay $0x1  }
0x466: {  	v53 =	vperm.xlane v17, v4;
	v19 =	vadd.s32 v3, v19;
	_ =	sdelay $0x1  }
0x467: {  	s9 =	simm.s32 $0x15400;
	v54 =	vperm.xlane v17, v5;
	v20 =	vadd.s32 v3, v53  }
0x468: {  	[tilespmem:s9], [sflag:$0x2] =	stream.indirect_vreg.gather [hbm4b:s5+s3], $0x80, v18, vm0, $0xb8;
	[tilespmem:$0x1B000] =	vst v63  }
0x469: {  	s10 =	simm.s32 $0x15480;
	v55 =	vperm.xlane v17, v6;
	v18 =	vadd.s32 v3, v54  }
0x46a: {  	[tilespmem:s10], [sflag:$0x2] =	stream.indirect_vreg.gather [hbm4b:s5+s3], $0x80, v19, vm0, $0xb8;
	[tilespmem:$0x1B000] =	vst v63  }
0x46b: {  	v56 =	vperm.xlane v17, v7;
	s9 =	simm.s32 $0x15500;
	v19 =	vadd.s32 v3, v55  }
0x46c: {  	[tilespmem:s9], [sflag:$0x2] =	stream.indirect_vreg.gather [hbm4b:s5+s3], $0x80, v20, vm0, $0xb8;
	[tilespmem:$0x1B000] =	vst v63  }
0x46d: {  	v58 =	vperm.xlane v17, v8;
	v57 =	vadd.s32 v3, v56;
	s10 =	simm.s32 $0x15580  }
0x46e: {  	[tilespmem:s10], [sflag:$0x2] =	stream.indirect_vreg.gather [hbm4b:s5+s3], $0x80, v18, vm0, $0xb8;
	[tilespmem:$0x1B000] =	vst v63  }
0x46f: {  	v59 =	vperm.xlane v17, v0;
	s9 =	simm.s32 $0x15600;
	v18 =	vadd.s32 v3, v58  }
0x470: {  	[tilespmem:s9], [sflag:$0x2] =	stream.indirect_vreg.gather [hbm4b:s5+s3], $0x80, v19, vm0, $0xb8;
	[tilespmem:$0x1B000] =	vst v63  }
0x471: {  	v60 =	vperm.xlane v17, v9;
	s10 =	simm.s32 $0x15680;
	v19 =	vadd.s32 v3, v59  }
0x472: {  	[tilespmem:s10], [sflag:$0x2] =	stream.indirect_vreg.gather [hbm4b:s5+s3], $0x80, v57, vm0, $0xb8;
	[tilespmem:$0x1B000] =	vst v63  }
0x473: {  	v62 =	vperm.xlane v17, v10;
	v61 =	vadd.s32 v3, v60;
	s9 =	simm.s32 $0x15700  }
0x474: {  	[tilespmem:s9], [sflag:$0x2] =	stream.indirect_vreg.gather [hbm4b:s5+s3], $0x80, v18, vm0, $0xb8;
	[tilespmem:$0x1B000] =	vst v63  }
0x475: {  	v63 =	vperm.xlane v17, v11;
	s10 =	simm.s32 $0x15780;
	v18 =	vadd.s32 v3, v62  }
0x476: {  	[tilespmem:s10], [sflag:$0x2] =	stream.indirect_vreg.gather [hbm4b:s5+s3], $0x80, v19, vm0, $0xb8;
	[tilespmem:$0x1B000] =	vst v63  }
0x477: {  	v24 =	vperm.xlane v17, v12;
	s9 =	simm.s32 $0x15800;
	v19 =	vadd.s32 v3, v63  }
0x478: {  	[tilespmem:s9], [sflag:$0x2] =	stream.indirect_vreg.gather [hbm4b:s5+s3], $0x80, v61, vm0, $0xb8;
	[tilespmem:$0x1B000] =	vst v63  }
0x479: {  	v26 =	vperm.xlane v17, v13;
	v25 =	vadd.s32 v3, v24;
	s10 =	simm.s32 $0x15880  }
0x47a: {  	[tilespmem:s10], [sflag:$0x2] =	stream.indirect_vreg.gather [hbm4b:s5+s3], $0x80, v18, vm0, $0xb8;
	[tilespmem:$0x1B000] =	vst v63  }
0x47b: {  	v27 =	vperm.xlane v17, v14;
	s9 =	simm.s32 $0x15900;
	v18 =	vadd.s32 v3, v26  }
0x47c: {  	[tilespmem:s9], [sflag:$0x2] =	stream.indirect_vreg.gather [hbm4b:s5+s3], $0x80, v19, vm0, $0xb8;
	[tilespmem:$0x1B000] =	vst v63  }
0x47d: {  	v28 =	vperm.xlane v17, v15;
	s10 =	simm.s32 $0x15980;
	v19 =	vadd.s32 v3, v27  }
0x47e: {  	[tilespmem:s10], [sflag:$0x2] =	stream.indirect_vreg.gather [hbm4b:s5+s3], $0x80, v25, vm0, $0xb8;
	[tilespmem:$0x1B000] =	vst v63  }
0x47f: {  	v17 =	vperm.xlane v17, v16;
	v29 =	vadd.s32 v3, v28;
	s9 =	simm.s32 $0x15A00  }
0x480: {  	[tilespmem:s9], [sflag:$0x2] =	stream.indirect_vreg.gather [hbm4b:s5+s3], $0x80, v18, vm0, $0xb8;
	[tilespmem:$0x1B000] =	vst v63  }
0x481: {  	v17 =	vadd.s32 v3, v17;
	s10 =	simm.s32 $0x15A80  }
0x482: {  	[tilespmem:s10], [sflag:$0x2] =	stream.indirect_vreg.gather [hbm4b:s5+s3], $0x80, v19, vm0, $0xb8;
	[tilespmem:$0x1B000] =	vst v63  }
0x483: {  	s9 =	simm.s32 $0x15B00  }
0x484: {  	[tilespmem:s9], [sflag:$0x2] =	stream.indirect_vreg.gather [hbm4b:s5+s3], $0x80, v29, vm0, $0xb8;
	[tilespmem:$0x1B000] =	vst v63  }
0x485: {  	s10 =	simm.s32 $0x15B80  }
0x486: {  	[tilespmem:s10], [sflag:$0x2] =	stream.indirect_vreg.gather [hbm4b:s5+s3], $0x80, v17, vm0, $0xb8;
	[tilespmem:$0x1B000] =	vst v63  }
0x487: {  	v17 =	vld [tilespmem:s1+$0x190];
	_ =	sdelay $0x4  }
0x488: {  	v18 =	vshll.u32 v17, $0x1  }
0x489: {  	v17 =	vand.u32 $0x7, v17;
	v18 =	vand.u32 $0xFFFFFFF0, v18  }
0x48a: {  	v17 =	vor.u32 v17, v18  }
0x48b: {  	v18 =	vperm.xlane v17, v2;
	_ =	sdelay $0x1  }
0x48c: {  	v19 =	vperm.xlane v17, v1;
	v18 =	vadd.s32 v3, v18;
	_ =	sdelay $0x1  }
0x48d: {  	v30 =	vperm.xlane v17, v4;
	v19 =	vadd.s32 v3, v19;
	_ =	sdelay $0x1  }
0x48e: {  	s9 =	simm.s32 $0x15C00;
	v31 =	vperm.xlane v17, v5;
	v20 =	vadd.s32 v3, v30  }
0x48f: {  	[tilespmem:s9], [sflag:$0x2] =	stream.indirect_vreg.gather [hbm4b:s5+s3], $0x80, v18, vm0, $0xb8;
	[tilespmem:$0x1B000] =	vst v63  }
0x490: {  	s10 =	simm.s32 $0x15C80;
	v32 =	vperm.xlane v17, v6;
	v18 =	vadd.s32 v3, v31  }
0x491: {  	[tilespmem:s10], [sflag:$0x2] =	stream.indirect_vreg.gather [hbm4b:s5+s3], $0x80, v19, vm0, $0xb8;
	[tilespmem:$0x1B000] =	vst v63  }
0x492: {  	v33 =	vperm.xlane v17, v7;
	s9 =	simm.s32 $0x15D00;
	v19 =	vadd.s32 v3, v32  }
0x493: {  	[tilespmem:s9], [sflag:$0x2] =	stream.indirect_vreg.gather [hbm4b:s5+s3], $0x80, v20, vm0, $0xb8;
	[tilespmem:$0x1B000] =	vst v63  }
0x494: {  	v35 =	vperm.xlane v17, v8;
	v34 =	vadd.s32 v3, v33;
	s10 =	simm.s32 $0x15D80  }
0x495: {  	[tilespmem:s10], [sflag:$0x2] =	stream.indirect_vreg.gather [hbm4b:s5+s3], $0x80, v18, vm0, $0xb8;
	[tilespmem:$0x1B000] =	vst v63  }
0x496: {  	v36 =	vperm.xlane v17, v0;
	s9 =	simm.s32 $0x15E00;
	v18 =	vadd.s32 v3, v35  }
0x497: {  	[tilespmem:s9], [sflag:$0x2] =	stream.indirect_vreg.gather [hbm4b:s5+s3], $0x80, v19, vm0, $0xb8;
	[tilespmem:$0x1B000] =	vst v63  }
0x498: {  	v37 =	vperm.xlane v17, v9;
	s10 =	simm.s32 $0x15E80;
	v19 =	vadd.s32 v3, v36  }
0x499: {  	[tilespmem:s10], [sflag:$0x2] =	stream.indirect_vreg.gather [hbm4b:s5+s3], $0x80, v34, vm0, $0xb8;
	[tilespmem:$0x1B000] =	vst v63  }
0x49a: {  	v39 =	vperm.xlane v17, v10;
	v38 =	vadd.s32 v3, v37;
	s9 =	simm.s32 $0x15F00  }
0x49b: {  	[tilespmem:s9], [sflag:$0x2] =	stream.indirect_vreg.gather [hbm4b:s5+s3], $0x80, v18, vm0, $0xb8;
	[tilespmem:$0x1B000] =	vst v63  }
0x49c: {  	v40 =	vperm.xlane v17, v11;
	s10 =	simm.s32 $0x15F80;
	v18 =	vadd.s32 v3, v39  }
0x49d: {  	[tilespmem:s10], [sflag:$0x2] =	stream.indirect_vreg.gather [hbm4b:s5+s3], $0x80, v19, vm0, $0xb8;
	[tilespmem:$0x1B000] =	vst v63  }
0x49e: {  	v41 =	vperm.xlane v17, v12;
	s9 =	simm.s32 $0x16000;
	v19 =	vadd.s32 v3, v40  }
0x49f: {  	[tilespmem:s9], [sflag:$0x2] =	stream.indirect_vreg.gather [hbm4b:s5+s3], $0x80, v38, vm0, $0xb8;
	[tilespmem:$0x1B000] =	vst v63  }
0x4a0: {  	v43 =	vperm.xlane v17, v13;
	v42 =	vadd.s32 v3, v41;
	s10 =	simm.s32 $0x16080  }
0x4a1: {  	[tilespmem:s10], [sflag:$0x2] =	stream.indirect_vreg.gather [hbm4b:s5+s3], $0x80, v18, vm0, $0xb8;
	[tilespmem:$0x1B000] =	vst v63  }
0x4a2: {  	v44 =	vperm.xlane v17, v14;
	s9 =	simm.s32 $0x16100;
	v18 =	vadd.s32 v3, v43  }
0x4a3: {  	[tilespmem:s9], [sflag:$0x2] =	stream.indirect_vreg.gather [hbm4b:s5+s3], $0x80, v19, vm0, $0xb8;
	[tilespmem:$0x1B000] =	vst v63  }
0x4a4: {  	v45 =	vperm.xlane v17, v15;
	s10 =	simm.s32 $0x16180;
	v19 =	vadd.s32 v3, v44  }
0x4a5: {  	[tilespmem:s10], [sflag:$0x2] =	stream.indirect_vreg.gather [hbm4b:s5+s3], $0x80, v42, vm0, $0xb8;
	[tilespmem:$0x1B000] =	vst v63  }
0x4a6: {  	v17 =	vperm.xlane v17, v16;
	v46 =	vadd.s32 v3, v45;
	s9 =	simm.s32 $0x16200  }
0x4a7: {  	[tilespmem:s9], [sflag:$0x2] =	stream.indirect_vreg.gather [hbm4b:s5+s3], $0x80, v18, vm0, $0xb8;
	[tilespmem:$0x1B000] =	vst v63  }
0x4a8: {  	v17 =	vadd.s32 v3, v17;
	s10 =	simm.s32 $0x16280  }
0x4a9: {  	[tilespmem:s10], [sflag:$0x2] =	stream.indirect_vreg.gather [hbm4b:s5+s3], $0x80, v19, vm0, $0xb8;
	[tilespmem:$0x1B000] =	vst v63  }
0x4aa: {  	s9 =	simm.s32 $0x16300  }
0x4ab: {  	[tilespmem:s9], [sflag:$0x2] =	stream.indirect_vreg.gather [hbm4b:s5+s3], $0x80, v46, vm0, $0xb8;
	[tilespmem:$0x1B000] =	vst v63  }
0x4ac: {  	s10 =	simm.s32 $0x16380  }
0x4ad: {  	[tilespmem:s10], [sflag:$0x2] =	stream.indirect_vreg.gather [hbm4b:s5+s3], $0x80, v17, vm0, $0xb8;
	[tilespmem:$0x1B000] =	vst v63  }
0x4ae: {  	v17 =	vld [tilespmem:s1+$0x1A0];
	_ =	sdelay $0x4  }
0x4af: {  	v18 =	vshll.u32 v17, $0x1  }
0x4b0: {  	v17 =	vand.u32 $0x7, v17;
	v18 =	vand.u32 $0xFFFFFFF0, v18  }
0x4b1: {  	v17 =	vor.u32 v17, v18  }
0x4b2: {  	v18 =	vperm.xlane v17, v2;
	_ =	sdelay $0x1  }
0x4b3: {  	v19 =	vperm.xlane v17, v1;
	v18 =	vadd.s32 v3, v18;
	_ =	sdelay $0x1  }
0x4b4: {  	v47 =	vperm.xlane v17, v4;
	v19 =	vadd.s32 v3, v19;
	_ =	sdelay $0x1  }
0x4b5: {  	v48 =	vperm.xlane v17, v5;
	v20 =	vadd.s32 v3, v47  }
0x4b6: {  	[tilespmem:s11], [sflag:$0x2] =	stream.indirect_vreg.gather [hbm4b:s5+s3], $0x80, v18, vm0, $0xb8;
	[tilespmem:$0x1B000] =	vst v63  }
0x4b7: {  	v49 =	vperm.xlane v17, v6;
	v18 =	vadd.s32 v3, v48  }
0x4b8: {  	[tilespmem:s12], [sflag:$0x2] =	stream.indirect_vreg.gather [hbm4b:s5+s3], $0x80, v19, vm0, $0xb8;
	[tilespmem:$0x1B000] =	vst v63  }
0x4b9: {  	v50 =	vperm.xlane v17, v7;
	v19 =	vadd.s32 v3, v49  }
0x4ba: {  	[tilespmem:s13], [sflag:$0x2] =	stream.indirect_vreg.gather [hbm4b:s5+s3], $0x80, v20, vm0, $0xb8;
	[tilespmem:$0x1B000] =	vst v63  }
0x4bb: {  	v52 =	vperm.xlane v17, v8;
	v51 =	vadd.s32 v3, v50  }
0x4bc: {  	[tilespmem:s14], [sflag:$0x2] =	stream.indirect_vreg.gather [hbm4b:s5+s3], $0x80, v18, vm0, $0xb8;
	[tilespmem:$0x1B000] =	vst v63  }
0x4bd: {  	v53 =	vperm.xlane v17, v0;
	v18 =	vadd.s32 v3, v52  }
0x4be: {  	[tilespmem:s15], [sflag:$0x2] =	stream.indirect_vreg.gather [hbm4b:s5+s3], $0x80, v19, vm0, $0xb8;
	[tilespmem:$0x1B000] =	vst v63  }
0x4bf: {  	v54 =	vperm.xlane v17, v9;
	v19 =	vadd.s32 v3, v53  }
0x4c0: {  	[tilespmem:s16], [sflag:$0x2] =	stream.indirect_vreg.gather [hbm4b:s5+s3], $0x80, v51, vm0, $0xb8;
	[tilespmem:$0x1B000] =	vst v63  }
0x4c1: {  	v56 =	vperm.xlane v17, v10;
	v55 =	vadd.s32 v3, v54  }
0x4c2: {  	[tilespmem:s17], [sflag:$0x2] =	stream.indirect_vreg.gather [hbm4b:s5+s3], $0x80, v18, vm0, $0xb8;
	[tilespmem:$0x1B000] =	vst v63  }
0x4c3: {  	v57 =	vperm.xlane v17, v11;
	v18 =	vadd.s32 v3, v56  }
0x4c4: {  	[tilespmem:s18], [sflag:$0x2] =	stream.indirect_vreg.gather [hbm4b:s5+s3], $0x80, v19, vm0, $0xb8;
	[tilespmem:$0x1B000] =	vst v63  }
0x4c5: {  	v58 =	vperm.xlane v17, v12;
	v19 =	vadd.s32 v3, v57  }
0x4c6: {  	[tilespmem:s19], [sflag:$0x2] =	stream.indirect_vreg.gather [hbm4b:s5+s3], $0x80, v55, vm0, $0xb8;
	[tilespmem:$0x1B000] =	vst v63  }
0x4c7: {  	v60 =	vperm.xlane v17, v13;
	v59 =	vadd.s32 v3, v58  }
0x4c8: {  	[tilespmem:s20], [sflag:$0x2] =	stream.indirect_vreg.gather [hbm4b:s5+s3], $0x80, v18, vm0, $0xb8;
	[tilespmem:$0x1B000] =	vst v63  }
0x4c9: {  	v61 =	vperm.xlane v17, v14;
	v18 =	vadd.s32 v3, v60  }
0x4ca: {  	[tilespmem:s21], [sflag:$0x2] =	stream.indirect_vreg.gather [hbm4b:s5+s3], $0x80, v19, vm0, $0xb8;
	[tilespmem:$0x1B000] =	vst v63  }
0x4cb: {  	v62 =	vperm.xlane v17, v15;
	v19 =	vadd.s32 v3, v61  }
0x4cc: {  	[tilespmem:s22], [sflag:$0x2] =	stream.indirect_vreg.gather [hbm4b:s5+s3], $0x80, v59, vm0, $0xb8;
	[tilespmem:$0x1B000] =	vst v63  }
0x4cd: {  	v17 =	vperm.xlane v17, v16;
	v63 =	vadd.s32 v3, v62  }
0x4ce: {  	[tilespmem:s23], [sflag:$0x2] =	stream.indirect_vreg.gather [hbm4b:s5+s3], $0x80, v18, vm0, $0xb8;
	[tilespmem:$0x1B000] =	vst v63  }
0x4cf: {  	v17 =	vadd.s32 v3, v17  }
0x4d0: {  	[tilespmem:s24], [sflag:$0x2] =	stream.indirect_vreg.gather [hbm4b:s5+s3], $0x80, v19, vm0, $0xb8;
	[tilespmem:$0x1B000] =	vst v63  }
0x4d1: {  	_ = 	snop  }
0x4d2: {  	[tilespmem:s25], [sflag:$0x2] =	stream.indirect_vreg.gather [hbm4b:s5+s3], $0x80, v63, vm0, $0xb8;
	[tilespmem:$0x1B000] =	vst v63  }
0x4d3: {  	_ = 	snop  }
0x4d4: {  	[tilespmem:s26], [sflag:$0x2] =	stream.indirect_vreg.gather [hbm4b:s5+s3], $0x80, v17, vm0, $0xb8;
	[tilespmem:$0x1B000] =	vst v63  }
0x4d5: {  	v17 =	vld.msk [tilespmem:s1+$0x1B0], $0x3;
	_ =	sdelay $0x4  }
0x4d6: {  	v18 =	vshll.u32 v17, $0x1  }
0x4d7: {  	v17 =	vand.u32 $0x7, v17;
	v18 =	vand.u32 $0xFFFFFFF0, v18  }
0x4d8: {  	v17 =	vor.u32 v17, v18  }
0x4d9: {  	v18 =	vperm.xlane v17, v2;
	_ =	sdelay $0x1  }
0x4da: {  	v17 =	vperm.xlane v17, v1;
	v18 =	vadd.s32 v3, v18;
	_ =	sdelay $0x1  }
0x4db: {  	v17 =	vadd.s32 v3, v17  }
.Ltmp8:
0x4dc: {  	_ = 	snop;
	(pc) =	sbr.rel .LBB2_10-.Ltmp8, $4  }
0x4dd: {  	_ = 	snop  }
0x4de: {  	[tilespmem:s28], [sflag:$0x2] =	stream.indirect_vreg.gather [hbm4b:s5+s3], $0x80, v18, vm0, $0xb8;
	[tilespmem:$0x1B000] =	vst v63  }
0x4df: {  	_ = 	snop  }
0x4e0: {  	[tilespmem:s29], [sflag:$0x2] =	stream.indirect_vreg.gather [hbm4b:s5+s3], $0x80, v17, vm0, $0xb8;
	[tilespmem:$0x1B000] =	vst v63  }
.LBB2_11:
0x4e1: {  	s0 =	simm.s32 $0x0;
	s1 =	rddreg [dreg:$0x4];
	s7 =	simm.s32 $0x3  }
0x4e2: {  	[tilespmem:s0], [sflag:$0x3] =	stream.linear.gather [hbm4b:s1+s0], $0x4000, $0x38;
	[tilespmem:$0x1B000] =	vst v63  }
0x4e3: {  	_ =	swait.ge [sflag:s7], $0x4000  }
0x4e4: {  	[sflag:s7] =	ssyncset.done $0x0  }
0x4e5: {  	[sflag:s7] =	ssyncadd.s32 $0xFFFFC000  }
0x4e6: {  	v17 =	vld [tilespmem:$0x0];
	_ =	sdelay $0x4  }
0x4e7: {  	v18 =	vshll.u32 v17, $0x1  }
0x4e8: {  	v17 =	vand.u32 $0x7, v17;
	v18 =	vand.u32 $0xFFFFFFF0, v18  }
0x4e9: {  	v17 =	vor.u32 v17, v18  }
0x4ea: {  	v18 =	vperm.xlane v17, v2;
	_ =	sdelay $0x1  }
0x4eb: {  	v19 =	vperm.xlane v17, v1;
	v18 =	vadd.s32 v3, v18;
	_ =	sdelay $0x1  }
0x4ec: {  	v20 =	vperm.xlane v17, v4;
	v19 =	vadd.s32 v3, v19;
	_ =	sdelay $0x1  }
0x4ed: {  	s9 =	simm.s32 $0x10000;
	v21 =	vperm.xlane v17, v5;
	v20 =	vadd.s32 v3, v20  }
0x4ee: {  	[tilespmem:s9], [sflag:$0x1] =	stream.indirect_vreg.gather [hbm4b:s2+s0], $0x80, v18, vm0, $0xb8;
	[tilespmem:$0x1B000] =	vst v63  }
0x4ef: {  	s10 =	simm.s32 $0x10080;
	v62 =	vperm.xlane v17, v6;
	v18 =	vadd.s32 v3, v21  }
0x4f0: {  	[tilespmem:s10], [sflag:$0x1] =	stream.indirect_vreg.gather [hbm4b:s2+s0], $0x80, v19, vm0, $0xb8;
	[tilespmem:$0x1B000] =	vst v63  }
0x4f1: {  	s4 =	simm.s32 $0x10100;
	v63 =	vperm.xlane v17, v7;
	v19 =	vadd.s32 v3, v62  }
0x4f2: {  	[tilespmem:s4], [sflag:$0x1] =	stream.indirect_vreg.gather [hbm4b:s2+s0], $0x80, v20, vm0, $0xb8;
	[tilespmem:$0x1B000] =	vst v63  }
0x4f3: {  	s7 =	simm.s32 $0x10180;
	v25 =	vperm.xlane v17, v8;
	v24 =	vadd.s32 v3, v63  }
0x4f4: {  	[tilespmem:s7], [sflag:$0x1] =	stream.indirect_vreg.gather [hbm4b:s2+s0], $0x80, v18, vm0, $0xb8;
	[tilespmem:$0x1B000] =	vst v63  }
0x4f5: {  	v26 =	vperm.xlane v17, v0;
	s9 =	simm.s32 $0x10200;
	v18 =	vadd.s32 v3, v25  }
0x4f6: {  	[tilespmem:s9], [sflag:$0x1] =	stream.indirect_vreg.gather [hbm4b:s2+s0], $0x80, v19, vm0, $0xb8;
	[tilespmem:$0x1B000] =	vst v63  }
0x4f7: {  	v27 =	vperm.xlane v17, v9;
	s10 =	simm.s32 $0x10280;
	v19 =	vadd.s32 v3, v26  }
0x4f8: {  	[tilespmem:s10], [sflag:$0x1] =	stream.indirect_vreg.gather [hbm4b:s2+s0], $0x80, v24, vm0, $0xb8;
	[tilespmem:$0x1B000] =	vst v63  }
0x4f9: {  	v29 =	vperm.xlane v17, v10;
	v28 =	vadd.s32 v3, v27;
	s4 =	simm.s32 $0x10300  }
0x4fa: {  	[tilespmem:s4], [sflag:$0x1] =	stream.indirect_vreg.gather [hbm4b:s2+s0], $0x80, v18, vm0, $0xb8;
	[tilespmem:$0x1B000] =	vst v63  }
0x4fb: {  	v30 =	vperm.xlane v17, v11;
	s7 =	simm.s32 $0x10380;
	v18 =	vadd.s32 v3, v29  }
0x4fc: {  	[tilespmem:s7], [sflag:$0x1] =	stream.indirect_vreg.gather [hbm4b:s2+s0], $0x80, v19, vm0, $0xb8;
	[tilespmem:$0x1B000] =	vst v63  }
0x4fd: {  	v31 =	vperm.xlane v17, v12;
	s9 =	simm.s32 $0x10400;
	v19 =	vadd.s32 v3, v30  }
0x4fe: {  	[tilespmem:s9], [sflag:$0x1] =	stream.indirect_vreg.gather [hbm4b:s2+s0], $0x80, v28, vm0, $0xb8;
	[tilespmem:$0x1B000] =	vst v63  }
0x4ff: {  	v33 =	vperm.xlane v17, v13;
	v32 =	vadd.s32 v3, v31;
	s10 =	simm.s32 $0x10480  }
0x500: {  	[tilespmem:s10], [sflag:$0x1] =	stream.indirect_vreg.gather [hbm4b:s2+s0], $0x80, v18, vm0, $0xb8;
	[tilespmem:$0x1B000] =	vst v63  }
0x501: {  	v34 =	vperm.xlane v17, v14;
	s4 =	simm.s32 $0x10500;
	v18 =	vadd.s32 v3, v33  }
0x502: {  	[tilespmem:s4], [sflag:$0x1] =	stream.indirect_vreg.gather [hbm4b:s2+s0], $0x80, v19, vm0, $0xb8;
	[tilespmem:$0x1B000] =	vst v63  }
0x503: {  	v35 =	vperm.xlane v17, v15;
	s7 =	simm.s32 $0x10580;
	v19 =	vadd.s32 v3, v34  }
0x504: {  	[tilespmem:s7], [sflag:$0x1] =	stream.indirect_vreg.gather [hbm4b:s2+s0], $0x80, v32, vm0, $0xb8;
	[tilespmem:$0x1B000] =	vst v63  }
0x505: {  	v17 =	vperm.xlane v17, v16;
	v36 =	vadd.s32 v3, v35;
	s9 =	simm.s32 $0x10600  }
0x506: {  	[tilespmem:s9], [sflag:$0x1] =	stream.indirect_vreg.gather [hbm4b:s2+s0], $0x80, v18, vm0, $0xb8;
	[tilespmem:$0x1B000] =	vst v63  }
0x507: {  	v17 =	vadd.s32 v3, v17;
	s10 =	simm.s32 $0x10680  }
0x508: {  	[tilespmem:s10], [sflag:$0x1] =	stream.indirect_vreg.gather [hbm4b:s2+s0], $0x80, v19, vm0, $0xb8;
	[tilespmem:$0x1B000] =	vst v63  }
0x509: {  	s4 =	simm.s32 $0x10700  }
0x50a: {  	[tilespmem:s4], [sflag:$0x1] =	stream.indirect_vreg.gather [hbm4b:s2+s0], $0x80, v36, vm0, $0xb8;
	[tilespmem:$0x1B000] =	vst v63  }
0x50b: {  	s7 =	simm.s32 $0x10780  }
0x50c: {  	[tilespmem:s7], [sflag:$0x1] =	stream.indirect_vreg.gather [hbm4b:s2+s0], $0x80, v17, vm0, $0xb8;
	[tilespmem:$0x1B000] =	vst v63  }
0x50d: {  	v17 =	vld [tilespmem:$0x10];
	_ =	sdelay $0x4  }
0x50e: {  	v18 =	vshll.u32 v17, $0x1  }
0x50f: {  	v17 =	vand.u32 $0x7, v17;
	v18 =	vand.u32 $0xFFFFFFF0, v18  }
0x510: {  	v17 =	vor.u32 v17, v18  }
0x511: {  	v18 =	vperm.xlane v17, v2;
	_ =	sdelay $0x1  }
0x512: {  	v19 =	vperm.xlane v17, v1;
	v18 =	vadd.s32 v3, v18;
	_ =	sdelay $0x1  }
0x513: {  	v37 =	vperm.xlane v17, v4;
	v19 =	vadd.s32 v3, v19;
	_ =	sdelay $0x1  }
0x514: {  	s9 =	simm.s32 $0x10800;
	v38 =	vperm.xlane v17, v5;
	v20 =	vadd.s32 v3, v37  }
0x515: {  	[tilespmem:s9], [sflag:$0x1] =	stream.indirect_vreg.gather [hbm4b:s2+s0], $0x80, v18, vm0, $0xb8;
	[tilespmem:$0x1B000] =	vst v63  }
0x516: {  	s10 =	simm.s32 $0x10880;
	v39 =	vperm.xlane v17, v6;
	v18 =	vadd.s32 v3, v38  }
0x517: {  	[tilespmem:s10], [sflag:$0x1] =	stream.indirect_vreg.gather [hbm4b:s2+s0], $0x80, v19, vm0, $0xb8;
	[tilespmem:$0x1B000] =	vst v63  }
0x518: {  	s4 =	simm.s32 $0x10900;
	v40 =	vperm.xlane v17, v7;
	v19 =	vadd.s32 v3, v39  }
0x519: {  	[tilespmem:s4], [sflag:$0x1] =	stream.indirect_vreg.gather [hbm4b:s2+s0], $0x80, v20, vm0, $0xb8;
	[tilespmem:$0x1B000] =	vst v63  }
0x51a: {  	s7 =	simm.s32 $0x10980;
	v42 =	vperm.xlane v17, v8;
	v41 =	vadd.s32 v3, v40  }
0x51b: {  	[tilespmem:s7], [sflag:$0x1] =	stream.indirect_vreg.gather [hbm4b:s2+s0], $0x80, v18, vm0, $0xb8;
	[tilespmem:$0x1B000] =	vst v63  }
0x51c: {  	v43 =	vperm.xlane v17, v0;
	s9 =	simm.s32 $0x10A00;
	v18 =	vadd.s32 v3, v42  }
0x51d: {  	[tilespmem:s9], [sflag:$0x1] =	stream.indirect_vreg.gather [hbm4b:s2+s0], $0x80, v19, vm0, $0xb8;
	[tilespmem:$0x1B000] =	vst v63  }
0x51e: {  	v44 =	vperm.xlane v17, v9;
	s10 =	simm.s32 $0x10A80;
	v19 =	vadd.s32 v3, v43  }
0x51f: {  	[tilespmem:s10], [sflag:$0x1] =	stream.indirect_vreg.gather [hbm4b:s2+s0], $0x80, v41, vm0, $0xb8;
	[tilespmem:$0x1B000] =	vst v63  }
0x520: {  	v46 =	vperm.xlane v17, v10;
	v45 =	vadd.s32 v3, v44;
	s4 =	simm.s32 $0x10B00  }
0x521: {  	[tilespmem:s4], [sflag:$0x1] =	stream.indirect_vreg.gather [hbm4b:s2+s0], $0x80, v18, vm0, $0xb8;
	[tilespmem:$0x1B000] =	vst v63  }
0x522: {  	v47 =	vperm.xlane v17, v11;
	s7 =	simm.s32 $0x10B80;
	v18 =	vadd.s32 v3, v46  }
0x523: {  	[tilespmem:s7], [sflag:$0x1] =	stream.indirect_vreg.gather [hbm4b:s2+s0], $0x80, v19, vm0, $0xb8;
	[tilespmem:$0x1B000] =	vst v63  }
0x524: {  	v48 =	vperm.xlane v17, v12;
	s9 =	simm.s32 $0x10C00;
	v19 =	vadd.s32 v3, v47  }
0x525: {  	[tilespmem:s9], [sflag:$0x1] =	stream.indirect_vreg.gather [hbm4b:s2+s0], $0x80, v45, vm0, $0xb8;
	[tilespmem:$0x1B000] =	vst v63  }
0x526: {  	v50 =	vperm.xlane v17, v13;
	v49 =	vadd.s32 v3, v48;
	s10 =	simm.s32 $0x10C80  }
0x527: {  	[tilespmem:s10], [sflag:$0x1] =	stream.indirect_vreg.gather [hbm4b:s2+s0], $0x80, v18, vm0, $0xb8;
	[tilespmem:$0x1B000] =	vst v63  }
0x528: {  	v51 =	vperm.xlane v17, v14;
	s4 =	simm.s32 $0x10D00;
	v18 =	vadd.s32 v3, v50  }
0x529: {  	[tilespmem:s4], [sflag:$0x1] =	stream.indirect_vreg.gather [hbm4b:s2+s0], $0x80, v19, vm0, $0xb8;
	[tilespmem:$0x1B000] =	vst v63  }
0x52a: {  	v52 =	vperm.xlane v17, v15;
	s7 =	simm.s32 $0x10D80;
	v19 =	vadd.s32 v3, v51  }
0x52b: {  	[tilespmem:s7], [sflag:$0x1] =	stream.indirect_vreg.gather [hbm4b:s2+s0], $0x80, v49, vm0, $0xb8;
	[tilespmem:$0x1B000] =	vst v63  }
0x52c: {  	v17 =	vperm.xlane v17, v16;
	v53 =	vadd.s32 v3, v52;
	s9 =	simm.s32 $0x10E00  }
0x52d: {  	[tilespmem:s9], [sflag:$0x1] =	stream.indirect_vreg.gather [hbm4b:s2+s0], $0x80, v18, vm0, $0xb8;
	[tilespmem:$0x1B000] =	vst v63  }
0x52e: {  	v17 =	vadd.s32 v3, v17;
	s10 =	simm.s32 $0x10E80  }
0x52f: {  	[tilespmem:s10], [sflag:$0x1] =	stream.indirect_vreg.gather [hbm4b:s2+s0], $0x80, v19, vm0, $0xb8;
	[tilespmem:$0x1B000] =	vst v63  }
0x530: {  	s4 =	simm.s32 $0x10F00  }
0x531: {  	[tilespmem:s4], [sflag:$0x1] =	stream.indirect_vreg.gather [hbm4b:s2+s0], $0x80, v53, vm0, $0xb8;
	[tilespmem:$0x1B000] =	vst v63  }
0x532: {  	s7 =	simm.s32 $0x10F80  }
0x533: {  	[tilespmem:s7], [sflag:$0x1] =	stream.indirect_vreg.gather [hbm4b:s2+s0], $0x80, v17, vm0, $0xb8;
	[tilespmem:$0x1B000] =	vst v63  }
0x534: {  	v17 =	vld [tilespmem:$0x20];
	_ =	sdelay $0x4  }
0x535: {  	v18 =	vshll.u32 v17, $0x1  }
0x536: {  	v17 =	vand.u32 $0x7, v17;
	v18 =	vand.u32 $0xFFFFFFF0, v18  }
0x537: {  	v17 =	vor.u32 v17, v18  }
0x538: {  	v18 =	vperm.xlane v17, v2;
	_ =	sdelay $0x1  }
0x539: {  	v19 =	vperm.xlane v17, v1;
	v18 =	vadd.s32 v3, v18;
	_ =	sdelay $0x1  }
0x53a: {  	v54 =	vperm.xlane v17, v4;
	v19 =	vadd.s32 v3, v19;
	_ =	sdelay $0x1  }
0x53b: {  	s9 =	simm.s32 $0x11000;
	v55 =	vperm.xlane v17, v5;
	v20 =	vadd.s32 v3, v54  }
0x53c: {  	[tilespmem:s9], [sflag:$0x1] =	stream.indirect_vreg.gather [hbm4b:s2+s0], $0x80, v18, vm0, $0xb8;
	[tilespmem:$0x1B000] =	vst v63  }
0x53d: {  	s10 =	simm.s32 $0x11080;
	v56 =	vperm.xlane v17, v6;
	v18 =	vadd.s32 v3, v55  }
0x53e: {  	[tilespmem:s10], [sflag:$0x1] =	stream.indirect_vreg.gather [hbm4b:s2+s0], $0x80, v19, vm0, $0xb8;
	[tilespmem:$0x1B000] =	vst v63  }
0x53f: {  	s4 =	simm.s32 $0x11100;
	v57 =	vperm.xlane v17, v7;
	v19 =	vadd.s32 v3, v56  }
0x540: {  	[tilespmem:s4], [sflag:$0x1] =	stream.indirect_vreg.gather [hbm4b:s2+s0], $0x80, v20, vm0, $0xb8;
	[tilespmem:$0x1B000] =	vst v63  }
0x541: {  	s7 =	simm.s32 $0x11180;
	v59 =	vperm.xlane v17, v8;
	v58 =	vadd.s32 v3, v57  }
0x542: {  	[tilespmem:s7], [sflag:$0x1] =	stream.indirect_vreg.gather [hbm4b:s2+s0], $0x80, v18, vm0, $0xb8;
	[tilespmem:$0x1B000] =	vst v63  }
0x543: {  	v60 =	vperm.xlane v17, v0;
	s9 =	simm.s32 $0x11200;
	v18 =	vadd.s32 v3, v59  }
0x544: {  	[tilespmem:s9], [sflag:$0x1] =	stream.indirect_vreg.gather [hbm4b:s2+s0], $0x80, v19, vm0, $0xb8;
	[tilespmem:$0x1B000] =	vst v63  }
0x545: {  	v61 =	vperm.xlane v17, v9;
	s10 =	simm.s32 $0x11280;
	v19 =	vadd.s32 v3, v60  }
0x546: {  	[tilespmem:s10], [sflag:$0x1] =	stream.indirect_vreg.gather [hbm4b:s2+s0], $0x80, v58, vm0, $0xb8;
	[tilespmem:$0x1B000] =	vst v63  }
0x547: {  	v63 =	vperm.xlane v17, v10;
	v62 =	vadd.s32 v3, v61;
	s4 =	simm.s32 $0x11300  }
0x548: {  	[tilespmem:s4], [sflag:$0x1] =	stream.indirect_vreg.gather [hbm4b:s2+s0], $0x80, v18, vm0, $0xb8;
	[tilespmem:$0x1B000] =	vst v63  }
0x549: {  	v24 =	vperm.xlane v17, v11;
	s7 =	simm.s32 $0x11380;
	v18 =	vadd.s32 v3, v63  }
0x54a: {  	[tilespmem:s7], [sflag:$0x1] =	stream.indirect_vreg.gather [hbm4b:s2+s0], $0x80, v19, vm0, $0xb8;
	[tilespmem:$0x1B000] =	vst v63  }
0x54b: {  	v25 =	vperm.xlane v17, v12;
	s9 =	simm.s32 $0x11400;
	v19 =	vadd.s32 v3, v24  }
0x54c: {  	[tilespmem:s9], [sflag:$0x1] =	stream.indirect_vreg.gather [hbm4b:s2+s0], $0x80, v62, vm0, $0xb8;
	[tilespmem:$0x1B000] =	vst v63  }
0x54d: {  	v27 =	vperm.xlane v17, v13;
	v26 =	vadd.s32 v3, v25;
	s10 =	simm.s32 $0x11480  }
0x54e: {  	[tilespmem:s10], [sflag:$0x1] =	stream.indirect_vreg.gather [hbm4b:s2+s0], $0x80, v18, vm0, $0xb8;
	[tilespmem:$0x1B000] =	vst v63  }
0x54f: {  	v28 =	vperm.xlane v17, v14;
	s4 =	simm.s32 $0x11500;
	v18 =	vadd.s32 v3, v27  }
0x550: {  	[tilespmem:s4], [sflag:$0x1] =	stream.indirect_vreg.gather [hbm4b:s2+s0], $0x80, v19, vm0, $0xb8;
	[tilespmem:$0x1B000] =	vst v63  }
0x551: {  	v29 =	vperm.xlane v17, v15;
	s7 =	simm.s32 $0x11580;
	v19 =	vadd.s32 v3, v28  }
0x552: {  	[tilespmem:s7], [sflag:$0x1] =	stream.indirect_vreg.gather [hbm4b:s2+s0], $0x80, v26, vm0, $0xb8;
	[tilespmem:$0x1B000] =	vst v63  }
0x553: {  	v17 =	vperm.xlane v17, v16;
	v30 =	vadd.s32 v3, v29;
	s9 =	simm.s32 $0x11600  }
0x554: {  	[tilespmem:s9], [sflag:$0x1] =	stream.indirect_vreg.gather [hbm4b:s2+s0], $0x80, v18, vm0, $0xb8;
	[tilespmem:$0x1B000] =	vst v63  }
0x555: {  	v17 =	vadd.s32 v3, v17;
	s10 =	simm.s32 $0x11680  }
0x556: {  	[tilespmem:s10], [sflag:$0x1] =	stream.indirect_vreg.gather [hbm4b:s2+s0], $0x80, v19, vm0, $0xb8;
	[tilespmem:$0x1B000] =	vst v63  }
0x557: {  	s4 =	simm.s32 $0x11700  }
0x558: {  	[tilespmem:s4], [sflag:$0x1] =	stream.indirect_vreg.gather [hbm4b:s2+s0], $0x80, v30, vm0, $0xb8;
	[tilespmem:$0x1B000] =	vst v63  }
0x559: {  	s7 =	simm.s32 $0x11780  }
0x55a: {  	[tilespmem:s7], [sflag:$0x1] =	stream.indirect_vreg.gather [hbm4b:s2+s0], $0x80, v17, vm0, $0xb8;
	[tilespmem:$0x1B000] =	vst v63  }
0x55b: {  	v17 =	vld.msk [tilespmem:$0x30], $0x3;
	_ =	sdelay $0x4  }
0x55c: {  	v18 =	vshll.u32 v17, $0x1  }
0x55d: {  	v17 =	vand.u32 $0x7, v17;
	v18 =	vand.u32 $0xFFFFFFF0, v18  }
0x55e: {  	v17 =	vor.u32 v17, v18  }
0x55f: {  	v18 =	vperm.xlane v17, v2;
	_ =	sdelay $0x1  }
0x560: {  	v17 =	vperm.xlane v17, v1;
	v18 =	vadd.s32 v3, v18;
	_ =	sdelay $0x1  }
0x561: {  	v17 =	vadd.s32 v3, v17;
	_ =	sdelay $0x1  }
0x562: {  	s9 =	simm.s32 $0x11800  }
0x563: {  	[tilespmem:s9], [sflag:$0x1] =	stream.indirect_vreg.gather [hbm4b:s2+s0], $0x80, v18, vm0, $0xb8;
	[tilespmem:$0x1B000] =	vst v63  }
0x564: {  	s10 =	simm.s32 $0x11880  }
0x565: {  	[tilespmem:s10], [sflag:$0x1] =	stream.indirect_vreg.gather [hbm4b:s2+s0], $0x80, v17, vm0, $0xb8;
	[tilespmem:$0x1B000] =	vst v63  }
0x566: {  	v17 =	vld [tilespmem:$0x0];
	_ =	sdelay $0x4  }
0x567: {  	v18 =	vshll.u32 v17, $0x1  }
0x568: {  	v17 =	vand.u32 $0x7, v17;
	v18 =	vand.u32 $0xFFFFFFF0, v18  }
0x569: {  	v17 =	vor.u32 v17, v18  }
0x56a: {  	v18 =	vperm.xlane v17, v2;
	_ =	sdelay $0x1  }
0x56b: {  	v19 =	vperm.xlane v17, v1;
	v18 =	vadd.s32 v3, v18;
	_ =	sdelay $0x1  }
0x56c: {  	v31 =	vperm.xlane v17, v4;
	v19 =	vadd.s32 v3, v19;
	_ =	sdelay $0x1  }
0x56d: {  	s4 =	simm.s32 $0x11C00;
	v32 =	vperm.xlane v17, v5;
	v20 =	vadd.s32 v3, v31  }
0x56e: {  	[tilespmem:s4], [sflag:$0x1] =	stream.indirect_vreg.gather [hbm4b:s5+s0], $0x80, v18, vm0, $0xb8;
	[tilespmem:$0x1B000] =	vst v63  }
0x56f: {  	s7 =	simm.s32 $0x11C80;
	v33 =	vperm.xlane v17, v6;
	v18 =	vadd.s32 v3, v32  }
0x570: {  	[tilespmem:s7], [sflag:$0x1] =	stream.indirect_vreg.gather [hbm4b:s5+s0], $0x80, v19, vm0, $0xb8;
	[tilespmem:$0x1B000] =	vst v63  }
0x571: {  	s9 =	simm.s32 $0x11D00;
	v34 =	vperm.xlane v17, v7;
	v19 =	vadd.s32 v3, v33  }
0x572: {  	[tilespmem:s9], [sflag:$0x1] =	stream.indirect_vreg.gather [hbm4b:s5+s0], $0x80, v20, vm0, $0xb8;
	[tilespmem:$0x1B000] =	vst v63  }
0x573: {  	s10 =	simm.s32 $0x11D80;
	v36 =	vperm.xlane v17, v8;
	v35 =	vadd.s32 v3, v34  }
0x574: {  	[tilespmem:s10], [sflag:$0x1] =	stream.indirect_vreg.gather [hbm4b:s5+s0], $0x80, v18, vm0, $0xb8;
	[tilespmem:$0x1B000] =	vst v63  }
0x575: {  	v37 =	vperm.xlane v17, v0;
	s4 =	simm.s32 $0x11E00;
	v18 =	vadd.s32 v3, v36  }
0x576: {  	[tilespmem:s4], [sflag:$0x1] =	stream.indirect_vreg.gather [hbm4b:s5+s0], $0x80, v19, vm0, $0xb8;
	[tilespmem:$0x1B000] =	vst v63  }
0x577: {  	v38 =	vperm.xlane v17, v9;
	s7 =	simm.s32 $0x11E80;
	v19 =	vadd.s32 v3, v37  }
0x578: {  	[tilespmem:s7], [sflag:$0x1] =	stream.indirect_vreg.gather [hbm4b:s5+s0], $0x80, v35, vm0, $0xb8;
	[tilespmem:$0x1B000] =	vst v63  }
0x579: {  	v40 =	vperm.xlane v17, v10;
	v39 =	vadd.s32 v3, v38;
	s9 =	simm.s32 $0x11F00  }
0x57a: {  	[tilespmem:s9], [sflag:$0x1] =	stream.indirect_vreg.gather [hbm4b:s5+s0], $0x80, v18, vm0, $0xb8;
	[tilespmem:$0x1B000] =	vst v63  }
0x57b: {  	v41 =	vperm.xlane v17, v11;
	s10 =	simm.s32 $0x11F80;
	v18 =	vadd.s32 v3, v40  }
0x57c: {  	[tilespmem:s10], [sflag:$0x1] =	stream.indirect_vreg.gather [hbm4b:s5+s0], $0x80, v19, vm0, $0xb8;
	[tilespmem:$0x1B000] =	vst v63  }
0x57d: {  	v42 =	vperm.xlane v17, v12;
	s4 =	simm.s32 $0x12000;
	v19 =	vadd.s32 v3, v41  }
0x57e: {  	[tilespmem:s4], [sflag:$0x1] =	stream.indirect_vreg.gather [hbm4b:s5+s0], $0x80, v39, vm0, $0xb8;
	[tilespmem:$0x1B000] =	vst v63  }
0x57f: {  	v44 =	vperm.xlane v17, v13;
	v43 =	vadd.s32 v3, v42;
	s7 =	simm.s32 $0x12080  }
0x580: {  	[tilespmem:s7], [sflag:$0x1] =	stream.indirect_vreg.gather [hbm4b:s5+s0], $0x80, v18, vm0, $0xb8;
	[tilespmem:$0x1B000] =	vst v63  }
0x581: {  	v45 =	vperm.xlane v17, v14;
	s9 =	simm.s32 $0x12100;
	v18 =	vadd.s32 v3, v44  }
0x582: {  	[tilespmem:s9], [sflag:$0x1] =	stream.indirect_vreg.gather [hbm4b:s5+s0], $0x80, v19, vm0, $0xb8;
	[tilespmem:$0x1B000] =	vst v63  }
0x583: {  	v46 =	vperm.xlane v17, v15;
	s10 =	simm.s32 $0x12180;
	v19 =	vadd.s32 v3, v45  }
0x584: {  	[tilespmem:s10], [sflag:$0x1] =	stream.indirect_vreg.gather [hbm4b:s5+s0], $0x80, v43, vm0, $0xb8;
	[tilespmem:$0x1B000] =	vst v63  }
0x585: {  	v17 =	vperm.xlane v17, v16;
	v47 =	vadd.s32 v3, v46;
	s4 =	simm.s32 $0x12200  }
0x586: {  	[tilespmem:s4], [sflag:$0x1] =	stream.indirect_vreg.gather [hbm4b:s5+s0], $0x80, v18, vm0, $0xb8;
	[tilespmem:$0x1B000] =	vst v63  }
0x587: {  	v17 =	vadd.s32 v3, v17;
	s7 =	simm.s32 $0x12280  }
0x588: {  	[tilespmem:s7], [sflag:$0x1] =	stream.indirect_vreg.gather [hbm4b:s5+s0], $0x80, v19, vm0, $0xb8;
	[tilespmem:$0x1B000] =	vst v63  }
0x589: {  	s9 =	simm.s32 $0x12300  }
0x58a: {  	[tilespmem:s9], [sflag:$0x1] =	stream.indirect_vreg.gather [hbm4b:s5+s0], $0x80, v47, vm0, $0xb8;
	[tilespmem:$0x1B000] =	vst v63  }
0x58b: {  	s10 =	simm.s32 $0x12380  }
0x58c: {  	[tilespmem:s10], [sflag:$0x1] =	stream.indirect_vreg.gather [hbm4b:s5+s0], $0x80, v17, vm0, $0xb8;
	[tilespmem:$0x1B000] =	vst v63  }
0x58d: {  	v17 =	vld [tilespmem:$0x10];
	_ =	sdelay $0x4  }
0x58e: {  	v18 =	vshll.u32 v17, $0x1  }
0x58f: {  	v17 =	vand.u32 $0x7, v17;
	v18 =	vand.u32 $0xFFFFFFF0, v18  }
0x590: {  	v17 =	vor.u32 v17, v18  }
0x591: {  	v18 =	vperm.xlane v17, v2;
	_ =	sdelay $0x1  }
0x592: {  	v19 =	vperm.xlane v17, v1;
	v18 =	vadd.s32 v3, v18;
	_ =	sdelay $0x1  }
0x593: {  	v48 =	vperm.xlane v17, v4;
	v19 =	vadd.s32 v3, v19;
	_ =	sdelay $0x1  }
0x594: {  	s4 =	simm.s32 $0x12400;
	v49 =	vperm.xlane v17, v5;
	v20 =	vadd.s32 v3, v48  }
0x595: {  	[tilespmem:s4], [sflag:$0x1] =	stream.indirect_vreg.gather [hbm4b:s5+s0], $0x80, v18, vm0, $0xb8;
	[tilespmem:$0x1B000] =	vst v63  }
0x596: {  	s7 =	simm.s32 $0x12480;
	v50 =	vperm.xlane v17, v6;
	v18 =	vadd.s32 v3, v49  }
0x597: {  	[tilespmem:s7], [sflag:$0x1] =	stream.indirect_vreg.gather [hbm4b:s5+s0], $0x80, v19, vm0, $0xb8;
	[tilespmem:$0x1B000] =	vst v63  }
0x598: {  	s9 =	simm.s32 $0x12500;
	v51 =	vperm.xlane v17, v7;
	v19 =	vadd.s32 v3, v50  }
0x599: {  	[tilespmem:s9], [sflag:$0x1] =	stream.indirect_vreg.gather [hbm4b:s5+s0], $0x80, v20, vm0, $0xb8;
	[tilespmem:$0x1B000] =	vst v63  }
0x59a: {  	s10 =	simm.s32 $0x12580;
	v53 =	vperm.xlane v17, v8;
	v52 =	vadd.s32 v3, v51  }
0x59b: {  	[tilespmem:s10], [sflag:$0x1] =	stream.indirect_vreg.gather [hbm4b:s5+s0], $0x80, v18, vm0, $0xb8;
	[tilespmem:$0x1B000] =	vst v63  }
0x59c: {  	v54 =	vperm.xlane v17, v0;
	s4 =	simm.s32 $0x12600;
	v18 =	vadd.s32 v3, v53  }
0x59d: {  	[tilespmem:s4], [sflag:$0x1] =	stream.indirect_vreg.gather [hbm4b:s5+s0], $0x80, v19, vm0, $0xb8;
	[tilespmem:$0x1B000] =	vst v63  }
0x59e: {  	v55 =	vperm.xlane v17, v9;
	s7 =	simm.s32 $0x12680;
	v19 =	vadd.s32 v3, v54  }
0x59f: {  	[tilespmem:s7], [sflag:$0x1] =	stream.indirect_vreg.gather [hbm4b:s5+s0], $0x80, v52, vm0, $0xb8;
	[tilespmem:$0x1B000] =	vst v63  }
0x5a0: {  	v57 =	vperm.xlane v17, v10;
	v56 =	vadd.s32 v3, v55;
	s9 =	simm.s32 $0x12700  }
0x5a1: {  	[tilespmem:s9], [sflag:$0x1] =	stream.indirect_vreg.gather [hbm4b:s5+s0], $0x80, v18, vm0, $0xb8;
	[tilespmem:$0x1B000] =	vst v63  }
0x5a2: {  	v58 =	vperm.xlane v17, v11;
	s10 =	simm.s32 $0x12780;
	v18 =	vadd.s32 v3, v57  }
0x5a3: {  	[tilespmem:s10], [sflag:$0x1] =	stream.indirect_vreg.gather [hbm4b:s5+s0], $0x80, v19, vm0, $0xb8;
	[tilespmem:$0x1B000] =	vst v63  }
0x5a4: {  	v59 =	vperm.xlane v17, v12;
	s4 =	simm.s32 $0x12800;
	v19 =	vadd.s32 v3, v58  }
0x5a5: {  	[tilespmem:s4], [sflag:$0x1] =	stream.indirect_vreg.gather [hbm4b:s5+s0], $0x80, v56, vm0, $0xb8;
	[tilespmem:$0x1B000] =	vst v63  }
0x5a6: {  	v61 =	vperm.xlane v17, v13;
	v60 =	vadd.s32 v3, v59;
	s7 =	simm.s32 $0x12880  }
0x5a7: {  	[tilespmem:s7], [sflag:$0x1] =	stream.indirect_vreg.gather [hbm4b:s5+s0], $0x80, v18, vm0, $0xb8;
	[tilespmem:$0x1B000] =	vst v63  }
0x5a8: {  	v62 =	vperm.xlane v17, v14;
	s9 =	simm.s32 $0x12900;
	v18 =	vadd.s32 v3, v61  }
0x5a9: {  	[tilespmem:s9], [sflag:$0x1] =	stream.indirect_vreg.gather [hbm4b:s5+s0], $0x80, v19, vm0, $0xb8;
	[tilespmem:$0x1B000] =	vst v63  }
0x5aa: {  	v63 =	vperm.xlane v17, v15;
	s10 =	simm.s32 $0x12980;
	v19 =	vadd.s32 v3, v62  }
0x5ab: {  	[tilespmem:s10], [sflag:$0x1] =	stream.indirect_vreg.gather [hbm4b:s5+s0], $0x80, v60, vm0, $0xb8;
	[tilespmem:$0x1B000] =	vst v63  }
0x5ac: {  	v17 =	vperm.xlane v17, v16;
	v24 =	vadd.s32 v3, v63;
	s4 =	simm.s32 $0x12A00  }
0x5ad: {  	[tilespmem:s4], [sflag:$0x1] =	stream.indirect_vreg.gather [hbm4b:s5+s0], $0x80, v18, vm0, $0xb8;
	[tilespmem:$0x1B000] =	vst v63  }
0x5ae: {  	v17 =	vadd.s32 v3, v17;
	s7 =	simm.s32 $0x12A80  }
0x5af: {  	[tilespmem:s7], [sflag:$0x1] =	stream.indirect_vreg.gather [hbm4b:s5+s0], $0x80, v19, vm0, $0xb8;
	[tilespmem:$0x1B000] =	vst v63  }
0x5b0: {  	s9 =	simm.s32 $0x12B00  }
0x5b1: {  	[tilespmem:s9], [sflag:$0x1] =	stream.indirect_vreg.gather [hbm4b:s5+s0], $0x80, v24, vm0, $0xb8;
	[tilespmem:$0x1B000] =	vst v63  }
0x5b2: {  	s10 =	simm.s32 $0x12B80  }
0x5b3: {  	[tilespmem:s10], [sflag:$0x1] =	stream.indirect_vreg.gather [hbm4b:s5+s0], $0x80, v17, vm0, $0xb8;
	[tilespmem:$0x1B000] =	vst v63  }
0x5b4: {  	v17 =	vld [tilespmem:$0x20];
	_ =	sdelay $0x4  }
0x5b5: {  	v18 =	vshll.u32 v17, $0x1  }
0x5b6: {  	v17 =	vand.u32 $0x7, v17;
	v18 =	vand.u32 $0xFFFFFFF0, v18  }
0x5b7: {  	v17 =	vor.u32 v17, v18  }
0x5b8: {  	v18 =	vperm.xlane v17, v2;
	_ =	sdelay $0x1  }
0x5b9: {  	v19 =	vperm.xlane v17, v1;
	v18 =	vadd.s32 v3, v18;
	_ =	sdelay $0x1  }
0x5ba: {  	v25 =	vperm.xlane v17, v4;
	v19 =	vadd.s32 v3, v19;
	_ =	sdelay $0x1  }
0x5bb: {  	s4 =	simm.s32 $0x12C00;
	v26 =	vperm.xlane v17, v5;
	v20 =	vadd.s32 v3, v25  }
0x5bc: {  	[tilespmem:s4], [sflag:$0x1] =	stream.indirect_vreg.gather [hbm4b:s5+s0], $0x80, v18, vm0, $0xb8;
	[tilespmem:$0x1B000] =	vst v63  }
0x5bd: {  	s7 =	simm.s32 $0x12C80;
	v27 =	vperm.xlane v17, v6;
	v18 =	vadd.s32 v3, v26  }
0x5be: {  	[tilespmem:s7], [sflag:$0x1] =	stream.indirect_vreg.gather [hbm4b:s5+s0], $0x80, v19, vm0, $0xb8;
	[tilespmem:$0x1B000] =	vst v63  }
0x5bf: {  	s9 =	simm.s32 $0x12D00;
	v28 =	vperm.xlane v17, v7;
	v19 =	vadd.s32 v3, v27  }
0x5c0: {  	[tilespmem:s9], [sflag:$0x1] =	stream.indirect_vreg.gather [hbm4b:s5+s0], $0x80, v20, vm0, $0xb8;
	[tilespmem:$0x1B000] =	vst v63  }
0x5c1: {  	s10 =	simm.s32 $0x12D80;
	v30 =	vperm.xlane v17, v8;
	v29 =	vadd.s32 v3, v28  }
0x5c2: {  	[tilespmem:s10], [sflag:$0x1] =	stream.indirect_vreg.gather [hbm4b:s5+s0], $0x80, v18, vm0, $0xb8;
	[tilespmem:$0x1B000] =	vst v63  }
0x5c3: {  	v31 =	vperm.xlane v17, v0;
	s4 =	simm.s32 $0x12E00;
	v18 =	vadd.s32 v3, v30  }
0x5c4: {  	[tilespmem:s4], [sflag:$0x1] =	stream.indirect_vreg.gather [hbm4b:s5+s0], $0x80, v19, vm0, $0xb8;
	[tilespmem:$0x1B000] =	vst v63  }
0x5c5: {  	v32 =	vperm.xlane v17, v9;
	s7 =	simm.s32 $0x12E80;
	v19 =	vadd.s32 v3, v31  }
0x5c6: {  	[tilespmem:s7], [sflag:$0x1] =	stream.indirect_vreg.gather [hbm4b:s5+s0], $0x80, v29, vm0, $0xb8;
	[tilespmem:$0x1B000] =	vst v63  }
0x5c7: {  	v34 =	vperm.xlane v17, v10;
	v33 =	vadd.s32 v3, v32;
	s9 =	simm.s32 $0x12F00  }
0x5c8: {  	[tilespmem:s9], [sflag:$0x1] =	stream.indirect_vreg.gather [hbm4b:s5+s0], $0x80, v18, vm0, $0xb8;
	[tilespmem:$0x1B000] =	vst v63  }
0x5c9: {  	v35 =	vperm.xlane v17, v11;
	s10 =	simm.s32 $0x12F80;
	v18 =	vadd.s32 v3, v34  }
0x5ca: {  	[tilespmem:s10], [sflag:$0x1] =	stream.indirect_vreg.gather [hbm4b:s5+s0], $0x80, v19, vm0, $0xb8;
	[tilespmem:$0x1B000] =	vst v63  }
0x5cb: {  	v36 =	vperm.xlane v17, v12;
	s4 =	simm.s32 $0x13000;
	v19 =	vadd.s32 v3, v35  }
0x5cc: {  	[tilespmem:s4], [sflag:$0x1] =	stream.indirect_vreg.gather [hbm4b:s5+s0], $0x80, v33, vm0, $0xb8;
	[tilespmem:$0x1B000] =	vst v63  }
0x5cd: {  	v38 =	vperm.xlane v17, v13;
	v37 =	vadd.s32 v3, v36;
	s7 =	simm.s32 $0x13080  }
0x5ce: {  	[tilespmem:s7], [sflag:$0x1] =	stream.indirect_vreg.gather [hbm4b:s5+s0], $0x80, v18, vm0, $0xb8;
	[tilespmem:$0x1B000] =	vst v63  }
0x5cf: {  	v39 =	vperm.xlane v17, v14;
	s9 =	simm.s32 $0x13100;
	v18 =	vadd.s32 v3, v38  }
0x5d0: {  	[tilespmem:s9], [sflag:$0x1] =	stream.indirect_vreg.gather [hbm4b:s5+s0], $0x80, v19, vm0, $0xb8;
	[tilespmem:$0x1B000] =	vst v63  }
0x5d1: {  	v40 =	vperm.xlane v17, v15;
	s10 =	simm.s32 $0x13180;
	v19 =	vadd.s32 v3, v39  }
0x5d2: {  	[tilespmem:s10], [sflag:$0x1] =	stream.indirect_vreg.gather [hbm4b:s5+s0], $0x80, v37, vm0, $0xb8;
	[tilespmem:$0x1B000] =	vst v63  }
0x5d3: {  	v17 =	vperm.xlane v17, v16;
	v41 =	vadd.s32 v3, v40;
	s4 =	simm.s32 $0x13200  }
0x5d4: {  	[tilespmem:s4], [sflag:$0x1] =	stream.indirect_vreg.gather [hbm4b:s5+s0], $0x80, v18, vm0, $0xb8;
	[tilespmem:$0x1B000] =	vst v63  }
0x5d5: {  	v17 =	vadd.s32 v3, v17;
	s7 =	simm.s32 $0x13280  }
0x5d6: {  	[tilespmem:s7], [sflag:$0x1] =	stream.indirect_vreg.gather [hbm4b:s5+s0], $0x80, v19, vm0, $0xb8;
	[tilespmem:$0x1B000] =	vst v63  }
0x5d7: {  	s9 =	simm.s32 $0x13300  }
0x5d8: {  	[tilespmem:s9], [sflag:$0x1] =	stream.indirect_vreg.gather [hbm4b:s5+s0], $0x80, v41, vm0, $0xb8;
	[tilespmem:$0x1B000] =	vst v63  }
0x5d9: {  	s10 =	simm.s32 $0x13380  }
0x5da: {  	[tilespmem:s10], [sflag:$0x1] =	stream.indirect_vreg.gather [hbm4b:s5+s0], $0x80, v17, vm0, $0xb8;
	[tilespmem:$0x1B000] =	vst v63  }
0x5db: {  	v17 =	vld.msk [tilespmem:$0x30], $0x3;
	_ =	sdelay $0x4  }
0x5dc: {  	v18 =	vshll.u32 v17, $0x1  }
0x5dd: {  	v17 =	vand.u32 $0x7, v17;
	v18 =	vand.u32 $0xFFFFFFF0, v18  }
0x5de: {  	v17 =	vor.u32 v17, v18  }
0x5df: {  	v18 =	vperm.xlane v17, v2;
	_ =	sdelay $0x1  }
0x5e0: {  	v17 =	vperm.xlane v17, v1;
	v18 =	vadd.s32 v3, v18;
	_ =	sdelay $0x1  }
0x5e1: {  	v17 =	vadd.s32 v3, v17;
	_ =	sdelay $0x1  }
0x5e2: {  	s4 =	simm.s32 $0x13400  }
0x5e3: {  	[tilespmem:s4], [sflag:$0x1] =	stream.indirect_vreg.gather [hbm4b:s5+s0], $0x80, v18, vm0, $0xb8;
	[tilespmem:$0x1B000] =	vst v63  }
0x5e4: {  	s7 =	simm.s32 $0x13480  }
0x5e5: {  	[tilespmem:s7], [sflag:$0x1] =	stream.indirect_vreg.gather [hbm4b:s5+s0], $0x80, v17, vm0, $0xb8;
	[tilespmem:$0x1B000] =	vst v63  }
0x5e6: {  	v17 =	vld [tilespmem:$0x80];
	_ =	sdelay $0x4  }
0x5e7: {  	v18 =	vshll.u32 v17, $0x1  }
0x5e8: {  	v17 =	vand.u32 $0x7, v17;
	v18 =	vand.u32 $0xFFFFFFF0, v18  }
0x5e9: {  	v17 =	vor.u32 v17, v18  }
0x5ea: {  	v18 =	vperm.xlane v17, v2;
	_ =	sdelay $0x1  }
0x5eb: {  	v19 =	vperm.xlane v17, v1;
	v18 =	vadd.s32 v3, v18;
	_ =	sdelay $0x1  }
0x5ec: {  	v42 =	vperm.xlane v17, v4;
	v19 =	vadd.s32 v3, v19;
	_ =	sdelay $0x1  }
0x5ed: {  	s9 =	simm.s32 $0x13800;
	v43 =	vperm.xlane v17, v5;
	v20 =	vadd.s32 v3, v42  }
0x5ee: {  	[tilespmem:s9], [sflag:$0x2] =	stream.indirect_vreg.gather [hbm4b:s2+s0], $0x80, v18, vm0, $0xb8;
	[tilespmem:$0x1B000] =	vst v63  }
0x5ef: {  	s10 =	simm.s32 $0x13880;
	v44 =	vperm.xlane v17, v6;
	v18 =	vadd.s32 v3, v43  }
0x5f0: {  	[tilespmem:s10], [sflag:$0x2] =	stream.indirect_vreg.gather [hbm4b:s2+s0], $0x80, v19, vm0, $0xb8;
	[tilespmem:$0x1B000] =	vst v63  }
0x5f1: {  	s4 =	simm.s32 $0x13900;
	v45 =	vperm.xlane v17, v7;
	v19 =	vadd.s32 v3, v44  }
0x5f2: {  	[tilespmem:s4], [sflag:$0x2] =	stream.indirect_vreg.gather [hbm4b:s2+s0], $0x80, v20, vm0, $0xb8;
	[tilespmem:$0x1B000] =	vst v63  }
0x5f3: {  	s7 =	simm.s32 $0x13980;
	v47 =	vperm.xlane v17, v8;
	v46 =	vadd.s32 v3, v45  }
0x5f4: {  	[tilespmem:s7], [sflag:$0x2] =	stream.indirect_vreg.gather [hbm4b:s2+s0], $0x80, v18, vm0, $0xb8;
	[tilespmem:$0x1B000] =	vst v63  }
0x5f5: {  	v48 =	vperm.xlane v17, v0;
	s9 =	simm.s32 $0x13A00;
	v18 =	vadd.s32 v3, v47  }
0x5f6: {  	[tilespmem:s9], [sflag:$0x2] =	stream.indirect_vreg.gather [hbm4b:s2+s0], $0x80, v19, vm0, $0xb8;
	[tilespmem:$0x1B000] =	vst v63  }
0x5f7: {  	v49 =	vperm.xlane v17, v9;
	s10 =	simm.s32 $0x13A80;
	v19 =	vadd.s32 v3, v48  }
0x5f8: {  	[tilespmem:s10], [sflag:$0x2] =	stream.indirect_vreg.gather [hbm4b:s2+s0], $0x80, v46, vm0, $0xb8;
	[tilespmem:$0x1B000] =	vst v63  }
0x5f9: {  	v51 =	vperm.xlane v17, v10;
	v50 =	vadd.s32 v3, v49;
	s4 =	simm.s32 $0x13B00  }
0x5fa: {  	[tilespmem:s4], [sflag:$0x2] =	stream.indirect_vreg.gather [hbm4b:s2+s0], $0x80, v18, vm0, $0xb8;
	[tilespmem:$0x1B000] =	vst v63  }
0x5fb: {  	v52 =	vperm.xlane v17, v11;
	s7 =	simm.s32 $0x13B80;
	v18 =	vadd.s32 v3, v51  }
0x5fc: {  	[tilespmem:s7], [sflag:$0x2] =	stream.indirect_vreg.gather [hbm4b:s2+s0], $0x80, v19, vm0, $0xb8;
	[tilespmem:$0x1B000] =	vst v63  }
0x5fd: {  	v53 =	vperm.xlane v17, v12;
	s9 =	simm.s32 $0x13C00;
	v19 =	vadd.s32 v3, v52  }
0x5fe: {  	[tilespmem:s9], [sflag:$0x2] =	stream.indirect_vreg.gather [hbm4b:s2+s0], $0x80, v50, vm0, $0xb8;
	[tilespmem:$0x1B000] =	vst v63  }
0x5ff: {  	v55 =	vperm.xlane v17, v13;
	v54 =	vadd.s32 v3, v53;
	s10 =	simm.s32 $0x13C80  }
0x600: {  	[tilespmem:s10], [sflag:$0x2] =	stream.indirect_vreg.gather [hbm4b:s2+s0], $0x80, v18, vm0, $0xb8;
	[tilespmem:$0x1B000] =	vst v63  }
0x601: {  	v56 =	vperm.xlane v17, v14;
	s4 =	simm.s32 $0x13D00;
	v18 =	vadd.s32 v3, v55  }
0x602: {  	[tilespmem:s4], [sflag:$0x2] =	stream.indirect_vreg.gather [hbm4b:s2+s0], $0x80, v19, vm0, $0xb8;
	[tilespmem:$0x1B000] =	vst v63  }
0x603: {  	v57 =	vperm.xlane v17, v15;
	s7 =	simm.s32 $0x13D80;
	v19 =	vadd.s32 v3, v56  }
0x604: {  	[tilespmem:s7], [sflag:$0x2] =	stream.indirect_vreg.gather [hbm4b:s2+s0], $0x80, v54, vm0, $0xb8;
	[tilespmem:$0x1B000] =	vst v63  }
0x605: {  	v17 =	vperm.xlane v17, v16;
	v58 =	vadd.s32 v3, v57;
	s9 =	simm.s32 $0x13E00  }
0x606: {  	[tilespmem:s9], [sflag:$0x2] =	stream.indirect_vreg.gather [hbm4b:s2+s0], $0x80, v18, vm0, $0xb8;
	[tilespmem:$0x1B000] =	vst v63  }
0x607: {  	v17 =	vadd.s32 v3, v17;
	s10 =	simm.s32 $0x13E80  }
0x608: {  	[tilespmem:s10], [sflag:$0x2] =	stream.indirect_vreg.gather [hbm4b:s2+s0], $0x80, v19, vm0, $0xb8;
	[tilespmem:$0x1B000] =	vst v63  }
0x609: {  	s4 =	simm.s32 $0x13F00  }
0x60a: {  	[tilespmem:s4], [sflag:$0x2] =	stream.indirect_vreg.gather [hbm4b:s2+s0], $0x80, v58, vm0, $0xb8;
	[tilespmem:$0x1B000] =	vst v63  }
0x60b: {  	s7 =	simm.s32 $0x13F80  }
0x60c: {  	[tilespmem:s7], [sflag:$0x2] =	stream.indirect_vreg.gather [hbm4b:s2+s0], $0x80, v17, vm0, $0xb8;
	[tilespmem:$0x1B000] =	vst v63  }
0x60d: {  	v17 =	vld [tilespmem:$0x90];
	_ =	sdelay $0x4  }
0x60e: {  	v18 =	vshll.u32 v17, $0x1  }
0x60f: {  	v17 =	vand.u32 $0x7, v17;
	v18 =	vand.u32 $0xFFFFFFF0, v18  }
0x610: {  	v17 =	vor.u32 v17, v18  }
0x611: {  	v18 =	vperm.xlane v17, v2;
	_ =	sdelay $0x1  }
0x612: {  	v19 =	vperm.xlane v17, v1;
	v18 =	vadd.s32 v3, v18;
	_ =	sdelay $0x1  }
0x613: {  	v59 =	vperm.xlane v17, v4;
	v19 =	vadd.s32 v3, v19;
	_ =	sdelay $0x1  }
0x614: {  	s9 =	simm.s32 $0x14000;
	v60 =	vperm.xlane v17, v5;
	v20 =	vadd.s32 v3, v59  }
0x615: {  	[tilespmem:s9], [sflag:$0x2] =	stream.indirect_vreg.gather [hbm4b:s2+s0], $0x80, v18, vm0, $0xb8;
	[tilespmem:$0x1B000] =	vst v63  }
0x616: {  	s10 =	simm.s32 $0x14080;
	v61 =	vperm.xlane v17, v6;
	v18 =	vadd.s32 v3, v60  }
0x617: {  	[tilespmem:s10], [sflag:$0x2] =	stream.indirect_vreg.gather [hbm4b:s2+s0], $0x80, v19, vm0, $0xb8;
	[tilespmem:$0x1B000] =	vst v63  }
0x618: {  	s4 =	simm.s32 $0x14100;
	v62 =	vperm.xlane v17, v7;
	v19 =	vadd.s32 v3, v61  }
0x619: {  	[tilespmem:s4], [sflag:$0x2] =	stream.indirect_vreg.gather [hbm4b:s2+s0], $0x80, v20, vm0, $0xb8;
	[tilespmem:$0x1B000] =	vst v63  }
0x61a: {  	s7 =	simm.s32 $0x14180;
	v24 =	vperm.xlane v17, v8;
	v63 =	vadd.s32 v3, v62  }
0x61b: {  	[tilespmem:s7], [sflag:$0x2] =	stream.indirect_vreg.gather [hbm4b:s2+s0], $0x80, v18, vm0, $0xb8;
	[tilespmem:$0x1B000] =	vst v63  }
0x61c: {  	v25 =	vperm.xlane v17, v0;
	s9 =	simm.s32 $0x14200;
	v18 =	vadd.s32 v3, v24  }
0x61d: {  	[tilespmem:s9], [sflag:$0x2] =	stream.indirect_vreg.gather [hbm4b:s2+s0], $0x80, v19, vm0, $0xb8;
	[tilespmem:$0x1B000] =	vst v63  }
0x61e: {  	v26 =	vperm.xlane v17, v9;
	s10 =	simm.s32 $0x14280;
	v19 =	vadd.s32 v3, v25  }
0x61f: {  	[tilespmem:s10], [sflag:$0x2] =	stream.indirect_vreg.gather [hbm4b:s2+s0], $0x80, v63, vm0, $0xb8;
	[tilespmem:$0x1B000] =	vst v63  }
0x620: {  	v28 =	vperm.xlane v17, v10;
	v27 =	vadd.s32 v3, v26;
	s4 =	simm.s32 $0x14300  }
0x621: {  	[tilespmem:s4], [sflag:$0x2] =	stream.indirect_vreg.gather [hbm4b:s2+s0], $0x80, v18, vm0, $0xb8;
	[tilespmem:$0x1B000] =	vst v63  }
0x622: {  	v29 =	vperm.xlane v17, v11;
	s7 =	simm.s32 $0x14380;
	v18 =	vadd.s32 v3, v28  }
0x623: {  	[tilespmem:s7], [sflag:$0x2] =	stream.indirect_vreg.gather [hbm4b:s2+s0], $0x80, v19, vm0, $0xb8;
	[tilespmem:$0x1B000] =	vst v63  }
0x624: {  	v30 =	vperm.xlane v17, v12;
	s9 =	simm.s32 $0x14400;
	v19 =	vadd.s32 v3, v29  }
0x625: {  	[tilespmem:s9], [sflag:$0x2] =	stream.indirect_vreg.gather [hbm4b:s2+s0], $0x80, v27, vm0, $0xb8;
	[tilespmem:$0x1B000] =	vst v63  }
0x626: {  	v32 =	vperm.xlane v17, v13;
	v31 =	vadd.s32 v3, v30;
	s10 =	simm.s32 $0x14480  }
0x627: {  	[tilespmem:s10], [sflag:$0x2] =	stream.indirect_vreg.gather [hbm4b:s2+s0], $0x80, v18, vm0, $0xb8;
	[tilespmem:$0x1B000] =	vst v63  }
0x628: {  	v33 =	vperm.xlane v17, v14;
	s4 =	simm.s32 $0x14500;
	v18 =	vadd.s32 v3, v32  }
0x629: {  	[tilespmem:s4], [sflag:$0x2] =	stream.indirect_vreg.gather [hbm4b:s2+s0], $0x80, v19, vm0, $0xb8;
	[tilespmem:$0x1B000] =	vst v63  }
0x62a: {  	v34 =	vperm.xlane v17, v15;
	s7 =	simm.s32 $0x14580;
	v19 =	vadd.s32 v3, v33  }
0x62b: {  	[tilespmem:s7], [sflag:$0x2] =	stream.indirect_vreg.gather [hbm4b:s2+s0], $0x80, v31, vm0, $0xb8;
	[tilespmem:$0x1B000] =	vst v63  }
0x62c: {  	v17 =	vperm.xlane v17, v16;
	v35 =	vadd.s32 v3, v34;
	s9 =	simm.s32 $0x14600  }
0x62d: {  	[tilespmem:s9], [sflag:$0x2] =	stream.indirect_vreg.gather [hbm4b:s2+s0], $0x80, v18, vm0, $0xb8;
	[tilespmem:$0x1B000] =	vst v63  }
0x62e: {  	v17 =	vadd.s32 v3, v17;
	s10 =	simm.s32 $0x14680  }
0x62f: {  	[tilespmem:s10], [sflag:$0x2] =	stream.indirect_vreg.gather [hbm4b:s2+s0], $0x80, v19, vm0, $0xb8;
	[tilespmem:$0x1B000] =	vst v63  }
0x630: {  	s4 =	simm.s32 $0x14700  }
0x631: {  	[tilespmem:s4], [sflag:$0x2] =	stream.indirect_vreg.gather [hbm4b:s2+s0], $0x80, v35, vm0, $0xb8;
	[tilespmem:$0x1B000] =	vst v63  }
0x632: {  	s7 =	simm.s32 $0x14780  }
0x633: {  	[tilespmem:s7], [sflag:$0x2] =	stream.indirect_vreg.gather [hbm4b:s2+s0], $0x80, v17, vm0, $0xb8;
	[tilespmem:$0x1B000] =	vst v63  }
0x634: {  	v17 =	vld [tilespmem:$0xA0];
	_ =	sdelay $0x4  }
0x635: {  	v18 =	vshll.u32 v17, $0x1  }
0x636: {  	v17 =	vand.u32 $0x7, v17;
	v18 =	vand.u32 $0xFFFFFFF0, v18  }
0x637: {  	v17 =	vor.u32 v17, v18  }
0x638: {  	v18 =	vperm.xlane v17, v2;
	_ =	sdelay $0x1  }
0x639: {  	v19 =	vperm.xlane v17, v1;
	v18 =	vadd.s32 v3, v18;
	_ =	sdelay $0x1  }
0x63a: {  	v36 =	vperm.xlane v17, v4;
	v19 =	vadd.s32 v3, v19;
	_ =	sdelay $0x1  }
0x63b: {  	s9 =	simm.s32 $0x14800;
	v37 =	vperm.xlane v17, v5;
	v20 =	vadd.s32 v3, v36  }
0x63c: {  	[tilespmem:s9], [sflag:$0x2] =	stream.indirect_vreg.gather [hbm4b:s2+s0], $0x80, v18, vm0, $0xb8;
	[tilespmem:$0x1B000] =	vst v63  }
0x63d: {  	s10 =	simm.s32 $0x14880;
	v38 =	vperm.xlane v17, v6;
	v18 =	vadd.s32 v3, v37  }
0x63e: {  	[tilespmem:s10], [sflag:$0x2] =	stream.indirect_vreg.gather [hbm4b:s2+s0], $0x80, v19, vm0, $0xb8;
	[tilespmem:$0x1B000] =	vst v63  }
0x63f: {  	s4 =	simm.s32 $0x14900;
	v39 =	vperm.xlane v17, v7;
	v19 =	vadd.s32 v3, v38  }
0x640: {  	[tilespmem:s4], [sflag:$0x2] =	stream.indirect_vreg.gather [hbm4b:s2+s0], $0x80, v20, vm0, $0xb8;
	[tilespmem:$0x1B000] =	vst v63  }
0x641: {  	s7 =	simm.s32 $0x14980;
	v41 =	vperm.xlane v17, v8;
	v40 =	vadd.s32 v3, v39  }
0x642: {  	[tilespmem:s7], [sflag:$0x2] =	stream.indirect_vreg.gather [hbm4b:s2+s0], $0x80, v18, vm0, $0xb8;
	[tilespmem:$0x1B000] =	vst v63  }
0x643: {  	v42 =	vperm.xlane v17, v0;
	s9 =	simm.s32 $0x14A00;
	v18 =	vadd.s32 v3, v41  }
0x644: {  	[tilespmem:s9], [sflag:$0x2] =	stream.indirect_vreg.gather [hbm4b:s2+s0], $0x80, v19, vm0, $0xb8;
	[tilespmem:$0x1B000] =	vst v63  }
0x645: {  	v43 =	vperm.xlane v17, v9;
	s10 =	simm.s32 $0x14A80;
	v19 =	vadd.s32 v3, v42  }
0x646: {  	[tilespmem:s10], [sflag:$0x2] =	stream.indirect_vreg.gather [hbm4b:s2+s0], $0x80, v40, vm0, $0xb8;
	[tilespmem:$0x1B000] =	vst v63  }
0x647: {  	v45 =	vperm.xlane v17, v10;
	v44 =	vadd.s32 v3, v43;
	s4 =	simm.s32 $0x14B00  }
0x648: {  	[tilespmem:s4], [sflag:$0x2] =	stream.indirect_vreg.gather [hbm4b:s2+s0], $0x80, v18, vm0, $0xb8;
	[tilespmem:$0x1B000] =	vst v63  }
0x649: {  	v46 =	vperm.xlane v17, v11;
	s7 =	simm.s32 $0x14B80;
	v18 =	vadd.s32 v3, v45  }
0x64a: {  	[tilespmem:s7], [sflag:$0x2] =	stream.indirect_vreg.gather [hbm4b:s2+s0], $0x80, v19, vm0, $0xb8;
	[tilespmem:$0x1B000] =	vst v63  }
0x64b: {  	v47 =	vperm.xlane v17, v12;
	s9 =	simm.s32 $0x14C00;
	v19 =	vadd.s32 v3, v46  }
0x64c: {  	[tilespmem:s9], [sflag:$0x2] =	stream.indirect_vreg.gather [hbm4b:s2+s0], $0x80, v44, vm0, $0xb8;
	[tilespmem:$0x1B000] =	vst v63  }
0x64d: {  	v49 =	vperm.xlane v17, v13;
	v48 =	vadd.s32 v3, v47;
	s10 =	simm.s32 $0x14C80  }
0x64e: {  	[tilespmem:s10], [sflag:$0x2] =	stream.indirect_vreg.gather [hbm4b:s2+s0], $0x80, v18, vm0, $0xb8;
	[tilespmem:$0x1B000] =	vst v63  }
0x64f: {  	v50 =	vperm.xlane v17, v14;
	s4 =	simm.s32 $0x14D00;
	v18 =	vadd.s32 v3, v49  }
0x650: {  	[tilespmem:s4], [sflag:$0x2] =	stream.indirect_vreg.gather [hbm4b:s2+s0], $0x80, v19, vm0, $0xb8;
	[tilespmem:$0x1B000] =	vst v63  }
0x651: {  	v51 =	vperm.xlane v17, v15;
	s7 =	simm.s32 $0x14D80;
	v19 =	vadd.s32 v3, v50  }
0x652: {  	[tilespmem:s7], [sflag:$0x2] =	stream.indirect_vreg.gather [hbm4b:s2+s0], $0x80, v48, vm0, $0xb8;
	[tilespmem:$0x1B000] =	vst v63  }
0x653: {  	v17 =	vperm.xlane v17, v16;
	v52 =	vadd.s32 v3, v51;
	s9 =	simm.s32 $0x14E00  }
0x654: {  	[tilespmem:s9], [sflag:$0x2] =	stream.indirect_vreg.gather [hbm4b:s2+s0], $0x80, v18, vm0, $0xb8;
	[tilespmem:$0x1B000] =	vst v63  }
0x655: {  	v17 =	vadd.s32 v3, v17;
	s10 =	simm.s32 $0x14E80  }
0x656: {  	[tilespmem:s10], [sflag:$0x2] =	stream.indirect_vreg.gather [hbm4b:s2+s0], $0x80, v19, vm0, $0xb8;
	[tilespmem:$0x1B000] =	vst v63  }
0x657: {  	s4 =	simm.s32 $0x14F00  }
0x658: {  	[tilespmem:s4], [sflag:$0x2] =	stream.indirect_vreg.gather [hbm4b:s2+s0], $0x80, v52, vm0, $0xb8;
	[tilespmem:$0x1B000] =	vst v63  }
0x659: {  	s7 =	simm.s32 $0x14F80  }
0x65a: {  	[tilespmem:s7], [sflag:$0x2] =	stream.indirect_vreg.gather [hbm4b:s2+s0], $0x80, v17, vm0, $0xb8;
	[tilespmem:$0x1B000] =	vst v63  }
0x65b: {  	v17 =	vld.msk [tilespmem:$0xB0], $0x3;
	_ =	sdelay $0x4  }
0x65c: {  	v18 =	vshll.u32 v17, $0x1  }
0x65d: {  	v17 =	vand.u32 $0x7, v17;
	v18 =	vand.u32 $0xFFFFFFF0, v18  }
0x65e: {  	v17 =	vor.u32 v17, v18  }
0x65f: {  	v18 =	vperm.xlane v17, v2;
	_ =	sdelay $0x1  }
0x660: {  	v17 =	vperm.xlane v17, v1;
	v18 =	vadd.s32 v3, v18;
	_ =	sdelay $0x1  }
0x661: {  	v17 =	vadd.s32 v3, v17;
	_ =	sdelay $0x1  }
0x662: {  	s9 =	simm.s32 $0x15000  }
0x663: {  	[tilespmem:s9], [sflag:$0x2] =	stream.indirect_vreg.gather [hbm4b:s2+s0], $0x80, v18, vm0, $0xb8;
	[tilespmem:$0x1B000] =	vst v63  }
0x664: {  	s10 =	simm.s32 $0x15080  }
0x665: {  	[tilespmem:s10], [sflag:$0x2] =	stream.indirect_vreg.gather [hbm4b:s2+s0], $0x80, v17, vm0, $0xb8;
	[tilespmem:$0x1B000] =	vst v63  }
0x666: {  	v17 =	vld [tilespmem:$0x80];
	_ =	sdelay $0x4  }
0x667: {  	v18 =	vshll.u32 v17, $0x1  }
0x668: {  	v17 =	vand.u32 $0x7, v17;
	v18 =	vand.u32 $0xFFFFFFF0, v18  }
0x669: {  	v17 =	vor.u32 v17, v18  }
0x66a: {  	v18 =	vperm.xlane v17, v2;
	_ =	sdelay $0x1  }
0x66b: {  	v19 =	vperm.xlane v17, v1;
	v18 =	vadd.s32 v3, v18;
	_ =	sdelay $0x1  }
0x66c: {  	v53 =	vperm.xlane v17, v4;
	v19 =	vadd.s32 v3, v19;
	_ =	sdelay $0x1  }
0x66d: {  	s4 =	simm.s32 $0x15400;
	v54 =	vperm.xlane v17, v5;
	v20 =	vadd.s32 v3, v53  }
0x66e: {  	[tilespmem:s4], [sflag:$0x2] =	stream.indirect_vreg.gather [hbm4b:s5+s0], $0x80, v18, vm0, $0xb8;
	[tilespmem:$0x1B000] =	vst v63  }
0x66f: {  	s7 =	simm.s32 $0x15480;
	v55 =	vperm.xlane v17, v6;
	v18 =	vadd.s32 v3, v54  }
0x670: {  	[tilespmem:s7], [sflag:$0x2] =	stream.indirect_vreg.gather [hbm4b:s5+s0], $0x80, v19, vm0, $0xb8;
	[tilespmem:$0x1B000] =	vst v63  }
0x671: {  	s9 =	simm.s32 $0x15500;
	v56 =	vperm.xlane v17, v7;
	v19 =	vadd.s32 v3, v55  }
0x672: {  	[tilespmem:s9], [sflag:$0x2] =	stream.indirect_vreg.gather [hbm4b:s5+s0], $0x80, v20, vm0, $0xb8;
	[tilespmem:$0x1B000] =	vst v63  }
0x673: {  	s10 =	simm.s32 $0x15580;
	v58 =	vperm.xlane v17, v8;
	v57 =	vadd.s32 v3, v56  }
0x674: {  	[tilespmem:s10], [sflag:$0x2] =	stream.indirect_vreg.gather [hbm4b:s5+s0], $0x80, v18, vm0, $0xb8;
	[tilespmem:$0x1B000] =	vst v63  }
0x675: {  	v59 =	vperm.xlane v17, v0;
	s4 =	simm.s32 $0x15600;
	v18 =	vadd.s32 v3, v58  }
0x676: {  	[tilespmem:s4], [sflag:$0x2] =	stream.indirect_vreg.gather [hbm4b:s5+s0], $0x80, v19, vm0, $0xb8;
	[tilespmem:$0x1B000] =	vst v63  }
0x677: {  	v60 =	vperm.xlane v17, v9;
	s7 =	simm.s32 $0x15680;
	v19 =	vadd.s32 v3, v59  }
0x678: {  	[tilespmem:s7], [sflag:$0x2] =	stream.indirect_vreg.gather [hbm4b:s5+s0], $0x80, v57, vm0, $0xb8;
	[tilespmem:$0x1B000] =	vst v63  }
0x679: {  	v62 =	vperm.xlane v17, v10;
	v61 =	vadd.s32 v3, v60;
	s9 =	simm.s32 $0x15700  }
0x67a: {  	[tilespmem:s9], [sflag:$0x2] =	stream.indirect_vreg.gather [hbm4b:s5+s0], $0x80, v18, vm0, $0xb8;
	[tilespmem:$0x1B000] =	vst v63  }
0x67b: {  	v63 =	vperm.xlane v17, v11;
	s10 =	simm.s32 $0x15780;
	v18 =	vadd.s32 v3, v62  }
0x67c: {  	[tilespmem:s10], [sflag:$0x2] =	stream.indirect_vreg.gather [hbm4b:s5+s0], $0x80, v19, vm0, $0xb8;
	[tilespmem:$0x1B000] =	vst v63  }
0x67d: {  	v24 =	vperm.xlane v17, v12;
	s4 =	simm.s32 $0x15800;
	v19 =	vadd.s32 v3, v63  }
0x67e: {  	[tilespmem:s4], [sflag:$0x2] =	stream.indirect_vreg.gather [hbm4b:s5+s0], $0x80, v61, vm0, $0xb8;
	[tilespmem:$0x1B000] =	vst v63  }
0x67f: {  	v26 =	vperm.xlane v17, v13;
	v25 =	vadd.s32 v3, v24;
	s7 =	simm.s32 $0x15880  }
0x680: {  	[tilespmem:s7], [sflag:$0x2] =	stream.indirect_vreg.gather [hbm4b:s5+s0], $0x80, v18, vm0, $0xb8;
	[tilespmem:$0x1B000] =	vst v63  }
0x681: {  	v27 =	vperm.xlane v17, v14;
	s9 =	simm.s32 $0x15900;
	v18 =	vadd.s32 v3, v26  }
0x682: {  	[tilespmem:s9], [sflag:$0x2] =	stream.indirect_vreg.gather [hbm4b:s5+s0], $0x80, v19, vm0, $0xb8;
	[tilespmem:$0x1B000] =	vst v63  }
0x683: {  	v28 =	vperm.xlane v17, v15;
	s10 =	simm.s32 $0x15980;
	v19 =	vadd.s32 v3, v27  }
0x684: {  	[tilespmem:s10], [sflag:$0x2] =	stream.indirect_vreg.gather [hbm4b:s5+s0], $0x80, v25, vm0, $0xb8;
	[tilespmem:$0x1B000] =	vst v63  }
0x685: {  	v17 =	vperm.xlane v17, v16;
	v29 =	vadd.s32 v3, v28;
	s4 =	simm.s32 $0x15A00  }
0x686: {  	[tilespmem:s4], [sflag:$0x2] =	stream.indirect_vreg.gather [hbm4b:s5+s0], $0x80, v18, vm0, $0xb8;
	[tilespmem:$0x1B000] =	vst v63  }
0x687: {  	v17 =	vadd.s32 v3, v17;
	s7 =	simm.s32 $0x15A80  }
0x688: {  	[tilespmem:s7], [sflag:$0x2] =	stream.indirect_vreg.gather [hbm4b:s5+s0], $0x80, v19, vm0, $0xb8;
	[tilespmem:$0x1B000] =	vst v63  }
0x689: {  	s9 =	simm.s32 $0x15B00  }
0x68a: {  	[tilespmem:s9], [sflag:$0x2] =	stream.indirect_vreg.gather [hbm4b:s5+s0], $0x80, v29, vm0, $0xb8;
	[tilespmem:$0x1B000] =	vst v63  }
0x68b: {  	s10 =	simm.s32 $0x15B80  }
0x68c: {  	[tilespmem:s10], [sflag:$0x2] =	stream.indirect_vreg.gather [hbm4b:s5+s0], $0x80, v17, vm0, $0xb8;
	[tilespmem:$0x1B000] =	vst v63  }
0x68d: {  	v17 =	vld [tilespmem:$0x90];
	_ =	sdelay $0x4  }
0x68e: {  	v18 =	vshll.u32 v17, $0x1  }
0x68f: {  	v17 =	vand.u32 $0x7, v17;
	v18 =	vand.u32 $0xFFFFFFF0, v18  }
0x690: {  	v17 =	vor.u32 v17, v18  }
0x691: {  	v18 =	vperm.xlane v17, v2;
	_ =	sdelay $0x1  }
0x692: {  	v19 =	vperm.xlane v17, v1;
	v18 =	vadd.s32 v3, v18;
	_ =	sdelay $0x1  }
0x693: {  	v30 =	vperm.xlane v17, v4;
	v19 =	vadd.s32 v3, v19;
	_ =	sdelay $0x1  }
0x694: {  	s4 =	simm.s32 $0x15C00;
	v31 =	vperm.xlane v17, v5;
	v20 =	vadd.s32 v3, v30  }
0x695: {  	[tilespmem:s4], [sflag:$0x2] =	stream.indirect_vreg.gather [hbm4b:s5+s0], $0x80, v18, vm0, $0xb8;
	[tilespmem:$0x1B000] =	vst v63  }
0x696: {  	s7 =	simm.s32 $0x15C80;
	v32 =	vperm.xlane v17, v6;
	v18 =	vadd.s32 v3, v31  }
0x697: {  	[tilespmem:s7], [sflag:$0x2] =	stream.indirect_vreg.gather [hbm4b:s5+s0], $0x80, v19, vm0, $0xb8;
	[tilespmem:$0x1B000] =	vst v63  }
0x698: {  	s9 =	simm.s32 $0x15D00;
	v33 =	vperm.xlane v17, v7;
	v19 =	vadd.s32 v3, v32  }
0x699: {  	[tilespmem:s9], [sflag:$0x2] =	stream.indirect_vreg.gather [hbm4b:s5+s0], $0x80, v20, vm0, $0xb8;
	[tilespmem:$0x1B000] =	vst v63  }
0x69a: {  	s10 =	simm.s32 $0x15D80;
	v35 =	vperm.xlane v17, v8;
	v34 =	vadd.s32 v3, v33  }
0x69b: {  	[tilespmem:s10], [sflag:$0x2] =	stream.indirect_vreg.gather [hbm4b:s5+s0], $0x80, v18, vm0, $0xb8;
	[tilespmem:$0x1B000] =	vst v63  }
0x69c: {  	v36 =	vperm.xlane v17, v0;
	s4 =	simm.s32 $0x15E00;
	v18 =	vadd.s32 v3, v35  }
0x69d: {  	[tilespmem:s4], [sflag:$0x2] =	stream.indirect_vreg.gather [hbm4b:s5+s0], $0x80, v19, vm0, $0xb8;
	[tilespmem:$0x1B000] =	vst v63  }
0x69e: {  	v37 =	vperm.xlane v17, v9;
	s7 =	simm.s32 $0x15E80;
	v19 =	vadd.s32 v3, v36  }
0x69f: {  	[tilespmem:s7], [sflag:$0x2] =	stream.indirect_vreg.gather [hbm4b:s5+s0], $0x80, v34, vm0, $0xb8;
	[tilespmem:$0x1B000] =	vst v63  }
0x6a0: {  	v39 =	vperm.xlane v17, v10;
	v38 =	vadd.s32 v3, v37;
	s9 =	simm.s32 $0x15F00  }
0x6a1: {  	[tilespmem:s9], [sflag:$0x2] =	stream.indirect_vreg.gather [hbm4b:s5+s0], $0x80, v18, vm0, $0xb8;
	[tilespmem:$0x1B000] =	vst v63  }
0x6a2: {  	v40 =	vperm.xlane v17, v11;
	s10 =	simm.s32 $0x15F80;
	v18 =	vadd.s32 v3, v39  }
0x6a3: {  	[tilespmem:s10], [sflag:$0x2] =	stream.indirect_vreg.gather [hbm4b:s5+s0], $0x80, v19, vm0, $0xb8;
	[tilespmem:$0x1B000] =	vst v63  }
0x6a4: {  	v41 =	vperm.xlane v17, v12;
	s4 =	simm.s32 $0x16000;
	v19 =	vadd.s32 v3, v40  }
0x6a5: {  	[tilespmem:s4], [sflag:$0x2] =	stream.indirect_vreg.gather [hbm4b:s5+s0], $0x80, v38, vm0, $0xb8;
	[tilespmem:$0x1B000] =	vst v63  }
0x6a6: {  	v43 =	vperm.xlane v17, v13;
	v42 =	vadd.s32 v3, v41;
	s7 =	simm.s32 $0x16080  }
0x6a7: {  	[tilespmem:s7], [sflag:$0x2] =	stream.indirect_vreg.gather [hbm4b:s5+s0], $0x80, v18, vm0, $0xb8;
	[tilespmem:$0x1B000] =	vst v63  }
0x6a8: {  	v44 =	vperm.xlane v17, v14;
	s9 =	simm.s32 $0x16100;
	v18 =	vadd.s32 v3, v43  }
0x6a9: {  	[tilespmem:s9], [sflag:$0x2] =	stream.indirect_vreg.gather [hbm4b:s5+s0], $0x80, v19, vm0, $0xb8;
	[tilespmem:$0x1B000] =	vst v63  }
0x6aa: {  	v45 =	vperm.xlane v17, v15;
	s10 =	simm.s32 $0x16180;
	v19 =	vadd.s32 v3, v44  }
0x6ab: {  	[tilespmem:s10], [sflag:$0x2] =	stream.indirect_vreg.gather [hbm4b:s5+s0], $0x80, v42, vm0, $0xb8;
	[tilespmem:$0x1B000] =	vst v63  }
0x6ac: {  	v17 =	vperm.xlane v17, v16;
	v46 =	vadd.s32 v3, v45;
	s4 =	simm.s32 $0x16200  }
0x6ad: {  	[tilespmem:s4], [sflag:$0x2] =	stream.indirect_vreg.gather [hbm4b:s5+s0], $0x80, v18, vm0, $0xb8;
	[tilespmem:$0x1B000] =	vst v63  }
0x6ae: {  	v17 =	vadd.s32 v3, v17;
	s7 =	simm.s32 $0x16280  }
0x6af: {  	[tilespmem:s7], [sflag:$0x2] =	stream.indirect_vreg.gather [hbm4b:s5+s0], $0x80, v19, vm0, $0xb8;
	[tilespmem:$0x1B000] =	vst v63  }
0x6b0: {  	s9 =	simm.s32 $0x16300  }
0x6b1: {  	[tilespmem:s9], [sflag:$0x2] =	stream.indirect_vreg.gather [hbm4b:s5+s0], $0x80, v46, vm0, $0xb8;
	[tilespmem:$0x1B000] =	vst v63  }
0x6b2: {  	s10 =	simm.s32 $0x16380  }
0x6b3: {  	[tilespmem:s10], [sflag:$0x2] =	stream.indirect_vreg.gather [hbm4b:s5+s0], $0x80, v17, vm0, $0xb8;
	[tilespmem:$0x1B000] =	vst v63  }
0x6b4: {  	v17 =	vld [tilespmem:$0xA0];
	_ =	sdelay $0x4  }
0x6b5: {  	v18 =	vshll.u32 v17, $0x1  }
0x6b6: {  	v17 =	vand.u32 $0x7, v17;
	v18 =	vand.u32 $0xFFFFFFF0, v18  }
0x6b7: {  	v17 =	vor.u32 v17, v18  }
0x6b8: {  	v18 =	vperm.xlane v17, v2;
	_ =	sdelay $0x1  }
0x6b9: {  	v19 =	vperm.xlane v17, v1;
	v18 =	vadd.s32 v3, v18;
	_ =	sdelay $0x1  }
0x6ba: {  	v47 =	vperm.xlane v17, v4;
	v19 =	vadd.s32 v3, v19;
	_ =	sdelay $0x1  }
0x6bb: {  	v48 =	vperm.xlane v17, v5;
	v20 =	vadd.s32 v3, v47  }
0x6bc: {  	[tilespmem:s11], [sflag:$0x2] =	stream.indirect_vreg.gather [hbm4b:s5+s0], $0x80, v18, vm0, $0xb8;
	[tilespmem:$0x1B000] =	vst v63  }
0x6bd: {  	v49 =	vperm.xlane v17, v6;
	v18 =	vadd.s32 v3, v48  }
0x6be: {  	[tilespmem:s12], [sflag:$0x2] =	stream.indirect_vreg.gather [hbm4b:s5+s0], $0x80, v19, vm0, $0xb8;
	[tilespmem:$0x1B000] =	vst v63  }
0x6bf: {  	v50 =	vperm.xlane v17, v7;
	v19 =	vadd.s32 v3, v49  }
0x6c0: {  	[tilespmem:s13], [sflag:$0x2] =	stream.indirect_vreg.gather [hbm4b:s5+s0], $0x80, v20, vm0, $0xb8;
	[tilespmem:$0x1B000] =	vst v63  }
0x6c1: {  	v52 =	vperm.xlane v17, v8;
	v51 =	vadd.s32 v3, v50  }
0x6c2: {  	[tilespmem:s14], [sflag:$0x2] =	stream.indirect_vreg.gather [hbm4b:s5+s0], $0x80, v18, vm0, $0xb8;
	[tilespmem:$0x1B000] =	vst v63  }
0x6c3: {  	v53 =	vperm.xlane v17, v0;
	v18 =	vadd.s32 v3, v52  }
0x6c4: {  	[tilespmem:s15], [sflag:$0x2] =	stream.indirect_vreg.gather [hbm4b:s5+s0], $0x80, v19, vm0, $0xb8;
	[tilespmem:$0x1B000] =	vst v63  }
0x6c5: {  	v54 =	vperm.xlane v17, v9;
	v19 =	vadd.s32 v3, v53  }
0x6c6: {  	[tilespmem:s16], [sflag:$0x2] =	stream.indirect_vreg.gather [hbm4b:s5+s0], $0x80, v51, vm0, $0xb8;
	[tilespmem:$0x1B000] =	vst v63  }
0x6c7: {  	v56 =	vperm.xlane v17, v10;
	v55 =	vadd.s32 v3, v54  }
0x6c8: {  	[tilespmem:s17], [sflag:$0x2] =	stream.indirect_vreg.gather [hbm4b:s5+s0], $0x80, v18, vm0, $0xb8;
	[tilespmem:$0x1B000] =	vst v63  }
0x6c9: {  	v57 =	vperm.xlane v17, v11;
	v18 =	vadd.s32 v3, v56  }
0x6ca: {  	[tilespmem:s18], [sflag:$0x2] =	stream.indirect_vreg.gather [hbm4b:s5+s0], $0x80, v19, vm0, $0xb8;
	[tilespmem:$0x1B000] =	vst v63  }
0x6cb: {  	v58 =	vperm.xlane v17, v12;
	v19 =	vadd.s32 v3, v57  }
0x6cc: {  	[tilespmem:s19], [sflag:$0x2] =	stream.indirect_vreg.gather [hbm4b:s5+s0], $0x80, v55, vm0, $0xb8;
	[tilespmem:$0x1B000] =	vst v63  }
0x6cd: {  	v60 =	vperm.xlane v17, v13;
	v59 =	vadd.s32 v3, v58  }
0x6ce: {  	[tilespmem:s20], [sflag:$0x2] =	stream.indirect_vreg.gather [hbm4b:s5+s0], $0x80, v18, vm0, $0xb8;
	[tilespmem:$0x1B000] =	vst v63  }
0x6cf: {  	v61 =	vperm.xlane v17, v14;
	v18 =	vadd.s32 v3, v60  }
0x6d0: {  	[tilespmem:s21], [sflag:$0x2] =	stream.indirect_vreg.gather [hbm4b:s5+s0], $0x80, v19, vm0, $0xb8;
	[tilespmem:$0x1B000] =	vst v63  }
0x6d1: {  	v62 =	vperm.xlane v17, v15;
	v19 =	vadd.s32 v3, v61  }
0x6d2: {  	[tilespmem:s22], [sflag:$0x2] =	stream.indirect_vreg.gather [hbm4b:s5+s0], $0x80, v59, vm0, $0xb8;
	[tilespmem:$0x1B000] =	vst v63  }
0x6d3: {  	v17 =	vperm.xlane v17, v16;
	v63 =	vadd.s32 v3, v62  }
0x6d4: {  	[tilespmem:s23], [sflag:$0x2] =	stream.indirect_vreg.gather [hbm4b:s5+s0], $0x80, v18, vm0, $0xb8;
	[tilespmem:$0x1B000] =	vst v63  }
0x6d5: {  	v17 =	vadd.s32 v3, v17  }
0x6d6: {  	[tilespmem:s24], [sflag:$0x2] =	stream.indirect_vreg.gather [hbm4b:s5+s0], $0x80, v19, vm0, $0xb8;
	[tilespmem:$0x1B000] =	vst v63  }
0x6d7: {  	_ = 	snop  }
0x6d8: {  	[tilespmem:s25], [sflag:$0x2] =	stream.indirect_vreg.gather [hbm4b:s5+s0], $0x80, v63, vm0, $0xb8;
	[tilespmem:$0x1B000] =	vst v63  }
0x6d9: {  	_ = 	snop  }
0x6da: {  	[tilespmem:s26], [sflag:$0x2] =	stream.indirect_vreg.gather [hbm4b:s5+s0], $0x80, v17, vm0, $0xb8;
	[tilespmem:$0x1B000] =	vst v63  }
0x6db: {  	v17 =	vld.msk [tilespmem:$0xB0], $0x3;
	_ =	sdelay $0x4  }
0x6dc: {  	v18 =	vshll.u32 v17, $0x1  }
0x6dd: {  	v17 =	vand.u32 $0x7, v17;
	v18 =	vand.u32 $0xFFFFFFF0, v18  }
0x6de: {  	v17 =	vor.u32 v17, v18  }
0x6df: {  	v18 =	vperm.xlane v17, v2;
	_ =	sdelay $0x1  }
0x6e0: {  	v17 =	vperm.xlane v17, v1;
	v18 =	vadd.s32 v3, v18;
	_ =	sdelay $0x1  }
0x6e1: {  	v17 =	vadd.s32 v3, v17  }
.Ltmp9:
0x6e2: {  	_ = 	snop;
	(pc) =	sbr.rel .LBB2_12-.Ltmp9, $4  }
0x6e3: {  	_ = 	snop  }
0x6e4: {  	[tilespmem:s28], [sflag:$0x2] =	stream.indirect_vreg.gather [hbm4b:s5+s0], $0x80, v18, vm0, $0xb8;
	[tilespmem:$0x1B000] =	vst v63  }
0x6e5: {  	_ = 	snop  }
0x6e6: {  	[tilespmem:s29], [sflag:$0x2] =	stream.indirect_vreg.gather [hbm4b:s5+s0], $0x80, v17, vm0, $0xb8;
	[tilespmem:$0x1B000] =	vst v63  }
.LBB2_20:
0x6e7: {  	s1 =	sand.u32 $0x3F, s7  }
0x6e8: {  	s0 =	sadd.s32 $0x1, s0;
	p0 =	sne.s32 s1, $0x3F  }
0x6e9: {  	p1 =	sne.s32 s0, $0x40;
	s1 =	sshll.u32 @!p0 s7, $0x5  }
0x6ea: {  	s4 =	simm.s32 @!p0 $0x0;
	s7 =	simm.s32 @!p0 $0x17000;
	s1 =	sadd.s32 @!p0 s1, s8  }
0x6eb: {  	[hbm4b:s1+s4] =	stream.linear.scatter @!p0 [tilespmem:s7], [sflag:$0x3], $0x4000, $0x38;
	[tilespmem:$0x1B000] =	vst v63  }
.Ltmp10:
0x6ec: {  	_ = 	snop;
	(pc) =	sbr.rel @!p1 .LBB2_21-.Ltmp10, $4  }
0x6ed: {  	s1 =	simm.s32 @!p0 $0x3  }
0x6ee: {  	_ =	swait.ge @!p0 [sflag:s1], $0x4000  }
0x6ef: {  	[sflag:s1] =	ssyncset.done @!p0 $0x0  }
0x6f0: {  	[sflag:s1] =	ssyncadd.s32 @!p0 $0xFFFFC000  }
.LBB2_12:
0x6f1: {  	_ =	swait.ge [sflag:s30], $0x1900  }
0x6f2: {  	[sflag:s30] =	ssyncset.done $0x0  }
0x6f3: {  	[sflag:s30] =	ssyncadd.s32 $0xFFFFE700  }
0x6f4: {  	_ =	swait.ge [sflag:s30], $0x1900  }
0x6f5: {  	[sflag:s30] =	ssyncset.done $0x0  }
0x6f6: {  	s4 =	simm.s32 $0x11CF0;
	[sflag:s30] =	ssyncadd.s32 $0xFFFFE700  }
0x6f7: {  	v21 =	vld [tilespmem:s4+$0xFFFFE390]  }
0x6f8: {  	v22 =	vld [tilespmem:s4+$0xFFFFE3A0]  }
0x6f9: {  	v23 =	vld [tilespmem:s4+$0xFFFFE3B0]  }
0x6fa: {  	v24 =	vld [tilespmem:s4+$0xFFFFE3C0]  }
0x6fb: {  	v26 =	vld [tilespmem:s4+$0xFFFFE3D0]  }
0x6fc: {  	v27 =	vld [tilespmem:s4+$0xFFFFE3E0]  }
0x6fd: {  	v28 =	vld [tilespmem:s4+$0xFFFFE3F0]  }
0x6fe: {  	v29 =	vld [tilespmem:s4+$0xFFFFE400]  }
0x6ff: {  	v30 =	vld [tilespmem:s4+$0xFFFFFF90]  }
0x700: {  	v25 =	vld [tilespmem:s4+$0xFFFFE310]  }
0x701: {  	v32 =	vld [tilespmem:s4+$0xFFFFE320]  }
0x702: {  	v33 =	vld [tilespmem:s4+$0xFFFFE330]  }
0x703: {  	v34 =	vld [tilespmem:s4+$0xFFFFE340]  }
0x704: {  	v35 =	vld [tilespmem:s4+$0xFFFFE350]  }
0x705: {  	v36 =	vld [tilespmem:s4+$0xFFFFE360]  }
0x706: {  	v37 =	vld [tilespmem:s4+$0xFFFFE370]  }
0x707: {  	v38 =	vld [tilespmem:s4+$0xFFFFE380]  }
0x708: {  	v39 =	vld [tilespmem:s4+$0xFFFFFF10]  }
0x709: {  	v40 =	vld [tilespmem:s4+$0xFFFFFF20]  }
0x70a: {  	v17 =	vimm.f32 $0.0e+00;
	v59 =	vld [tilespmem:s4+$0xFFFFFF30]  }
0x70b: {  	v41 =	vld [tilespmem:s4+$0xFFFFFF40];
	v25 =	vadd.f32 v25, v17;
	v32 =	vadd.f32 v32, v17  }
0x70c: {  	v31 =	vld [tilespmem:s4+$0xFFFFFFA0];
	v33 =	vadd.f32 v33, v17;
	v34 =	vadd.f32 v34, v17  }
0x70d: {  	v20 =	vld [tilespmem:s4+$0xFFFFFFB0];
	v60 =	vadd.f32 v35, v17;
	v61 =	vadd.f32 v36, v17  }
0x70e: {  	v19 =	vld [tilespmem:s4+$0xFFFFFFC0];
	v37 =	vadd.f32 v37, v17;
	v38 =	vadd.f32 v38, v17  }
0x70f: {  	v18 =	vld [tilespmem:s4+$0xFFFFFFD0];
	v62 =	vadd.f32 v39, v17;
	v63 =	vadd.f32 v40, v17  }
0x710: {  	v35 =	vld [tilespmem:s4+$0xFFFFFF50];
	v42 =	vadd.f32 v59, v17;
	v41 =	vadd.f32 v41, v17  }
0x711: {  	v36 =	vld [tilespmem:s4+$0xFFFFFF60];
	v21 =	vadd.f32 v21, v25;
	v22 =	vadd.f32 v22, v32  }
0x712: {  	v39 =	vld [tilespmem:s4+$0xFFFFFF80];
	v23 =	vadd.f32 v23, v33;
	v24 =	vadd.f32 v24, v34  }
0x713: {  	v40 =	vld [tilespmem:s4+$0x0];
	v26 =	vadd.f32 v26, v60;
	v27 =	vadd.f32 v27, v61  }
0x714: {  	v28 =	vadd.f32 v28, v37;
	v29 =	vadd.f32 v29, v38;
	v37 =	vld [tilespmem:s4+$0xFFFFFF70]  }
0x715: {  	v25 =	vld [tilespmem:s4+$0xFFFFFFE0];
	v33 =	vadd.f32 v30, v62;
	v31 =	vadd.f32 v31, v63  }
0x716: {  	s1 =	simm.s32 $0x0;
	v38 =	vld [tilespmem:s4+$0xFFFFFFF0];
	s4 =	simm.s32 $0x11DF0;
	v34 =	vimm.f32 $0.0e+00;
	v32 =	vimm.f32 $0.0e+00;
	v30 =	vimm.f32 $0.0e+00  }
.LBB2_13:
0x717: {  	v43 =	vld [tilespmem:s4+$0xFFFFE390];
	v42 =	vadd.f32 v20, v42;
	v41 =	vadd.f32 v19, v41  }
0x718: {  	v17 =	vadd.f32 v35, v17;
	v19 =	vadd.f32 v36, v34;
	v44 =	vld [tilespmem:s4+$0xFFFFE3A0]  }
0x719: {  	v20 =	vadd.f32 v37, v32;
	v35 =	vld [tilespmem:s4+$0xFFFFE3B0];
	v30 =	vadd.f32 v39, v30  }
0x71a: {  	v17 =	vadd.f32 v18, v17;
	v34 =	vadd.f32 v25, v19;
	v36 =	vld [tilespmem:s4+$0xFFFFE3C0]  }
0x71b: {  	v32 =	vadd.f32 v38, v20;
	v37 =	vld [tilespmem:s4+$0xFFFFE3D0];
	v30 =	vadd.f32 v40, v30  }
0x71c: {  	v38 =	vld [tilespmem:s4+$0xFFFFE3E0]  }
0x71d: {  	v39 =	vld [tilespmem:s4+$0xFFFFE3F0]  }
0x71e: {  	v40 =	vld [tilespmem:s4+$0xFFFFE400]  }
0x71f: {  	v45 =	vld [tilespmem:s4+$0xFFFFFF90]  }
0x720: {  	v46 =	vld [tilespmem:s4+$0xFFFFFFA0]  }
0x721: {  	v20 =	vld [tilespmem:s4+$0xFFFFFFB0]  }
0x722: {  	v19 =	vld [tilespmem:s4+$0xFFFFFFC0]  }
0x723: {  	v18 =	vld [tilespmem:s4+$0xFFFFFFD0]  }
0x724: {  	v25 =	vld [tilespmem:s4+$0xFFFFFFE0]  }
0x725: {  	v47 =	vld [tilespmem:s4+$0xFFFFE310]  }
0x726: {  	v48 =	vld [tilespmem:s4+$0xFFFFE320]  }
0x727: {  	v49 =	vld [tilespmem:s4+$0xFFFFE330]  }
0x728: {  	v50 =	vld [tilespmem:s4+$0xFFFFE340]  }
0x729: {  	v51 =	vld [tilespmem:s4+$0xFFFFE350]  }
0x72a: {  	v52 =	vld [tilespmem:s4+$0xFFFFE360]  }
0x72b: {  	v53 =	vld [tilespmem:s4+$0xFFFFE370]  }
0x72c: {  	v21 =	vadd.f32 v47, v21;
	v22 =	vadd.f32 v48, v22;
	v47 =	vld [tilespmem:s4+$0xFFFFE380]  }
0x72d: {  	v23 =	vadd.f32 v49, v23;
	v24 =	vadd.f32 v50, v24;
	v48 =	vld [tilespmem:s4+$0xFFFFFF10]  }
0x72e: {  	v21 =	vadd.f32 v43, v21;
	v22 =	vadd.f32 v44, v22;
	v49 =	vld [tilespmem:s4+$0xFFFFFF20]  }
0x72f: {  	v23 =	vadd.f32 v35, v23;
	v43 =	vld [tilespmem:s4+$0xFFFFFF30];
	v24 =	vadd.f32 v36, v24  }
0x730: {  	s1 =	sadd.s32 $0x2, s1;
	v26 =	vadd.f32 v51, v26;
	v27 =	vadd.f32 v52, v27;
	v44 =	vld [tilespmem:s4+$0xFFFFFF40]  }
0x731: {  	p0 =	slt.u32 s1, $0x30;
	v28 =	vadd.f32 v53, v28;
	v29 =	vadd.f32 v47, v29;
	v35 =	vld [tilespmem:s4+$0xFFFFFF50]  }
.Ltmp11:
0x732: {  	v26 =	vadd.f32 v37, v26;
	v27 =	vadd.f32 v38, v27;
	v36 =	vld [tilespmem:s4+$0xFFFFFF60];
	(pc) =	sbr.rel @p0 .LBB2_13-.Ltmp11, $4  }
0x733: {  	v28 =	vadd.f32 v39, v28;
	v37 =	vld [tilespmem:s4+$0xFFFFFF70];
	v29 =	vadd.f32 v40, v29  }
0x734: {  	v33 =	vadd.f32 v48, v33;
	v31 =	vadd.f32 v49, v31;
	v39 =	vld [tilespmem:s4+$0xFFFFFF80]  }
0x735: {  	v42 =	vadd.f32 v43, v42;
	v41 =	vadd.f32 v44, v41;
	v38 =	vld [tilespmem:s4+$0xFFFFFFF0]  }
0x736: {  	v33 =	vadd.f32 v45, v33;
	v31 =	vadd.f32 v46, v31;
	v40 =	vld [tilespmem:s4+$0x0];
	s4 =	sadd.s32 $0x100, s4  }
0x737: {  	s1 =	sshll.u32 s0, $0x9  }
0x738: {  	s4 =	sand.u32 $0x3800, s1;
	s1 =	sshll.u32 s0, $0x8  }
0x739: {  	s7 =	sand.u32 $0x300, s1;
	s4 =	sadd.s32 $0x17000, s4  }
0x73a: {  	s7 =	sor.u32 s7, s4  }
0x73b: {  	[tilespmem:s7+$0x0] =	vst v21  }
0x73c: {  	[tilespmem:s7+$0x10] =	vst v22  }
0x73d: {  	[tilespmem:s7+$0x20] =	vst v23  }
0x73e: {  	[tilespmem:s7+$0x30] =	vst v24  }
0x73f: {  	[tilespmem:s7+$0x40] =	vst v26  }
0x740: {  	[tilespmem:s7+$0x50] =	vst v27  }
0x741: {  	[tilespmem:s7+$0x60] =	vst v28  }
0x742: {  	[tilespmem:s7+$0x70] =	vst v29  }
0x743: {  	v20 =	vadd.f32 v20, v42;
	v17 =	vadd.f32 v35, v17;
	[tilespmem:s7+$0x400] =	vst v33  }
0x744: {  	v19 =	vadd.f32 v19, v41;
	v61 =	vadd.f32 v36, v34;
	[tilespmem:s7+$0x410] =	vst v31  }
0x745: {  	p0 =	seq.s32 s0, $0x3F;
	v62 =	vadd.f32 v37, v32;
	v17 =	vadd.f32 v18, v17;
	[tilespmem:s7+$0x420] =	vst v20  }
.Ltmp12:
0x746: {  	v18 =	vadd.f32 v39, v30;
	v63 =	vadd.f32 v25, v61;
	[tilespmem:s7+$0x430] =	vst v19;
	(pc) =	sbr.rel @p0 .LBB2_16-.Ltmp12, $4  }
0x747: {  	v19 =	vadd.f32 v38, v62;
	[tilespmem:s7+$0x440] =	vst v17  }
0x748: {  	v17 =	vadd.f32 v40, v18;
	[tilespmem:s7+$0x450] =	vst v63  }
0x749: {  	[tilespmem:s7+$0x460] =	vst v19  }
0x74a: {  	[tilespmem:s7+$0x470] =	vst v17  }
0x74b: {  	s7 =	sand.u32 $0x3FFFFF00, s1  }
0x74c: {  	v17 =	vld [tilespmem:s7+$0x100];
	_ =	sdelay $0x4  }
0x74d: {  	v18 =	vshll.u32 v17, $0x1  }
0x74e: {  	v17 =	vand.u32 $0x7, v17;
	v18 =	vand.u32 $0xFFFFFFF0, v18  }
0x74f: {  	v17 =	vor.u32 v17, v18  }
0x750: {  	v18 =	vperm.xlane v17, v2;
	_ =	sdelay $0x1  }
0x751: {  	v19 =	vperm.xlane v17, v1;
	v18 =	vadd.s32 v3, v18;
	_ =	sdelay $0x1  }
0x752: {  	v20 =	vperm.xlane v17, v4;
	v19 =	vadd.s32 v3, v19;
	_ =	sdelay $0x1  }
0x753: {  	s9 =	simm.s32 $0x10000;
	v21 =	vperm.xlane v17, v5;
	v20 =	vadd.s32 v3, v20  }
0x754: {  	[tilespmem:s9], [sflag:$0x1] =	stream.indirect_vreg.gather [hbm4b:s2+s3], $0x80, v18, vm0, $0xb8;
	[tilespmem:$0x1B000] =	vst v63  }
0x755: {  	s10 =	simm.s32 $0x10080;
	v44 =	vperm.xlane v17, v6;
	v18 =	vadd.s32 v3, v21  }
0x756: {  	[tilespmem:s10], [sflag:$0x1] =	stream.indirect_vreg.gather [hbm4b:s2+s3], $0x80, v19, vm0, $0xb8;
	[tilespmem:$0x1B000] =	vst v63  }
0x757: {  	v45 =	vperm.xlane v17, v7;
	v19 =	vadd.s32 v3, v44;
	s10 =	simm.s32 $0x10100  }
0x758: {  	[tilespmem:s10], [sflag:$0x1] =	stream.indirect_vreg.gather [hbm4b:s2+s3], $0x80, v20, vm0, $0xb8;
	[tilespmem:$0x1B000] =	vst v63  }
0x759: {  	v47 =	vperm.xlane v17, v8;
	v46 =	vadd.s32 v3, v45;
	s10 =	simm.s32 $0x10180  }
0x75a: {  	[tilespmem:s10], [sflag:$0x1] =	stream.indirect_vreg.gather [hbm4b:s2+s3], $0x80, v18, vm0, $0xb8;
	[tilespmem:$0x1B000] =	vst v63  }
0x75b: {  	v48 =	vperm.xlane v17, v0;
	v18 =	vadd.s32 v3, v47;
	s10 =	simm.s32 $0x10200  }
0x75c: {  	[tilespmem:s10], [sflag:$0x1] =	stream.indirect_vreg.gather [hbm4b:s2+s3], $0x80, v19, vm0, $0xb8;
	[tilespmem:$0x1B000] =	vst v63  }
0x75d: {  	v49 =	vperm.xlane v17, v9;
	v19 =	vadd.s32 v3, v48;
	s10 =	simm.s32 $0x10280  }
0x75e: {  	[tilespmem:s10], [sflag:$0x1] =	stream.indirect_vreg.gather [hbm4b:s2+s3], $0x80, v46, vm0, $0xb8;
	[tilespmem:$0x1B000] =	vst v63  }
0x75f: {  	v51 =	vperm.xlane v17, v10;
	v50 =	vadd.s32 v3, v49;
	s10 =	simm.s32 $0x10300  }
0x760: {  	[tilespmem:s10], [sflag:$0x1] =	stream.indirect_vreg.gather [hbm4b:s2+s3], $0x80, v18, vm0, $0xb8;
	[tilespmem:$0x1B000] =	vst v63  }
0x761: {  	v52 =	vperm.xlane v17, v11;
	v18 =	vadd.s32 v3, v51;
	s10 =	simm.s32 $0x10380  }
0x762: {  	[tilespmem:s10], [sflag:$0x1] =	stream.indirect_vreg.gather [hbm4b:s2+s3], $0x80, v19, vm0, $0xb8;
	[tilespmem:$0x1B000] =	vst v63  }
0x763: {  	v53 =	vperm.xlane v17, v12;
	v19 =	vadd.s32 v3, v52;
	s10 =	simm.s32 $0x10400  }
0x764: {  	[tilespmem:s10], [sflag:$0x1] =	stream.indirect_vreg.gather [hbm4b:s2+s3], $0x80, v50, vm0, $0xb8;
	[tilespmem:$0x1B000] =	vst v63  }
0x765: {  	v55 =	vperm.xlane v17, v13;
	v54 =	vadd.s32 v3, v53;
	s10 =	simm.s32 $0x10480  }
0x766: {  	[tilespmem:s10], [sflag:$0x1] =	stream.indirect_vreg.gather [hbm4b:s2+s3], $0x80, v18, vm0, $0xb8;
	[tilespmem:$0x1B000] =	vst v63  }
0x767: {  	v56 =	vperm.xlane v17, v14;
	v18 =	vadd.s32 v3, v55;
	s10 =	simm.s32 $0x10500  }
0x768: {  	[tilespmem:s10], [sflag:$0x1] =	stream.indirect_vreg.gather [hbm4b:s2+s3], $0x80, v19, vm0, $0xb8;
	[tilespmem:$0x1B000] =	vst v63  }
0x769: {  	v57 =	vperm.xlane v17, v15;
	v19 =	vadd.s32 v3, v56;
	s10 =	simm.s32 $0x10580  }
0x76a: {  	[tilespmem:s10], [sflag:$0x1] =	stream.indirect_vreg.gather [hbm4b:s2+s3], $0x80, v54, vm0, $0xb8;
	[tilespmem:$0x1B000] =	vst v63  }
0x76b: {  	v17 =	vperm.xlane v17, v16;
	v58 =	vadd.s32 v3, v57;
	s10 =	simm.s32 $0x10600  }
0x76c: {  	[tilespmem:s10], [sflag:$0x1] =	stream.indirect_vreg.gather [hbm4b:s2+s3], $0x80, v18, vm0, $0xb8;
	[tilespmem:$0x1B000] =	vst v63  }
0x76d: {  	v17 =	vadd.s32 v3, v17;
	s10 =	simm.s32 $0x10680  }
0x76e: {  	[tilespmem:s10], [sflag:$0x1] =	stream.indirect_vreg.gather [hbm4b:s2+s3], $0x80, v19, vm0, $0xb8;
	[tilespmem:$0x1B000] =	vst v63  }
0x76f: {  	s10 =	simm.s32 $0x10700  }
0x770: {  	[tilespmem:s10], [sflag:$0x1] =	stream.indirect_vreg.gather [hbm4b:s2+s3], $0x80, v58, vm0, $0xb8;
	[tilespmem:$0x1B000] =	vst v63  }
0x771: {  	s10 =	simm.s32 $0x10780  }
0x772: {  	[tilespmem:s10], [sflag:$0x1] =	stream.indirect_vreg.gather [hbm4b:s2+s3], $0x80, v17, vm0, $0xb8;
	[tilespmem:$0x1B000] =	vst v63  }
0x773: {  	v17 =	vld [tilespmem:s7+$0x110];
	_ =	sdelay $0x4  }
0x774: {  	v18 =	vshll.u32 v17, $0x1  }
0x775: {  	v17 =	vand.u32 $0x7, v17;
	v18 =	vand.u32 $0xFFFFFFF0, v18  }
0x776: {  	v17 =	vor.u32 v17, v18  }
0x777: {  	v18 =	vperm.xlane v17, v2;
	_ =	sdelay $0x1  }
0x778: {  	v19 =	vperm.xlane v17, v1;
	v18 =	vadd.s32 v3, v18;
	_ =	sdelay $0x1  }
0x779: {  	v59 =	vperm.xlane v17, v4;
	v19 =	vadd.s32 v3, v19;
	_ =	sdelay $0x1  }
0x77a: {  	s10 =	simm.s32 $0x10800;
	v60 =	vperm.xlane v17, v5;
	v20 =	vadd.s32 v3, v59  }
0x77b: {  	[tilespmem:s10], [sflag:$0x1] =	stream.indirect_vreg.gather [hbm4b:s2+s3], $0x80, v18, vm0, $0xb8;
	[tilespmem:$0x1B000] =	vst v63  }
0x77c: {  	v61 =	vperm.xlane v17, v6;
	v18 =	vadd.s32 v3, v60;
	s10 =	simm.s32 $0x10880  }
0x77d: {  	[tilespmem:s10], [sflag:$0x1] =	stream.indirect_vreg.gather [hbm4b:s2+s3], $0x80, v19, vm0, $0xb8;
	[tilespmem:$0x1B000] =	vst v63  }
0x77e: {  	v62 =	vperm.xlane v17, v7;
	v19 =	vadd.s32 v3, v61;
	s10 =	simm.s32 $0x10900  }
0x77f: {  	[tilespmem:s10], [sflag:$0x1] =	stream.indirect_vreg.gather [hbm4b:s2+s3], $0x80, v20, vm0, $0xb8;
	[tilespmem:$0x1B000] =	vst v63  }
0x780: {  	v24 =	vperm.xlane v17, v8;
	v63 =	vadd.s32 v3, v62;
	s10 =	simm.s32 $0x10980  }
0x781: {  	[tilespmem:s10], [sflag:$0x1] =	stream.indirect_vreg.gather [hbm4b:s2+s3], $0x80, v18, vm0, $0xb8;
	[tilespmem:$0x1B000] =	vst v63  }
0x782: {  	v25 =	vperm.xlane v17, v0;
	v18 =	vadd.s32 v3, v24;
	s10 =	simm.s32 $0x10A00  }
0x783: {  	[tilespmem:s10], [sflag:$0x1] =	stream.indirect_vreg.gather [hbm4b:s2+s3], $0x80, v19, vm0, $0xb8;
	[tilespmem:$0x1B000] =	vst v63  }
0x784: {  	v26 =	vperm.xlane v17, v9;
	v19 =	vadd.s32 v3, v25;
	s10 =	simm.s32 $0x10A80  }
0x785: {  	[tilespmem:s10], [sflag:$0x1] =	stream.indirect_vreg.gather [hbm4b:s2+s3], $0x80, v63, vm0, $0xb8;
	[tilespmem:$0x1B000] =	vst v63  }
0x786: {  	v28 =	vperm.xlane v17, v10;
	v27 =	vadd.s32 v3, v26;
	s10 =	simm.s32 $0x10B00  }
0x787: {  	[tilespmem:s10], [sflag:$0x1] =	stream.indirect_vreg.gather [hbm4b:s2+s3], $0x80, v18, vm0, $0xb8;
	[tilespmem:$0x1B000] =	vst v63  }
0x788: {  	v29 =	vperm.xlane v17, v11;
	v18 =	vadd.s32 v3, v28;
	s10 =	simm.s32 $0x10B80  }
0x789: {  	[tilespmem:s10], [sflag:$0x1] =	stream.indirect_vreg.gather [hbm4b:s2+s3], $0x80, v19, vm0, $0xb8;
	[tilespmem:$0x1B000] =	vst v63  }
0x78a: {  	v30 =	vperm.xlane v17, v12;
	v19 =	vadd.s32 v3, v29;
	s10 =	simm.s32 $0x10C00  }
0x78b: {  	[tilespmem:s10], [sflag:$0x1] =	stream.indirect_vreg.gather [hbm4b:s2+s3], $0x80, v27, vm0, $0xb8;
	[tilespmem:$0x1B000] =	vst v63  }
0x78c: {  	v32 =	vperm.xlane v17, v13;
	v31 =	vadd.s32 v3, v30;
	s10 =	simm.s32 $0x10C80  }
0x78d: {  	[tilespmem:s10], [sflag:$0x1] =	stream.indirect_vreg.gather [hbm4b:s2+s3], $0x80, v18, vm0, $0xb8;
	[tilespmem:$0x1B000] =	vst v63  }
0x78e: {  	v33 =	vperm.xlane v17, v14;
	v18 =	vadd.s32 v3, v32;
	s10 =	simm.s32 $0x10D00  }
0x78f: {  	[tilespmem:s10], [sflag:$0x1] =	stream.indirect_vreg.gather [hbm4b:s2+s3], $0x80, v19, vm0, $0xb8;
	[tilespmem:$0x1B000] =	vst v63  }
0x790: {  	v34 =	vperm.xlane v17, v15;
	v19 =	vadd.s32 v3, v33;
	s10 =	simm.s32 $0x10D80  }
0x791: {  	[tilespmem:s10], [sflag:$0x1] =	stream.indirect_vreg.gather [hbm4b:s2+s3], $0x80, v31, vm0, $0xb8;
	[tilespmem:$0x1B000] =	vst v63  }
0x792: {  	v17 =	vperm.xlane v17, v16;
	v35 =	vadd.s32 v3, v34;
	s10 =	simm.s32 $0x10E00  }
0x793: {  	[tilespmem:s10], [sflag:$0x1] =	stream.indirect_vreg.gather [hbm4b:s2+s3], $0x80, v18, vm0, $0xb8;
	[tilespmem:$0x1B000] =	vst v63  }
0x794: {  	v17 =	vadd.s32 v3, v17;
	s10 =	simm.s32 $0x10E80  }
0x795: {  	[tilespmem:s10], [sflag:$0x1] =	stream.indirect_vreg.gather [hbm4b:s2+s3], $0x80, v19, vm0, $0xb8;
	[tilespmem:$0x1B000] =	vst v63  }
0x796: {  	s10 =	simm.s32 $0x10F00  }
0x797: {  	[tilespmem:s10], [sflag:$0x1] =	stream.indirect_vreg.gather [hbm4b:s2+s3], $0x80, v35, vm0, $0xb8;
	[tilespmem:$0x1B000] =	vst v63  }
0x798: {  	s10 =	simm.s32 $0x10F80  }
0x799: {  	[tilespmem:s10], [sflag:$0x1] =	stream.indirect_vreg.gather [hbm4b:s2+s3], $0x80, v17, vm0, $0xb8;
	[tilespmem:$0x1B000] =	vst v63  }
0x79a: {  	v17 =	vld [tilespmem:s7+$0x120];
	_ =	sdelay $0x4  }
0x79b: {  	v18 =	vshll.u32 v17, $0x1  }
0x79c: {  	v17 =	vand.u32 $0x7, v17;
	v18 =	vand.u32 $0xFFFFFFF0, v18  }
0x79d: {  	v17 =	vor.u32 v17, v18  }
0x79e: {  	v18 =	vperm.xlane v17, v2;
	_ =	sdelay $0x1  }
0x79f: {  	v19 =	vperm.xlane v17, v1;
	v18 =	vadd.s32 v3, v18;
	_ =	sdelay $0x1  }
0x7a0: {  	v36 =	vperm.xlane v17, v4;
	v19 =	vadd.s32 v3, v19;
	_ =	sdelay $0x1  }
0x7a1: {  	s10 =	simm.s32 $0x11000;
	v37 =	vperm.xlane v17, v5;
	v20 =	vadd.s32 v3, v36  }
0x7a2: {  	[tilespmem:s10], [sflag:$0x1] =	stream.indirect_vreg.gather [hbm4b:s2+s3], $0x80, v18, vm0, $0xb8;
	[tilespmem:$0x1B000] =	vst v63  }
0x7a3: {  	v38 =	vperm.xlane v17, v6;
	v18 =	vadd.s32 v3, v37;
	s10 =	simm.s32 $0x11080  }
0x7a4: {  	[tilespmem:s10], [sflag:$0x1] =	stream.indirect_vreg.gather [hbm4b:s2+s3], $0x80, v19, vm0, $0xb8;
	[tilespmem:$0x1B000] =	vst v63  }
0x7a5: {  	v39 =	vperm.xlane v17, v7;
	v19 =	vadd.s32 v3, v38;
	s10 =	simm.s32 $0x11100  }
0x7a6: {  	[tilespmem:s10], [sflag:$0x1] =	stream.indirect_vreg.gather [hbm4b:s2+s3], $0x80, v20, vm0, $0xb8;
	[tilespmem:$0x1B000] =	vst v63  }
0x7a7: {  	v41 =	vperm.xlane v17, v8;
	v40 =	vadd.s32 v3, v39;
	s10 =	simm.s32 $0x11180  }
0x7a8: {  	[tilespmem:s10], [sflag:$0x1] =	stream.indirect_vreg.gather [hbm4b:s2+s3], $0x80, v18, vm0, $0xb8;
	[tilespmem:$0x1B000] =	vst v63  }
0x7a9: {  	v42 =	vperm.xlane v17, v0;
	v18 =	vadd.s32 v3, v41;
	s10 =	simm.s32 $0x11200  }
0x7aa: {  	[tilespmem:s10], [sflag:$0x1] =	stream.indirect_vreg.gather [hbm4b:s2+s3], $0x80, v19, vm0, $0xb8;
	[tilespmem:$0x1B000] =	vst v63  }
0x7ab: {  	v43 =	vperm.xlane v17, v9;
	v19 =	vadd.s32 v3, v42;
	s10 =	simm.s32 $0x11280  }
0x7ac: {  	[tilespmem:s10], [sflag:$0x1] =	stream.indirect_vreg.gather [hbm4b:s2+s3], $0x80, v40, vm0, $0xb8;
	[tilespmem:$0x1B000] =	vst v63  }
0x7ad: {  	v45 =	vperm.xlane v17, v10;
	v44 =	vadd.s32 v3, v43;
	s10 =	simm.s32 $0x11300  }
0x7ae: {  	[tilespmem:s10], [sflag:$0x1] =	stream.indirect_vreg.gather [hbm4b:s2+s3], $0x80, v18, vm0, $0xb8;
	[tilespmem:$0x1B000] =	vst v63  }
0x7af: {  	v46 =	vperm.xlane v17, v11;
	v18 =	vadd.s32 v3, v45;
	s10 =	simm.s32 $0x11380  }
0x7b0: {  	[tilespmem:s10], [sflag:$0x1] =	stream.indirect_vreg.gather [hbm4b:s2+s3], $0x80, v19, vm0, $0xb8;
	[tilespmem:$0x1B000] =	vst v63  }
0x7b1: {  	v47 =	vperm.xlane v17, v12;
	v19 =	vadd.s32 v3, v46;
	s10 =	simm.s32 $0x11400  }
0x7b2: {  	[tilespmem:s10], [sflag:$0x1] =	stream.indirect_vreg.gather [hbm4b:s2+s3], $0x80, v44, vm0, $0xb8;
	[tilespmem:$0x1B000] =	vst v63  }
0x7b3: {  	v49 =	vperm.xlane v17, v13;
	v48 =	vadd.s32 v3, v47;
	s10 =	simm.s32 $0x11480  }
0x7b4: {  	[tilespmem:s10], [sflag:$0x1] =	stream.indirect_vreg.gather [hbm4b:s2+s3], $0x80, v18, vm0, $0xb8;
	[tilespmem:$0x1B000] =	vst v63  }
0x7b5: {  	v50 =	vperm.xlane v17, v14;
	v18 =	vadd.s32 v3, v49;
	s10 =	simm.s32 $0x11500  }
0x7b6: {  	[tilespmem:s10], [sflag:$0x1] =	stream.indirect_vreg.gather [hbm4b:s2+s3], $0x80, v19, vm0, $0xb8;
	[tilespmem:$0x1B000] =	vst v63  }
0x7b7: {  	v51 =	vperm.xlane v17, v15;
	v19 =	vadd.s32 v3, v50;
	s10 =	simm.s32 $0x11580  }
0x7b8: {  	[tilespmem:s10], [sflag:$0x1] =	stream.indirect_vreg.gather [hbm4b:s2+s3], $0x80, v48, vm0, $0xb8;
	[tilespmem:$0x1B000] =	vst v63  }
0x7b9: {  	v17 =	vperm.xlane v17, v16;
	v52 =	vadd.s32 v3, v51;
	s10 =	simm.s32 $0x11600  }
0x7ba: {  	[tilespmem:s10], [sflag:$0x1] =	stream.indirect_vreg.gather [hbm4b:s2+s3], $0x80, v18, vm0, $0xb8;
	[tilespmem:$0x1B000] =	vst v63  }
0x7bb: {  	v17 =	vadd.s32 v3, v17;
	s10 =	simm.s32 $0x11680  }
0x7bc: {  	[tilespmem:s10], [sflag:$0x1] =	stream.indirect_vreg.gather [hbm4b:s2+s3], $0x80, v19, vm0, $0xb8;
	[tilespmem:$0x1B000] =	vst v63  }
0x7bd: {  	s10 =	simm.s32 $0x11700  }
0x7be: {  	[tilespmem:s10], [sflag:$0x1] =	stream.indirect_vreg.gather [hbm4b:s2+s3], $0x80, v52, vm0, $0xb8;
	[tilespmem:$0x1B000] =	vst v63  }
0x7bf: {  	s10 =	simm.s32 $0x11780  }
0x7c0: {  	[tilespmem:s10], [sflag:$0x1] =	stream.indirect_vreg.gather [hbm4b:s2+s3], $0x80, v17, vm0, $0xb8;
	[tilespmem:$0x1B000] =	vst v63  }
0x7c1: {  	v17 =	vld.msk [tilespmem:s7+$0x130], $0x3;
	_ =	sdelay $0x4  }
0x7c2: {  	v18 =	vshll.u32 v17, $0x1  }
0x7c3: {  	v17 =	vand.u32 $0x7, v17;
	v18 =	vand.u32 $0xFFFFFFF0, v18  }
0x7c4: {  	v17 =	vor.u32 v17, v18  }
0x7c5: {  	v18 =	vperm.xlane v17, v2;
	_ =	sdelay $0x1  }
0x7c6: {  	v17 =	vperm.xlane v17, v1;
	v18 =	vadd.s32 v3, v18;
	_ =	sdelay $0x1  }
0x7c7: {  	v17 =	vadd.s32 v3, v17;
	_ =	sdelay $0x1  }
0x7c8: {  	s10 =	simm.s32 $0x11800  }
0x7c9: {  	[tilespmem:s10], [sflag:$0x1] =	stream.indirect_vreg.gather [hbm4b:s2+s3], $0x80, v18, vm0, $0xb8;
	[tilespmem:$0x1B000] =	vst v63  }
0x7ca: {  	s10 =	simm.s32 $0x11880  }
0x7cb: {  	[tilespmem:s10], [sflag:$0x1] =	stream.indirect_vreg.gather [hbm4b:s2+s3], $0x80, v17, vm0, $0xb8;
	[tilespmem:$0x1B000] =	vst v63  }
0x7cc: {  	v17 =	vld [tilespmem:s7+$0x100];
	_ =	sdelay $0x4  }
0x7cd: {  	v18 =	vshll.u32 v17, $0x1  }
0x7ce: {  	v17 =	vand.u32 $0x7, v17;
	v18 =	vand.u32 $0xFFFFFFF0, v18  }
0x7cf: {  	v17 =	vor.u32 v17, v18  }
0x7d0: {  	v18 =	vperm.xlane v17, v2;
	_ =	sdelay $0x1  }
0x7d1: {  	v19 =	vperm.xlane v17, v1;
	v18 =	vadd.s32 v3, v18;
	_ =	sdelay $0x1  }
0x7d2: {  	v53 =	vperm.xlane v17, v4;
	v19 =	vadd.s32 v3, v19;
	_ =	sdelay $0x1  }
0x7d3: {  	s10 =	simm.s32 $0x11C00;
	v54 =	vperm.xlane v17, v5;
	v20 =	vadd.s32 v3, v53  }
0x7d4: {  	[tilespmem:s10], [sflag:$0x1] =	stream.indirect_vreg.gather [hbm4b:s5+s3], $0x80, v18, vm0, $0xb8;
	[tilespmem:$0x1B000] =	vst v63  }
0x7d5: {  	v55 =	vperm.xlane v17, v6;
	v18 =	vadd.s32 v3, v54;
	s10 =	simm.s32 $0x11C80  }
0x7d6: {  	[tilespmem:s10], [sflag:$0x1] =	stream.indirect_vreg.gather [hbm4b:s5+s3], $0x80, v19, vm0, $0xb8;
	[tilespmem:$0x1B000] =	vst v63  }
0x7d7: {  	v56 =	vperm.xlane v17, v7;
	v19 =	vadd.s32 v3, v55;
	s10 =	simm.s32 $0x11D00  }
0x7d8: {  	[tilespmem:s10], [sflag:$0x1] =	stream.indirect_vreg.gather [hbm4b:s5+s3], $0x80, v20, vm0, $0xb8;
	[tilespmem:$0x1B000] =	vst v63  }
0x7d9: {  	v58 =	vperm.xlane v17, v8;
	v57 =	vadd.s32 v3, v56;
	s10 =	simm.s32 $0x11D80  }
0x7da: {  	[tilespmem:s10], [sflag:$0x1] =	stream.indirect_vreg.gather [hbm4b:s5+s3], $0x80, v18, vm0, $0xb8;
	[tilespmem:$0x1B000] =	vst v63  }
0x7db: {  	v59 =	vperm.xlane v17, v0;
	v18 =	vadd.s32 v3, v58;
	s10 =	simm.s32 $0x11E00  }
0x7dc: {  	[tilespmem:s10], [sflag:$0x1] =	stream.indirect_vreg.gather [hbm4b:s5+s3], $0x80, v19, vm0, $0xb8;
	[tilespmem:$0x1B000] =	vst v63  }
0x7dd: {  	v60 =	vperm.xlane v17, v9;
	v19 =	vadd.s32 v3, v59;
	s10 =	simm.s32 $0x11E80  }
0x7de: {  	[tilespmem:s10], [sflag:$0x1] =	stream.indirect_vreg.gather [hbm4b:s5+s3], $0x80, v57, vm0, $0xb8;
	[tilespmem:$0x1B000] =	vst v63  }
0x7df: {  	v62 =	vperm.xlane v17, v10;
	v61 =	vadd.s32 v3, v60;
	s10 =	simm.s32 $0x11F00  }
0x7e0: {  	[tilespmem:s10], [sflag:$0x1] =	stream.indirect_vreg.gather [hbm4b:s5+s3], $0x80, v18, vm0, $0xb8;
	[tilespmem:$0x1B000] =	vst v63  }
0x7e1: {  	v63 =	vperm.xlane v17, v11;
	v18 =	vadd.s32 v3, v62;
	s10 =	simm.s32 $0x11F80  }
0x7e2: {  	[tilespmem:s10], [sflag:$0x1] =	stream.indirect_vreg.gather [hbm4b:s5+s3], $0x80, v19, vm0, $0xb8;
	[tilespmem:$0x1B000] =	vst v63  }
0x7e3: {  	v24 =	vperm.xlane v17, v12;
	v19 =	vadd.s32 v3, v63;
	s10 =	simm.s32 $0x12000  }
0x7e4: {  	[tilespmem:s10], [sflag:$0x1] =	stream.indirect_vreg.gather [hbm4b:s5+s3], $0x80, v61, vm0, $0xb8;
	[tilespmem:$0x1B000] =	vst v63  }
0x7e5: {  	v26 =	vperm.xlane v17, v13;
	v25 =	vadd.s32 v3, v24;
	s10 =	simm.s32 $0x12080  }
0x7e6: {  	[tilespmem:s10], [sflag:$0x1] =	stream.indirect_vreg.gather [hbm4b:s5+s3], $0x80, v18, vm0, $0xb8;
	[tilespmem:$0x1B000] =	vst v63  }
0x7e7: {  	v27 =	vperm.xlane v17, v14;
	v18 =	vadd.s32 v3, v26;
	s10 =	simm.s32 $0x12100  }
0x7e8: {  	[tilespmem:s10], [sflag:$0x1] =	stream.indirect_vreg.gather [hbm4b:s5+s3], $0x80, v19, vm0, $0xb8;
	[tilespmem:$0x1B000] =	vst v63  }
0x7e9: {  	v28 =	vperm.xlane v17, v15;
	v19 =	vadd.s32 v3, v27;
	s10 =	simm.s32 $0x12180  }
0x7ea: {  	[tilespmem:s10], [sflag:$0x1] =	stream.indirect_vreg.gather [hbm4b:s5+s3], $0x80, v25, vm0, $0xb8;
	[tilespmem:$0x1B000] =	vst v63  }
0x7eb: {  	v17 =	vperm.xlane v17, v16;
	v29 =	vadd.s32 v3, v28;
	s10 =	simm.s32 $0x12200  }
0x7ec: {  	[tilespmem:s10], [sflag:$0x1] =	stream.indirect_vreg.gather [hbm4b:s5+s3], $0x80, v18, vm0, $0xb8;
	[tilespmem:$0x1B000] =	vst v63  }
0x7ed: {  	v17 =	vadd.s32 v3, v17;
	s10 =	simm.s32 $0x12280  }
0x7ee: {  	[tilespmem:s10], [sflag:$0x1] =	stream.indirect_vreg.gather [hbm4b:s5+s3], $0x80, v19, vm0, $0xb8;
	[tilespmem:$0x1B000] =	vst v63  }
0x7ef: {  	s10 =	simm.s32 $0x12300  }
0x7f0: {  	[tilespmem:s10], [sflag:$0x1] =	stream.indirect_vreg.gather [hbm4b:s5+s3], $0x80, v29, vm0, $0xb8;
	[tilespmem:$0x1B000] =	vst v63  }
0x7f1: {  	s10 =	simm.s32 $0x12380  }
0x7f2: {  	[tilespmem:s10], [sflag:$0x1] =	stream.indirect_vreg.gather [hbm4b:s5+s3], $0x80, v17, vm0, $0xb8;
	[tilespmem:$0x1B000] =	vst v63  }
0x7f3: {  	v17 =	vld [tilespmem:s7+$0x110];
	_ =	sdelay $0x4  }
0x7f4: {  	v18 =	vshll.u32 v17, $0x1  }
0x7f5: {  	v17 =	vand.u32 $0x7, v17;
	v18 =	vand.u32 $0xFFFFFFF0, v18  }
0x7f6: {  	v17 =	vor.u32 v17, v18  }
0x7f7: {  	v18 =	vperm.xlane v17, v2;
	_ =	sdelay $0x1  }
0x7f8: {  	v19 =	vperm.xlane v17, v1;
	v18 =	vadd.s32 v3, v18;
	_ =	sdelay $0x1  }
0x7f9: {  	v30 =	vperm.xlane v17, v4;
	v19 =	vadd.s32 v3, v19;
	_ =	sdelay $0x1  }
0x7fa: {  	s10 =	simm.s32 $0x12400;
	v31 =	vperm.xlane v17, v5;
	v20 =	vadd.s32 v3, v30  }
0x7fb: {  	[tilespmem:s10], [sflag:$0x1] =	stream.indirect_vreg.gather [hbm4b:s5+s3], $0x80, v18, vm0, $0xb8;
	[tilespmem:$0x1B000] =	vst v63  }
0x7fc: {  	v32 =	vperm.xlane v17, v6;
	v18 =	vadd.s32 v3, v31;
	s10 =	simm.s32 $0x12480  }
0x7fd: {  	[tilespmem:s10], [sflag:$0x1] =	stream.indirect_vreg.gather [hbm4b:s5+s3], $0x80, v19, vm0, $0xb8;
	[tilespmem:$0x1B000] =	vst v63  }
0x7fe: {  	v33 =	vperm.xlane v17, v7;
	v19 =	vadd.s32 v3, v32;
	s10 =	simm.s32 $0x12500  }
0x7ff: {  	[tilespmem:s10], [sflag:$0x1] =	stream.indirect_vreg.gather [hbm4b:s5+s3], $0x80, v20, vm0, $0xb8;
	[tilespmem:$0x1B000] =	vst v63  }
0x800: {  	v35 =	vperm.xlane v17, v8;
	v34 =	vadd.s32 v3, v33;
	s10 =	simm.s32 $0x12580  }
0x801: {  	[tilespmem:s10], [sflag:$0x1] =	stream.indirect_vreg.gather [hbm4b:s5+s3], $0x80, v18, vm0, $0xb8;
	[tilespmem:$0x1B000] =	vst v63  }
0x802: {  	v36 =	vperm.xlane v17, v0;
	v18 =	vadd.s32 v3, v35;
	s10 =	simm.s32 $0x12600  }
0x803: {  	[tilespmem:s10], [sflag:$0x1] =	stream.indirect_vreg.gather [hbm4b:s5+s3], $0x80, v19, vm0, $0xb8;
	[tilespmem:$0x1B000] =	vst v63  }
0x804: {  	v37 =	vperm.xlane v17, v9;
	v19 =	vadd.s32 v3, v36;
	s10 =	simm.s32 $0x12680  }
0x805: {  	[tilespmem:s10], [sflag:$0x1] =	stream.indirect_vreg.gather [hbm4b:s5+s3], $0x80, v34, vm0, $0xb8;
	[tilespmem:$0x1B000] =	vst v63  }
0x806: {  	v39 =	vperm.xlane v17, v10;
	v38 =	vadd.s32 v3, v37;
	s10 =	simm.s32 $0x12700  }
0x807: {  	[tilespmem:s10], [sflag:$0x1] =	stream.indirect_vreg.gather [hbm4b:s5+s3], $0x80, v18, vm0, $0xb8;
	[tilespmem:$0x1B000] =	vst v63  }
0x808: {  	v40 =	vperm.xlane v17, v11;
	v18 =	vadd.s32 v3, v39;
	s10 =	simm.s32 $0x12780  }
0x809: {  	[tilespmem:s10], [sflag:$0x1] =	stream.indirect_vreg.gather [hbm4b:s5+s3], $0x80, v19, vm0, $0xb8;
	[tilespmem:$0x1B000] =	vst v63  }
0x80a: {  	v41 =	vperm.xlane v17, v12;
	v19 =	vadd.s32 v3, v40;
	s10 =	simm.s32 $0x12800  }
0x80b: {  	[tilespmem:s10], [sflag:$0x1] =	stream.indirect_vreg.gather [hbm4b:s5+s3], $0x80, v38, vm0, $0xb8;
	[tilespmem:$0x1B000] =	vst v63  }
0x80c: {  	v43 =	vperm.xlane v17, v13;
	v42 =	vadd.s32 v3, v41;
	s10 =	simm.s32 $0x12880  }
0x80d: {  	[tilespmem:s10], [sflag:$0x1] =	stream.indirect_vreg.gather [hbm4b:s5+s3], $0x80, v18, vm0, $0xb8;
	[tilespmem:$0x1B000] =	vst v63  }
0x80e: {  	v44 =	vperm.xlane v17, v14;
	v18 =	vadd.s32 v3, v43;
	s10 =	simm.s32 $0x12900  }
0x80f: {  	[tilespmem:s10], [sflag:$0x1] =	stream.indirect_vreg.gather [hbm4b:s5+s3], $0x80, v19, vm0, $0xb8;
	[tilespmem:$0x1B000] =	vst v63  }
0x810: {  	v45 =	vperm.xlane v17, v15;
	v19 =	vadd.s32 v3, v44;
	s10 =	simm.s32 $0x12980  }
0x811: {  	[tilespmem:s10], [sflag:$0x1] =	stream.indirect_vreg.gather [hbm4b:s5+s3], $0x80, v42, vm0, $0xb8;
	[tilespmem:$0x1B000] =	vst v63  }
0x812: {  	v17 =	vperm.xlane v17, v16;
	v46 =	vadd.s32 v3, v45;
	s10 =	simm.s32 $0x12A00  }
0x813: {  	[tilespmem:s10], [sflag:$0x1] =	stream.indirect_vreg.gather [hbm4b:s5+s3], $0x80, v18, vm0, $0xb8;
	[tilespmem:$0x1B000] =	vst v63  }
0x814: {  	v17 =	vadd.s32 v3, v17;
	s10 =	simm.s32 $0x12A80  }
0x815: {  	[tilespmem:s10], [sflag:$0x1] =	stream.indirect_vreg.gather [hbm4b:s5+s3], $0x80, v19, vm0, $0xb8;
	[tilespmem:$0x1B000] =	vst v63  }
0x816: {  	s10 =	simm.s32 $0x12B00  }
0x817: {  	[tilespmem:s10], [sflag:$0x1] =	stream.indirect_vreg.gather [hbm4b:s5+s3], $0x80, v46, vm0, $0xb8;
	[tilespmem:$0x1B000] =	vst v63  }
0x818: {  	s10 =	simm.s32 $0x12B80  }
0x819: {  	[tilespmem:s10], [sflag:$0x1] =	stream.indirect_vreg.gather [hbm4b:s5+s3], $0x80, v17, vm0, $0xb8;
	[tilespmem:$0x1B000] =	vst v63  }
0x81a: {  	v17 =	vld [tilespmem:s7+$0x120];
	_ =	sdelay $0x4  }
0x81b: {  	v18 =	vshll.u32 v17, $0x1  }
0x81c: {  	v17 =	vand.u32 $0x7, v17;
	v18 =	vand.u32 $0xFFFFFFF0, v18  }
0x81d: {  	v17 =	vor.u32 v17, v18  }
0x81e: {  	v18 =	vperm.xlane v17, v2;
	_ =	sdelay $0x1  }
0x81f: {  	v19 =	vperm.xlane v17, v1;
	v18 =	vadd.s32 v3, v18;
	_ =	sdelay $0x1  }
0x820: {  	v47 =	vperm.xlane v17, v4;
	v19 =	vadd.s32 v3, v19;
	_ =	sdelay $0x1  }
0x821: {  	s10 =	simm.s32 $0x12C00;
	v48 =	vperm.xlane v17, v5;
	v20 =	vadd.s32 v3, v47  }
0x822: {  	[tilespmem:s10], [sflag:$0x1] =	stream.indirect_vreg.gather [hbm4b:s5+s3], $0x80, v18, vm0, $0xb8;
	[tilespmem:$0x1B000] =	vst v63  }
0x823: {  	v49 =	vperm.xlane v17, v6;
	v18 =	vadd.s32 v3, v48;
	s10 =	simm.s32 $0x12C80  }
0x824: {  	[tilespmem:s10], [sflag:$0x1] =	stream.indirect_vreg.gather [hbm4b:s5+s3], $0x80, v19, vm0, $0xb8;
	[tilespmem:$0x1B000] =	vst v63  }
0x825: {  	v50 =	vperm.xlane v17, v7;
	v19 =	vadd.s32 v3, v49;
	s10 =	simm.s32 $0x12D00  }
0x826: {  	[tilespmem:s10], [sflag:$0x1] =	stream.indirect_vreg.gather [hbm4b:s5+s3], $0x80, v20, vm0, $0xb8;
	[tilespmem:$0x1B000] =	vst v63  }
0x827: {  	v52 =	vperm.xlane v17, v8;
	v51 =	vadd.s32 v3, v50;
	s10 =	simm.s32 $0x12D80  }
0x828: {  	[tilespmem:s10], [sflag:$0x1] =	stream.indirect_vreg.gather [hbm4b:s5+s3], $0x80, v18, vm0, $0xb8;
	[tilespmem:$0x1B000] =	vst v63  }
0x829: {  	v53 =	vperm.xlane v17, v0;
	v18 =	vadd.s32 v3, v52;
	s10 =	simm.s32 $0x12E00  }
0x82a: {  	[tilespmem:s10], [sflag:$0x1] =	stream.indirect_vreg.gather [hbm4b:s5+s3], $0x80, v19, vm0, $0xb8;
	[tilespmem:$0x1B000] =	vst v63  }
0x82b: {  	v54 =	vperm.xlane v17, v9;
	v19 =	vadd.s32 v3, v53;
	s10 =	simm.s32 $0x12E80  }
0x82c: {  	[tilespmem:s10], [sflag:$0x1] =	stream.indirect_vreg.gather [hbm4b:s5+s3], $0x80, v51, vm0, $0xb8;
	[tilespmem:$0x1B000] =	vst v63  }
0x82d: {  	v56 =	vperm.xlane v17, v10;
	v55 =	vadd.s32 v3, v54;
	s10 =	simm.s32 $0x12F00  }
0x82e: {  	[tilespmem:s10], [sflag:$0x1] =	stream.indirect_vreg.gather [hbm4b:s5+s3], $0x80, v18, vm0, $0xb8;
	[tilespmem:$0x1B000] =	vst v63  }
0x82f: {  	v57 =	vperm.xlane v17, v11;
	v18 =	vadd.s32 v3, v56;
	s10 =	simm.s32 $0x12F80  }
0x830: {  	[tilespmem:s10], [sflag:$0x1] =	stream.indirect_vreg.gather [hbm4b:s5+s3], $0x80, v19, vm0, $0xb8;
	[tilespmem:$0x1B000] =	vst v63  }
0x831: {  	v58 =	vperm.xlane v17, v12;
	v19 =	vadd.s32 v3, v57;
	s10 =	simm.s32 $0x13000  }
0x832: {  	[tilespmem:s10], [sflag:$0x1] =	stream.indirect_vreg.gather [hbm4b:s5+s3], $0x80, v55, vm0, $0xb8;
	[tilespmem:$0x1B000] =	vst v63  }
0x833: {  	v60 =	vperm.xlane v17, v13;
	v59 =	vadd.s32 v3, v58;
	s10 =	simm.s32 $0x13080  }
0x834: {  	[tilespmem:s10], [sflag:$0x1] =	stream.indirect_vreg.gather [hbm4b:s5+s3], $0x80, v18, vm0, $0xb8;
	[tilespmem:$0x1B000] =	vst v63  }
0x835: {  	v61 =	vperm.xlane v17, v14;
	v18 =	vadd.s32 v3, v60;
	s10 =	simm.s32 $0x13100  }
0x836: {  	[tilespmem:s10], [sflag:$0x1] =	stream.indirect_vreg.gather [hbm4b:s5+s3], $0x80, v19, vm0, $0xb8;
	[tilespmem:$0x1B000] =	vst v63  }
0x837: {  	v62 =	vperm.xlane v17, v15;
	v19 =	vadd.s32 v3, v61;
	s10 =	simm.s32 $0x13180  }
0x838: {  	[tilespmem:s10], [sflag:$0x1] =	stream.indirect_vreg.gather [hbm4b:s5+s3], $0x80, v59, vm0, $0xb8;
	[tilespmem:$0x1B000] =	vst v63  }
0x839: {  	v17 =	vperm.xlane v17, v16;
	v63 =	vadd.s32 v3, v62;
	s10 =	simm.s32 $0x13200  }
0x83a: {  	[tilespmem:s10], [sflag:$0x1] =	stream.indirect_vreg.gather [hbm4b:s5+s3], $0x80, v18, vm0, $0xb8;
	[tilespmem:$0x1B000] =	vst v63  }
0x83b: {  	v17 =	vadd.s32 v3, v17;
	s10 =	simm.s32 $0x13280  }
0x83c: {  	[tilespmem:s10], [sflag:$0x1] =	stream.indirect_vreg.gather [hbm4b:s5+s3], $0x80, v19, vm0, $0xb8;
	[tilespmem:$0x1B000] =	vst v63  }
0x83d: {  	s10 =	simm.s32 $0x13300  }
0x83e: {  	[tilespmem:s10], [sflag:$0x1] =	stream.indirect_vreg.gather [hbm4b:s5+s3], $0x80, v63, vm0, $0xb8;
	[tilespmem:$0x1B000] =	vst v63  }
0x83f: {  	s10 =	simm.s32 $0x13380  }
0x840: {  	[tilespmem:s10], [sflag:$0x1] =	stream.indirect_vreg.gather [hbm4b:s5+s3], $0x80, v17, vm0, $0xb8;
	[tilespmem:$0x1B000] =	vst v63  }
0x841: {  	v17 =	vld.msk [tilespmem:s7+$0x130], $0x3;
	_ =	sdelay $0x4  }
0x842: {  	v18 =	vshll.u32 v17, $0x1  }
0x843: {  	v17 =	vand.u32 $0x7, v17;
	v18 =	vand.u32 $0xFFFFFFF0, v18  }
0x844: {  	v17 =	vor.u32 v17, v18  }
0x845: {  	v18 =	vperm.xlane v17, v2;
	_ =	sdelay $0x1  }
0x846: {  	v17 =	vperm.xlane v17, v1;
	v18 =	vadd.s32 v3, v18;
	_ =	sdelay $0x1  }
0x847: {  	v17 =	vadd.s32 v3, v17;
	_ =	sdelay $0x1  }
0x848: {  	s9 =	simm.s32 $0x13400  }
0x849: {  	[tilespmem:s9], [sflag:$0x1] =	stream.indirect_vreg.gather [hbm4b:s5+s3], $0x80, v18, vm0, $0xb8;
	[tilespmem:$0x1B000] =	vst v63  }
0x84a: {  	s10 =	simm.s32 $0x13480  }
0x84b: {  	[tilespmem:s10], [sflag:$0x1] =	stream.indirect_vreg.gather [hbm4b:s5+s3], $0x80, v17, vm0, $0xb8;
	[tilespmem:$0x1B000] =	vst v63  }
.LBB2_16:
0x84c: {  	_ =	swait.ge [sflag:s31], $0x1900  }
0x84d: {  	[sflag:s31] =	ssyncset.done $0x0  }
0x84e: {  	[sflag:s31] =	ssyncadd.s32 $0xFFFFE700  }
0x84f: {  	_ =	swait.ge [sflag:s31], $0x1900  }
0x850: {  	[sflag:s31] =	ssyncset.done $0x0  }
0x851: {  	s10 =	simm.s32 $0x154F0;
	[sflag:s31] =	ssyncadd.s32 $0xFFFFE700  }
0x852: {  	v21 =	vld [tilespmem:s10+$0xFFFFE390]  }
0x853: {  	v22 =	vld [tilespmem:s10+$0xFFFFE3A0]  }
0x854: {  	v23 =	vld [tilespmem:s10+$0xFFFFE3B0]  }
0x855: {  	v24 =	vld [tilespmem:s10+$0xFFFFE3C0]  }
0x856: {  	v26 =	vld [tilespmem:s10+$0xFFFFE3D0]  }
0x857: {  	v27 =	vld [tilespmem:s10+$0xFFFFE3E0]  }
0x858: {  	v28 =	vld [tilespmem:s10+$0xFFFFE3F0]  }
0x859: {  	v29 =	vld [tilespmem:s10+$0xFFFFE400]  }
0x85a: {  	v30 =	vld [tilespmem:s10+$0xFFFFFF90]  }
0x85b: {  	v25 =	vld [tilespmem:s10+$0xFFFFE310]  }
0x85c: {  	v32 =	vld [tilespmem:s10+$0xFFFFE320]  }
0x85d: {  	v33 =	vld [tilespmem:s10+$0xFFFFE330]  }
0x85e: {  	v34 =	vld [tilespmem:s10+$0xFFFFE340]  }
0x85f: {  	v35 =	vld [tilespmem:s10+$0xFFFFE350]  }
0x860: {  	v36 =	vld [tilespmem:s10+$0xFFFFE360]  }
0x861: {  	v37 =	vld [tilespmem:s10+$0xFFFFE370]  }
0x862: {  	v38 =	vld [tilespmem:s10+$0xFFFFE380]  }
0x863: {  	v39 =	vld [tilespmem:s10+$0xFFFFFF10]  }
0x864: {  	v40 =	vld [tilespmem:s10+$0xFFFFFF20]  }
0x865: {  	v17 =	vimm.f32 $0.0e+00;
	v59 =	vld [tilespmem:s10+$0xFFFFFF30]  }
0x866: {  	v41 =	vld [tilespmem:s10+$0xFFFFFF40];
	v25 =	vadd.f32 v25, v17;
	v32 =	vadd.f32 v32, v17  }
0x867: {  	v31 =	vld [tilespmem:s10+$0xFFFFFFA0];
	v33 =	vadd.f32 v33, v17;
	v34 =	vadd.f32 v34, v17  }
0x868: {  	v20 =	vld [tilespmem:s10+$0xFFFFFFB0];
	v60 =	vadd.f32 v35, v17;
	v61 =	vadd.f32 v36, v17  }
0x869: {  	v19 =	vld [tilespmem:s10+$0xFFFFFFC0];
	v37 =	vadd.f32 v37, v17;
	v38 =	vadd.f32 v38, v17  }
0x86a: {  	v18 =	vld [tilespmem:s10+$0xFFFFFFD0];
	v62 =	vadd.f32 v39, v17;
	v63 =	vadd.f32 v40, v17  }
0x86b: {  	v35 =	vld [tilespmem:s10+$0xFFFFFF50];
	v42 =	vadd.f32 v59, v17;
	v41 =	vadd.f32 v41, v17  }
0x86c: {  	v36 =	vld [tilespmem:s10+$0xFFFFFF60];
	v21 =	vadd.f32 v21, v25;
	v22 =	vadd.f32 v22, v32  }
0x86d: {  	v39 =	vld [tilespmem:s10+$0xFFFFFF80];
	v23 =	vadd.f32 v23, v33;
	v24 =	vadd.f32 v24, v34  }
0x86e: {  	v40 =	vld [tilespmem:s10+$0x0];
	v26 =	vadd.f32 v26, v60;
	v27 =	vadd.f32 v27, v61  }
0x86f: {  	v28 =	vadd.f32 v28, v37;
	v29 =	vadd.f32 v29, v38;
	v37 =	vld [tilespmem:s10+$0xFFFFFF70]  }
0x870: {  	v25 =	vld [tilespmem:s10+$0xFFFFFFE0];
	v32 =	vadd.f32 v30, v62;
	v30 =	vadd.f32 v31, v63  }
0x871: {  	s7 =	sshll.u32 s0, $0x1;
	s9 =	simm.s32 $0x0;
	v38 =	vld [tilespmem:s10+$0xFFFFFFF0];
	s10 =	simm.s32 $0x155F0;
	v34 =	vimm.f32 $0.0e+00;
	v33 =	vimm.f32 $0.0e+00;
	v31 =	vimm.f32 $0.0e+00  }
.LBB2_17:
0x872: {  	v43 =	vld [tilespmem:s10+$0xFFFFE390];
	v42 =	vadd.f32 v20, v42;
	v41 =	vadd.f32 v19, v41  }
0x873: {  	v17 =	vadd.f32 v35, v17;
	v19 =	vadd.f32 v36, v34;
	v44 =	vld [tilespmem:s10+$0xFFFFE3A0]  }
0x874: {  	v20 =	vadd.f32 v37, v33;
	v35 =	vld [tilespmem:s10+$0xFFFFE3B0];
	v31 =	vadd.f32 v39, v31  }
0x875: {  	v17 =	vadd.f32 v18, v17;
	v34 =	vadd.f32 v25, v19;
	v36 =	vld [tilespmem:s10+$0xFFFFE3C0]  }
0x876: {  	v33 =	vadd.f32 v38, v20;
	v37 =	vld [tilespmem:s10+$0xFFFFE3D0];
	v31 =	vadd.f32 v40, v31  }
0x877: {  	v38 =	vld [tilespmem:s10+$0xFFFFE3E0]  }
0x878: {  	v39 =	vld [tilespmem:s10+$0xFFFFE3F0]  }
0x879: {  	v40 =	vld [tilespmem:s10+$0xFFFFE400]  }
0x87a: {  	v45 =	vld [tilespmem:s10+$0xFFFFFF90]  }
0x87b: {  	v46 =	vld [tilespmem:s10+$0xFFFFFFA0]  }
0x87c: {  	v20 =	vld [tilespmem:s10+$0xFFFFFFB0]  }
0x87d: {  	v19 =	vld [tilespmem:s10+$0xFFFFFFC0]  }
0x87e: {  	v18 =	vld [tilespmem:s10+$0xFFFFFFD0]  }
0x87f: {  	v25 =	vld [tilespmem:s10+$0xFFFFFFE0]  }
0x880: {  	v47 =	vld [tilespmem:s10+$0xFFFFE310]  }
0x881: {  	v48 =	vld [tilespmem:s10+$0xFFFFE320]  }
0x882: {  	v49 =	vld [tilespmem:s10+$0xFFFFE330]  }
0x883: {  	v50 =	vld [tilespmem:s10+$0xFFFFE340]  }
0x884: {  	v51 =	vld [tilespmem:s10+$0xFFFFE350]  }
0x885: {  	v52 =	vld [tilespmem:s10+$0xFFFFE360]  }
0x886: {  	v53 =	vld [tilespmem:s10+$0xFFFFE370]  }
0x887: {  	v21 =	vadd.f32 v47, v21;
	v22 =	vadd.f32 v48, v22;
	v47 =	vld [tilespmem:s10+$0xFFFFE380]  }
0x888: {  	v23 =	vadd.f32 v49, v23;
	v24 =	vadd.f32 v50, v24;
	v48 =	vld [tilespmem:s10+$0xFFFFFF10]  }
0x889: {  	v21 =	vadd.f32 v43, v21;
	v22 =	vadd.f32 v44, v22;
	v49 =	vld [tilespmem:s10+$0xFFFFFF20]  }
0x88a: {  	v23 =	vadd.f32 v35, v23;
	v43 =	vld [tilespmem:s10+$0xFFFFFF30];
	v24 =	vadd.f32 v36, v24  }
0x88b: {  	s9 =	sadd.s32 $0x2, s9;
	v26 =	vadd.f32 v51, v26;
	v27 =	vadd.f32 v52, v27;
	v44 =	vld [tilespmem:s10+$0xFFFFFF40]  }
0x88c: {  	p1 =	slt.u32 s9, $0x30;
	v28 =	vadd.f32 v53, v28;
	v29 =	vadd.f32 v47, v29;
	v35 =	vld [tilespmem:s10+$0xFFFFFF50]  }
.Ltmp13:
0x88d: {  	v26 =	vadd.f32 v37, v26;
	v27 =	vadd.f32 v38, v27;
	v36 =	vld [tilespmem:s10+$0xFFFFFF60];
	(pc) =	sbr.rel @p1 .LBB2_17-.Ltmp13, $4  }
0x88e: {  	v28 =	vadd.f32 v39, v28;
	v37 =	vld [tilespmem:s10+$0xFFFFFF70];
	v29 =	vadd.f32 v40, v29  }
0x88f: {  	v32 =	vadd.f32 v48, v32;
	v30 =	vadd.f32 v49, v30;
	v39 =	vld [tilespmem:s10+$0xFFFFFF80]  }
0x890: {  	v42 =	vadd.f32 v43, v42;
	v41 =	vadd.f32 v44, v41;
	v38 =	vld [tilespmem:s10+$0xFFFFFFF0]  }
0x891: {  	v32 =	vadd.f32 v45, v32;
	v30 =	vadd.f32 v46, v30;
	v40 =	vld [tilespmem:s10+$0x0];
	s10 =	sadd.s32 $0x100, s10  }
0x892: {  	s7 =	sor.u32 $0x1, s7  }
0x893: {  	s9 =	sshll.u32 s7, $0x7  }
0x894: {  	s9 =	sand.u32 $0x380, s9  }
0x895: {  	s4 =	sadd.s32 s9, s4  }
0x896: {  	[tilespmem:s4+$0x0] =	vst v21  }
0x897: {  	[tilespmem:s4+$0x10] =	vst v22  }
0x898: {  	[tilespmem:s4+$0x20] =	vst v23  }
0x899: {  	[tilespmem:s4+$0x30] =	vst v24  }
0x89a: {  	[tilespmem:s4+$0x40] =	vst v26  }
0x89b: {  	[tilespmem:s4+$0x50] =	vst v27  }
0x89c: {  	[tilespmem:s4+$0x60] =	vst v28  }
0x89d: {  	[tilespmem:s4+$0x70] =	vst v29  }
0x89e: {  	v20 =	vadd.f32 v20, v42;
	v17 =	vadd.f32 v35, v17;
	[tilespmem:s4+$0x400] =	vst v32  }
0x89f: {  	v19 =	vadd.f32 v19, v41;
	v61 =	vadd.f32 v36, v34;
	[tilespmem:s4+$0x410] =	vst v30  }
0x8a0: {  	v62 =	vadd.f32 v37, v33;
	v17 =	vadd.f32 v18, v17;
	[tilespmem:s4+$0x420] =	vst v20  }
.Ltmp14:
0x8a1: {  	v18 =	vadd.f32 v39, v31;
	v63 =	vadd.f32 v25, v61;
	[tilespmem:s4+$0x430] =	vst v19;
	(pc) =	sbr.rel @p0 .LBB2_20-.Ltmp14, $4  }
0x8a2: {  	v19 =	vadd.f32 v38, v62;
	[tilespmem:s4+$0x440] =	vst v17  }
0x8a3: {  	v17 =	vadd.f32 v40, v18;
	[tilespmem:s4+$0x450] =	vst v63  }
0x8a4: {  	[tilespmem:s4+$0x460] =	vst v19  }
0x8a5: {  	[tilespmem:s4+$0x470] =	vst v17  }
0x8a6: {  	s1 =	sand.u32 $0x3FFFFF00, s1  }
0x8a7: {  	v17 =	vld [tilespmem:s1+$0x180];
	_ =	sdelay $0x4  }
0x8a8: {  	v18 =	vshll.u32 v17, $0x1  }
0x8a9: {  	v17 =	vand.u32 $0x7, v17;
	v18 =	vand.u32 $0xFFFFFFF0, v18  }
0x8aa: {  	v17 =	vor.u32 v17, v18  }
0x8ab: {  	v18 =	vperm.xlane v17, v2;
	_ =	sdelay $0x1  }
0x8ac: {  	v19 =	vperm.xlane v17, v1;
	v18 =	vadd.s32 v3, v18;
	_ =	sdelay $0x1  }
0x8ad: {  	v20 =	vperm.xlane v17, v4;
	v19 =	vadd.s32 v3, v19;
	_ =	sdelay $0x1  }
0x8ae: {  	s4 =	simm.s32 $0x13800;
	v21 =	vperm.xlane v17, v5;
	v20 =	vadd.s32 v3, v20  }
0x8af: {  	[tilespmem:s4], [sflag:$0x2] =	stream.indirect_vreg.gather [hbm4b:s2+s3], $0x80, v18, vm0, $0xb8;
	[tilespmem:$0x1B000] =	vst v63  }
0x8b0: {  	s10 =	simm.s32 $0x13880;
	v44 =	vperm.xlane v17, v6;
	v18 =	vadd.s32 v3, v21  }
0x8b1: {  	[tilespmem:s10], [sflag:$0x2] =	stream.indirect_vreg.gather [hbm4b:s2+s3], $0x80, v19, vm0, $0xb8;
	[tilespmem:$0x1B000] =	vst v63  }
0x8b2: {  	s9 =	simm.s32 $0x13900;
	v45 =	vperm.xlane v17, v7;
	v19 =	vadd.s32 v3, v44  }
0x8b3: {  	[tilespmem:s9], [sflag:$0x2] =	stream.indirect_vreg.gather [hbm4b:s2+s3], $0x80, v20, vm0, $0xb8;
	[tilespmem:$0x1B000] =	vst v63  }
0x8b4: {  	v47 =	vperm.xlane v17, v8;
	v46 =	vadd.s32 v3, v45;
	s10 =	simm.s32 $0x13980  }
0x8b5: {  	[tilespmem:s10], [sflag:$0x2] =	stream.indirect_vreg.gather [hbm4b:s2+s3], $0x80, v18, vm0, $0xb8;
	[tilespmem:$0x1B000] =	vst v63  }
0x8b6: {  	v48 =	vperm.xlane v17, v0;
	s9 =	simm.s32 $0x13A00;
	v18 =	vadd.s32 v3, v47  }
0x8b7: {  	[tilespmem:s9], [sflag:$0x2] =	stream.indirect_vreg.gather [hbm4b:s2+s3], $0x80, v19, vm0, $0xb8;
	[tilespmem:$0x1B000] =	vst v63  }
0x8b8: {  	v49 =	vperm.xlane v17, v9;
	s10 =	simm.s32 $0x13A80;
	v19 =	vadd.s32 v3, v48  }
0x8b9: {  	[tilespmem:s10], [sflag:$0x2] =	stream.indirect_vreg.gather [hbm4b:s2+s3], $0x80, v46, vm0, $0xb8;
	[tilespmem:$0x1B000] =	vst v63  }
0x8ba: {  	v51 =	vperm.xlane v17, v10;
	v50 =	vadd.s32 v3, v49;
	s9 =	simm.s32 $0x13B00  }
0x8bb: {  	[tilespmem:s9], [sflag:$0x2] =	stream.indirect_vreg.gather [hbm4b:s2+s3], $0x80, v18, vm0, $0xb8;
	[tilespmem:$0x1B000] =	vst v63  }
0x8bc: {  	v52 =	vperm.xlane v17, v11;
	s10 =	simm.s32 $0x13B80;
	v18 =	vadd.s32 v3, v51  }
0x8bd: {  	[tilespmem:s10], [sflag:$0x2] =	stream.indirect_vreg.gather [hbm4b:s2+s3], $0x80, v19, vm0, $0xb8;
	[tilespmem:$0x1B000] =	vst v63  }
0x8be: {  	v53 =	vperm.xlane v17, v12;
	s9 =	simm.s32 $0x13C00;
	v19 =	vadd.s32 v3, v52  }
0x8bf: {  	[tilespmem:s9], [sflag:$0x2] =	stream.indirect_vreg.gather [hbm4b:s2+s3], $0x80, v50, vm0, $0xb8;
	[tilespmem:$0x1B000] =	vst v63  }
0x8c0: {  	v55 =	vperm.xlane v17, v13;
	v54 =	vadd.s32 v3, v53;
	s10 =	simm.s32 $0x13C80  }
0x8c1: {  	[tilespmem:s10], [sflag:$0x2] =	stream.indirect_vreg.gather [hbm4b:s2+s3], $0x80, v18, vm0, $0xb8;
	[tilespmem:$0x1B000] =	vst v63  }
0x8c2: {  	v56 =	vperm.xlane v17, v14;
	s9 =	simm.s32 $0x13D00;
	v18 =	vadd.s32 v3, v55  }
0x8c3: {  	[tilespmem:s9], [sflag:$0x2] =	stream.indirect_vreg.gather [hbm4b:s2+s3], $0x80, v19, vm0, $0xb8;
	[tilespmem:$0x1B000] =	vst v63  }
0x8c4: {  	v57 =	vperm.xlane v17, v15;
	s10 =	simm.s32 $0x13D80;
	v19 =	vadd.s32 v3, v56  }
0x8c5: {  	[tilespmem:s10], [sflag:$0x2] =	stream.indirect_vreg.gather [hbm4b:s2+s3], $0x80, v54, vm0, $0xb8;
	[tilespmem:$0x1B000] =	vst v63  }
0x8c6: {  	v17 =	vperm.xlane v17, v16;
	v58 =	vadd.s32 v3, v57;
	s9 =	simm.s32 $0x13E00  }
0x8c7: {  	[tilespmem:s9], [sflag:$0x2] =	stream.indirect_vreg.gather [hbm4b:s2+s3], $0x80, v18, vm0, $0xb8;
	[tilespmem:$0x1B000] =	vst v63  }
0x8c8: {  	v17 =	vadd.s32 v3, v17;
	s10 =	simm.s32 $0x13E80  }
0x8c9: {  	[tilespmem:s10], [sflag:$0x2] =	stream.indirect_vreg.gather [hbm4b:s2+s3], $0x80, v19, vm0, $0xb8;
	[tilespmem:$0x1B000] =	vst v63  }
0x8ca: {  	s9 =	simm.s32 $0x13F00  }
0x8cb: {  	[tilespmem:s9], [sflag:$0x2] =	stream.indirect_vreg.gather [hbm4b:s2+s3], $0x80, v58, vm0, $0xb8;
	[tilespmem:$0x1B000] =	vst v63  }
0x8cc: {  	s10 =	simm.s32 $0x13F80  }
0x8cd: {  	[tilespmem:s10], [sflag:$0x2] =	stream.indirect_vreg.gather [hbm4b:s2+s3], $0x80, v17, vm0, $0xb8;
	[tilespmem:$0x1B000] =	vst v63  }
0x8ce: {  	v17 =	vld [tilespmem:s1+$0x190];
	_ =	sdelay $0x4  }
0x8cf: {  	v18 =	vshll.u32 v17, $0x1  }
0x8d0: {  	v17 =	vand.u32 $0x7, v17;
	v18 =	vand.u32 $0xFFFFFFF0, v18  }
0x8d1: {  	v17 =	vor.u32 v17, v18  }
0x8d2: {  	v18 =	vperm.xlane v17, v2;
	_ =	sdelay $0x1  }
0x8d3: {  	v19 =	vperm.xlane v17, v1;
	v18 =	vadd.s32 v3, v18;
	_ =	sdelay $0x1  }
0x8d4: {  	v59 =	vperm.xlane v17, v4;
	v19 =	vadd.s32 v3, v19;
	_ =	sdelay $0x1  }
0x8d5: {  	s9 =	simm.s32 $0x14000;
	v60 =	vperm.xlane v17, v5;
	v20 =	vadd.s32 v3, v59  }
0x8d6: {  	[tilespmem:s9], [sflag:$0x2] =	stream.indirect_vreg.gather [hbm4b:s2+s3], $0x80, v18, vm0, $0xb8;
	[tilespmem:$0x1B000] =	vst v63  }
0x8d7: {  	s10 =	simm.s32 $0x14080;
	v61 =	vperm.xlane v17, v6;
	v18 =	vadd.s32 v3, v60  }
0x8d8: {  	[tilespmem:s10], [sflag:$0x2] =	stream.indirect_vreg.gather [hbm4b:s2+s3], $0x80, v19, vm0, $0xb8;
	[tilespmem:$0x1B000] =	vst v63  }
0x8d9: {  	v62 =	vperm.xlane v17, v7;
	s9 =	simm.s32 $0x14100;
	v19 =	vadd.s32 v3, v61  }
0x8da: {  	[tilespmem:s9], [sflag:$0x2] =	stream.indirect_vreg.gather [hbm4b:s2+s3], $0x80, v20, vm0, $0xb8;
	[tilespmem:$0x1B000] =	vst v63  }
0x8db: {  	v24 =	vperm.xlane v17, v8;
	v63 =	vadd.s32 v3, v62;
	s10 =	simm.s32 $0x14180  }
0x8dc: {  	[tilespmem:s10], [sflag:$0x2] =	stream.indirect_vreg.gather [hbm4b:s2+s3], $0x80, v18, vm0, $0xb8;
	[tilespmem:$0x1B000] =	vst v63  }
0x8dd: {  	v25 =	vperm.xlane v17, v0;
	s9 =	simm.s32 $0x14200;
	v18 =	vadd.s32 v3, v24  }
0x8de: {  	[tilespmem:s9], [sflag:$0x2] =	stream.indirect_vreg.gather [hbm4b:s2+s3], $0x80, v19, vm0, $0xb8;
	[tilespmem:$0x1B000] =	vst v63  }
0x8df: {  	v26 =	vperm.xlane v17, v9;
	s10 =	simm.s32 $0x14280;
	v19 =	vadd.s32 v3, v25  }
0x8e0: {  	[tilespmem:s10], [sflag:$0x2] =	stream.indirect_vreg.gather [hbm4b:s2+s3], $0x80, v63, vm0, $0xb8;
	[tilespmem:$0x1B000] =	vst v63  }
0x8e1: {  	v28 =	vperm.xlane v17, v10;
	v27 =	vadd.s32 v3, v26;
	s9 =	simm.s32 $0x14300  }
0x8e2: {  	[tilespmem:s9], [sflag:$0x2] =	stream.indirect_vreg.gather [hbm4b:s2+s3], $0x80, v18, vm0, $0xb8;
	[tilespmem:$0x1B000] =	vst v63  }
0x8e3: {  	v29 =	vperm.xlane v17, v11;
	s10 =	simm.s32 $0x14380;
	v18 =	vadd.s32 v3, v28  }
0x8e4: {  	[tilespmem:s10], [sflag:$0x2] =	stream.indirect_vreg.gather [hbm4b:s2+s3], $0x80, v19, vm0, $0xb8;
	[tilespmem:$0x1B000] =	vst v63  }
0x8e5: {  	v30 =	vperm.xlane v17, v12;
	s9 =	simm.s32 $0x14400;
	v19 =	vadd.s32 v3, v29  }
0x8e6: {  	[tilespmem:s9], [sflag:$0x2] =	stream.indirect_vreg.gather [hbm4b:s2+s3], $0x80, v27, vm0, $0xb8;
	[tilespmem:$0x1B000] =	vst v63  }
0x8e7: {  	v32 =	vperm.xlane v17, v13;
	v31 =	vadd.s32 v3, v30;
	s10 =	simm.s32 $0x14480  }
0x8e8: {  	[tilespmem:s10], [sflag:$0x2] =	stream.indirect_vreg.gather [hbm4b:s2+s3], $0x80, v18, vm0, $0xb8;
	[tilespmem:$0x1B000] =	vst v63  }
0x8e9: {  	v33 =	vperm.xlane v17, v14;
	s9 =	simm.s32 $0x14500;
	v18 =	vadd.s32 v3, v32  }
0x8ea: {  	[tilespmem:s9], [sflag:$0x2] =	stream.indirect_vreg.gather [hbm4b:s2+s3], $0x80, v19, vm0, $0xb8;
	[tilespmem:$0x1B000] =	vst v63  }
0x8eb: {  	v34 =	vperm.xlane v17, v15;
	s10 =	simm.s32 $0x14580;
	v19 =	vadd.s32 v3, v33  }
0x8ec: {  	[tilespmem:s10], [sflag:$0x2] =	stream.indirect_vreg.gather [hbm4b:s2+s3], $0x80, v31, vm0, $0xb8;
	[tilespmem:$0x1B000] =	vst v63  }
0x8ed: {  	v17 =	vperm.xlane v17, v16;
	v35 =	vadd.s32 v3, v34;
	s9 =	simm.s32 $0x14600  }
0x8ee: {  	[tilespmem:s9], [sflag:$0x2] =	stream.indirect_vreg.gather [hbm4b:s2+s3], $0x80, v18, vm0, $0xb8;
	[tilespmem:$0x1B000] =	vst v63  }
0x8ef: {  	v17 =	vadd.s32 v3, v17;
	s10 =	simm.s32 $0x14680  }
0x8f0: {  	[tilespmem:s10], [sflag:$0x2] =	stream.indirect_vreg.gather [hbm4b:s2+s3], $0x80, v19, vm0, $0xb8;
	[tilespmem:$0x1B000] =	vst v63  }
0x8f1: {  	s9 =	simm.s32 $0x14700  }
0x8f2: {  	[tilespmem:s9], [sflag:$0x2] =	stream.indirect_vreg.gather [hbm4b:s2+s3], $0x80, v35, vm0, $0xb8;
	[tilespmem:$0x1B000] =	vst v63  }
0x8f3: {  	s10 =	simm.s32 $0x14780  }
0x8f4: {  	[tilespmem:s10], [sflag:$0x2] =	stream.indirect_vreg.gather [hbm4b:s2+s3], $0x80, v17, vm0, $0xb8;
	[tilespmem:$0x1B000] =	vst v63  }
0x8f5: {  	v17 =	vld [tilespmem:s1+$0x1A0];
	_ =	sdelay $0x4  }
0x8f6: {  	v18 =	vshll.u32 v17, $0x1  }
0x8f7: {  	v17 =	vand.u32 $0x7, v17;
	v18 =	vand.u32 $0xFFFFFFF0, v18  }
0x8f8: {  	v17 =	vor.u32 v17, v18  }
0x8f9: {  	v18 =	vperm.xlane v17, v2;
	_ =	sdelay $0x1  }
0x8fa: {  	v19 =	vperm.xlane v17, v1;
	v18 =	vadd.s32 v3, v18;
	_ =	sdelay $0x1  }
0x8fb: {  	v36 =	vperm.xlane v17, v4;
	v19 =	vadd.s32 v3, v19;
	_ =	sdelay $0x1  }
0x8fc: {  	s9 =	simm.s32 $0x14800;
	v37 =	vperm.xlane v17, v5;
	v20 =	vadd.s32 v3, v36  }
0x8fd: {  	[tilespmem:s9], [sflag:$0x2] =	stream.indirect_vreg.gather [hbm4b:s2+s3], $0x80, v18, vm0, $0xb8;
	[tilespmem:$0x1B000] =	vst v63  }
0x8fe: {  	s10 =	simm.s32 $0x14880;
	v38 =	vperm.xlane v17, v6;
	v18 =	vadd.s32 v3, v37  }
0x8ff: {  	[tilespmem:s10], [sflag:$0x2] =	stream.indirect_vreg.gather [hbm4b:s2+s3], $0x80, v19, vm0, $0xb8;
	[tilespmem:$0x1B000] =	vst v63  }
0x900: {  	v39 =	vperm.xlane v17, v7;
	s9 =	simm.s32 $0x14900;
	v19 =	vadd.s32 v3, v38  }
0x901: {  	[tilespmem:s9], [sflag:$0x2] =	stream.indirect_vreg.gather [hbm4b:s2+s3], $0x80, v20, vm0, $0xb8;
	[tilespmem:$0x1B000] =	vst v63  }
0x902: {  	v41 =	vperm.xlane v17, v8;
	v40 =	vadd.s32 v3, v39;
	s10 =	simm.s32 $0x14980  }
0x903: {  	[tilespmem:s10], [sflag:$0x2] =	stream.indirect_vreg.gather [hbm4b:s2+s3], $0x80, v18, vm0, $0xb8;
	[tilespmem:$0x1B000] =	vst v63  }
0x904: {  	v42 =	vperm.xlane v17, v0;
	s9 =	simm.s32 $0x14A00;
	v18 =	vadd.s32 v3, v41  }
0x905: {  	[tilespmem:s9], [sflag:$0x2] =	stream.indirect_vreg.gather [hbm4b:s2+s3], $0x80, v19, vm0, $0xb8;
	[tilespmem:$0x1B000] =	vst v63  }
0x906: {  	v43 =	vperm.xlane v17, v9;
	s10 =	simm.s32 $0x14A80;
	v19 =	vadd.s32 v3, v42  }
0x907: {  	[tilespmem:s10], [sflag:$0x2] =	stream.indirect_vreg.gather [hbm4b:s2+s3], $0x80, v40, vm0, $0xb8;
	[tilespmem:$0x1B000] =	vst v63  }
0x908: {  	v45 =	vperm.xlane v17, v10;
	v44 =	vadd.s32 v3, v43;
	s9 =	simm.s32 $0x14B00  }
0x909: {  	[tilespmem:s9], [sflag:$0x2] =	stream.indirect_vreg.gather [hbm4b:s2+s3], $0x80, v18, vm0, $0xb8;
	[tilespmem:$0x1B000] =	vst v63  }
0x90a: {  	v46 =	vperm.xlane v17, v11;
	s10 =	simm.s32 $0x14B80;
	v18 =	vadd.s32 v3, v45  }
0x90b: {  	[tilespmem:s10], [sflag:$0x2] =	stream.indirect_vreg.gather [hbm4b:s2+s3], $0x80, v19, vm0, $0xb8;
	[tilespmem:$0x1B000] =	vst v63  }
0x90c: {  	v47 =	vperm.xlane v17, v12;
	s9 =	simm.s32 $0x14C00;
	v19 =	vadd.s32 v3, v46  }
0x90d: {  	[tilespmem:s9], [sflag:$0x2] =	stream.indirect_vreg.gather [hbm4b:s2+s3], $0x80, v44, vm0, $0xb8;
	[tilespmem:$0x1B000] =	vst v63  }
0x90e: {  	v49 =	vperm.xlane v17, v13;
	v48 =	vadd.s32 v3, v47;
	s10 =	simm.s32 $0x14C80  }
0x90f: {  	[tilespmem:s10], [sflag:$0x2] =	stream.indirect_vreg.gather [hbm4b:s2+s3], $0x80, v18, vm0, $0xb8;
	[tilespmem:$0x1B000] =	vst v63  }
0x910: {  	v50 =	vperm.xlane v17, v14;
	s9 =	simm.s32 $0x14D00;
	v18 =	vadd.s32 v3, v49  }
0x911: {  	[tilespmem:s9], [sflag:$0x2] =	stream.indirect_vreg.gather [hbm4b:s2+s3], $0x80, v19, vm0, $0xb8;
	[tilespmem:$0x1B000] =	vst v63  }
0x912: {  	v51 =	vperm.xlane v17, v15;
	s10 =	simm.s32 $0x14D80;
	v19 =	vadd.s32 v3, v50  }
0x913: {  	[tilespmem:s10], [sflag:$0x2] =	stream.indirect_vreg.gather [hbm4b:s2+s3], $0x80, v48, vm0, $0xb8;
	[tilespmem:$0x1B000] =	vst v63  }
0x914: {  	v17 =	vperm.xlane v17, v16;
	v52 =	vadd.s32 v3, v51;
	s9 =	simm.s32 $0x14E00  }
0x915: {  	[tilespmem:s9], [sflag:$0x2] =	stream.indirect_vreg.gather [hbm4b:s2+s3], $0x80, v18, vm0, $0xb8;
	[tilespmem:$0x1B000] =	vst v63  }
0x916: {  	v17 =	vadd.s32 v3, v17;
	s10 =	simm.s32 $0x14E80  }
0x917: {  	[tilespmem:s10], [sflag:$0x2] =	stream.indirect_vreg.gather [hbm4b:s2+s3], $0x80, v19, vm0, $0xb8;
	[tilespmem:$0x1B000] =	vst v63  }
0x918: {  	s9 =	simm.s32 $0x14F00  }
0x919: {  	[tilespmem:s9], [sflag:$0x2] =	stream.indirect_vreg.gather [hbm4b:s2+s3], $0x80, v52, vm0, $0xb8;
	[tilespmem:$0x1B000] =	vst v63  }
0x91a: {  	s10 =	simm.s32 $0x14F80  }
0x91b: {  	[tilespmem:s10], [sflag:$0x2] =	stream.indirect_vreg.gather [hbm4b:s2+s3], $0x80, v17, vm0, $0xb8;
	[tilespmem:$0x1B000] =	vst v63  }
0x91c: {  	v17 =	vld.msk [tilespmem:s1+$0x1B0], $0x3;
	_ =	sdelay $0x4  }
0x91d: {  	v18 =	vshll.u32 v17, $0x1  }
0x91e: {  	v17 =	vand.u32 $0x7, v17;
	v18 =	vand.u32 $0xFFFFFFF0, v18  }
0x91f: {  	v17 =	vor.u32 v17, v18  }
0x920: {  	v18 =	vperm.xlane v17, v2;
	_ =	sdelay $0x1  }
0x921: {  	v17 =	vperm.xlane v17, v1;
	v18 =	vadd.s32 v3, v18;
	_ =	sdelay $0x1  }
0x922: {  	v17 =	vadd.s32 v3, v17;
	_ =	sdelay $0x1  }
0x923: {  	s9 =	simm.s32 $0x15000  }
0x924: {  	[tilespmem:s9], [sflag:$0x2] =	stream.indirect_vreg.gather [hbm4b:s2+s3], $0x80, v18, vm0, $0xb8;
	[tilespmem:$0x1B000] =	vst v63  }
0x925: {  	s10 =	simm.s32 $0x15080  }
0x926: {  	[tilespmem:s10], [sflag:$0x2] =	stream.indirect_vreg.gather [hbm4b:s2+s3], $0x80, v17, vm0, $0xb8;
	[tilespmem:$0x1B000] =	vst v63  }
0x927: {  	v17 =	vld [tilespmem:s1+$0x180];
	_ =	sdelay $0x4  }
0x928: {  	v18 =	vshll.u32 v17, $0x1  }
0x929: {  	v17 =	vand.u32 $0x7, v17;
	v18 =	vand.u32 $0xFFFFFFF0, v18  }
0x92a: {  	v17 =	vor.u32 v17, v18  }
0x92b: {  	v18 =	vperm.xlane v17, v2;
	_ =	sdelay $0x1  }
0x92c: {  	v19 =	vperm.xlane v17, v1;
	v18 =	vadd.s32 v3, v18;
	_ =	sdelay $0x1  }
0x92d: {  	v53 =	vperm.xlane v17, v4;
	v19 =	vadd.s32 v3, v19;
	_ =	sdelay $0x1  }
0x92e: {  	s9 =	simm.s32 $0x15400;
	v54 =	vperm.xlane v17, v5;
	v20 =	vadd.s32 v3, v53  }
0x92f: {  	[tilespmem:s9], [sflag:$0x2] =	stream.indirect_vreg.gather [hbm4b:s5+s3], $0x80, v18, vm0, $0xb8;
	[tilespmem:$0x1B000] =	vst v63  }
0x930: {  	s10 =	simm.s32 $0x15480;
	v55 =	vperm.xlane v17, v6;
	v18 =	vadd.s32 v3, v54  }
0x931: {  	[tilespmem:s10], [sflag:$0x2] =	stream.indirect_vreg.gather [hbm4b:s5+s3], $0x80, v19, vm0, $0xb8;
	[tilespmem:$0x1B000] =	vst v63  }
0x932: {  	v56 =	vperm.xlane v17, v7;
	s9 =	simm.s32 $0x15500;
	v19 =	vadd.s32 v3, v55  }
0x933: {  	[tilespmem:s9], [sflag:$0x2] =	stream.indirect_vreg.gather [hbm4b:s5+s3], $0x80, v20, vm0, $0xb8;
	[tilespmem:$0x1B000] =	vst v63  }
0x934: {  	v58 =	vperm.xlane v17, v8;
	v57 =	vadd.s32 v3, v56;
	s10 =	simm.s32 $0x15580  }
0x935: {  	[tilespmem:s10], [sflag:$0x2] =	stream.indirect_vreg.gather [hbm4b:s5+s3], $0x80, v18, vm0, $0xb8;
	[tilespmem:$0x1B000] =	vst v63  }
0x936: {  	v59 =	vperm.xlane v17, v0;
	s9 =	simm.s32 $0x15600;
	v18 =	vadd.s32 v3, v58  }
0x937: {  	[tilespmem:s9], [sflag:$0x2] =	stream.indirect_vreg.gather [hbm4b:s5+s3], $0x80, v19, vm0, $0xb8;
	[tilespmem:$0x1B000] =	vst v63  }
0x938: {  	v60 =	vperm.xlane v17, v9;
	s10 =	simm.s32 $0x15680;
	v19 =	vadd.s32 v3, v59  }
0x939: {  	[tilespmem:s10], [sflag:$0x2] =	stream.indirect_vreg.gather [hbm4b:s5+s3], $0x80, v57, vm0, $0xb8;
	[tilespmem:$0x1B000] =	vst v63  }
0x93a: {  	v62 =	vperm.xlane v17, v10;
	v61 =	vadd.s32 v3, v60;
	s9 =	simm.s32 $0x15700  }
0x93b: {  	[tilespmem:s9], [sflag:$0x2] =	stream.indirect_vreg.gather [hbm4b:s5+s3], $0x80, v18, vm0, $0xb8;
	[tilespmem:$0x1B000] =	vst v63  }
0x93c: {  	v63 =	vperm.xlane v17, v11;
	s10 =	simm.s32 $0x15780;
	v18 =	vadd.s32 v3, v62  }
0x93d: {  	[tilespmem:s10], [sflag:$0x2] =	stream.indirect_vreg.gather [hbm4b:s5+s3], $0x80, v19, vm0, $0xb8;
	[tilespmem:$0x1B000] =	vst v63  }
0x93e: {  	v24 =	vperm.xlane v17, v12;
	s9 =	simm.s32 $0x15800;
	v19 =	vadd.s32 v3, v63  }
0x93f: {  	[tilespmem:s9], [sflag:$0x2] =	stream.indirect_vreg.gather [hbm4b:s5+s3], $0x80, v61, vm0, $0xb8;
	[tilespmem:$0x1B000] =	vst v63  }
0x940: {  	v26 =	vperm.xlane v17, v13;
	v25 =	vadd.s32 v3, v24;
	s10 =	simm.s32 $0x15880  }
0x941: {  	[tilespmem:s10], [sflag:$0x2] =	stream.indirect_vreg.gather [hbm4b:s5+s3], $0x80, v18, vm0, $0xb8;
	[tilespmem:$0x1B000] =	vst v63  }
0x942: {  	v27 =	vperm.xlane v17, v14;
	s9 =	simm.s32 $0x15900;
	v18 =	vadd.s32 v3, v26  }
0x943: {  	[tilespmem:s9], [sflag:$0x2] =	stream.indirect_vreg.gather [hbm4b:s5+s3], $0x80, v19, vm0, $0xb8;
	[tilespmem:$0x1B000] =	vst v63  }
0x944: {  	v28 =	vperm.xlane v17, v15;
	s10 =	simm.s32 $0x15980;
	v19 =	vadd.s32 v3, v27  }
0x945: {  	[tilespmem:s10], [sflag:$0x2] =	stream.indirect_vreg.gather [hbm4b:s5+s3], $0x80, v25, vm0, $0xb8;
	[tilespmem:$0x1B000] =	vst v63  }
0x946: {  	v17 =	vperm.xlane v17, v16;
	v29 =	vadd.s32 v3, v28;
	s9 =	simm.s32 $0x15A00  }
0x947: {  	[tilespmem:s9], [sflag:$0x2] =	stream.indirect_vreg.gather [hbm4b:s5+s3], $0x80, v18, vm0, $0xb8;
	[tilespmem:$0x1B000] =	vst v63  }
0x948: {  	v17 =	vadd.s32 v3, v17;
	s10 =	simm.s32 $0x15A80  }
0x949: {  	[tilespmem:s10], [sflag:$0x2] =	stream.indirect_vreg.gather [hbm4b:s5+s3], $0x80, v19, vm0, $0xb8;
	[tilespmem:$0x1B000] =	vst v63  }
0x94a: {  	s9 =	simm.s32 $0x15B00  }
0x94b: {  	[tilespmem:s9], [sflag:$0x2] =	stream.indirect_vreg.gather [hbm4b:s5+s3], $0x80, v29, vm0, $0xb8;
	[tilespmem:$0x1B000] =	vst v63  }
0x94c: {  	s10 =	simm.s32 $0x15B80  }
0x94d: {  	[tilespmem:s10], [sflag:$0x2] =	stream.indirect_vreg.gather [hbm4b:s5+s3], $0x80, v17, vm0, $0xb8;
	[tilespmem:$0x1B000] =	vst v63  }
0x94e: {  	v17 =	vld [tilespmem:s1+$0x190];
	_ =	sdelay $0x4  }
0x94f: {  	v18 =	vshll.u32 v17, $0x1  }
0x950: {  	v17 =	vand.u32 $0x7, v17;
	v18 =	vand.u32 $0xFFFFFFF0, v18  }
0x951: {  	v17 =	vor.u32 v17, v18  }
0x952: {  	v18 =	vperm.xlane v17, v2;
	_ =	sdelay $0x1  }
0x953: {  	v19 =	vperm.xlane v17, v1;
	v18 =	vadd.s32 v3, v18;
	_ =	sdelay $0x1  }
0x954: {  	v30 =	vperm.xlane v17, v4;
	v19 =	vadd.s32 v3, v19;
	_ =	sdelay $0x1  }
0x955: {  	s9 =	simm.s32 $0x15C00;
	v31 =	vperm.xlane v17, v5;
	v20 =	vadd.s32 v3, v30  }
0x956: {  	[tilespmem:s9], [sflag:$0x2] =	stream.indirect_vreg.gather [hbm4b:s5+s3], $0x80, v18, vm0, $0xb8;
	[tilespmem:$0x1B000] =	vst v63  }
0x957: {  	s10 =	simm.s32 $0x15C80;
	v32 =	vperm.xlane v17, v6;
	v18 =	vadd.s32 v3, v31  }
0x958: {  	[tilespmem:s10], [sflag:$0x2] =	stream.indirect_vreg.gather [hbm4b:s5+s3], $0x80, v19, vm0, $0xb8;
	[tilespmem:$0x1B000] =	vst v63  }
0x959: {  	v33 =	vperm.xlane v17, v7;
	s9 =	simm.s32 $0x15D00;
	v19 =	vadd.s32 v3, v32  }
0x95a: {  	[tilespmem:s9], [sflag:$0x2] =	stream.indirect_vreg.gather [hbm4b:s5+s3], $0x80, v20, vm0, $0xb8;
	[tilespmem:$0x1B000] =	vst v63  }
0x95b: {  	v35 =	vperm.xlane v17, v8;
	v34 =	vadd.s32 v3, v33;
	s10 =	simm.s32 $0x15D80  }
0x95c: {  	[tilespmem:s10], [sflag:$0x2] =	stream.indirect_vreg.gather [hbm4b:s5+s3], $0x80, v18, vm0, $0xb8;
	[tilespmem:$0x1B000] =	vst v63  }
0x95d: {  	v36 =	vperm.xlane v17, v0;
	s9 =	simm.s32 $0x15E00;
	v18 =	vadd.s32 v3, v35  }
0x95e: {  	[tilespmem:s9], [sflag:$0x2] =	stream.indirect_vreg.gather [hbm4b:s5+s3], $0x80, v19, vm0, $0xb8;
	[tilespmem:$0x1B000] =	vst v63  }
0x95f: {  	v37 =	vperm.xlane v17, v9;
	s10 =	simm.s32 $0x15E80;
	v19 =	vadd.s32 v3, v36  }
0x960: {  	[tilespmem:s10], [sflag:$0x2] =	stream.indirect_vreg.gather [hbm4b:s5+s3], $0x80, v34, vm0, $0xb8;
	[tilespmem:$0x1B000] =	vst v63  }
0x961: {  	v39 =	vperm.xlane v17, v10;
	v38 =	vadd.s32 v3, v37;
	s9 =	simm.s32 $0x15F00  }
0x962: {  	[tilespmem:s9], [sflag:$0x2] =	stream.indirect_vreg.gather [hbm4b:s5+s3], $0x80, v18, vm0, $0xb8;
	[tilespmem:$0x1B000] =	vst v63  }
0x963: {  	v40 =	vperm.xlane v17, v11;
	s10 =	simm.s32 $0x15F80;
	v18 =	vadd.s32 v3, v39  }
0x964: {  	[tilespmem:s10], [sflag:$0x2] =	stream.indirect_vreg.gather [hbm4b:s5+s3], $0x80, v19, vm0, $0xb8;
	[tilespmem:$0x1B000] =	vst v63  }
0x965: {  	v41 =	vperm.xlane v17, v12;
	s9 =	simm.s32 $0x16000;
	v19 =	vadd.s32 v3, v40  }
0x966: {  	[tilespmem:s9], [sflag:$0x2] =	stream.indirect_vreg.gather [hbm4b:s5+s3], $0x80, v38, vm0, $0xb8;
	[tilespmem:$0x1B000] =	vst v63  }
0x967: {  	v43 =	vperm.xlane v17, v13;
	v42 =	vadd.s32 v3, v41;
	s10 =	simm.s32 $0x16080  }
0x968: {  	[tilespmem:s10], [sflag:$0x2] =	stream.indirect_vreg.gather [hbm4b:s5+s3], $0x80, v18, vm0, $0xb8;
	[tilespmem:$0x1B000] =	vst v63  }
0x969: {  	v44 =	vperm.xlane v17, v14;
	s9 =	simm.s32 $0x16100;
	v18 =	vadd.s32 v3, v43  }
0x96a: {  	[tilespmem:s9], [sflag:$0x2] =	stream.indirect_vreg.gather [hbm4b:s5+s3], $0x80, v19, vm0, $0xb8;
	[tilespmem:$0x1B000] =	vst v63  }
0x96b: {  	v45 =	vperm.xlane v17, v15;
	s10 =	simm.s32 $0x16180;
	v19 =	vadd.s32 v3, v44  }
0x96c: {  	[tilespmem:s10], [sflag:$0x2] =	stream.indirect_vreg.gather [hbm4b:s5+s3], $0x80, v42, vm0, $0xb8;
	[tilespmem:$0x1B000] =	vst v63  }
0x96d: {  	v17 =	vperm.xlane v17, v16;
	v46 =	vadd.s32 v3, v45;
	s9 =	simm.s32 $0x16200  }
0x96e: {  	[tilespmem:s9], [sflag:$0x2] =	stream.indirect_vreg.gather [hbm4b:s5+s3], $0x80, v18, vm0, $0xb8;
	[tilespmem:$0x1B000] =	vst v63  }
0x96f: {  	v17 =	vadd.s32 v3, v17;
	s10 =	simm.s32 $0x16280  }
0x970: {  	[tilespmem:s10], [sflag:$0x2] =	stream.indirect_vreg.gather [hbm4b:s5+s3], $0x80, v19, vm0, $0xb8;
	[tilespmem:$0x1B000] =	vst v63  }
0x971: {  	s9 =	simm.s32 $0x16300  }
0x972: {  	[tilespmem:s9], [sflag:$0x2] =	stream.indirect_vreg.gather [hbm4b:s5+s3], $0x80, v46, vm0, $0xb8;
	[tilespmem:$0x1B000] =	vst v63  }
0x973: {  	s10 =	simm.s32 $0x16380  }
0x974: {  	[tilespmem:s10], [sflag:$0x2] =	stream.indirect_vreg.gather [hbm4b:s5+s3], $0x80, v17, vm0, $0xb8;
	[tilespmem:$0x1B000] =	vst v63  }
0x975: {  	v17 =	vld [tilespmem:s1+$0x1A0];
	_ =	sdelay $0x4  }
0x976: {  	v18 =	vshll.u32 v17, $0x1  }
0x977: {  	v17 =	vand.u32 $0x7, v17;
	v18 =	vand.u32 $0xFFFFFFF0, v18  }
0x978: {  	v17 =	vor.u32 v17, v18  }
0x979: {  	v18 =	vperm.xlane v17, v2;
	_ =	sdelay $0x1  }
0x97a: {  	v19 =	vperm.xlane v17, v1;
	v18 =	vadd.s32 v3, v18;
	_ =	sdelay $0x1  }
0x97b: {  	v47 =	vperm.xlane v17, v4;
	v19 =	vadd.s32 v3, v19;
	_ =	sdelay $0x1  }
0x97c: {  	v48 =	vperm.xlane v17, v5;
	v20 =	vadd.s32 v3, v47  }
0x97d: {  	[tilespmem:s11], [sflag:$0x2] =	stream.indirect_vreg.gather [hbm4b:s5+s3], $0x80, v18, vm0, $0xb8;
	[tilespmem:$0x1B000] =	vst v63  }
0x97e: {  	v49 =	vperm.xlane v17, v6;
	v18 =	vadd.s32 v3, v48  }
0x97f: {  	[tilespmem:s12], [sflag:$0x2] =	stream.indirect_vreg.gather [hbm4b:s5+s3], $0x80, v19, vm0, $0xb8;
	[tilespmem:$0x1B000] =	vst v63  }
0x980: {  	v50 =	vperm.xlane v17, v7;
	v19 =	vadd.s32 v3, v49  }
0x981: {  	[tilespmem:s13], [sflag:$0x2] =	stream.indirect_vreg.gather [hbm4b:s5+s3], $0x80, v20, vm0, $0xb8;
	[tilespmem:$0x1B000] =	vst v63  }
0x982: {  	v52 =	vperm.xlane v17, v8;
	v51 =	vadd.s32 v3, v50  }
0x983: {  	[tilespmem:s14], [sflag:$0x2] =	stream.indirect_vreg.gather [hbm4b:s5+s3], $0x80, v18, vm0, $0xb8;
	[tilespmem:$0x1B000] =	vst v63  }
0x984: {  	v53 =	vperm.xlane v17, v0;
	v18 =	vadd.s32 v3, v52  }
0x985: {  	[tilespmem:s15], [sflag:$0x2] =	stream.indirect_vreg.gather [hbm4b:s5+s3], $0x80, v19, vm0, $0xb8;
	[tilespmem:$0x1B000] =	vst v63  }
0x986: {  	v54 =	vperm.xlane v17, v9;
	v19 =	vadd.s32 v3, v53  }
0x987: {  	[tilespmem:s16], [sflag:$0x2] =	stream.indirect_vreg.gather [hbm4b:s5+s3], $0x80, v51, vm0, $0xb8;
	[tilespmem:$0x1B000] =	vst v63  }
0x988: {  	v56 =	vperm.xlane v17, v10;
	v55 =	vadd.s32 v3, v54  }
0x989: {  	[tilespmem:s17], [sflag:$0x2] =	stream.indirect_vreg.gather [hbm4b:s5+s3], $0x80, v18, vm0, $0xb8;
	[tilespmem:$0x1B000] =	vst v63  }
0x98a: {  	v57 =	vperm.xlane v17, v11;
	v18 =	vadd.s32 v3, v56  }
0x98b: {  	[tilespmem:s18], [sflag:$0x2] =	stream.indirect_vreg.gather [hbm4b:s5+s3], $0x80, v19, vm0, $0xb8;
	[tilespmem:$0x1B000] =	vst v63  }
0x98c: {  	v58 =	vperm.xlane v17, v12;
	v19 =	vadd.s32 v3, v57  }
0x98d: {  	[tilespmem:s19], [sflag:$0x2] =	stream.indirect_vreg.gather [hbm4b:s5+s3], $0x80, v55, vm0, $0xb8;
	[tilespmem:$0x1B000] =	vst v63  }
0x98e: {  	v60 =	vperm.xlane v17, v13;
	v59 =	vadd.s32 v3, v58  }
0x98f: {  	[tilespmem:s20], [sflag:$0x2] =	stream.indirect_vreg.gather [hbm4b:s5+s3], $0x80, v18, vm0, $0xb8;
	[tilespmem:$0x1B000] =	vst v63  }
0x990: {  	v61 =	vperm.xlane v17, v14;
	v18 =	vadd.s32 v3, v60  }
0x991: {  	[tilespmem:s21], [sflag:$0x2] =	stream.indirect_vreg.gather [hbm4b:s5+s3], $0x80, v19, vm0, $0xb8;
	[tilespmem:$0x1B000] =	vst v63  }
0x992: {  	v62 =	vperm.xlane v17, v15;
	v19 =	vadd.s32 v3, v61  }
0x993: {  	[tilespmem:s22], [sflag:$0x2] =	stream.indirect_vreg.gather [hbm4b:s5+s3], $0x80, v59, vm0, $0xb8;
	[tilespmem:$0x1B000] =	vst v63  }
0x994: {  	v17 =	vperm.xlane v17, v16;
	v63 =	vadd.s32 v3, v62  }
0x995: {  	[tilespmem:s23], [sflag:$0x2] =	stream.indirect_vreg.gather [hbm4b:s5+s3], $0x80, v18, vm0, $0xb8;
	[tilespmem:$0x1B000] =	vst v63  }
0x996: {  	v17 =	vadd.s32 v3, v17  }
0x997: {  	[tilespmem:s24], [sflag:$0x2] =	stream.indirect_vreg.gather [hbm4b:s5+s3], $0x80, v19, vm0, $0xb8;
	[tilespmem:$0x1B000] =	vst v63  }
0x998: {  	_ = 	snop  }
0x999: {  	[tilespmem:s25], [sflag:$0x2] =	stream.indirect_vreg.gather [hbm4b:s5+s3], $0x80, v63, vm0, $0xb8;
	[tilespmem:$0x1B000] =	vst v63  }
0x99a: {  	_ = 	snop  }
0x99b: {  	[tilespmem:s26], [sflag:$0x2] =	stream.indirect_vreg.gather [hbm4b:s5+s3], $0x80, v17, vm0, $0xb8;
	[tilespmem:$0x1B000] =	vst v63  }
0x99c: {  	v17 =	vld.msk [tilespmem:s1+$0x1B0], $0x3;
	_ =	sdelay $0x4  }
0x99d: {  	v18 =	vshll.u32 v17, $0x1  }
0x99e: {  	v17 =	vand.u32 $0x7, v17;
	v18 =	vand.u32 $0xFFFFFFF0, v18  }
0x99f: {  	v17 =	vor.u32 v17, v18  }
0x9a0: {  	v18 =	vperm.xlane v17, v2;
	_ =	sdelay $0x1  }
0x9a1: {  	v17 =	vperm.xlane v17, v1;
	v18 =	vadd.s32 v3, v18;
	_ =	sdelay $0x1  }
0x9a2: {  	v17 =	vadd.s32 v3, v17  }
.Ltmp15:
0x9a3: {  	_ = 	snop;
	(pc) =	sbr.rel .LBB2_20-.Ltmp15, $4  }
0x9a4: {  	_ = 	snop  }
0x9a5: {  	[tilespmem:s28], [sflag:$0x2] =	stream.indirect_vreg.gather [hbm4b:s5+s3], $0x80, v18, vm0, $0xb8;
	[tilespmem:$0x1B000] =	vst v63  }
0x9a6: {  	_ = 	snop  }
0x9a7: {  	[tilespmem:s29], [sflag:$0x2] =	stream.indirect_vreg.gather [hbm4b:s5+s3], $0x80, v17, vm0, $0xb8;
	[tilespmem:$0x1B000] =	vst v63  }
.LBB2_22:
0x9a8: {  	_ =	sfence.sel $0x180000  }
0x9a9: {  	[bflag:$0x0] =	sbarrier.arrive $0xFFFF  }
0x9aa: {  	_ =	strace $0x90000047  }
0x9ab: {  	s0 =	stileid.u32;
	[bflag:$0x2] =	sbarrier.arrive $0xFFFF  }
0x9ac: {  	p0 =	sne.s32 s0, $0x0;
	s0 =	rddreg [dreg:$0x2]  }
0x9ad: {  	s0 =	sadd.s32 @!p0 $0x100000, s0  }
0x9ae: {  	[sflag:s0] =	ssyncadd.tile.s32 @!p0 $0x1;
	_ =	shalt  }
.Lfunc_end2:
_tile_overlayer_lowered:
.L_overlay_start_2:
0x9af: {  	(tag) =	ssettag $0x2  }
0x9b0: {  	s0 =	rddreg [dreg:$0x0];
	s2 =	stileid.u32  }
0x9b1: {  	s1 =	rddreg [dreg:$0x1];
	p0 =	sne.s32 s2, $0x0  }
0x9b2: {  	s3 =	rddreg [dreg:$0x2];
	[bflag:$0x3] =	sbarrier.arrive $0xFFFF;
	s2 =	simm.s32 @!p0 $0x1C03  }
0x9b3: {  	[timem:s3], [sflag:s2] =	dma.local @!p0 [hbm:s0], s1  }
0x9b4: {  	s0 =	simm.s32 @!p0 $0x3  }
0x9b5: {  	_ =	swait.ge @!p0 [sflag:s0], s1  }
0x9b6: {  	s1 =	ssub.s32 @!p0 $0x0, s1;
	[sflag:s0] =	ssyncset.done @!p0 $0x0  }
0x9b7: {  	[sflag:s0] =	ssyncadd.s32 @!p0 s1  }
0x9b8: {  	[bflag:$0x3] =	sbarrier.arrive $0xFFFF  }
0x9b9: {  	_ =	shalt  }

</sc_bundles>
